<compile_context>
chip_gen: v7x
topology: tpu7x:2x2x1
jax: 0.10.2.dev20260603
libtpu: 0.0.44.dev20260713+nightly
codegen_flags: <defaults>
</compile_context>

<pallas_src>
import functools

import jax
import jax.numpy as jnp
from jax import lax
from jax.experimental import pallas as pl
from jax.experimental.pallas import tpu as pltpu
from jax.experimental.pallas import tpu_sc as plsc

N = 100000
NP = 100352
RPT = NP // 16
E = 6400000
NC, NS = 2, 16
NT = NC * NS
DCH = 5
RTD = 1570
R_ALL = NT * 1572 + 6
EP = R_ALL * 128
NBD = RTD // (2 * DCH)

_MESH = plsc.VectorSubcoreMesh(core_axis_name="c", subcore_axis_name="s",
                               num_cores=NC, num_subcores=NS)
_SC_PARAMS = pltpu.CompilerParams(use_tc_tiling_on_sc=False)


def _make_edge_pass(w, CH, RT):
  EB = CH * 128
  NB2 = RT // (2 * CH)
  """SC pass: out[c] = sum over this core's edges of u[src] into rows dst."""

  def body(u_hbm, src_hbm, dst_hbm, z_hbm, out_hbm, src_v0, dst_v0, src_v1,
           dst_v1, rows0, rows1, acc, gA, gB, sA, sB):
    c = lax.axis_index("c")
    s = lax.axis_index("s")
    wid = c * NS + s
    pltpu.sync_copy(z_hbm, acc.at[pl.ds(s * RPT, RPT)])
    plsc.subcore_barrier()

    def load_idx(sv, dv, row0):
      pltpu.sync_copy(src_hbm.at[pl.ds(row0, CH)], sv)
      pltpu.sync_copy(dst_hbm.at[pl.ds(row0, CH)], dv)

    def fire_gathers(sv, rows, sem):
      for j in range(CH):
        pltpu.async_copy(u_hbm.at[sv.at[j]],
                         rows.at[pl.ds(j * 128, 128)], sem)

    def fire_scatters(rows, dv, sem):
      return [
          pltpu.async_copy(rows.at[pl.ds(j * 128, 128)],
                           acc.at[dv.at[j]], sem, add=True)
          for j in range(CH)
      ]

    def drain(sem, rows):
      pltpu.make_async_copy(u_hbm.at[pl.ds(0, EB)], rows, sem).wait()

    load_idx(src_v1, dst_v1, NT * RT)
    for d in fire_scatters(rows1, dst_v1, sB):
      pass
    load_idx(src_v0, dst_v0, wid * RT)
    fire_gathers(src_v0, rows0, gA)

    def step(m, carry):
      rowB = wid * RT + (2 * m + 1) * CH
      rowA2 = wid * RT + (2 * m + 2) * CH
      drain(gA, rows0)
      sdA = fire_scatters(rows0, dst_v0, sA)
      drain(sB, rows1)
      load_idx(src_v1, dst_v1, rowB)
      fire_gathers(src_v1, rows1, gB)
      for d in sdA:
        d.wait()
      load_idx(src_v0, dst_v0, rowA2)
      fire_gathers(src_v0, rows0, gA)
      drain(gB, rows1)
      fire_scatters(rows1, dst_v1, sB)
      return carry

    lax.fori_loop(0, NB2, step, 0)
    drain(gA, rows0)
    drain(sB, rows1)
    plsc.subcore_barrier()
    pltpu.sync_copy(acc.at[pl.ds(s * RPT, RPT)],
                    out_hbm.at[pl.ds(c * NP + s * RPT, RPT)])

  return pl.kernel(
      body,
      out_type=jax.ShapeDtypeStruct((NC * NP, w), jnp.float32),
      mesh=_MESH,
      scratch_types=[
          pltpu.VMEM((CH, 128), jnp.int32),
          pltpu.VMEM((CH, 128), jnp.int32),
          pltpu.VMEM((CH, 128), jnp.int32),
          pltpu.VMEM((CH, 128), jnp.int32),
          pltpu.VMEM((EB, w), jnp.float32),
          pltpu.VMEM((EB, w), jnp.float32),
          pltpu.VMEM_SHARED((NP, w), jnp.float32),
          pltpu.SemaphoreType.DMA,
          pltpu.SemaphoreType.DMA,
          pltpu.SemaphoreType.DMA,
          pltpu.SemaphoreType.DMA,
      ],
      compiler_params=_SC_PARAMS)


def _make_deg_pass():

  def body(dst_hbm, z_hbm, out_hbm, dst_v0, dst_v1, ones_v, acc, sA, sB):
    c = lax.axis_index("c")
    s = lax.axis_index("s")
    wid = c * NS + s
    for i in range(8):
      ones_v[pl.ds(16 * i, 16)] = jnp.ones((16,), jnp.float32)
    pltpu.sync_copy(z_hbm, acc.at[pl.ds(s * RPT, RPT)])
    plsc.subcore_barrier()

    def fire(dv, sem):
      for j in range(DCH):
        pltpu.async_copy(ones_v, acc.at[dv.at[j]], sem, add=True)

    def drain(sem):
      for _ in range(DCH):
        pltpu.make_async_copy(z_hbm.at[pl.ds(0, 128)], ones_v, sem).wait()

    pltpu.sync_copy(dst_hbm.at[pl.ds(NT * RTD, DCH)], dst_v1)
    fire(dst_v1, sB)
    pltpu.sync_copy(dst_hbm.at[pl.ds(wid * RTD, DCH)], dst_v0)

    def step(m, carry):
      base = wid * RTD + 2 * m * DCH
      fire(dst_v0, sA)
      drain(sB)
      pltpu.sync_copy(dst_hbm.at[pl.ds(base + DCH, DCH)], dst_v1)
      fire(dst_v1, sB)
      drain(sA)
      pltpu.sync_copy(dst_hbm.at[pl.ds(base + 2 * DCH, DCH)], dst_v0)
      return carry

    lax.fori_loop(0, NBD, step, 0)
    drain(sB)
    plsc.subcore_barrier()
    pltpu.sync_copy(acc.at[pl.ds(s * RPT, RPT)],
                    out_hbm.at[pl.ds(c * NP + s * RPT, RPT)])

  return pl.kernel(
      body,
      out_type=jax.ShapeDtypeStruct((NC * NP,), jnp.float32),
      mesh=_MESH,
      scratch_types=[
          pltpu.VMEM((DCH, 128), jnp.int32),
          pltpu.VMEM((DCH, 128), jnp.int32),
          pltpu.VMEM((128,), jnp.float32),
          pltpu.VMEM_SHARED((NP,), jnp.float32),
          pltpu.SemaphoreType.DMA,
          pltpu.SemaphoreType.DMA,
      ],
      compiler_params=_SC_PARAMS)


_edge_pass8 = _make_edge_pass(8, 8, 1568)
_edge_pass16 = _make_edge_pass(16, 6, 1572)
_deg_pass = _make_deg_pass()

BLK = 1024
GRID = NP // BLK


def _row_spec(w):
  return pl.BlockSpec((BLK, w), lambda i: (i, 0))


def _full_spec(shape):
  return pl.BlockSpec(shape, lambda i: (0, 0))


def _stage_a(d0, d1, xp):

  def body(d0_ref, d1_ref, x_ref, dinv_ref, u1_ref):
    deg = d0_ref[...] + d1_ref[...] + 1.0
    dinv = lax.rsqrt(deg)
    dinv_ref[...] = dinv
    u1_ref[...] = dinv * x_ref[...]

  return pl.pallas_call(
      body,
      grid=(GRID,),
      in_specs=[_row_spec(1), _row_spec(1), _row_spec(8)],
      out_specs=[_row_spec(1), _row_spec(8)],
      out_shape=[jax.ShapeDtypeStruct((NP, 1), jnp.float32),
                 jax.ShapeDtypeStruct((NP, 8), jnp.float32)],
  )(d0, d1, xp)


def _stage_b(s0, s1, u1, dinv, W1p, b1):

  def body(s0_ref, s1_ref, u_ref, dinv_ref, w_ref, b_ref, u2_ref):
    dinv = dinv_ref[...]
    a = dinv * (s0_ref[...] + s1_ref[...] + u_ref[...])
    h = jnp.dot(a, w_ref[...], preferred_element_type=jnp.float32)
    h = jnp.maximum(h + b_ref[...], 0.0)
    u2_ref[...] = dinv * h

  return pl.pallas_call(
      body,
      grid=(GRID,),
      in_specs=[_row_spec(8), _row_spec(8), _row_spec(8), _row_spec(1),
                _full_spec((8, 16)), _full_spec((1, 16))],
      out_specs=_row_spec(16),
      out_shape=jax.ShapeDtypeStruct((NP, 16), jnp.float32),
  )(s0, s1, u1, dinv, W1p, b1)


def _stage_c(s0, s1, u2, dinv, W2, b2, W3p):

  def body(s0_ref, s1_ref, u_ref, dinv_ref, w2_ref, b2_ref, w3_ref, u3_ref):
    dinv = dinv_ref[...]
    a = dinv * (s0_ref[...] + s1_ref[...] + u_ref[...])
    h = jnp.dot(a, w2_ref[...], preferred_element_type=jnp.float32)
    h = jnp.maximum(h + b2_ref[...], 0.0)
    g = jnp.dot(h, w3_ref[...], preferred_element_type=jnp.float32)
    u3_ref[...] = dinv * g

  return pl.pallas_call(
      body,
      grid=(GRID,),
      in_specs=[_row_spec(16), _row_spec(16), _row_spec(16), _row_spec(1),
                _full_spec((16, 32)), _full_spec((1, 32)),
                _full_spec((32, 8))],
      out_specs=_row_spec(8),
      out_shape=jax.ShapeDtypeStruct((NP, 8), jnp.float32),
  )(s0, s1, u2, dinv, W2, b2, W3p)


def _stage_d(s0, s1, u3, dinv, b3p):

  def body(s0_ref, s1_ref, u_ref, dinv_ref, b_ref, o_ref):
    o_ref[...] = (dinv_ref[...] * (s0_ref[...] + s1_ref[...] + u_ref[...])
                  + b_ref[...])

  return pl.pallas_call(
      body,
      grid=(GRID,),
      in_specs=[_row_spec(8), _row_spec(8), _row_spec(8), _row_spec(1),
                _full_spec((1, 8))],
      out_specs=_row_spec(8),
      out_shape=jax.ShapeDtypeStruct((NP, 8), jnp.float32),
  )(s0, s1, u3, dinv, b3p)


def kernel(x, edge_index, W1, b1, W2, b2, W3, b3):
  src = edge_index[0].astype(jnp.int32)
  dst = edge_index[1].astype(jnp.int32)
  padv = jnp.full((EP - E,), N, jnp.int32)
  src2 = jnp.concatenate([src, padv]).reshape(R_ALL, 128)
  dst2 = jnp.concatenate([dst, padv]).reshape(R_ALL, 128)
  xp = jnp.zeros((NP, 8), jnp.float32).at[:N, :3].set(x)
  W1p = jnp.zeros((8, 16), jnp.float32).at[:3].set(W1)
  W3p = jnp.zeros((32, 8), jnp.float32).at[:, :2].set(W3)
  b3p = jnp.zeros((1, 8), jnp.float32).at[0, :2].set(b3)
  z1 = jnp.zeros((RPT,), jnp.float32)
  z8 = jnp.zeros((RPT, 8), jnp.float32)
  z16 = jnp.zeros((RPT, 16), jnp.float32)

  degs = _deg_pass(dst2, z1)
  d0 = degs[:NP].reshape(NP, 1)
  d1 = degs[NP:].reshape(NP, 1)
  dinv, u1 = _stage_a(d0, d1, xp)
  s1 = _edge_pass8(u1, src2, dst2, z8)
  u2 = _stage_b(s1[:NP], s1[NP:], u1, dinv, W1p, b1.reshape(1, 16))
  s2 = _edge_pass16(u2, src2, dst2, z16)
  u3 = _stage_c(s2[:NP], s2[NP:], u2, dinv, W2, b2.reshape(1, 32), W3p)
  s3 = _edge_pass8(u3, src2, dst2, z8)
  outp = _stage_d(s3[:NP], s3[NP:], u3, dinv, b3p)
  return outp[:N, :2]

# --- scband reference (transcript-rebuilt; emitter-appended) ---
"""Pipeline reference for scband-gnnmodel-27118423507313 (READ-ONLY COPY).

The authoritative reference and input builder live on the scoring server;
editing this copy changes nothing except your own understanding.
"""

import jax, jax.numpy as jnp
import numpy as np

N = 100000
E = 6400000


def setup_inputs(seed: int = 0) -> dict:
    key = jax.random.key(seed)
    ks = jax.random.split(key, 8)
    x = jax.random.normal(ks[0], (N, 3), dtype=jnp.float32)
    edge_index = jax.random.randint(ks[1], (2, E), 0, N)
    W1 = jax.random.normal(ks[2], (3, 16), dtype=jnp.float32) * 0.3
    b1 = jnp.zeros((16,), dtype=jnp.float32)
    W2 = jax.random.normal(ks[3], (16, 32), dtype=jnp.float32) * 0.2
    b2 = jnp.zeros((32,), dtype=jnp.float32)
    W3 = jax.random.normal(ks[4], (32, 2), dtype=jnp.float32) * 0.2
    b3 = jnp.zeros((2,), dtype=jnp.float32)
    return {"x": x, "edge_index": edge_index, "W1": W1, "b1": b1, "W2": W2, "b2": b2, "W3": W3, "b3": b3}


def _gcn_layer(x, src, dst, deg_inv_sqrt, W, b):
    h = x @ W
    norm = (deg_inv_sqrt[src] * deg_inv_sqrt[dst])[:, None]
    msg = h[src] * norm
    out = jnp.zeros((x.shape[0], W.shape[1]), dtype=x.dtype).at[dst].add(msg)
    return out + b


def reference(x, edge_index, W1, b1, W2, b2, W3, b3):
    n = x.shape[0]
    loop = jnp.arange(n, dtype=edge_index.dtype)
    src = jnp.concatenate([edge_index[0], loop])
    dst = jnp.concatenate([edge_index[1], loop])
    deg = jnp.zeros((n,), dtype=x.dtype).at[dst].add(1.0)
    deg_inv_sqrt = jax.lax.rsqrt(jnp.maximum(deg, 1.0))
    h = _gcn_layer(x, src, dst, deg_inv_sqrt, W1, b1)
    h = jax.nn.relu(h)
    h = _gcn_layer(h, src, dst, deg_inv_sqrt, W2, b2)
    h = jax.nn.relu(h)
    h = _gcn_layer(h, src, dst, deg_inv_sqrt, W3, b3)
    return h

if __name__ == "__main__":
    import jax
    _d = setup_inputs()
    print(jax.jit(kernel)(*tuple(_d.values())))

</pallas_src>

<mosaic_0001>
#map = affine_map<(d0, d1) -> (0, 0)>
module attributes {stable_mosaic.version = 14 : i64} {
  func.func @body(%arg0: i32, %arg1: i32, %arg2: memref<100352x16xf32, #tpu.memory_space<hbm>>, %arg3: memref<50310x128xi32, #tpu.memory_space<hbm>>, %arg4: memref<50310x128xi32, #tpu.memory_space<hbm>>, %arg5: memref<6272x16xf32, #tpu.memory_space<hbm>>, %arg6: memref<200704x16xf32, #tpu.memory_space<hbm>>, %arg7: memref<6x128xi32, #tpu.memory_space<vmem>>, %arg8: memref<6x128xi32, #tpu.memory_space<vmem>>, %arg9: memref<6x128xi32, #tpu.memory_space<vmem>>, %arg10: memref<6x128xi32, #tpu.memory_space<vmem>>, %arg11: memref<768x16xf32, #tpu.memory_space<vmem>>, %arg12: memref<768x16xf32, #tpu.memory_space<vmem>>, %arg13: memref<100352x16xf32, #tpu.memory_space<vmem_shared>>, %arg14: memref<!tpu.dma_semaphore, #tpu.memory_space<semaphore_mem>>, %arg15: memref<!tpu.dma_semaphore, #tpu.memory_space<semaphore_mem>>, %arg16: memref<!tpu.dma_semaphore, #tpu.memory_space<semaphore_mem>>, %arg17: memref<!tpu.dma_semaphore, #tpu.memory_space<semaphore_mem>>) attributes {dimension_semantics = [#tpu.dimension_semantics<core_parallel>, #tpu.dimension_semantics<subcore_parallel>], iteration_bounds = array<i64: 2, 16>, scalar_prefetch = 0 : i64, scratch_operands = 11 : i64, tpu.core_type = #tpu.core_type<sc_vector_subcore>, window_params = [{transform_indices = #map}, {transform_indices = #map}, {transform_indices = #map}, {transform_indices = #map}, {transform_indices = #map}]} {
    %mul3A = arith.constant 16 : i32
    %mul3A_0 = arith.muli %arg0, %mul3A : i32
    %add3A = arith.addi %mul3A_0, %arg1 : i32
    %mul3A_1 = arith.constant 6272 : i32
    %mul3A_2 = arith.muli %arg1, %mul3A_1 : i32
    "tpu.region"() ({
      %run_scoped3A = tpu.sem_alloc : memref<!tpu.dma_semaphore, #tpu.memory_space<semaphore_mem>>
      %dma_start3A_148 = arith.constant 0 : i32
      %dma_start3A_149 = tpu.memref_slice %arg13[%mul3A_2, %dma_start3A_148] : memref<100352x16xf32, #tpu.memory_space<vmem_shared>> -> memref<6272x16xf32, #tpu.memory_space<vmem_shared>>
      tpu.enqueue_dma source(%arg5 : memref<6272x16xf32, #tpu.memory_space<hbm>>) target(%dma_start3A_149 : memref<6272x16xf32, #tpu.memory_space<vmem_shared>>) target_semaphore(%run_scoped3A : memref<!tpu.dma_semaphore, #tpu.memory_space<semaphore_mem>>)
      %dma_wait3A_150 = arith.constant 0 : i32
      %dma_wait3A_151 = tpu.memref_slice %arg13[%mul3A_2, %dma_wait3A_150] : memref<100352x16xf32, #tpu.memory_space<vmem_shared>> -> memref<6272x16xf32, #tpu.memory_space<vmem_shared>>
      tpu.wait_dma2 semaphore(%run_scoped3A : memref<!tpu.dma_semaphore, #tpu.memory_space<semaphore_mem>>) src(%arg5 : memref<6272x16xf32, #tpu.memory_space<hbm>>) dst(%dma_wait3A_151 : memref<6272x16xf32, #tpu.memory_space<vmem_shared>>)
      tpu.yield
    }) : () -> ()
    %barrier3A = arith.constant 0 : index
    tpu.barrier barrier_id(%barrier3A)
    "tpu.region"() ({
      %run_scoped3A = tpu.sem_alloc : memref<!tpu.dma_semaphore, #tpu.memory_space<semaphore_mem>>
      %dma_start3A_148 = arith.constant 50304 : i32
      %dma_start3A_149 = arith.constant 0 : i32
      %dma_start3A_150 = tpu.memref_slice %arg3[%dma_start3A_148, %dma_start3A_149] : memref<50310x128xi32, #tpu.memory_space<hbm>> -> memref<6x128xi32, #tpu.memory_space<hbm>>
      %dma_start3A_151 = arith.constant 50304 : i32
      %dma_start3A_152 = arith.constant 0 : i32
      %dma_start3A_153 = tpu.memref_slice %arg3[%dma_start3A_151, %dma_start3A_152] : memref<50310x128xi32, #tpu.memory_space<hbm>> -> memref<6x128xi32, #tpu.memory_space<hbm>>
      tpu.enqueue_dma source(%dma_start3A_153 : memref<6x128xi32, #tpu.memory_space<hbm>>) target(%arg9 : memref<6x128xi32, #tpu.memory_space<vmem>>) target_semaphore(%run_scoped3A : memref<!tpu.dma_semaphore, #tpu.memory_space<semaphore_mem>>)
      %dma_wait3A_154 = arith.constant 50304 : i32
      %dma_wait3A_155 = arith.constant 0 : i32
      %dma_wait3A_156 = tpu.memref_slice %arg3[%dma_wait3A_154, %dma_wait3A_155] : memref<50310x128xi32, #tpu.memory_space<hbm>> -> memref<6x128xi32, #tpu.memory_space<hbm>>
      %dma_wait3A_157 = arith.constant 50304 : i32
      %dma_wait3A_158 = arith.constant 0 : i32
      %dma_wait3A_159 = tpu.memref_slice %arg3[%dma_wait3A_157, %dma_wait3A_158] : memref<50310x128xi32, #tpu.memory_space<hbm>> -> memref<6x128xi32, #tpu.memory_space<hbm>>
      tpu.wait_dma2 semaphore(%run_scoped3A : memref<!tpu.dma_semaphore, #tpu.memory_space<semaphore_mem>>) src(%dma_wait3A_159 : memref<6x128xi32, #tpu.memory_space<hbm>>) dst(%arg9 : memref<6x128xi32, #tpu.memory_space<vmem>>)
      tpu.yield
    }) : () -> ()
    "tpu.region"() ({
      %run_scoped3A = tpu.sem_alloc : memref<!tpu.dma_semaphore, #tpu.memory_space<semaphore_mem>>
      %dma_start3A_148 = arith.constant 50304 : i32
      %dma_start3A_149 = arith.constant 0 : i32
      %dma_start3A_150 = tpu.memref_slice %arg4[%dma_start3A_148, %dma_start3A_149] : memref<50310x128xi32, #tpu.memory_space<hbm>> -> memref<6x128xi32, #tpu.memory_space<hbm>>
      %dma_start3A_151 = arith.constant 50304 : i32
      %dma_start3A_152 = arith.constant 0 : i32
      %dma_start3A_153 = tpu.memref_slice %arg4[%dma_start3A_151, %dma_start3A_152] : memref<50310x128xi32, #tpu.memory_space<hbm>> -> memref<6x128xi32, #tpu.memory_space<hbm>>
      tpu.enqueue_dma source(%dma_start3A_153 : memref<6x128xi32, #tpu.memory_space<hbm>>) target(%arg10 : memref<6x128xi32, #tpu.memory_space<vmem>>) target_semaphore(%run_scoped3A : memref<!tpu.dma_semaphore, #tpu.memory_space<semaphore_mem>>)
      %dma_wait3A_154 = arith.constant 50304 : i32
      %dma_wait3A_155 = arith.constant 0 : i32
      %dma_wait3A_156 = tpu.memref_slice %arg4[%dma_wait3A_154, %dma_wait3A_155] : memref<50310x128xi32, #tpu.memory_space<hbm>> -> memref<6x128xi32, #tpu.memory_space<hbm>>
      %dma_wait3A_157 = arith.constant 50304 : i32
      %dma_wait3A_158 = arith.constant 0 : i32
      %dma_wait3A_159 = tpu.memref_slice %arg4[%dma_wait3A_157, %dma_wait3A_158] : memref<50310x128xi32, #tpu.memory_space<hbm>> -> memref<6x128xi32, #tpu.memory_space<hbm>>
      tpu.wait_dma2 semaphore(%run_scoped3A : memref<!tpu.dma_semaphore, #tpu.memory_space<semaphore_mem>>) src(%dma_wait3A_159 : memref<6x128xi32, #tpu.memory_space<hbm>>) dst(%arg10 : memref<6x128xi32, #tpu.memory_space<vmem>>)
      tpu.yield
    }) : () -> ()
    %dma_start3A = arith.constant 0 : i32
    %dma_start3A_3 = arith.constant 0 : i32
    %dma_start3A_4 = arith.constant 0 : i32
    %dma_start3A_5 = tpu.memref_slice %arg12[%dma_start3A_3, %dma_start3A_4] : memref<768x16xf32, #tpu.memory_space<vmem>> -> memref<128x16xf32, #tpu.memory_space<vmem>>
    %dma_start3A_6 = arith.constant 0 : i32
    %dma_start3A_7 = tpu.memref_slice %arg10[%dma_start3A, %dma_start3A_6] : memref<6x128xi32, #tpu.memory_space<vmem>> -> memref<1x128xi32, #tpu.memory_space<vmem>>
    %dma_start3A_8 = tpu.memref_squeeze %dma_start3A_7 : memref<1x128xi32, #tpu.memory_space<vmem>> -> memref<128xi32, #tpu.memory_space<vmem>>
    %dma_start3A_9 = arith.constant 0 : i32
    %dma_start3A_10 = arith.constant 0 : i32
    %dma_start3A_11 = tpu.memref_slice %arg13[%dma_start3A_9, %dma_start3A_10] : memref<100352x16xf32, #tpu.memory_space<vmem_shared>> -> memref<100352x16xf32, #tpu.memory_space<vmem_shared>>
    tpu.enqueue_indirect_dma source(%dma_start3A_5 : memref<128x16xf32, #tpu.memory_space<vmem>>) target(%dma_start3A_11 : memref<100352x16xf32, #tpu.memory_space<vmem_shared>>) offsets(%dma_start3A_8 : memref<128xi32, #tpu.memory_space<vmem>>) semaphore(%arg17 : memref<!tpu.dma_semaphore, #tpu.memory_space<semaphore_mem>>) {add = true}
    %dma_start3A_12 = arith.constant 1 : i32
    %dma_start3A_13 = arith.constant 128 : i32
    %dma_start3A_14 = arith.constant 0 : i32
    %dma_start3A_15 = tpu.memref_slice %arg12[%dma_start3A_13, %dma_start3A_14] : memref<768x16xf32, #tpu.memory_space<vmem>> -> memref<128x16xf32, #tpu.memory_space<vmem>>
    %dma_start3A_16 = arith.constant 0 : i32
    %dma_start3A_17 = tpu.memref_slice %arg10[%dma_start3A_12, %dma_start3A_16] : memref<6x128xi32, #tpu.memory_space<vmem>> -> memref<1x128xi32, #tpu.memory_space<vmem>>
    %dma_start3A_18 = tpu.memref_squeeze %dma_start3A_17 : memref<1x128xi32, #tpu.memory_space<vmem>> -> memref<128xi32, #tpu.memory_space<vmem>>
    %dma_start3A_19 = arith.constant 0 : i32
    %dma_start3A_20 = arith.constant 0 : i32
    %dma_start3A_21 = tpu.memref_slice %arg13[%dma_start3A_19, %dma_start3A_20] : memref<100352x16xf32, #tpu.memory_space<vmem_shared>> -> memref<100352x16xf32, #tpu.memory_space<vmem_shared>>
    tpu.enqueue_indirect_dma source(%dma_start3A_15 : memref<128x16xf32, #tpu.memory_space<vmem>>) target(%dma_start3A_21 : memref<100352x16xf32, #tpu.memory_space<vmem_shared>>) offsets(%dma_start3A_18 : memref<128xi32, #tpu.memory_space<vmem>>) semaphore(%arg17 : memref<!tpu.dma_semaphore, #tpu.memory_space<semaphore_mem>>) {add = true}
    %dma_start3A_22 = arith.constant 2 : i32
    %dma_start3A_23 = arith.constant 256 : i32
    %dma_start3A_24 = arith.constant 0 : i32
    %dma_start3A_25 = tpu.memref_slice %arg12[%dma_start3A_23, %dma_start3A_24] : memref<768x16xf32, #tpu.memory_space<vmem>> -> memref<128x16xf32, #tpu.memory_space<vmem>>
    %dma_start3A_26 = arith.constant 0 : i32
    %dma_start3A_27 = tpu.memref_slice %arg10[%dma_start3A_22, %dma_start3A_26] : memref<6x128xi32, #tpu.memory_space<vmem>> -> memref<1x128xi32, #tpu.memory_space<vmem>>
    %dma_start3A_28 = tpu.memref_squeeze %dma_start3A_27 : memref<1x128xi32, #tpu.memory_space<vmem>> -> memref<128xi32, #tpu.memory_space<vmem>>
    %dma_start3A_29 = arith.constant 0 : i32
    %dma_start3A_30 = arith.constant 0 : i32
    %dma_start3A_31 = tpu.memref_slice %arg13[%dma_start3A_29, %dma_start3A_30] : memref<100352x16xf32, #tpu.memory_space<vmem_shared>> -> memref<100352x16xf32, #tpu.memory_space<vmem_shared>>
    tpu.enqueue_indirect_dma source(%dma_start3A_25 : memref<128x16xf32, #tpu.memory_space<vmem>>) target(%dma_start3A_31 : memref<100352x16xf32, #tpu.memory_space<vmem_shared>>) offsets(%dma_start3A_28 : memref<128xi32, #tpu.memory_space<vmem>>) semaphore(%arg17 : memref<!tpu.dma_semaphore, #tpu.memory_space<semaphore_mem>>) {add = true}
    %dma_start3A_32 = arith.constant 3 : i32
    %dma_start3A_33 = arith.constant 384 : i32
    %dma_start3A_34 = arith.constant 0 : i32
    %dma_start3A_35 = tpu.memref_slice %arg12[%dma_start3A_33, %dma_start3A_34] : memref<768x16xf32, #tpu.memory_space<vmem>> -> memref<128x16xf32, #tpu.memory_space<vmem>>
    %dma_start3A_36 = arith.constant 0 : i32
    %dma_start3A_37 = tpu.memref_slice %arg10[%dma_start3A_32, %dma_start3A_36] : memref<6x128xi32, #tpu.memory_space<vmem>> -> memref<1x128xi32, #tpu.memory_space<vmem>>
    %dma_start3A_38 = tpu.memref_squeeze %dma_start3A_37 : memref<1x128xi32, #tpu.memory_space<vmem>> -> memref<128xi32, #tpu.memory_space<vmem>>
    %dma_start3A_39 = arith.constant 0 : i32
    %dma_start3A_40 = arith.constant 0 : i32
    %dma_start3A_41 = tpu.memref_slice %arg13[%dma_start3A_39, %dma_start3A_40] : memref<100352x16xf32, #tpu.memory_space<vmem_shared>> -> memref<100352x16xf32, #tpu.memory_space<vmem_shared>>
    tpu.enqueue_indirect_dma source(%dma_start3A_35 : memref<128x16xf32, #tpu.memory_space<vmem>>) target(%dma_start3A_41 : memref<100352x16xf32, #tpu.memory_space<vmem_shared>>) offsets(%dma_start3A_38 : memref<128xi32, #tpu.memory_space<vmem>>) semaphore(%arg17 : memref<!tpu.dma_semaphore, #tpu.memory_space<semaphore_mem>>) {add = true}
    %dma_start3A_42 = arith.constant 4 : i32
    %dma_start3A_43 = arith.constant 512 : i32
    %dma_start3A_44 = arith.constant 0 : i32
    %dma_start3A_45 = tpu.memref_slice %arg12[%dma_start3A_43, %dma_start3A_44] : memref<768x16xf32, #tpu.memory_space<vmem>> -> memref<128x16xf32, #tpu.memory_space<vmem>>
    %dma_start3A_46 = arith.constant 0 : i32
    %dma_start3A_47 = tpu.memref_slice %arg10[%dma_start3A_42, %dma_start3A_46] : memref<6x128xi32, #tpu.memory_space<vmem>> -> memref<1x128xi32, #tpu.memory_space<vmem>>
    %dma_start3A_48 = tpu.memref_squeeze %dma_start3A_47 : memref<1x128xi32, #tpu.memory_space<vmem>> -> memref<128xi32, #tpu.memory_space<vmem>>
    %dma_start3A_49 = arith.constant 0 : i32
    %dma_start3A_50 = arith.constant 0 : i32
    %dma_start3A_51 = tpu.memref_slice %arg13[%dma_start3A_49, %dma_start3A_50] : memref<100352x16xf32, #tpu.memory_space<vmem_shared>> -> memref<100352x16xf32, #tpu.memory_space<vmem_shared>>
    tpu.enqueue_indirect_dma source(%dma_start3A_45 : memref<128x16xf32, #tpu.memory_space<vmem>>) target(%dma_start3A_51 : memref<100352x16xf32, #tpu.memory_space<vmem_shared>>) offsets(%dma_start3A_48 : memref<128xi32, #tpu.memory_space<vmem>>) semaphore(%arg17 : memref<!tpu.dma_semaphore, #tpu.memory_space<semaphore_mem>>) {add = true}
    %dma_start3A_52 = arith.constant 5 : i32
    %dma_start3A_53 = arith.constant 640 : i32
    %dma_start3A_54 = arith.constant 0 : i32
    %dma_start3A_55 = tpu.memref_slice %arg12[%dma_start3A_53, %dma_start3A_54] : memref<768x16xf32, #tpu.memory_space<vmem>> -> memref<128x16xf32, #tpu.memory_space<vmem>>
    %dma_start3A_56 = arith.constant 0 : i32
    %dma_start3A_57 = tpu.memref_slice %arg10[%dma_start3A_52, %dma_start3A_56] : memref<6x128xi32, #tpu.memory_space<vmem>> -> memref<1x128xi32, #tpu.memory_space<vmem>>
    %dma_start3A_58 = tpu.memref_squeeze %dma_start3A_57 : memref<1x128xi32, #tpu.memory_space<vmem>> -> memref<128xi32, #tpu.memory_space<vmem>>
    %dma_start3A_59 = arith.constant 0 : i32
    %dma_start3A_60 = arith.constant 0 : i32
    %dma_start3A_61 = tpu.memref_slice %arg13[%dma_start3A_59, %dma_start3A_60] : memref<100352x16xf32, #tpu.memory_space<vmem_shared>> -> memref<100352x16xf32, #tpu.memory_space<vmem_shared>>
    tpu.enqueue_indirect_dma source(%dma_start3A_55 : memref<128x16xf32, #tpu.memory_space<vmem>>) target(%dma_start3A_61 : memref<100352x16xf32, #tpu.memory_space<vmem_shared>>) offsets(%dma_start3A_58 : memref<128xi32, #tpu.memory_space<vmem>>) semaphore(%arg17 : memref<!tpu.dma_semaphore, #tpu.memory_space<semaphore_mem>>) {add = true}
    %mul3A_62 = arith.constant 1572 : i32
    %mul3A_63 = arith.muli %add3A, %mul3A_62 : i32
    "tpu.region"() ({
      %run_scoped3A = tpu.sem_alloc : memref<!tpu.dma_semaphore, #tpu.memory_space<semaphore_mem>>
      %dma_start3A_148 = arith.constant 0 : i32
      %dma_start3A_149 = tpu.memref_slice %arg3[%mul3A_63, %dma_start3A_148] : memref<50310x128xi32, #tpu.memory_space<hbm>> -> memref<6x128xi32, #tpu.memory_space<hbm>>
      %dma_start3A_150 = arith.constant 0 : i32
      %dma_start3A_151 = tpu.memref_slice %arg3[%mul3A_63, %dma_start3A_150] : memref<50310x128xi32, #tpu.memory_space<hbm>> -> memref<6x128xi32, #tpu.memory_space<hbm>>
      tpu.enqueue_dma source(%dma_start3A_151 : memref<6x128xi32, #tpu.memory_space<hbm>>) target(%arg7 : memref<6x128xi32, #tpu.memory_space<vmem>>) target_semaphore(%run_scoped3A : memref<!tpu.dma_semaphore, #tpu.memory_space<semaphore_mem>>)
      %dma_wait3A_152 = arith.constant 0 : i32
      %dma_wait3A_153 = tpu.memref_slice %arg3[%mul3A_63, %dma_wait3A_152] : memref<50310x128xi32, #tpu.memory_space<hbm>> -> memref<6x128xi32, #tpu.memory_space<hbm>>
      %dma_wait3A_154 = arith.constant 0 : i32
      %dma_wait3A_155 = tpu.memref_slice %arg3[%mul3A_63, %dma_wait3A_154] : memref<50310x128xi32, #tpu.memory_space<hbm>> -> memref<6x128xi32, #tpu.memory_space<hbm>>
      tpu.wait_dma2 semaphore(%run_scoped3A : memref<!tpu.dma_semaphore, #tpu.memory_space<semaphore_mem>>) src(%dma_wait3A_155 : memref<6x128xi32, #tpu.memory_space<hbm>>) dst(%arg7 : memref<6x128xi32, #tpu.memory_space<vmem>>)
      tpu.yield
    }) : () -> ()
    "tpu.region"() ({
      %run_scoped3A = tpu.sem_alloc : memref<!tpu.dma_semaphore, #tpu.memory_space<semaphore_mem>>
      %dma_start3A_148 = arith.constant 0 : i32
      %dma_start3A_149 = tpu.memref_slice %arg4[%mul3A_63, %dma_start3A_148] : memref<50310x128xi32, #tpu.memory_space<hbm>> -> memref<6x128xi32, #tpu.memory_space<hbm>>
      %dma_start3A_150 = arith.constant 0 : i32
      %dma_start3A_151 = tpu.memref_slice %arg4[%mul3A_63, %dma_start3A_150] : memref<50310x128xi32, #tpu.memory_space<hbm>> -> memref<6x128xi32, #tpu.memory_space<hbm>>
      tpu.enqueue_dma source(%dma_start3A_151 : memref<6x128xi32, #tpu.memory_space<hbm>>) target(%arg8 : memref<6x128xi32, #tpu.memory_space<vmem>>) target_semaphore(%run_scoped3A : memref<!tpu.dma_semaphore, #tpu.memory_space<semaphore_mem>>)
      %dma_wait3A_152 = arith.constant 0 : i32
      %dma_wait3A_153 = tpu.memref_slice %arg4[%mul3A_63, %dma_wait3A_152] : memref<50310x128xi32, #tpu.memory_space<hbm>> -> memref<6x128xi32, #tpu.memory_space<hbm>>
      %dma_wait3A_154 = arith.constant 0 : i32
      %dma_wait3A_155 = tpu.memref_slice %arg4[%mul3A_63, %dma_wait3A_154] : memref<50310x128xi32, #tpu.memory_space<hbm>> -> memref<6x128xi32, #tpu.memory_space<hbm>>
      tpu.wait_dma2 semaphore(%run_scoped3A : memref<!tpu.dma_semaphore, #tpu.memory_space<semaphore_mem>>) src(%dma_wait3A_155 : memref<6x128xi32, #tpu.memory_space<hbm>>) dst(%arg8 : memref<6x128xi32, #tpu.memory_space<vmem>>)
      tpu.yield
    }) : () -> ()
    %dma_start3A_64 = arith.constant 0 : i32
    %dma_start3A_65 = arith.constant 0 : i32
    %dma_start3A_66 = arith.constant 0 : i32
    %dma_start3A_67 = tpu.memref_slice %arg11[%dma_start3A_65, %dma_start3A_66] : memref<768x16xf32, #tpu.memory_space<vmem>> -> memref<128x16xf32, #tpu.memory_space<vmem>>
    %dma_start3A_68 = arith.constant 0 : i32
    %dma_start3A_69 = tpu.memref_slice %arg7[%dma_start3A_64, %dma_start3A_68] : memref<6x128xi32, #tpu.memory_space<vmem>> -> memref<1x128xi32, #tpu.memory_space<vmem>>
    %dma_start3A_70 = tpu.memref_squeeze %dma_start3A_69 : memref<1x128xi32, #tpu.memory_space<vmem>> -> memref<128xi32, #tpu.memory_space<vmem>>
    %dma_start3A_71 = arith.constant 0 : i32
    %dma_start3A_72 = arith.constant 0 : i32
    %dma_start3A_73 = tpu.memref_slice %arg2[%dma_start3A_71, %dma_start3A_72] : memref<100352x16xf32, #tpu.memory_space<hbm>> -> memref<100352x16xf32, #tpu.memory_space<hbm>>
    tpu.enqueue_indirect_dma source(%dma_start3A_73 : memref<100352x16xf32, #tpu.memory_space<hbm>>) target(%dma_start3A_67 : memref<128x16xf32, #tpu.memory_space<vmem>>) offsets(%dma_start3A_70 : memref<128xi32, #tpu.memory_space<vmem>>) semaphore(%arg14 : memref<!tpu.dma_semaphore, #tpu.memory_space<semaphore_mem>>)
    %dma_start3A_74 = arith.constant 1 : i32
    %dma_start3A_75 = arith.constant 128 : i32
    %dma_start3A_76 = arith.constant 0 : i32
    %dma_start3A_77 = tpu.memref_slice %arg11[%dma_start3A_75, %dma_start3A_76] : memref<768x16xf32, #tpu.memory_space<vmem>> -> memref<128x16xf32, #tpu.memory_space<vmem>>
    %dma_start3A_78 = arith.constant 0 : i32
    %dma_start3A_79 = tpu.memref_slice %arg7[%dma_start3A_74, %dma_start3A_78] : memref<6x128xi32, #tpu.memory_space<vmem>> -> memref<1x128xi32, #tpu.memory_space<vmem>>
    %dma_start3A_80 = tpu.memref_squeeze %dma_start3A_79 : memref<1x128xi32, #tpu.memory_space<vmem>> -> memref<128xi32, #tpu.memory_space<vmem>>
    %dma_start3A_81 = arith.constant 0 : i32
    %dma_start3A_82 = arith.constant 0 : i32
    %dma_start3A_83 = tpu.memref_slice %arg2[%dma_start3A_81, %dma_start3A_82] : memref<100352x16xf32, #tpu.memory_space<hbm>> -> memref<100352x16xf32, #tpu.memory_space<hbm>>
    tpu.enqueue_indirect_dma source(%dma_start3A_83 : memref<100352x16xf32, #tpu.memory_space<hbm>>) target(%dma_start3A_77 : memref<128x16xf32, #tpu.memory_space<vmem>>) offsets(%dma_start3A_80 : memref<128xi32, #tpu.memory_space<vmem>>) semaphore(%arg14 : memref<!tpu.dma_semaphore, #tpu.memory_space<semaphore_mem>>)
    %dma_start3A_84 = arith.constant 2 : i32
    %dma_start3A_85 = arith.constant 256 : i32
    %dma_start3A_86 = arith.constant 0 : i32
    %dma_start3A_87 = tpu.memref_slice %arg11[%dma_start3A_85, %dma_start3A_86] : memref<768x16xf32, #tpu.memory_space<vmem>> -> memref<128x16xf32, #tpu.memory_space<vmem>>
    %dma_start3A_88 = arith.constant 0 : i32
    %dma_start3A_89 = tpu.memref_slice %arg7[%dma_start3A_84, %dma_start3A_88] : memref<6x128xi32, #tpu.memory_space<vmem>> -> memref<1x128xi32, #tpu.memory_space<vmem>>
    %dma_start3A_90 = tpu.memref_squeeze %dma_start3A_89 : memref<1x128xi32, #tpu.memory_space<vmem>> -> memref<128xi32, #tpu.memory_space<vmem>>
    %dma_start3A_91 = arith.constant 0 : i32
    %dma_start3A_92 = arith.constant 0 : i32
    %dma_start3A_93 = tpu.memref_slice %arg2[%dma_start3A_91, %dma_start3A_92] : memref<100352x16xf32, #tpu.memory_space<hbm>> -> memref<100352x16xf32, #tpu.memory_space<hbm>>
    tpu.enqueue_indirect_dma source(%dma_start3A_93 : memref<100352x16xf32, #tpu.memory_space<hbm>>) target(%dma_start3A_87 : memref<128x16xf32, #tpu.memory_space<vmem>>) offsets(%dma_start3A_90 : memref<128xi32, #tpu.memory_space<vmem>>) semaphore(%arg14 : memref<!tpu.dma_semaphore, #tpu.memory_space<semaphore_mem>>)
    %dma_start3A_94 = arith.constant 3 : i32
    %dma_start3A_95 = arith.constant 384 : i32
    %dma_start3A_96 = arith.constant 0 : i32
    %dma_start3A_97 = tpu.memref_slice %arg11[%dma_start3A_95, %dma_start3A_96] : memref<768x16xf32, #tpu.memory_space<vmem>> -> memref<128x16xf32, #tpu.memory_space<vmem>>
    %dma_start3A_98 = arith.constant 0 : i32
    %dma_start3A_99 = tpu.memref_slice %arg7[%dma_start3A_94, %dma_start3A_98] : memref<6x128xi32, #tpu.memory_space<vmem>> -> memref<1x128xi32, #tpu.memory_space<vmem>>
    %dma_start3A_100 = tpu.memref_squeeze %dma_start3A_99 : memref<1x128xi32, #tpu.memory_space<vmem>> -> memref<128xi32, #tpu.memory_space<vmem>>
    %dma_start3A_101 = arith.constant 0 : i32
    %dma_start3A_102 = arith.constant 0 : i32
    %dma_start3A_103 = tpu.memref_slice %arg2[%dma_start3A_101, %dma_start3A_102] : memref<100352x16xf32, #tpu.memory_space<hbm>> -> memref<100352x16xf32, #tpu.memory_space<hbm>>
    tpu.enqueue_indirect_dma source(%dma_start3A_103 : memref<100352x16xf32, #tpu.memory_space<hbm>>) target(%dma_start3A_97 : memref<128x16xf32, #tpu.memory_space<vmem>>) offsets(%dma_start3A_100 : memref<128xi32, #tpu.memory_space<vmem>>) semaphore(%arg14 : memref<!tpu.dma_semaphore, #tpu.memory_space<semaphore_mem>>)
    %dma_start3A_104 = arith.constant 4 : i32
    %dma_start3A_105 = arith.constant 512 : i32
    %dma_start3A_106 = arith.constant 0 : i32
    %dma_start3A_107 = tpu.memref_slice %arg11[%dma_start3A_105, %dma_start3A_106] : memref<768x16xf32, #tpu.memory_space<vmem>> -> memref<128x16xf32, #tpu.memory_space<vmem>>
    %dma_start3A_108 = arith.constant 0 : i32
    %dma_start3A_109 = tpu.memref_slice %arg7[%dma_start3A_104, %dma_start3A_108] : memref<6x128xi32, #tpu.memory_space<vmem>> -> memref<1x128xi32, #tpu.memory_space<vmem>>
    %dma_start3A_110 = tpu.memref_squeeze %dma_start3A_109 : memref<1x128xi32, #tpu.memory_space<vmem>> -> memref<128xi32, #tpu.memory_space<vmem>>
    %dma_start3A_111 = arith.constant 0 : i32
    %dma_start3A_112 = arith.constant 0 : i32
    %dma_start3A_113 = tpu.memref_slice %arg2[%dma_start3A_111, %dma_start3A_112] : memref<100352x16xf32, #tpu.memory_space<hbm>> -> memref<100352x16xf32, #tpu.memory_space<hbm>>
    tpu.enqueue_indirect_dma source(%dma_start3A_113 : memref<100352x16xf32, #tpu.memory_space<hbm>>) target(%dma_start3A_107 : memref<128x16xf32, #tpu.memory_space<vmem>>) offsets(%dma_start3A_110 : memref<128xi32, #tpu.memory_space<vmem>>) semaphore(%arg14 : memref<!tpu.dma_semaphore, #tpu.memory_space<semaphore_mem>>)
    %dma_start3A_114 = arith.constant 5 : i32
    %dma_start3A_115 = arith.constant 640 : i32
    %dma_start3A_116 = arith.constant 0 : i32
    %dma_start3A_117 = tpu.memref_slice %arg11[%dma_start3A_115, %dma_start3A_116] : memref<768x16xf32, #tpu.memory_space<vmem>> -> memref<128x16xf32, #tpu.memory_space<vmem>>
    %dma_start3A_118 = arith.constant 0 : i32
    %dma_start3A_119 = tpu.memref_slice %arg7[%dma_start3A_114, %dma_start3A_118] : memref<6x128xi32, #tpu.memory_space<vmem>> -> memref<1x128xi32, #tpu.memory_space<vmem>>
    %dma_start3A_120 = tpu.memref_squeeze %dma_start3A_119 : memref<1x128xi32, #tpu.memory_space<vmem>> -> memref<128xi32, #tpu.memory_space<vmem>>
    %dma_start3A_121 = arith.constant 0 : i32
    %dma_start3A_122 = arith.constant 0 : i32
    %dma_start3A_123 = tpu.memref_slice %arg2[%dma_start3A_121, %dma_start3A_122] : memref<100352x16xf32, #tpu.memory_space<hbm>> -> memref<100352x16xf32, #tpu.memory_space<hbm>>
    tpu.enqueue_indirect_dma source(%dma_start3A_123 : memref<100352x16xf32, #tpu.memory_space<hbm>>) target(%dma_start3A_117 : memref<128x16xf32, #tpu.memory_space<vmem>>) offsets(%dma_start3A_120 : memref<128xi32, #tpu.memory_space<vmem>>) semaphore(%arg14 : memref<!tpu.dma_semaphore, #tpu.memory_space<semaphore_mem>>)
    %scan3A = arith.constant 0 : i32
    %scan3A_124 = arith.constant 0 : i32
    %scan3A_125 = arith.constant 131 : i32
    %scan3A_126 = arith.addi %scan3A_124, %scan3A_125 : i32
    %scan3A_127 = arith.constant 1 : i32
    scf.for %scan3A_148 = %scan3A_124 to %scan3A_126 step %scan3A_127  : i32 {
      %mul3A_149 = arith.constant 1572 : i32
      %mul3A_150 = arith.muli %add3A, %mul3A_149 : i32
      %mul3A_151 = arith.constant 2 : i32
      %mul3A_152 = arith.muli %mul3A_151, %scan3A_148 : i32
      %add3A_153 = arith.constant 1 : i32
      %add3A_154 = arith.addi %mul3A_152, %add3A_153 : i32
      %mul3A_155 = arith.constant 6 : i32
      %mul3A_156 = arith.muli %add3A_154, %mul3A_155 : i32
      %add3A_157 = arith.addi %mul3A_150, %mul3A_156 : i32
      %mul3A_158 = arith.constant 1572 : i32
      %mul3A_159 = arith.muli %add3A, %mul3A_158 : i32
      %mul3A_160 = arith.constant 2 : i32
      %mul3A_161 = arith.muli %mul3A_160, %scan3A_148 : i32
      %add3A_162 = arith.constant 2 : i32
      %add3A_163 = arith.addi %mul3A_161, %add3A_162 : i32
      %mul3A_164 = arith.constant 6 : i32
      %mul3A_165 = arith.muli %add3A_163, %mul3A_164 : i32
      %add3A_166 = arith.addi %mul3A_159, %mul3A_165 : i32
      %dma_wait3A_167 = arith.constant 0 : i32
      %dma_wait3A_168 = arith.constant 0 : i32
      %dma_wait3A_169 = tpu.memref_slice %arg2[%dma_wait3A_167, %dma_wait3A_168] : memref<100352x16xf32, #tpu.memory_space<hbm>> -> memref<768x16xf32, #tpu.memory_space<hbm>>
      %dma_wait3A_170 = arith.constant 0 : i32
      %dma_wait3A_171 = arith.constant 0 : i32
      %dma_wait3A_172 = tpu.memref_slice %arg2[%dma_wait3A_170, %dma_wait3A_171] : memref<100352x16xf32, #tpu.memory_space<hbm>> -> memref<768x16xf32, #tpu.memory_space<hbm>>
      tpu.wait_dma2 semaphore(%arg14 : memref<!tpu.dma_semaphore, #tpu.memory_space<semaphore_mem>>) src(%dma_wait3A_172 : memref<768x16xf32, #tpu.memory_space<hbm>>) dst(%arg11 : memref<768x16xf32, #tpu.memory_space<vmem>>)
      %dma_start3A_173 = arith.constant 0 : i32
      %dma_start3A_174 = arith.constant 0 : i32
      %dma_start3A_175 = arith.constant 0 : i32
      %dma_start3A_176 = tpu.memref_slice %arg11[%dma_start3A_174, %dma_start3A_175] : memref<768x16xf32, #tpu.memory_space<vmem>> -> memref<128x16xf32, #tpu.memory_space<vmem>>
      %dma_start3A_177 = arith.constant 0 : i32
      %dma_start3A_178 = tpu.memref_slice %arg8[%dma_start3A_173, %dma_start3A_177] : memref<6x128xi32, #tpu.memory_space<vmem>> -> memref<1x128xi32, #tpu.memory_space<vmem>>
      %dma_start3A_179 = tpu.memref_squeeze %dma_start3A_178 : memref<1x128xi32, #tpu.memory_space<vmem>> -> memref<128xi32, #tpu.memory_space<vmem>>
      %dma_start3A_180 = arith.constant 0 : i32
      %dma_start3A_181 = arith.constant 0 : i32
      %dma_start3A_182 = tpu.memref_slice %arg13[%dma_start3A_180, %dma_start3A_181] : memref<100352x16xf32, #tpu.memory_space<vmem_shared>> -> memref<100352x16xf32, #tpu.memory_space<vmem_shared>>
      tpu.enqueue_indirect_dma source(%dma_start3A_176 : memref<128x16xf32, #tpu.memory_space<vmem>>) target(%dma_start3A_182 : memref<100352x16xf32, #tpu.memory_space<vmem_shared>>) offsets(%dma_start3A_179 : memref<128xi32, #tpu.memory_space<vmem>>) semaphore(%arg16 : memref<!tpu.dma_semaphore, #tpu.memory_space<semaphore_mem>>) {add = true}
      %dma_start3A_183 = arith.constant 1 : i32
      %dma_start3A_184 = arith.constant 128 : i32
      %dma_start3A_185 = arith.constant 0 : i32
      %dma_start3A_186 = tpu.memref_slice %arg11[%dma_start3A_184, %dma_start3A_185] : memref<768x16xf32, #tpu.memory_space<vmem>> -> memref<128x16xf32, #tpu.memory_space<vmem>>
      %dma_start3A_187 = arith.constant 0 : i32
      %dma_start3A_188 = tpu.memref_slice %arg8[%dma_start3A_183, %dma_start3A_187] : memref<6x128xi32, #tpu.memory_space<vmem>> -> memref<1x128xi32, #tpu.memory_space<vmem>>
      %dma_start3A_189 = tpu.memref_squeeze %dma_start3A_188 : memref<1x128xi32, #tpu.memory_space<vmem>> -> memref<128xi32, #tpu.memory_space<vmem>>
      %dma_start3A_190 = arith.constant 0 : i32
      %dma_start3A_191 = arith.constant 0 : i32
      %dma_start3A_192 = tpu.memref_slice %arg13[%dma_start3A_190, %dma_start3A_191] : memref<100352x16xf32, #tpu.memory_space<vmem_shared>> -> memref<100352x16xf32, #tpu.memory_space<vmem_shared>>
      tpu.enqueue_indirect_dma source(%dma_start3A_186 : memref<128x16xf32, #tpu.memory_space<vmem>>) target(%dma_start3A_192 : memref<100352x16xf32, #tpu.memory_space<vmem_shared>>) offsets(%dma_start3A_189 : memref<128xi32, #tpu.memory_space<vmem>>) semaphore(%arg16 : memref<!tpu.dma_semaphore, #tpu.memory_space<semaphore_mem>>) {add = true}
      %dma_start3A_193 = arith.constant 2 : i32
      %dma_start3A_194 = arith.constant 256 : i32
      %dma_start3A_195 = arith.constant 0 : i32
      %dma_start3A_196 = tpu.memref_slice %arg11[%dma_start3A_194, %dma_start3A_195] : memref<768x16xf32, #tpu.memory_space<vmem>> -> memref<128x16xf32, #tpu.memory_space<vmem>>
      %dma_start3A_197 = arith.constant 0 : i32
      %dma_start3A_198 = tpu.memref_slice %arg8[%dma_start3A_193, %dma_start3A_197] : memref<6x128xi32, #tpu.memory_space<vmem>> -> memref<1x128xi32, #tpu.memory_space<vmem>>
      %dma_start3A_199 = tpu.memref_squeeze %dma_start3A_198 : memref<1x128xi32, #tpu.memory_space<vmem>> -> memref<128xi32, #tpu.memory_space<vmem>>
      %dma_start3A_200 = arith.constant 0 : i32
      %dma_start3A_201 = arith.constant 0 : i32
      %dma_start3A_202 = tpu.memref_slice %arg13[%dma_start3A_200, %dma_start3A_201] : memref<100352x16xf32, #tpu.memory_space<vmem_shared>> -> memref<100352x16xf32, #tpu.memory_space<vmem_shared>>
      tpu.enqueue_indirect_dma source(%dma_start3A_196 : memref<128x16xf32, #tpu.memory_space<vmem>>) target(%dma_start3A_202 : memref<100352x16xf32, #tpu.memory_space<vmem_shared>>) offsets(%dma_start3A_199 : memref<128xi32, #tpu.memory_space<vmem>>) semaphore(%arg16 : memref<!tpu.dma_semaphore, #tpu.memory_space<semaphore_mem>>) {add = true}
      %dma_start3A_203 = arith.constant 3 : i32
      %dma_start3A_204 = arith.constant 384 : i32
      %dma_start3A_205 = arith.constant 0 : i32
      %dma_start3A_206 = tpu.memref_slice %arg11[%dma_start3A_204, %dma_start3A_205] : memref<768x16xf32, #tpu.memory_space<vmem>> -> memref<128x16xf32, #tpu.memory_space<vmem>>
      %dma_start3A_207 = arith.constant 0 : i32
      %dma_start3A_208 = tpu.memref_slice %arg8[%dma_start3A_203, %dma_start3A_207] : memref<6x128xi32, #tpu.memory_space<vmem>> -> memref<1x128xi32, #tpu.memory_space<vmem>>
      %dma_start3A_209 = tpu.memref_squeeze %dma_start3A_208 : memref<1x128xi32, #tpu.memory_space<vmem>> -> memref<128xi32, #tpu.memory_space<vmem>>
      %dma_start3A_210 = arith.constant 0 : i32
      %dma_start3A_211 = arith.constant 0 : i32
      %dma_start3A_212 = tpu.memref_slice %arg13[%dma_start3A_210, %dma_start3A_211] : memref<100352x16xf32, #tpu.memory_space<vmem_shared>> -> memref<100352x16xf32, #tpu.memory_space<vmem_shared>>
      tpu.enqueue_indirect_dma source(%dma_start3A_206 : memref<128x16xf32, #tpu.memory_space<vmem>>) target(%dma_start3A_212 : memref<100352x16xf32, #tpu.memory_space<vmem_shared>>) offsets(%dma_start3A_209 : memref<128xi32, #tpu.memory_space<vmem>>) semaphore(%arg16 : memref<!tpu.dma_semaphore, #tpu.memory_space<semaphore_mem>>) {add = true}
      %dma_start3A_213 = arith.constant 4 : i32
      %dma_start3A_214 = arith.constant 512 : i32
      %dma_start3A_215 = arith.constant 0 : i32
      %dma_start3A_216 = tpu.memref_slice %arg11[%dma_start3A_214, %dma_start3A_215] : memref<768x16xf32, #tpu.memory_space<vmem>> -> memref<128x16xf32, #tpu.memory_space<vmem>>
      %dma_start3A_217 = arith.constant 0 : i32
      %dma_start3A_218 = tpu.memref_slice %arg8[%dma_start3A_213, %dma_start3A_217] : memref<6x128xi32, #tpu.memory_space<vmem>> -> memref<1x128xi32, #tpu.memory_space<vmem>>
      %dma_start3A_219 = tpu.memref_squeeze %dma_start3A_218 : memref<1x128xi32, #tpu.memory_space<vmem>> -> memref<128xi32, #tpu.memory_space<vmem>>
      %dma_start3A_220 = arith.constant 0 : i32
      %dma_start3A_221 = arith.constant 0 : i32
      %dma_start3A_222 = tpu.memref_slice %arg13[%dma_start3A_220, %dma_start3A_221] : memref<100352x16xf32, #tpu.memory_space<vmem_shared>> -> memref<100352x16xf32, #tpu.memory_space<vmem_shared>>
      tpu.enqueue_indirect_dma source(%dma_start3A_216 : memref<128x16xf32, #tpu.memory_space<vmem>>) target(%dma_start3A_222 : memref<100352x16xf32, #tpu.memory_space<vmem_shared>>) offsets(%dma_start3A_219 : memref<128xi32, #tpu.memory_space<vmem>>) semaphore(%arg16 : memref<!tpu.dma_semaphore, #tpu.memory_space<semaphore_mem>>) {add = true}
      %dma_start3A_223 = arith.constant 5 : i32
      %dma_start3A_224 = arith.constant 640 : i32
      %dma_start3A_225 = arith.constant 0 : i32
      %dma_start3A_226 = tpu.memref_slice %arg11[%dma_start3A_224, %dma_start3A_225] : memref<768x16xf32, #tpu.memory_space<vmem>> -> memref<128x16xf32, #tpu.memory_space<vmem>>
      %dma_start3A_227 = arith.constant 0 : i32
      %dma_start3A_228 = tpu.memref_slice %arg8[%dma_start3A_223, %dma_start3A_227] : memref<6x128xi32, #tpu.memory_space<vmem>> -> memref<1x128xi32, #tpu.memory_space<vmem>>
      %dma_start3A_229 = tpu.memref_squeeze %dma_start3A_228 : memref<1x128xi32, #tpu.memory_space<vmem>> -> memref<128xi32, #tpu.memory_space<vmem>>
      %dma_start3A_230 = arith.constant 0 : i32
      %dma_start3A_231 = arith.constant 0 : i32
      %dma_start3A_232 = tpu.memref_slice %arg13[%dma_start3A_230, %dma_start3A_231] : memref<100352x16xf32, #tpu.memory_space<vmem_shared>> -> memref<100352x16xf32, #tpu.memory_space<vmem_shared>>
      tpu.enqueue_indirect_dma source(%dma_start3A_226 : memref<128x16xf32, #tpu.memory_space<vmem>>) target(%dma_start3A_232 : memref<100352x16xf32, #tpu.memory_space<vmem_shared>>) offsets(%dma_start3A_229 : memref<128xi32, #tpu.memory_space<vmem>>) semaphore(%arg16 : memref<!tpu.dma_semaphore, #tpu.memory_space<semaphore_mem>>) {add = true}
      %dma_wait3A_233 = arith.constant 0 : i32
      %dma_wait3A_234 = arith.constant 0 : i32
      %dma_wait3A_235 = tpu.memref_slice %arg2[%dma_wait3A_233, %dma_wait3A_234] : memref<100352x16xf32, #tpu.memory_space<hbm>> -> memref<768x16xf32, #tpu.memory_space<hbm>>
      %dma_wait3A_236 = arith.constant 0 : i32
      %dma_wait3A_237 = arith.constant 0 : i32
      %dma_wait3A_238 = tpu.memref_slice %arg2[%dma_wait3A_236, %dma_wait3A_237] : memref<100352x16xf32, #tpu.memory_space<hbm>> -> memref<768x16xf32, #tpu.memory_space<hbm>>
      tpu.wait_dma2 semaphore(%arg17 : memref<!tpu.dma_semaphore, #tpu.memory_space<semaphore_mem>>) src(%dma_wait3A_238 : memref<768x16xf32, #tpu.memory_space<hbm>>) dst(%arg12 : memref<768x16xf32, #tpu.memory_space<vmem>>)
      "tpu.region"() ({
        %run_scoped3A = tpu.sem_alloc : memref<!tpu.dma_semaphore, #tpu.memory_space<semaphore_mem>>
        %dma_start3A_485 = arith.constant 0 : i32
        %dma_start3A_486 = tpu.memref_slice %arg3[%add3A_157, %dma_start3A_485] : memref<50310x128xi32, #tpu.memory_space<hbm>> -> memref<6x128xi32, #tpu.memory_space<hbm>>
        %dma_start3A_487 = arith.constant 0 : i32
        %dma_start3A_488 = tpu.memref_slice %arg3[%add3A_157, %dma_start3A_487] : memref<50310x128xi32, #tpu.memory_space<hbm>> -> memref<6x128xi32, #tpu.memory_space<hbm>>
        tpu.enqueue_dma source(%dma_start3A_488 : memref<6x128xi32, #tpu.memory_space<hbm>>) target(%arg9 : memref<6x128xi32, #tpu.memory_space<vmem>>) target_semaphore(%run_scoped3A : memref<!tpu.dma_semaphore, #tpu.memory_space<semaphore_mem>>)
        %dma_wait3A_489 = arith.constant 0 : i32
        %dma_wait3A_490 = tpu.memref_slice %arg3[%add3A_157, %dma_wait3A_489] : memref<50310x128xi32, #tpu.memory_space<hbm>> -> memref<6x128xi32, #tpu.memory_space<hbm>>
        %dma_wait3A_491 = arith.constant 0 : i32
        %dma_wait3A_492 = tpu.memref_slice %arg3[%add3A_157, %dma_wait3A_491] : memref<50310x128xi32, #tpu.memory_space<hbm>> -> memref<6x128xi32, #tpu.memory_space<hbm>>
        tpu.wait_dma2 semaphore(%run_scoped3A : memref<!tpu.dma_semaphore, #tpu.memory_space<semaphore_mem>>) src(%dma_wait3A_492 : memref<6x128xi32, #tpu.memory_space<hbm>>) dst(%arg9 : memref<6x128xi32, #tpu.memory_space<vmem>>)
        tpu.yield
      }) : () -> ()
      "tpu.region"() ({
        %run_scoped3A = tpu.sem_alloc : memref<!tpu.dma_semaphore, #tpu.memory_space<semaphore_mem>>
        %dma_start3A_485 = arith.constant 0 : i32
        %dma_start3A_486 = tpu.memref_slice %arg4[%add3A_157, %dma_start3A_485] : memref<50310x128xi32, #tpu.memory_space<hbm>> -> memref<6x128xi32, #tpu.memory_space<hbm>>
        %dma_start3A_487 = arith.constant 0 : i32
        %dma_start3A_488 = tpu.memref_slice %arg4[%add3A_157, %dma_start3A_487] : memref<50310x128xi32, #tpu.memory_space<hbm>> -> memref<6x128xi32, #tpu.memory_space<hbm>>
        tpu.enqueue_dma source(%dma_start3A_488 : memref<6x128xi32, #tpu.memory_space<hbm>>) target(%arg10 : memref<6x128xi32, #tpu.memory_space<vmem>>) target_semaphore(%run_scoped3A : memref<!tpu.dma_semaphore, #tpu.memory_space<semaphore_mem>>)
        %dma_wait3A_489 = arith.constant 0 : i32
        %dma_wait3A_490 = tpu.memref_slice %arg4[%add3A_157, %dma_wait3A_489] : memref<50310x128xi32, #tpu.memory_space<hbm>> -> memref<6x128xi32, #tpu.memory_space<hbm>>
        %dma_wait3A_491 = arith.constant 0 : i32
        %dma_wait3A_492 = tpu.memref_slice %arg4[%add3A_157, %dma_wait3A_491] : memref<50310x128xi32, #tpu.memory_space<hbm>> -> memref<6x128xi32, #tpu.memory_space<hbm>>
        tpu.wait_dma2 semaphore(%run_scoped3A : memref<!tpu.dma_semaphore, #tpu.memory_space<semaphore_mem>>) src(%dma_wait3A_492 : memref<6x128xi32, #tpu.memory_space<hbm>>) dst(%arg10 : memref<6x128xi32, #tpu.memory_space<vmem>>)
        tpu.yield
      }) : () -> ()
      %dma_start3A_239 = arith.constant 0 : i32
      %dma_start3A_240 = arith.constant 0 : i32
      %dma_start3A_241 = arith.constant 0 : i32
      %dma_start3A_242 = tpu.memref_slice %arg12[%dma_start3A_240, %dma_start3A_241] : memref<768x16xf32, #tpu.memory_space<vmem>> -> memref<128x16xf32, #tpu.memory_space<vmem>>
      %dma_start3A_243 = arith.constant 0 : i32
      %dma_start3A_244 = tpu.memref_slice %arg9[%dma_start3A_239, %dma_start3A_243] : memref<6x128xi32, #tpu.memory_space<vmem>> -> memref<1x128xi32, #tpu.memory_space<vmem>>
      %dma_start3A_245 = tpu.memref_squeeze %dma_start3A_244 : memref<1x128xi32, #tpu.memory_space<vmem>> -> memref<128xi32, #tpu.memory_space<vmem>>
      %dma_start3A_246 = arith.constant 0 : i32
      %dma_start3A_247 = arith.constant 0 : i32
      %dma_start3A_248 = tpu.memref_slice %arg2[%dma_start3A_246, %dma_start3A_247] : memref<100352x16xf32, #tpu.memory_space<hbm>> -> memref<100352x16xf32, #tpu.memory_space<hbm>>
      tpu.enqueue_indirect_dma source(%dma_start3A_248 : memref<100352x16xf32, #tpu.memory_space<hbm>>) target(%dma_start3A_242 : memref<128x16xf32, #tpu.memory_space<vmem>>) offsets(%dma_start3A_245 : memref<128xi32, #tpu.memory_space<vmem>>) semaphore(%arg15 : memref<!tpu.dma_semaphore, #tpu.memory_space<semaphore_mem>>)
      %dma_start3A_249 = arith.constant 1 : i32
      %dma_start3A_250 = arith.constant 128 : i32
      %dma_start3A_251 = arith.constant 0 : i32
      %dma_start3A_252 = tpu.memref_slice %arg12[%dma_start3A_250, %dma_start3A_251] : memref<768x16xf32, #tpu.memory_space<vmem>> -> memref<128x16xf32, #tpu.memory_space<vmem>>
      %dma_start3A_253 = arith.constant 0 : i32
      %dma_start3A_254 = tpu.memref_slice %arg9[%dma_start3A_249, %dma_start3A_253] : memref<6x128xi32, #tpu.memory_space<vmem>> -> memref<1x128xi32, #tpu.memory_space<vmem>>
      %dma_start3A_255 = tpu.memref_squeeze %dma_start3A_254 : memref<1x128xi32, #tpu.memory_space<vmem>> -> memref<128xi32, #tpu.memory_space<vmem>>
      %dma_start3A_256 = arith.constant 0 : i32
      %dma_start3A_257 = arith.constant 0 : i32
      %dma_start3A_258 = tpu.memref_slice %arg2[%dma_start3A_256, %dma_start3A_257] : memref<100352x16xf32, #tpu.memory_space<hbm>> -> memref<100352x16xf32, #tpu.memory_space<hbm>>
      tpu.enqueue_indirect_dma source(%dma_start3A_258 : memref<100352x16xf32, #tpu.memory_space<hbm>>) target(%dma_start3A_252 : memref<128x16xf32, #tpu.memory_space<vmem>>) offsets(%dma_start3A_255 : memref<128xi32, #tpu.memory_space<vmem>>) semaphore(%arg15 : memref<!tpu.dma_semaphore, #tpu.memory_space<semaphore_mem>>)
      %dma_start3A_259 = arith.constant 2 : i32
      %dma_start3A_260 = arith.constant 256 : i32
      %dma_start3A_261 = arith.constant 0 : i32
      %dma_start3A_262 = tpu.memref_slice %arg12[%dma_start3A_260, %dma_start3A_261] : memref<768x16xf32, #tpu.memory_space<vmem>> -> memref<128x16xf32, #tpu.memory_space<vmem>>
      %dma_start3A_263 = arith.constant 0 : i32
      %dma_start3A_264 = tpu.memref_slice %arg9[%dma_start3A_259, %dma_start3A_263] : memref<6x128xi32, #tpu.memory_space<vmem>> -> memref<1x128xi32, #tpu.memory_space<vmem>>
      %dma_start3A_265 = tpu.memref_squeeze %dma_start3A_264 : memref<1x128xi32, #tpu.memory_space<vmem>> -> memref<128xi32, #tpu.memory_space<vmem>>
      %dma_start3A_266 = arith.constant 0 : i32
      %dma_start3A_267 = arith.constant 0 : i32
      %dma_start3A_268 = tpu.memref_slice %arg2[%dma_start3A_266, %dma_start3A_267] : memref<100352x16xf32, #tpu.memory_space<hbm>> -> memref<100352x16xf32, #tpu.memory_space<hbm>>
      tpu.enqueue_indirect_dma source(%dma_start3A_268 : memref<100352x16xf32, #tpu.memory_space<hbm>>) target(%dma_start3A_262 : memref<128x16xf32, #tpu.memory_space<vmem>>) offsets(%dma_start3A_265 : memref<128xi32, #tpu.memory_space<vmem>>) semaphore(%arg15 : memref<!tpu.dma_semaphore, #tpu.memory_space<semaphore_mem>>)
      %dma_start3A_269 = arith.constant 3 : i32
      %dma_start3A_270 = arith.constant 384 : i32
      %dma_start3A_271 = arith.constant 0 : i32
      %dma_start3A_272 = tpu.memref_slice %arg12[%dma_start3A_270, %dma_start3A_271] : memref<768x16xf32, #tpu.memory_space<vmem>> -> memref<128x16xf32, #tpu.memory_space<vmem>>
      %dma_start3A_273 = arith.constant 0 : i32
      %dma_start3A_274 = tpu.memref_slice %arg9[%dma_start3A_269, %dma_start3A_273] : memref<6x128xi32, #tpu.memory_space<vmem>> -> memref<1x128xi32, #tpu.memory_space<vmem>>
      %dma_start3A_275 = tpu.memref_squeeze %dma_start3A_274 : memref<1x128xi32, #tpu.memory_space<vmem>> -> memref<128xi32, #tpu.memory_space<vmem>>
      %dma_start3A_276 = arith.constant 0 : i32
      %dma_start3A_277 = arith.constant 0 : i32
      %dma_start3A_278 = tpu.memref_slice %arg2[%dma_start3A_276, %dma_start3A_277] : memref<100352x16xf32, #tpu.memory_space<hbm>> -> memref<100352x16xf32, #tpu.memory_space<hbm>>
      tpu.enqueue_indirect_dma source(%dma_start3A_278 : memref<100352x16xf32, #tpu.memory_space<hbm>>) target(%dma_start3A_272 : memref<128x16xf32, #tpu.memory_space<vmem>>) offsets(%dma_start3A_275 : memref<128xi32, #tpu.memory_space<vmem>>) semaphore(%arg15 : memref<!tpu.dma_semaphore, #tpu.memory_space<semaphore_mem>>)
      %dma_start3A_279 = arith.constant 4 : i32
      %dma_start3A_280 = arith.constant 512 : i32
      %dma_start3A_281 = arith.constant 0 : i32
      %dma_start3A_282 = tpu.memref_slice %arg12[%dma_start3A_280, %dma_start3A_281] : memref<768x16xf32, #tpu.memory_space<vmem>> -> memref<128x16xf32, #tpu.memory_space<vmem>>
      %dma_start3A_283 = arith.constant 0 : i32
      %dma_start3A_284 = tpu.memref_slice %arg9[%dma_start3A_279, %dma_start3A_283] : memref<6x128xi32, #tpu.memory_space<vmem>> -> memref<1x128xi32, #tpu.memory_space<vmem>>
      %dma_start3A_285 = tpu.memref_squeeze %dma_start3A_284 : memref<1x128xi32, #tpu.memory_space<vmem>> -> memref<128xi32, #tpu.memory_space<vmem>>
      %dma_start3A_286 = arith.constant 0 : i32
      %dma_start3A_287 = arith.constant 0 : i32
      %dma_start3A_288 = tpu.memref_slice %arg2[%dma_start3A_286, %dma_start3A_287] : memref<100352x16xf32, #tpu.memory_space<hbm>> -> memref<100352x16xf32, #tpu.memory_space<hbm>>
      tpu.enqueue_indirect_dma source(%dma_start3A_288 : memref<100352x16xf32, #tpu.memory_space<hbm>>) target(%dma_start3A_282 : memref<128x16xf32, #tpu.memory_space<vmem>>) offsets(%dma_start3A_285 : memref<128xi32, #tpu.memory_space<vmem>>) semaphore(%arg15 : memref<!tpu.dma_semaphore, #tpu.memory_space<semaphore_mem>>)
      %dma_start3A_289 = arith.constant 5 : i32
      %dma_start3A_290 = arith.constant 640 : i32
      %dma_start3A_291 = arith.constant 0 : i32
      %dma_start3A_292 = tpu.memref_slice %arg12[%dma_start3A_290, %dma_start3A_291] : memref<768x16xf32, #tpu.memory_space<vmem>> -> memref<128x16xf32, #tpu.memory_space<vmem>>
      %dma_start3A_293 = arith.constant 0 : i32
      %dma_start3A_294 = tpu.memref_slice %arg9[%dma_start3A_289, %dma_start3A_293] : memref<6x128xi32, #tpu.memory_space<vmem>> -> memref<1x128xi32, #tpu.memory_space<vmem>>
      %dma_start3A_295 = tpu.memref_squeeze %dma_start3A_294 : memref<1x128xi32, #tpu.memory_space<vmem>> -> memref<128xi32, #tpu.memory_space<vmem>>
      %dma_start3A_296 = arith.constant 0 : i32
      %dma_start3A_297 = arith.constant 0 : i32
      %dma_start3A_298 = tpu.memref_slice %arg2[%dma_start3A_296, %dma_start3A_297] : memref<100352x16xf32, #tpu.memory_space<hbm>> -> memref<100352x16xf32, #tpu.memory_space<hbm>>
      tpu.enqueue_indirect_dma source(%dma_start3A_298 : memref<100352x16xf32, #tpu.memory_space<hbm>>) target(%dma_start3A_292 : memref<128x16xf32, #tpu.memory_space<vmem>>) offsets(%dma_start3A_295 : memref<128xi32, #tpu.memory_space<vmem>>) semaphore(%arg15 : memref<!tpu.dma_semaphore, #tpu.memory_space<semaphore_mem>>)
      %dma_wait3A_299 = arith.constant 0 : i32
      %dma_wait3A_300 = arith.constant 0 : i32
      %dma_wait3A_301 = arith.constant 0 : i32
      %dma_wait3A_302 = tpu.memref_slice %arg11[%dma_wait3A_300, %dma_wait3A_301] : memref<768x16xf32, #tpu.memory_space<vmem>> -> memref<128x16xf32, #tpu.memory_space<vmem>>
      %dma_wait3A_303 = arith.constant 0 : i32
      %dma_wait3A_304 = tpu.memref_slice %arg8[%dma_wait3A_299, %dma_wait3A_303] : memref<6x128xi32, #tpu.memory_space<vmem>> -> memref<1x128xi32, #tpu.memory_space<vmem>>
      %dma_wait3A_305 = tpu.memref_squeeze %dma_wait3A_304 : memref<1x128xi32, #tpu.memory_space<vmem>> -> memref<128xi32, #tpu.memory_space<vmem>>
      %dma_wait3A_306 = arith.constant 0 : i32
      %dma_wait3A_307 = arith.constant 0 : i32
      %dma_wait3A_308 = tpu.memref_slice %arg13[%dma_wait3A_306, %dma_wait3A_307] : memref<100352x16xf32, #tpu.memory_space<vmem_shared>> -> memref<100352x16xf32, #tpu.memory_space<vmem_shared>>
      tpu.wait_indirect_dma semaphore(%arg16 : memref<!tpu.dma_semaphore, #tpu.memory_space<semaphore_mem>>) src(%dma_wait3A_302 : memref<128x16xf32, #tpu.memory_space<vmem>>) dst(%dma_wait3A_308 : memref<100352x16xf32, #tpu.memory_space<vmem_shared>>)
      %dma_wait3A_309 = arith.constant 1 : i32
      %dma_wait3A_310 = arith.constant 128 : i32
      %dma_wait3A_311 = arith.constant 0 : i32
      %dma_wait3A_312 = tpu.memref_slice %arg11[%dma_wait3A_310, %dma_wait3A_311] : memref<768x16xf32, #tpu.memory_space<vmem>> -> memref<128x16xf32, #tpu.memory_space<vmem>>
      %dma_wait3A_313 = arith.constant 0 : i32
      %dma_wait3A_314 = tpu.memref_slice %arg8[%dma_wait3A_309, %dma_wait3A_313] : memref<6x128xi32, #tpu.memory_space<vmem>> -> memref<1x128xi32, #tpu.memory_space<vmem>>
      %dma_wait3A_315 = tpu.memref_squeeze %dma_wait3A_314 : memref<1x128xi32, #tpu.memory_space<vmem>> -> memref<128xi32, #tpu.memory_space<vmem>>
      %dma_wait3A_316 = arith.constant 0 : i32
      %dma_wait3A_317 = arith.constant 0 : i32
      %dma_wait3A_318 = tpu.memref_slice %arg13[%dma_wait3A_316, %dma_wait3A_317] : memref<100352x16xf32, #tpu.memory_space<vmem_shared>> -> memref<100352x16xf32, #tpu.memory_space<vmem_shared>>
      tpu.wait_indirect_dma semaphore(%arg16 : memref<!tpu.dma_semaphore, #tpu.memory_space<semaphore_mem>>) src(%dma_wait3A_312 : memref<128x16xf32, #tpu.memory_space<vmem>>) dst(%dma_wait3A_318 : memref<100352x16xf32, #tpu.memory_space<vmem_shared>>)
      %dma_wait3A_319 = arith.constant 2 : i32
      %dma_wait3A_320 = arith.constant 256 : i32
      %dma_wait3A_321 = arith.constant 0 : i32
      %dma_wait3A_322 = tpu.memref_slice %arg11[%dma_wait3A_320, %dma_wait3A_321] : memref<768x16xf32, #tpu.memory_space<vmem>> -> memref<128x16xf32, #tpu.memory_space<vmem>>
      %dma_wait3A_323 = arith.constant 0 : i32
      %dma_wait3A_324 = tpu.memref_slice %arg8[%dma_wait3A_319, %dma_wait3A_323] : memref<6x128xi32, #tpu.memory_space<vmem>> -> memref<1x128xi32, #tpu.memory_space<vmem>>
      %dma_wait3A_325 = tpu.memref_squeeze %dma_wait3A_324 : memref<1x128xi32, #tpu.memory_space<vmem>> -> memref<128xi32, #tpu.memory_space<vmem>>
      %dma_wait3A_326 = arith.constant 0 : i32
      %dma_wait3A_327 = arith.constant 0 : i32
      %dma_wait3A_328 = tpu.memref_slice %arg13[%dma_wait3A_326, %dma_wait3A_327] : memref<100352x16xf32, #tpu.memory_space<vmem_shared>> -> memref<100352x16xf32, #tpu.memory_space<vmem_shared>>
      tpu.wait_indirect_dma semaphore(%arg16 : memref<!tpu.dma_semaphore, #tpu.memory_space<semaphore_mem>>) src(%dma_wait3A_322 : memref<128x16xf32, #tpu.memory_space<vmem>>) dst(%dma_wait3A_328 : memref<100352x16xf32, #tpu.memory_space<vmem_shared>>)
      %dma_wait3A_329 = arith.constant 3 : i32
      %dma_wait3A_330 = arith.constant 384 : i32
      %dma_wait3A_331 = arith.constant 0 : i32
      %dma_wait3A_332 = tpu.memref_slice %arg11[%dma_wait3A_330, %dma_wait3A_331] : memref<768x16xf32, #tpu.memory_space<vmem>> -> memref<128x16xf32, #tpu.memory_space<vmem>>
      %dma_wait3A_333 = arith.constant 0 : i32
      %dma_wait3A_334 = tpu.memref_slice %arg8[%dma_wait3A_329, %dma_wait3A_333] : memref<6x128xi32, #tpu.memory_space<vmem>> -> memref<1x128xi32, #tpu.memory_space<vmem>>
      %dma_wait3A_335 = tpu.memref_squeeze %dma_wait3A_334 : memref<1x128xi32, #tpu.memory_space<vmem>> -> memref<128xi32, #tpu.memory_space<vmem>>
      %dma_wait3A_336 = arith.constant 0 : i32
      %dma_wait3A_337 = arith.constant 0 : i32
      %dma_wait3A_338 = tpu.memref_slice %arg13[%dma_wait3A_336, %dma_wait3A_337] : memref<100352x16xf32, #tpu.memory_space<vmem_shared>> -> memref<100352x16xf32, #tpu.memory_space<vmem_shared>>
      tpu.wait_indirect_dma semaphore(%arg16 : memref<!tpu.dma_semaphore, #tpu.memory_space<semaphore_mem>>) src(%dma_wait3A_332 : memref<128x16xf32, #tpu.memory_space<vmem>>) dst(%dma_wait3A_338 : memref<100352x16xf32, #tpu.memory_space<vmem_shared>>)
      %dma_wait3A_339 = arith.constant 4 : i32
      %dma_wait3A_340 = arith.constant 512 : i32
      %dma_wait3A_341 = arith.constant 0 : i32
      %dma_wait3A_342 = tpu.memref_slice %arg11[%dma_wait3A_340, %dma_wait3A_341] : memref<768x16xf32, #tpu.memory_space<vmem>> -> memref<128x16xf32, #tpu.memory_space<vmem>>
      %dma_wait3A_343 = arith.constant 0 : i32
      %dma_wait3A_344 = tpu.memref_slice %arg8[%dma_wait3A_339, %dma_wait3A_343] : memref<6x128xi32, #tpu.memory_space<vmem>> -> memref<1x128xi32, #tpu.memory_space<vmem>>
      %dma_wait3A_345 = tpu.memref_squeeze %dma_wait3A_344 : memref<1x128xi32, #tpu.memory_space<vmem>> -> memref<128xi32, #tpu.memory_space<vmem>>
      %dma_wait3A_346 = arith.constant 0 : i32
      %dma_wait3A_347 = arith.constant 0 : i32
      %dma_wait3A_348 = tpu.memref_slice %arg13[%dma_wait3A_346, %dma_wait3A_347] : memref<100352x16xf32, #tpu.memory_space<vmem_shared>> -> memref<100352x16xf32, #tpu.memory_space<vmem_shared>>
      tpu.wait_indirect_dma semaphore(%arg16 : memref<!tpu.dma_semaphore, #tpu.memory_space<semaphore_mem>>) src(%dma_wait3A_342 : memref<128x16xf32, #tpu.memory_space<vmem>>) dst(%dma_wait3A_348 : memref<100352x16xf32, #tpu.memory_space<vmem_shared>>)
      %dma_wait3A_349 = arith.constant 5 : i32
      %dma_wait3A_350 = arith.constant 640 : i32
      %dma_wait3A_351 = arith.constant 0 : i32
      %dma_wait3A_352 = tpu.memref_slice %arg11[%dma_wait3A_350, %dma_wait3A_351] : memref<768x16xf32, #tpu.memory_space<vmem>> -> memref<128x16xf32, #tpu.memory_space<vmem>>
      %dma_wait3A_353 = arith.constant 0 : i32
      %dma_wait3A_354 = tpu.memref_slice %arg8[%dma_wait3A_349, %dma_wait3A_353] : memref<6x128xi32, #tpu.memory_space<vmem>> -> memref<1x128xi32, #tpu.memory_space<vmem>>
      %dma_wait3A_355 = tpu.memref_squeeze %dma_wait3A_354 : memref<1x128xi32, #tpu.memory_space<vmem>> -> memref<128xi32, #tpu.memory_space<vmem>>
      %dma_wait3A_356 = arith.constant 0 : i32
      %dma_wait3A_357 = arith.constant 0 : i32
      %dma_wait3A_358 = tpu.memref_slice %arg13[%dma_wait3A_356, %dma_wait3A_357] : memref<100352x16xf32, #tpu.memory_space<vmem_shared>> -> memref<100352x16xf32, #tpu.memory_space<vmem_shared>>
      tpu.wait_indirect_dma semaphore(%arg16 : memref<!tpu.dma_semaphore, #tpu.memory_space<semaphore_mem>>) src(%dma_wait3A_352 : memref<128x16xf32, #tpu.memory_space<vmem>>) dst(%dma_wait3A_358 : memref<100352x16xf32, #tpu.memory_space<vmem_shared>>)
      "tpu.region"() ({
        %run_scoped3A = tpu.sem_alloc : memref<!tpu.dma_semaphore, #tpu.memory_space<semaphore_mem>>
        %dma_start3A_485 = arith.constant 0 : i32
        %dma_start3A_486 = tpu.memref_slice %arg3[%add3A_166, %dma_start3A_485] : memref<50310x128xi32, #tpu.memory_space<hbm>> -> memref<6x128xi32, #tpu.memory_space<hbm>>
        %dma_start3A_487 = arith.constant 0 : i32
        %dma_start3A_488 = tpu.memref_slice %arg3[%add3A_166, %dma_start3A_487] : memref<50310x128xi32, #tpu.memory_space<hbm>> -> memref<6x128xi32, #tpu.memory_space<hbm>>
        tpu.enqueue_dma source(%dma_start3A_488 : memref<6x128xi32, #tpu.memory_space<hbm>>) target(%arg7 : memref<6x128xi32, #tpu.memory_space<vmem>>) target_semaphore(%run_scoped3A : memref<!tpu.dma_semaphore, #tpu.memory_space<semaphore_mem>>)
        %dma_wait3A_489 = arith.constant 0 : i32
        %dma_wait3A_490 = tpu.memref_slice %arg3[%add3A_166, %dma_wait3A_489] : memref<50310x128xi32, #tpu.memory_space<hbm>> -> memref<6x128xi32, #tpu.memory_space<hbm>>
        %dma_wait3A_491 = arith.constant 0 : i32
        %dma_wait3A_492 = tpu.memref_slice %arg3[%add3A_166, %dma_wait3A_491] : memref<50310x128xi32, #tpu.memory_space<hbm>> -> memref<6x128xi32, #tpu.memory_space<hbm>>
        tpu.wait_dma2 semaphore(%run_scoped3A : memref<!tpu.dma_semaphore, #tpu.memory_space<semaphore_mem>>) src(%dma_wait3A_492 : memref<6x128xi32, #tpu.memory_space<hbm>>) dst(%arg7 : memref<6x128xi32, #tpu.memory_space<vmem>>)
        tpu.yield
      }) : () -> ()
      "tpu.region"() ({
        %run_scoped3A = tpu.sem_alloc : memref<!tpu.dma_semaphore, #tpu.memory_space<semaphore_mem>>
        %dma_start3A_485 = arith.constant 0 : i32
        %dma_start3A_486 = tpu.memref_slice %arg4[%add3A_166, %dma_start3A_485] : memref<50310x128xi32, #tpu.memory_space<hbm>> -> memref<6x128xi32, #tpu.memory_space<hbm>>
        %dma_start3A_487 = arith.constant 0 : i32
        %dma_start3A_488 = tpu.memref_slice %arg4[%add3A_166, %dma_start3A_487] : memref<50310x128xi32, #tpu.memory_space<hbm>> -> memref<6x128xi32, #tpu.memory_space<hbm>>
        tpu.enqueue_dma source(%dma_start3A_488 : memref<6x128xi32, #tpu.memory_space<hbm>>) target(%arg8 : memref<6x128xi32, #tpu.memory_space<vmem>>) target_semaphore(%run_scoped3A : memref<!tpu.dma_semaphore, #tpu.memory_space<semaphore_mem>>)
        %dma_wait3A_489 = arith.constant 0 : i32
        %dma_wait3A_490 = tpu.memref_slice %arg4[%add3A_166, %dma_wait3A_489] : memref<50310x128xi32, #tpu.memory_space<hbm>> -> memref<6x128xi32, #tpu.memory_space<hbm>>
        %dma_wait3A_491 = arith.constant 0 : i32
        %dma_wait3A_492 = tpu.memref_slice %arg4[%add3A_166, %dma_wait3A_491] : memref<50310x128xi32, #tpu.memory_space<hbm>> -> memref<6x128xi32, #tpu.memory_space<hbm>>
        tpu.wait_dma2 semaphore(%run_scoped3A : memref<!tpu.dma_semaphore, #tpu.memory_space<semaphore_mem>>) src(%dma_wait3A_492 : memref<6x128xi32, #tpu.memory_space<hbm>>) dst(%arg8 : memref<6x128xi32, #tpu.memory_space<vmem>>)
        tpu.yield
      }) : () -> ()
      %dma_start3A_359 = arith.constant 0 : i32
      %dma_start3A_360 = arith.constant 0 : i32
      %dma_start3A_361 = arith.constant 0 : i32
      %dma_start3A_362 = tpu.memref_slice %arg11[%dma_start3A_360, %dma_start3A_361] : memref<768x16xf32, #tpu.memory_space<vmem>> -> memref<128x16xf32, #tpu.memory_space<vmem>>
      %dma_start3A_363 = arith.constant 0 : i32
      %dma_start3A_364 = tpu.memref_slice %arg7[%dma_start3A_359, %dma_start3A_363] : memref<6x128xi32, #tpu.memory_space<vmem>> -> memref<1x128xi32, #tpu.memory_space<vmem>>
      %dma_start3A_365 = tpu.memref_squeeze %dma_start3A_364 : memref<1x128xi32, #tpu.memory_space<vmem>> -> memref<128xi32, #tpu.memory_space<vmem>>
      %dma_start3A_366 = arith.constant 0 : i32
      %dma_start3A_367 = arith.constant 0 : i32
      %dma_start3A_368 = tpu.memref_slice %arg2[%dma_start3A_366, %dma_start3A_367] : memref<100352x16xf32, #tpu.memory_space<hbm>> -> memref<100352x16xf32, #tpu.memory_space<hbm>>
      tpu.enqueue_indirect_dma source(%dma_start3A_368 : memref<100352x16xf32, #tpu.memory_space<hbm>>) target(%dma_start3A_362 : memref<128x16xf32, #tpu.memory_space<vmem>>) offsets(%dma_start3A_365 : memref<128xi32, #tpu.memory_space<vmem>>) semaphore(%arg14 : memref<!tpu.dma_semaphore, #tpu.memory_space<semaphore_mem>>)
      %dma_start3A_369 = arith.constant 1 : i32
      %dma_start3A_370 = arith.constant 128 : i32
      %dma_start3A_371 = arith.constant 0 : i32
      %dma_start3A_372 = tpu.memref_slice %arg11[%dma_start3A_370, %dma_start3A_371] : memref<768x16xf32, #tpu.memory_space<vmem>> -> memref<128x16xf32, #tpu.memory_space<vmem>>
      %dma_start3A_373 = arith.constant 0 : i32
      %dma_start3A_374 = tpu.memref_slice %arg7[%dma_start3A_369, %dma_start3A_373] : memref<6x128xi32, #tpu.memory_space<vmem>> -> memref<1x128xi32, #tpu.memory_space<vmem>>
      %dma_start3A_375 = tpu.memref_squeeze %dma_start3A_374 : memref<1x128xi32, #tpu.memory_space<vmem>> -> memref<128xi32, #tpu.memory_space<vmem>>
      %dma_start3A_376 = arith.constant 0 : i32
      %dma_start3A_377 = arith.constant 0 : i32
      %dma_start3A_378 = tpu.memref_slice %arg2[%dma_start3A_376, %dma_start3A_377] : memref<100352x16xf32, #tpu.memory_space<hbm>> -> memref<100352x16xf32, #tpu.memory_space<hbm>>
      tpu.enqueue_indirect_dma source(%dma_start3A_378 : memref<100352x16xf32, #tpu.memory_space<hbm>>) target(%dma_start3A_372 : memref<128x16xf32, #tpu.memory_space<vmem>>) offsets(%dma_start3A_375 : memref<128xi32, #tpu.memory_space<vmem>>) semaphore(%arg14 : memref<!tpu.dma_semaphore, #tpu.memory_space<semaphore_mem>>)
      %dma_start3A_379 = arith.constant 2 : i32
      %dma_start3A_380 = arith.constant 256 : i32
      %dma_start3A_381 = arith.constant 0 : i32
      %dma_start3A_382 = tpu.memref_slice %arg11[%dma_start3A_380, %dma_start3A_381] : memref<768x16xf32, #tpu.memory_space<vmem>> -> memref<128x16xf32, #tpu.memory_space<vmem>>
      %dma_start3A_383 = arith.constant 0 : i32
      %dma_start3A_384 = tpu.memref_slice %arg7[%dma_start3A_379, %dma_start3A_383] : memref<6x128xi32, #tpu.memory_space<vmem>> -> memref<1x128xi32, #tpu.memory_space<vmem>>
      %dma_start3A_385 = tpu.memref_squeeze %dma_start3A_384 : memref<1x128xi32, #tpu.memory_space<vmem>> -> memref<128xi32, #tpu.memory_space<vmem>>
      %dma_start3A_386 = arith.constant 0 : i32
      %dma_start3A_387 = arith.constant 0 : i32
      %dma_start3A_388 = tpu.memref_slice %arg2[%dma_start3A_386, %dma_start3A_387] : memref<100352x16xf32, #tpu.memory_space<hbm>> -> memref<100352x16xf32, #tpu.memory_space<hbm>>
      tpu.enqueue_indirect_dma source(%dma_start3A_388 : memref<100352x16xf32, #tpu.memory_space<hbm>>) target(%dma_start3A_382 : memref<128x16xf32, #tpu.memory_space<vmem>>) offsets(%dma_start3A_385 : memref<128xi32, #tpu.memory_space<vmem>>) semaphore(%arg14 : memref<!tpu.dma_semaphore, #tpu.memory_space<semaphore_mem>>)
      %dma_start3A_389 = arith.constant 3 : i32
      %dma_start3A_390 = arith.constant 384 : i32
      %dma_start3A_391 = arith.constant 0 : i32
      %dma_start3A_392 = tpu.memref_slice %arg11[%dma_start3A_390, %dma_start3A_391] : memref<768x16xf32, #tpu.memory_space<vmem>> -> memref<128x16xf32, #tpu.memory_space<vmem>>
      %dma_start3A_393 = arith.constant 0 : i32
      %dma_start3A_394 = tpu.memref_slice %arg7[%dma_start3A_389, %dma_start3A_393] : memref<6x128xi32, #tpu.memory_space<vmem>> -> memref<1x128xi32, #tpu.memory_space<vmem>>
      %dma_start3A_395 = tpu.memref_squeeze %dma_start3A_394 : memref<1x128xi32, #tpu.memory_space<vmem>> -> memref<128xi32, #tpu.memory_space<vmem>>
      %dma_start3A_396 = arith.constant 0 : i32
      %dma_start3A_397 = arith.constant 0 : i32
      %dma_start3A_398 = tpu.memref_slice %arg2[%dma_start3A_396, %dma_start3A_397] : memref<100352x16xf32, #tpu.memory_space<hbm>> -> memref<100352x16xf32, #tpu.memory_space<hbm>>
      tpu.enqueue_indirect_dma source(%dma_start3A_398 : memref<100352x16xf32, #tpu.memory_space<hbm>>) target(%dma_start3A_392 : memref<128x16xf32, #tpu.memory_space<vmem>>) offsets(%dma_start3A_395 : memref<128xi32, #tpu.memory_space<vmem>>) semaphore(%arg14 : memref<!tpu.dma_semaphore, #tpu.memory_space<semaphore_mem>>)
      %dma_start3A_399 = arith.constant 4 : i32
      %dma_start3A_400 = arith.constant 512 : i32
      %dma_start3A_401 = arith.constant 0 : i32
      %dma_start3A_402 = tpu.memref_slice %arg11[%dma_start3A_400, %dma_start3A_401] : memref<768x16xf32, #tpu.memory_space<vmem>> -> memref<128x16xf32, #tpu.memory_space<vmem>>
      %dma_start3A_403 = arith.constant 0 : i32
      %dma_start3A_404 = tpu.memref_slice %arg7[%dma_start3A_399, %dma_start3A_403] : memref<6x128xi32, #tpu.memory_space<vmem>> -> memref<1x128xi32, #tpu.memory_space<vmem>>
      %dma_start3A_405 = tpu.memref_squeeze %dma_start3A_404 : memref<1x128xi32, #tpu.memory_space<vmem>> -> memref<128xi32, #tpu.memory_space<vmem>>
      %dma_start3A_406 = arith.constant 0 : i32
      %dma_start3A_407 = arith.constant 0 : i32
      %dma_start3A_408 = tpu.memref_slice %arg2[%dma_start3A_406, %dma_start3A_407] : memref<100352x16xf32, #tpu.memory_space<hbm>> -> memref<100352x16xf32, #tpu.memory_space<hbm>>
      tpu.enqueue_indirect_dma source(%dma_start3A_408 : memref<100352x16xf32, #tpu.memory_space<hbm>>) target(%dma_start3A_402 : memref<128x16xf32, #tpu.memory_space<vmem>>) offsets(%dma_start3A_405 : memref<128xi32, #tpu.memory_space<vmem>>) semaphore(%arg14 : memref<!tpu.dma_semaphore, #tpu.memory_space<semaphore_mem>>)
      %dma_start3A_409 = arith.constant 5 : i32
      %dma_start3A_410 = arith.constant 640 : i32
      %dma_start3A_411 = arith.constant 0 : i32
      %dma_start3A_412 = tpu.memref_slice %arg11[%dma_start3A_410, %dma_start3A_411] : memref<768x16xf32, #tpu.memory_space<vmem>> -> memref<128x16xf32, #tpu.memory_space<vmem>>
      %dma_start3A_413 = arith.constant 0 : i32
      %dma_start3A_414 = tpu.memref_slice %arg7[%dma_start3A_409, %dma_start3A_413] : memref<6x128xi32, #tpu.memory_space<vmem>> -> memref<1x128xi32, #tpu.memory_space<vmem>>
      %dma_start3A_415 = tpu.memref_squeeze %dma_start3A_414 : memref<1x128xi32, #tpu.memory_space<vmem>> -> memref<128xi32, #tpu.memory_space<vmem>>
      %dma_start3A_416 = arith.constant 0 : i32
      %dma_start3A_417 = arith.constant 0 : i32
      %dma_start3A_418 = tpu.memref_slice %arg2[%dma_start3A_416, %dma_start3A_417] : memref<100352x16xf32, #tpu.memory_space<hbm>> -> memref<100352x16xf32, #tpu.memory_space<hbm>>
      tpu.enqueue_indirect_dma source(%dma_start3A_418 : memref<100352x16xf32, #tpu.memory_space<hbm>>) target(%dma_start3A_412 : memref<128x16xf32, #tpu.memory_space<vmem>>) offsets(%dma_start3A_415 : memref<128xi32, #tpu.memory_space<vmem>>) semaphore(%arg14 : memref<!tpu.dma_semaphore, #tpu.memory_space<semaphore_mem>>)
      %dma_wait3A_419 = arith.constant 0 : i32
      %dma_wait3A_420 = arith.constant 0 : i32
      %dma_wait3A_421 = tpu.memref_slice %arg2[%dma_wait3A_419, %dma_wait3A_420] : memref<100352x16xf32, #tpu.memory_space<hbm>> -> memref<768x16xf32, #tpu.memory_space<hbm>>
      %dma_wait3A_422 = arith.constant 0 : i32
      %dma_wait3A_423 = arith.constant 0 : i32
      %dma_wait3A_424 = tpu.memref_slice %arg2[%dma_wait3A_422, %dma_wait3A_423] : memref<100352x16xf32, #tpu.memory_space<hbm>> -> memref<768x16xf32, #tpu.memory_space<hbm>>
      tpu.wait_dma2 semaphore(%arg15 : memref<!tpu.dma_semaphore, #tpu.memory_space<semaphore_mem>>) src(%dma_wait3A_424 : memref<768x16xf32, #tpu.memory_space<hbm>>) dst(%arg12 : memref<768x16xf32, #tpu.memory_space<vmem>>)
      %dma_start3A_425 = arith.constant 0 : i32
      %dma_start3A_426 = arith.constant 0 : i32
      %dma_start3A_427 = arith.constant 0 : i32
      %dma_start3A_428 = tpu.memref_slice %arg12[%dma_start3A_426, %dma_start3A_427] : memref<768x16xf32, #tpu.memory_space<vmem>> -> memref<128x16xf32, #tpu.memory_space<vmem>>
      %dma_start3A_429 = arith.constant 0 : i32
      %dma_start3A_430 = tpu.memref_slice %arg10[%dma_start3A_425, %dma_start3A_429] : memref<6x128xi32, #tpu.memory_space<vmem>> -> memref<1x128xi32, #tpu.memory_space<vmem>>
      %dma_start3A_431 = tpu.memref_squeeze %dma_start3A_430 : memref<1x128xi32, #tpu.memory_space<vmem>> -> memref<128xi32, #tpu.memory_space<vmem>>
      %dma_start3A_432 = arith.constant 0 : i32
      %dma_start3A_433 = arith.constant 0 : i32
      %dma_start3A_434 = tpu.memref_slice %arg13[%dma_start3A_432, %dma_start3A_433] : memref<100352x16xf32, #tpu.memory_space<vmem_shared>> -> memref<100352x16xf32, #tpu.memory_space<vmem_shared>>
      tpu.enqueue_indirect_dma source(%dma_start3A_428 : memref<128x16xf32, #tpu.memory_space<vmem>>) target(%dma_start3A_434 : memref<100352x16xf32, #tpu.memory_space<vmem_shared>>) offsets(%dma_start3A_431 : memref<128xi32, #tpu.memory_space<vmem>>) semaphore(%arg17 : memref<!tpu.dma_semaphore, #tpu.memory_space<semaphore_mem>>) {add = true}
      %dma_start3A_435 = arith.constant 1 : i32
      %dma_start3A_436 = arith.constant 128 : i32
      %dma_start3A_437 = arith.constant 0 : i32
      %dma_start3A_438 = tpu.memref_slice %arg12[%dma_start3A_436, %dma_start3A_437] : memref<768x16xf32, #tpu.memory_space<vmem>> -> memref<128x16xf32, #tpu.memory_space<vmem>>
      %dma_start3A_439 = arith.constant 0 : i32
      %dma_start3A_440 = tpu.memref_slice %arg10[%dma_start3A_435, %dma_start3A_439] : memref<6x128xi32, #tpu.memory_space<vmem>> -> memref<1x128xi32, #tpu.memory_space<vmem>>
      %dma_start3A_441 = tpu.memref_squeeze %dma_start3A_440 : memref<1x128xi32, #tpu.memory_space<vmem>> -> memref<128xi32, #tpu.memory_space<vmem>>
      %dma_start3A_442 = arith.constant 0 : i32
      %dma_start3A_443 = arith.constant 0 : i32
      %dma_start3A_444 = tpu.memref_slice %arg13[%dma_start3A_442, %dma_start3A_443] : memref<100352x16xf32, #tpu.memory_space<vmem_shared>> -> memref<100352x16xf32, #tpu.memory_space<vmem_shared>>
      tpu.enqueue_indirect_dma source(%dma_start3A_438 : memref<128x16xf32, #tpu.memory_space<vmem>>) target(%dma_start3A_444 : memref<100352x16xf32, #tpu.memory_space<vmem_shared>>) offsets(%dma_start3A_441 : memref<128xi32, #tpu.memory_space<vmem>>) semaphore(%arg17 : memref<!tpu.dma_semaphore, #tpu.memory_space<semaphore_mem>>) {add = true}
      %dma_start3A_445 = arith.constant 2 : i32
      %dma_start3A_446 = arith.constant 256 : i32
      %dma_start3A_447 = arith.constant 0 : i32
      %dma_start3A_448 = tpu.memref_slice %arg12[%dma_start3A_446, %dma_start3A_447] : memref<768x16xf32, #tpu.memory_space<vmem>> -> memref<128x16xf32, #tpu.memory_space<vmem>>
      %dma_start3A_449 = arith.constant 0 : i32
      %dma_start3A_450 = tpu.memref_slice %arg10[%dma_start3A_445, %dma_start3A_449] : memref<6x128xi32, #tpu.memory_space<vmem>> -> memref<1x128xi32, #tpu.memory_space<vmem>>
      %dma_start3A_451 = tpu.memref_squeeze %dma_start3A_450 : memref<1x128xi32, #tpu.memory_space<vmem>> -> memref<128xi32, #tpu.memory_space<vmem>>
      %dma_start3A_452 = arith.constant 0 : i32
      %dma_start3A_453 = arith.constant 0 : i32
      %dma_start3A_454 = tpu.memref_slice %arg13[%dma_start3A_452, %dma_start3A_453] : memref<100352x16xf32, #tpu.memory_space<vmem_shared>> -> memref<100352x16xf32, #tpu.memory_space<vmem_shared>>
      tpu.enqueue_indirect_dma source(%dma_start3A_448 : memref<128x16xf32, #tpu.memory_space<vmem>>) target(%dma_start3A_454 : memref<100352x16xf32, #tpu.memory_space<vmem_shared>>) offsets(%dma_start3A_451 : memref<128xi32, #tpu.memory_space<vmem>>) semaphore(%arg17 : memref<!tpu.dma_semaphore, #tpu.memory_space<semaphore_mem>>) {add = true}
      %dma_start3A_455 = arith.constant 3 : i32
      %dma_start3A_456 = arith.constant 384 : i32
      %dma_start3A_457 = arith.constant 0 : i32
      %dma_start3A_458 = tpu.memref_slice %arg12[%dma_start3A_456, %dma_start3A_457] : memref<768x16xf32, #tpu.memory_space<vmem>> -> memref<128x16xf32, #tpu.memory_space<vmem>>
      %dma_start3A_459 = arith.constant 0 : i32
      %dma_start3A_460 = tpu.memref_slice %arg10[%dma_start3A_455, %dma_start3A_459] : memref<6x128xi32, #tpu.memory_space<vmem>> -> memref<1x128xi32, #tpu.memory_space<vmem>>
      %dma_start3A_461 = tpu.memref_squeeze %dma_start3A_460 : memref<1x128xi32, #tpu.memory_space<vmem>> -> memref<128xi32, #tpu.memory_space<vmem>>
      %dma_start3A_462 = arith.constant 0 : i32
      %dma_start3A_463 = arith.constant 0 : i32
      %dma_start3A_464 = tpu.memref_slice %arg13[%dma_start3A_462, %dma_start3A_463] : memref<100352x16xf32, #tpu.memory_space<vmem_shared>> -> memref<100352x16xf32, #tpu.memory_space<vmem_shared>>
      tpu.enqueue_indirect_dma source(%dma_start3A_458 : memref<128x16xf32, #tpu.memory_space<vmem>>) target(%dma_start3A_464 : memref<100352x16xf32, #tpu.memory_space<vmem_shared>>) offsets(%dma_start3A_461 : memref<128xi32, #tpu.memory_space<vmem>>) semaphore(%arg17 : memref<!tpu.dma_semaphore, #tpu.memory_space<semaphore_mem>>) {add = true}
      %dma_start3A_465 = arith.constant 4 : i32
      %dma_start3A_466 = arith.constant 512 : i32
      %dma_start3A_467 = arith.constant 0 : i32
      %dma_start3A_468 = tpu.memref_slice %arg12[%dma_start3A_466, %dma_start3A_467] : memref<768x16xf32, #tpu.memory_space<vmem>> -> memref<128x16xf32, #tpu.memory_space<vmem>>
      %dma_start3A_469 = arith.constant 0 : i32
      %dma_start3A_470 = tpu.memref_slice %arg10[%dma_start3A_465, %dma_start3A_469] : memref<6x128xi32, #tpu.memory_space<vmem>> -> memref<1x128xi32, #tpu.memory_space<vmem>>
      %dma_start3A_471 = tpu.memref_squeeze %dma_start3A_470 : memref<1x128xi32, #tpu.memory_space<vmem>> -> memref<128xi32, #tpu.memory_space<vmem>>
      %dma_start3A_472 = arith.constant 0 : i32
      %dma_start3A_473 = arith.constant 0 : i32
      %dma_start3A_474 = tpu.memref_slice %arg13[%dma_start3A_472, %dma_start3A_473] : memref<100352x16xf32, #tpu.memory_space<vmem_shared>> -> memref<100352x16xf32, #tpu.memory_space<vmem_shared>>
      tpu.enqueue_indirect_dma source(%dma_start3A_468 : memref<128x16xf32, #tpu.memory_space<vmem>>) target(%dma_start3A_474 : memref<100352x16xf32, #tpu.memory_space<vmem_shared>>) offsets(%dma_start3A_471 : memref<128xi32, #tpu.memory_space<vmem>>) semaphore(%arg17 : memref<!tpu.dma_semaphore, #tpu.memory_space<semaphore_mem>>) {add = true}
      %dma_start3A_475 = arith.constant 5 : i32
      %dma_start3A_476 = arith.constant 640 : i32
      %dma_start3A_477 = arith.constant 0 : i32
      %dma_start3A_478 = tpu.memref_slice %arg12[%dma_start3A_476, %dma_start3A_477] : memref<768x16xf32, #tpu.memory_space<vmem>> -> memref<128x16xf32, #tpu.memory_space<vmem>>
      %dma_start3A_479 = arith.constant 0 : i32
      %dma_start3A_480 = tpu.memref_slice %arg10[%dma_start3A_475, %dma_start3A_479] : memref<6x128xi32, #tpu.memory_space<vmem>> -> memref<1x128xi32, #tpu.memory_space<vmem>>
      %dma_start3A_481 = tpu.memref_squeeze %dma_start3A_480 : memref<1x128xi32, #tpu.memory_space<vmem>> -> memref<128xi32, #tpu.memory_space<vmem>>
      %dma_start3A_482 = arith.constant 0 : i32
      %dma_start3A_483 = arith.constant 0 : i32
      %dma_start3A_484 = tpu.memref_slice %arg13[%dma_start3A_482, %dma_start3A_483] : memref<100352x16xf32, #tpu.memory_space<vmem_shared>> -> memref<100352x16xf32, #tpu.memory_space<vmem_shared>>
      tpu.enqueue_indirect_dma source(%dma_start3A_478 : memref<128x16xf32, #tpu.memory_space<vmem>>) target(%dma_start3A_484 : memref<100352x16xf32, #tpu.memory_space<vmem_shared>>) offsets(%dma_start3A_481 : memref<128xi32, #tpu.memory_space<vmem>>) semaphore(%arg17 : memref<!tpu.dma_semaphore, #tpu.memory_space<semaphore_mem>>) {add = true}
    }
    %scan3A_128 = arith.constant 131 : i32
    %dma_wait3A = arith.constant 0 : i32
    %dma_wait3A_129 = arith.constant 0 : i32
    %dma_wait3A_130 = tpu.memref_slice %arg2[%dma_wait3A, %dma_wait3A_129] : memref<100352x16xf32, #tpu.memory_space<hbm>> -> memref<768x16xf32, #tpu.memory_space<hbm>>
    %dma_wait3A_131 = arith.constant 0 : i32
    %dma_wait3A_132 = arith.constant 0 : i32
    %dma_wait3A_133 = tpu.memref_slice %arg2[%dma_wait3A_131, %dma_wait3A_132] : memref<100352x16xf32, #tpu.memory_space<hbm>> -> memref<768x16xf32, #tpu.memory_space<hbm>>
    tpu.wait_dma2 semaphore(%arg14 : memref<!tpu.dma_semaphore, #tpu.memory_space<semaphore_mem>>) src(%dma_wait3A_133 : memref<768x16xf32, #tpu.memory_space<hbm>>) dst(%arg11 : memref<768x16xf32, #tpu.memory_space<vmem>>)
    %dma_wait3A_134 = arith.constant 0 : i32
    %dma_wait3A_135 = arith.constant 0 : i32
    %dma_wait3A_136 = tpu.memref_slice %arg2[%dma_wait3A_134, %dma_wait3A_135] : memref<100352x16xf32, #tpu.memory_space<hbm>> -> memref<768x16xf32, #tpu.memory_space<hbm>>
    %dma_wait3A_137 = arith.constant 0 : i32
    %dma_wait3A_138 = arith.constant 0 : i32
    %dma_wait3A_139 = tpu.memref_slice %arg2[%dma_wait3A_137, %dma_wait3A_138] : memref<100352x16xf32, #tpu.memory_space<hbm>> -> memref<768x16xf32, #tpu.memory_space<hbm>>
    tpu.wait_dma2 semaphore(%arg17 : memref<!tpu.dma_semaphore, #tpu.memory_space<semaphore_mem>>) src(%dma_wait3A_139 : memref<768x16xf32, #tpu.memory_space<hbm>>) dst(%arg12 : memref<768x16xf32, #tpu.memory_space<vmem>>)
    %barrier3A_140 = arith.constant 0 : index
    tpu.barrier barrier_id(%barrier3A_140)
    %mul3A_141 = arith.constant 6272 : i32
    %mul3A_142 = arith.muli %arg1, %mul3A_141 : i32
    %mul3A_143 = arith.constant 100352 : i32
    %mul3A_144 = arith.muli %arg0, %mul3A_143 : i32
    %mul3A_145 = arith.constant 6272 : i32
    %mul3A_146 = arith.muli %arg1, %mul3A_145 : i32
    %add3A_147 = arith.addi %mul3A_144, %mul3A_146 : i32
    "tpu.region"() ({
      %run_scoped3A = tpu.sem_alloc : memref<!tpu.dma_semaphore, #tpu.memory_space<semaphore_mem>>
      %dma_start3A_148 = arith.constant 0 : i32
      %dma_start3A_149 = tpu.memref_slice %arg6[%add3A_147, %dma_start3A_148] : memref<200704x16xf32, #tpu.memory_space<hbm>> -> memref<6272x16xf32, #tpu.memory_space<hbm>>
      %dma_start3A_150 = arith.constant 0 : i32
      %dma_start3A_151 = tpu.memref_slice %arg13[%mul3A_142, %dma_start3A_150] : memref<100352x16xf32, #tpu.memory_space<vmem_shared>> -> memref<6272x16xf32, #tpu.memory_space<vmem_shared>>
      tpu.enqueue_dma source(%dma_start3A_151 : memref<6272x16xf32, #tpu.memory_space<vmem_shared>>) target(%dma_start3A_149 : memref<6272x16xf32, #tpu.memory_space<hbm>>) target_semaphore(%run_scoped3A : memref<!tpu.dma_semaphore, #tpu.memory_space<semaphore_mem>>)
      %dma_wait3A_152 = arith.constant 0 : i32
      %dma_wait3A_153 = tpu.memref_slice %arg6[%add3A_147, %dma_wait3A_152] : memref<200704x16xf32, #tpu.memory_space<hbm>> -> memref<6272x16xf32, #tpu.memory_space<hbm>>
      %dma_wait3A_154 = arith.constant 0 : i32
      %dma_wait3A_155 = tpu.memref_slice %arg13[%mul3A_142, %dma_wait3A_154] : memref<100352x16xf32, #tpu.memory_space<vmem_shared>> -> memref<6272x16xf32, #tpu.memory_space<vmem_shared>>
      tpu.wait_dma2 semaphore(%run_scoped3A : memref<!tpu.dma_semaphore, #tpu.memory_space<semaphore_mem>>) src(%dma_wait3A_155 : memref<6272x16xf32, #tpu.memory_space<vmem_shared>>) dst(%dma_wait3A_153 : memref<6272x16xf32, #tpu.memory_space<hbm>>)
      tpu.yield
    }) : () -> ()
    return
  }
}

#map = affine_map<(d0, d1) -> (0, 0)>
module attributes {stable_mosaic.version = 14 : i64} {
  func.func @body(%arg0: i32, %arg1: i32, %arg2: memref<100352x8xf32, #tpu.memory_space<hbm>>, %arg3: memref<50310x128xi32, #tpu.memory_space<hbm>>, %arg4: memref<50310x128xi32, #tpu.memory_space<hbm>>, %arg5: memref<6272x8xf32, #tpu.memory_space<hbm>>, %arg6: memref<200704x8xf32, #tpu.memory_space<hbm>>, %arg7: memref<8x128xi32, #tpu.memory_space<vmem>>, %arg8: memref<8x128xi32, #tpu.memory_space<vmem>>, %arg9: memref<8x128xi32, #tpu.memory_space<vmem>>, %arg10: memref<8x128xi32, #tpu.memory_space<vmem>>, %arg11: memref<1024x8xf32, #tpu.memory_space<vmem>>, %arg12: memref<1024x8xf32, #tpu.memory_space<vmem>>, %arg13: memref<100352x8xf32, #tpu.memory_space<vmem_shared>>, %arg14: memref<!tpu.dma_semaphore, #tpu.memory_space<semaphore_mem>>, %arg15: memref<!tpu.dma_semaphore, #tpu.memory_space<semaphore_mem>>, %arg16: memref<!tpu.dma_semaphore, #tpu.memory_space<semaphore_mem>>, %arg17: memref<!tpu.dma_semaphore, #tpu.memory_space<semaphore_mem>>) attributes {dimension_semantics = [#tpu.dimension_semantics<core_parallel>, #tpu.dimension_semantics<subcore_parallel>], iteration_bounds = array<i64: 2, 16>, scalar_prefetch = 0 : i64, scratch_operands = 11 : i64, tpu.core_type = #tpu.core_type<sc_vector_subcore>, window_params = [{transform_indices = #map}, {transform_indices = #map}, {transform_indices = #map}, {transform_indices = #map}, {transform_indices = #map}]} {
    %mul3A = arith.constant 16 : i32
    %mul3A_0 = arith.muli %arg0, %mul3A : i32
    %add3A = arith.addi %mul3A_0, %arg1 : i32
    %mul3A_1 = arith.constant 6272 : i32
    %mul3A_2 = arith.muli %arg1, %mul3A_1 : i32
    "tpu.region"() ({
      %run_scoped3A = tpu.sem_alloc : memref<!tpu.dma_semaphore, #tpu.memory_space<semaphore_mem>>
      %dma_start3A_188 = arith.constant 0 : i32
      %dma_start3A_189 = tpu.memref_slice %arg13[%mul3A_2, %dma_start3A_188] : memref<100352x8xf32, #tpu.memory_space<vmem_shared>> -> memref<6272x8xf32, #tpu.memory_space<vmem_shared>>
      tpu.enqueue_dma source(%arg5 : memref<6272x8xf32, #tpu.memory_space<hbm>>) target(%dma_start3A_189 : memref<6272x8xf32, #tpu.memory_space<vmem_shared>>) target_semaphore(%run_scoped3A : memref<!tpu.dma_semaphore, #tpu.memory_space<semaphore_mem>>)
      %dma_wait3A_190 = arith.constant 0 : i32
      %dma_wait3A_191 = tpu.memref_slice %arg13[%mul3A_2, %dma_wait3A_190] : memref<100352x8xf32, #tpu.memory_space<vmem_shared>> -> memref<6272x8xf32, #tpu.memory_space<vmem_shared>>
      tpu.wait_dma2 semaphore(%run_scoped3A : memref<!tpu.dma_semaphore, #tpu.memory_space<semaphore_mem>>) src(%arg5 : memref<6272x8xf32, #tpu.memory_space<hbm>>) dst(%dma_wait3A_191 : memref<6272x8xf32, #tpu.memory_space<vmem_shared>>)
      tpu.yield
    }) : () -> ()
    %barrier3A = arith.constant 0 : index
    tpu.barrier barrier_id(%barrier3A)
    "tpu.region"() ({
      %run_scoped3A = tpu.sem_alloc : memref<!tpu.dma_semaphore, #tpu.memory_space<semaphore_mem>>
      %dma_start3A_188 = arith.constant 50176 : i32
      %dma_start3A_189 = arith.constant 0 : i32
      %dma_start3A_190 = tpu.memref_slice %arg3[%dma_start3A_188, %dma_start3A_189] : memref<50310x128xi32, #tpu.memory_space<hbm>> -> memref<8x128xi32, #tpu.memory_space<hbm>>
      %dma_start3A_191 = arith.constant 50176 : i32
      %dma_start3A_192 = arith.constant 0 : i32
      %dma_start3A_193 = tpu.memref_slice %arg3[%dma_start3A_191, %dma_start3A_192] : memref<50310x128xi32, #tpu.memory_space<hbm>> -> memref<8x128xi32, #tpu.memory_space<hbm>>
      tpu.enqueue_dma source(%dma_start3A_193 : memref<8x128xi32, #tpu.memory_space<hbm>>) target(%arg9 : memref<8x128xi32, #tpu.memory_space<vmem>>) target_semaphore(%run_scoped3A : memref<!tpu.dma_semaphore, #tpu.memory_space<semaphore_mem>>)
      %dma_wait3A_194 = arith.constant 50176 : i32
      %dma_wait3A_195 = arith.constant 0 : i32
      %dma_wait3A_196 = tpu.memref_slice %arg3[%dma_wait3A_194, %dma_wait3A_195] : memref<50310x128xi32, #tpu.memory_space<hbm>> -> memref<8x128xi32, #tpu.memory_space<hbm>>
      %dma_wait3A_197 = arith.constant 50176 : i32
      %dma_wait3A_198 = arith.constant 0 : i32
      %dma_wait3A_199 = tpu.memref_slice %arg3[%dma_wait3A_197, %dma_wait3A_198] : memref<50310x128xi32, #tpu.memory_space<hbm>> -> memref<8x128xi32, #tpu.memory_space<hbm>>
      tpu.wait_dma2 semaphore(%run_scoped3A : memref<!tpu.dma_semaphore, #tpu.memory_space<semaphore_mem>>) src(%dma_wait3A_199 : memref<8x128xi32, #tpu.memory_space<hbm>>) dst(%arg9 : memref<8x128xi32, #tpu.memory_space<vmem>>)
      tpu.yield
    }) : () -> ()
    "tpu.region"() ({
      %run_scoped3A = tpu.sem_alloc : memref<!tpu.dma_semaphore, #tpu.memory_space<semaphore_mem>>
      %dma_start3A_188 = arith.constant 50176 : i32
      %dma_start3A_189 = arith.constant 0 : i32
      %dma_start3A_190 = tpu.memref_slice %arg4[%dma_start3A_188, %dma_start3A_189] : memref<50310x128xi32, #tpu.memory_space<hbm>> -> memref<8x128xi32, #tpu.memory_space<hbm>>
      %dma_start3A_191 = arith.constant 50176 : i32
      %dma_start3A_192 = arith.constant 0 : i32
      %dma_start3A_193 = tpu.memref_slice %arg4[%dma_start3A_191, %dma_start3A_192] : memref<50310x128xi32, #tpu.memory_space<hbm>> -> memref<8x128xi32, #tpu.memory_space<hbm>>
      tpu.enqueue_dma source(%dma_start3A_193 : memref<8x128xi32, #tpu.memory_space<hbm>>) target(%arg10 : memref<8x128xi32, #tpu.memory_space<vmem>>) target_semaphore(%run_scoped3A : memref<!tpu.dma_semaphore, #tpu.memory_space<semaphore_mem>>)
      %dma_wait3A_194 = arith.constant 50176 : i32
      %dma_wait3A_195 = arith.constant 0 : i32
      %dma_wait3A_196 = tpu.memref_slice %arg4[%dma_wait3A_194, %dma_wait3A_195] : memref<50310x128xi32, #tpu.memory_space<hbm>> -> memref<8x128xi32, #tpu.memory_space<hbm>>
      %dma_wait3A_197 = arith.constant 50176 : i32
      %dma_wait3A_198 = arith.constant 0 : i32
      %dma_wait3A_199 = tpu.memref_slice %arg4[%dma_wait3A_197, %dma_wait3A_198] : memref<50310x128xi32, #tpu.memory_space<hbm>> -> memref<8x128xi32, #tpu.memory_space<hbm>>
      tpu.wait_dma2 semaphore(%run_scoped3A : memref<!tpu.dma_semaphore, #tpu.memory_space<semaphore_mem>>) src(%dma_wait3A_199 : memref<8x128xi32, #tpu.memory_space<hbm>>) dst(%arg10 : memref<8x128xi32, #tpu.memory_space<vmem>>)
      tpu.yield
    }) : () -> ()
    %dma_start3A = arith.constant 0 : i32
    %dma_start3A_3 = arith.constant 0 : i32
    %dma_start3A_4 = arith.constant 0 : i32
    %dma_start3A_5 = tpu.memref_slice %arg12[%dma_start3A_3, %dma_start3A_4] : memref<1024x8xf32, #tpu.memory_space<vmem>> -> memref<128x8xf32, #tpu.memory_space<vmem>>
    %dma_start3A_6 = arith.constant 0 : i32
    %dma_start3A_7 = tpu.memref_slice %arg10[%dma_start3A, %dma_start3A_6] : memref<8x128xi32, #tpu.memory_space<vmem>> -> memref<1x128xi32, #tpu.memory_space<vmem>>
    %dma_start3A_8 = tpu.memref_squeeze %dma_start3A_7 : memref<1x128xi32, #tpu.memory_space<vmem>> -> memref<128xi32, #tpu.memory_space<vmem>>
    %dma_start3A_9 = arith.constant 0 : i32
    %dma_start3A_10 = arith.constant 0 : i32
    %dma_start3A_11 = tpu.memref_slice %arg13[%dma_start3A_9, %dma_start3A_10] : memref<100352x8xf32, #tpu.memory_space<vmem_shared>> -> memref<100352x8xf32, #tpu.memory_space<vmem_shared>>
    tpu.enqueue_indirect_dma source(%dma_start3A_5 : memref<128x8xf32, #tpu.memory_space<vmem>>) target(%dma_start3A_11 : memref<100352x8xf32, #tpu.memory_space<vmem_shared>>) offsets(%dma_start3A_8 : memref<128xi32, #tpu.memory_space<vmem>>) semaphore(%arg17 : memref<!tpu.dma_semaphore, #tpu.memory_space<semaphore_mem>>) {add = true}
    %dma_start3A_12 = arith.constant 1 : i32
    %dma_start3A_13 = arith.constant 128 : i32
    %dma_start3A_14 = arith.constant 0 : i32
    %dma_start3A_15 = tpu.memref_slice %arg12[%dma_start3A_13, %dma_start3A_14] : memref<1024x8xf32, #tpu.memory_space<vmem>> -> memref<128x8xf32, #tpu.memory_space<vmem>>
    %dma_start3A_16 = arith.constant 0 : i32
    %dma_start3A_17 = tpu.memref_slice %arg10[%dma_start3A_12, %dma_start3A_16] : memref<8x128xi32, #tpu.memory_space<vmem>> -> memref<1x128xi32, #tpu.memory_space<vmem>>
    %dma_start3A_18 = tpu.memref_squeeze %dma_start3A_17 : memref<1x128xi32, #tpu.memory_space<vmem>> -> memref<128xi32, #tpu.memory_space<vmem>>
    %dma_start3A_19 = arith.constant 0 : i32
    %dma_start3A_20 = arith.constant 0 : i32
    %dma_start3A_21 = tpu.memref_slice %arg13[%dma_start3A_19, %dma_start3A_20] : memref<100352x8xf32, #tpu.memory_space<vmem_shared>> -> memref<100352x8xf32, #tpu.memory_space<vmem_shared>>
    tpu.enqueue_indirect_dma source(%dma_start3A_15 : memref<128x8xf32, #tpu.memory_space<vmem>>) target(%dma_start3A_21 : memref<100352x8xf32, #tpu.memory_space<vmem_shared>>) offsets(%dma_start3A_18 : memref<128xi32, #tpu.memory_space<vmem>>) semaphore(%arg17 : memref<!tpu.dma_semaphore, #tpu.memory_space<semaphore_mem>>) {add = true}
    %dma_start3A_22 = arith.constant 2 : i32
    %dma_start3A_23 = arith.constant 256 : i32
    %dma_start3A_24 = arith.constant 0 : i32
    %dma_start3A_25 = tpu.memref_slice %arg12[%dma_start3A_23, %dma_start3A_24] : memref<1024x8xf32, #tpu.memory_space<vmem>> -> memref<128x8xf32, #tpu.memory_space<vmem>>
    %dma_start3A_26 = arith.constant 0 : i32
    %dma_start3A_27 = tpu.memref_slice %arg10[%dma_start3A_22, %dma_start3A_26] : memref<8x128xi32, #tpu.memory_space<vmem>> -> memref<1x128xi32, #tpu.memory_space<vmem>>
    %dma_start3A_28 = tpu.memref_squeeze %dma_start3A_27 : memref<1x128xi32, #tpu.memory_space<vmem>> -> memref<128xi32, #tpu.memory_space<vmem>>
    %dma_start3A_29 = arith.constant 0 : i32
    %dma_start3A_30 = arith.constant 0 : i32
    %dma_start3A_31 = tpu.memref_slice %arg13[%dma_start3A_29, %dma_start3A_30] : memref<100352x8xf32, #tpu.memory_space<vmem_shared>> -> memref<100352x8xf32, #tpu.memory_space<vmem_shared>>
    tpu.enqueue_indirect_dma source(%dma_start3A_25 : memref<128x8xf32, #tpu.memory_space<vmem>>) target(%dma_start3A_31 : memref<100352x8xf32, #tpu.memory_space<vmem_shared>>) offsets(%dma_start3A_28 : memref<128xi32, #tpu.memory_space<vmem>>) semaphore(%arg17 : memref<!tpu.dma_semaphore, #tpu.memory_space<semaphore_mem>>) {add = true}
    %dma_start3A_32 = arith.constant 3 : i32
    %dma_start3A_33 = arith.constant 384 : i32
    %dma_start3A_34 = arith.constant 0 : i32
    %dma_start3A_35 = tpu.memref_slice %arg12[%dma_start3A_33, %dma_start3A_34] : memref<1024x8xf32, #tpu.memory_space<vmem>> -> memref<128x8xf32, #tpu.memory_space<vmem>>
    %dma_start3A_36 = arith.constant 0 : i32
    %dma_start3A_37 = tpu.memref_slice %arg10[%dma_start3A_32, %dma_start3A_36] : memref<8x128xi32, #tpu.memory_space<vmem>> -> memref<1x128xi32, #tpu.memory_space<vmem>>
    %dma_start3A_38 = tpu.memref_squeeze %dma_start3A_37 : memref<1x128xi32, #tpu.memory_space<vmem>> -> memref<128xi32, #tpu.memory_space<vmem>>
    %dma_start3A_39 = arith.constant 0 : i32
    %dma_start3A_40 = arith.constant 0 : i32
    %dma_start3A_41 = tpu.memref_slice %arg13[%dma_start3A_39, %dma_start3A_40] : memref<100352x8xf32, #tpu.memory_space<vmem_shared>> -> memref<100352x8xf32, #tpu.memory_space<vmem_shared>>
    tpu.enqueue_indirect_dma source(%dma_start3A_35 : memref<128x8xf32, #tpu.memory_space<vmem>>) target(%dma_start3A_41 : memref<100352x8xf32, #tpu.memory_space<vmem_shared>>) offsets(%dma_start3A_38 : memref<128xi32, #tpu.memory_space<vmem>>) semaphore(%arg17 : memref<!tpu.dma_semaphore, #tpu.memory_space<semaphore_mem>>) {add = true}
    %dma_start3A_42 = arith.constant 4 : i32
    %dma_start3A_43 = arith.constant 512 : i32
    %dma_start3A_44 = arith.constant 0 : i32
    %dma_start3A_45 = tpu.memref_slice %arg12[%dma_start3A_43, %dma_start3A_44] : memref<1024x8xf32, #tpu.memory_space<vmem>> -> memref<128x8xf32, #tpu.memory_space<vmem>>
    %dma_start3A_46 = arith.constant 0 : i32
    %dma_start3A_47 = tpu.memref_slice %arg10[%dma_start3A_42, %dma_start3A_46] : memref<8x128xi32, #tpu.memory_space<vmem>> -> memref<1x128xi32, #tpu.memory_space<vmem>>
    %dma_start3A_48 = tpu.memref_squeeze %dma_start3A_47 : memref<1x128xi32, #tpu.memory_space<vmem>> -> memref<128xi32, #tpu.memory_space<vmem>>
    %dma_start3A_49 = arith.constant 0 : i32
    %dma_start3A_50 = arith.constant 0 : i32
    %dma_start3A_51 = tpu.memref_slice %arg13[%dma_start3A_49, %dma_start3A_50] : memref<100352x8xf32, #tpu.memory_space<vmem_shared>> -> memref<100352x8xf32, #tpu.memory_space<vmem_shared>>
    tpu.enqueue_indirect_dma source(%dma_start3A_45 : memref<128x8xf32, #tpu.memory_space<vmem>>) target(%dma_start3A_51 : memref<100352x8xf32, #tpu.memory_space<vmem_shared>>) offsets(%dma_start3A_48 : memref<128xi32, #tpu.memory_space<vmem>>) semaphore(%arg17 : memref<!tpu.dma_semaphore, #tpu.memory_space<semaphore_mem>>) {add = true}
    %dma_start3A_52 = arith.constant 5 : i32
    %dma_start3A_53 = arith.constant 640 : i32
    %dma_start3A_54 = arith.constant 0 : i32
    %dma_start3A_55 = tpu.memref_slice %arg12[%dma_start3A_53, %dma_start3A_54] : memref<1024x8xf32, #tpu.memory_space<vmem>> -> memref<128x8xf32, #tpu.memory_space<vmem>>
    %dma_start3A_56 = arith.constant 0 : i32
    %dma_start3A_57 = tpu.memref_slice %arg10[%dma_start3A_52, %dma_start3A_56] : memref<8x128xi32, #tpu.memory_space<vmem>> -> memref<1x128xi32, #tpu.memory_space<vmem>>
    %dma_start3A_58 = tpu.memref_squeeze %dma_start3A_57 : memref<1x128xi32, #tpu.memory_space<vmem>> -> memref<128xi32, #tpu.memory_space<vmem>>
    %dma_start3A_59 = arith.constant 0 : i32
    %dma_start3A_60 = arith.constant 0 : i32
    %dma_start3A_61 = tpu.memref_slice %arg13[%dma_start3A_59, %dma_start3A_60] : memref<100352x8xf32, #tpu.memory_space<vmem_shared>> -> memref<100352x8xf32, #tpu.memory_space<vmem_shared>>
    tpu.enqueue_indirect_dma source(%dma_start3A_55 : memref<128x8xf32, #tpu.memory_space<vmem>>) target(%dma_start3A_61 : memref<100352x8xf32, #tpu.memory_space<vmem_shared>>) offsets(%dma_start3A_58 : memref<128xi32, #tpu.memory_space<vmem>>) semaphore(%arg17 : memref<!tpu.dma_semaphore, #tpu.memory_space<semaphore_mem>>) {add = true}
    %dma_start3A_62 = arith.constant 6 : i32
    %dma_start3A_63 = arith.constant 768 : i32
    %dma_start3A_64 = arith.constant 0 : i32
    %dma_start3A_65 = tpu.memref_slice %arg12[%dma_start3A_63, %dma_start3A_64] : memref<1024x8xf32, #tpu.memory_space<vmem>> -> memref<128x8xf32, #tpu.memory_space<vmem>>
    %dma_start3A_66 = arith.constant 0 : i32
    %dma_start3A_67 = tpu.memref_slice %arg10[%dma_start3A_62, %dma_start3A_66] : memref<8x128xi32, #tpu.memory_space<vmem>> -> memref<1x128xi32, #tpu.memory_space<vmem>>
    %dma_start3A_68 = tpu.memref_squeeze %dma_start3A_67 : memref<1x128xi32, #tpu.memory_space<vmem>> -> memref<128xi32, #tpu.memory_space<vmem>>
    %dma_start3A_69 = arith.constant 0 : i32
    %dma_start3A_70 = arith.constant 0 : i32
    %dma_start3A_71 = tpu.memref_slice %arg13[%dma_start3A_69, %dma_start3A_70] : memref<100352x8xf32, #tpu.memory_space<vmem_shared>> -> memref<100352x8xf32, #tpu.memory_space<vmem_shared>>
    tpu.enqueue_indirect_dma source(%dma_start3A_65 : memref<128x8xf32, #tpu.memory_space<vmem>>) target(%dma_start3A_71 : memref<100352x8xf32, #tpu.memory_space<vmem_shared>>) offsets(%dma_start3A_68 : memref<128xi32, #tpu.memory_space<vmem>>) semaphore(%arg17 : memref<!tpu.dma_semaphore, #tpu.memory_space<semaphore_mem>>) {add = true}
    %dma_start3A_72 = arith.constant 7 : i32
    %dma_start3A_73 = arith.constant 896 : i32
    %dma_start3A_74 = arith.constant 0 : i32
    %dma_start3A_75 = tpu.memref_slice %arg12[%dma_start3A_73, %dma_start3A_74] : memref<1024x8xf32, #tpu.memory_space<vmem>> -> memref<128x8xf32, #tpu.memory_space<vmem>>
    %dma_start3A_76 = arith.constant 0 : i32
    %dma_start3A_77 = tpu.memref_slice %arg10[%dma_start3A_72, %dma_start3A_76] : memref<8x128xi32, #tpu.memory_space<vmem>> -> memref<1x128xi32, #tpu.memory_space<vmem>>
    %dma_start3A_78 = tpu.memref_squeeze %dma_start3A_77 : memref<1x128xi32, #tpu.memory_space<vmem>> -> memref<128xi32, #tpu.memory_space<vmem>>
    %dma_start3A_79 = arith.constant 0 : i32
    %dma_start3A_80 = arith.constant 0 : i32
    %dma_start3A_81 = tpu.memref_slice %arg13[%dma_start3A_79, %dma_start3A_80] : memref<100352x8xf32, #tpu.memory_space<vmem_shared>> -> memref<100352x8xf32, #tpu.memory_space<vmem_shared>>
    tpu.enqueue_indirect_dma source(%dma_start3A_75 : memref<128x8xf32, #tpu.memory_space<vmem>>) target(%dma_start3A_81 : memref<100352x8xf32, #tpu.memory_space<vmem_shared>>) offsets(%dma_start3A_78 : memref<128xi32, #tpu.memory_space<vmem>>) semaphore(%arg17 : memref<!tpu.dma_semaphore, #tpu.memory_space<semaphore_mem>>) {add = true}
    %mul3A_82 = arith.constant 1568 : i32
    %mul3A_83 = arith.muli %add3A, %mul3A_82 : i32
    "tpu.region"() ({
      %run_scoped3A = tpu.sem_alloc : memref<!tpu.dma_semaphore, #tpu.memory_space<semaphore_mem>>
      %dma_start3A_188 = arith.constant 0 : i32
      %dma_start3A_189 = tpu.memref_slice %arg3[%mul3A_83, %dma_start3A_188] : memref<50310x128xi32, #tpu.memory_space<hbm>> -> memref<8x128xi32, #tpu.memory_space<hbm>>
      %dma_start3A_190 = arith.constant 0 : i32
      %dma_start3A_191 = tpu.memref_slice %arg3[%mul3A_83, %dma_start3A_190] : memref<50310x128xi32, #tpu.memory_space<hbm>> -> memref<8x128xi32, #tpu.memory_space<hbm>>
      tpu.enqueue_dma source(%dma_start3A_191 : memref<8x128xi32, #tpu.memory_space<hbm>>) target(%arg7 : memref<8x128xi32, #tpu.memory_space<vmem>>) target_semaphore(%run_scoped3A : memref<!tpu.dma_semaphore, #tpu.memory_space<semaphore_mem>>)
      %dma_wait3A_192 = arith.constant 0 : i32
      %dma_wait3A_193 = tpu.memref_slice %arg3[%mul3A_83, %dma_wait3A_192] : memref<50310x128xi32, #tpu.memory_space<hbm>> -> memref<8x128xi32, #tpu.memory_space<hbm>>
      %dma_wait3A_194 = arith.constant 0 : i32
      %dma_wait3A_195 = tpu.memref_slice %arg3[%mul3A_83, %dma_wait3A_194] : memref<50310x128xi32, #tpu.memory_space<hbm>> -> memref<8x128xi32, #tpu.memory_space<hbm>>
      tpu.wait_dma2 semaphore(%run_scoped3A : memref<!tpu.dma_semaphore, #tpu.memory_space<semaphore_mem>>) src(%dma_wait3A_195 : memref<8x128xi32, #tpu.memory_space<hbm>>) dst(%arg7 : memref<8x128xi32, #tpu.memory_space<vmem>>)
      tpu.yield
    }) : () -> ()
    "tpu.region"() ({
      %run_scoped3A = tpu.sem_alloc : memref<!tpu.dma_semaphore, #tpu.memory_space<semaphore_mem>>
      %dma_start3A_188 = arith.constant 0 : i32
      %dma_start3A_189 = tpu.memref_slice %arg4[%mul3A_83, %dma_start3A_188] : memref<50310x128xi32, #tpu.memory_space<hbm>> -> memref<8x128xi32, #tpu.memory_space<hbm>>
      %dma_start3A_190 = arith.constant 0 : i32
      %dma_start3A_191 = tpu.memref_slice %arg4[%mul3A_83, %dma_start3A_190] : memref<50310x128xi32, #tpu.memory_space<hbm>> -> memref<8x128xi32, #tpu.memory_space<hbm>>
      tpu.enqueue_dma source(%dma_start3A_191 : memref<8x128xi32, #tpu.memory_space<hbm>>) target(%arg8 : memref<8x128xi32, #tpu.memory_space<vmem>>) target_semaphore(%run_scoped3A : memref<!tpu.dma_semaphore, #tpu.memory_space<semaphore_mem>>)
      %dma_wait3A_192 = arith.constant 0 : i32
      %dma_wait3A_193 = tpu.memref_slice %arg4[%mul3A_83, %dma_wait3A_192] : memref<50310x128xi32, #tpu.memory_space<hbm>> -> memref<8x128xi32, #tpu.memory_space<hbm>>
      %dma_wait3A_194 = arith.constant 0 : i32
      %dma_wait3A_195 = tpu.memref_slice %arg4[%mul3A_83, %dma_wait3A_194] : memref<50310x128xi32, #tpu.memory_space<hbm>> -> memref<8x128xi32, #tpu.memory_space<hbm>>
      tpu.wait_dma2 semaphore(%run_scoped3A : memref<!tpu.dma_semaphore, #tpu.memory_space<semaphore_mem>>) src(%dma_wait3A_195 : memref<8x128xi32, #tpu.memory_space<hbm>>) dst(%arg8 : memref<8x128xi32, #tpu.memory_space<vmem>>)
      tpu.yield
    }) : () -> ()
    %dma_start3A_84 = arith.constant 0 : i32
    %dma_start3A_85 = arith.constant 0 : i32
    %dma_start3A_86 = arith.constant 0 : i32
    %dma_start3A_87 = tpu.memref_slice %arg11[%dma_start3A_85, %dma_start3A_86] : memref<1024x8xf32, #tpu.memory_space<vmem>> -> memref<128x8xf32, #tpu.memory_space<vmem>>
    %dma_start3A_88 = arith.constant 0 : i32
    %dma_start3A_89 = tpu.memref_slice %arg7[%dma_start3A_84, %dma_start3A_88] : memref<8x128xi32, #tpu.memory_space<vmem>> -> memref<1x128xi32, #tpu.memory_space<vmem>>
    %dma_start3A_90 = tpu.memref_squeeze %dma_start3A_89 : memref<1x128xi32, #tpu.memory_space<vmem>> -> memref<128xi32, #tpu.memory_space<vmem>>
    %dma_start3A_91 = arith.constant 0 : i32
    %dma_start3A_92 = arith.constant 0 : i32
    %dma_start3A_93 = tpu.memref_slice %arg2[%dma_start3A_91, %dma_start3A_92] : memref<100352x8xf32, #tpu.memory_space<hbm>> -> memref<100352x8xf32, #tpu.memory_space<hbm>>
    tpu.enqueue_indirect_dma source(%dma_start3A_93 : memref<100352x8xf32, #tpu.memory_space<hbm>>) target(%dma_start3A_87 : memref<128x8xf32, #tpu.memory_space<vmem>>) offsets(%dma_start3A_90 : memref<128xi32, #tpu.memory_space<vmem>>) semaphore(%arg14 : memref<!tpu.dma_semaphore, #tpu.memory_space<semaphore_mem>>)
    %dma_start3A_94 = arith.constant 1 : i32
    %dma_start3A_95 = arith.constant 128 : i32
    %dma_start3A_96 = arith.constant 0 : i32
    %dma_start3A_97 = tpu.memref_slice %arg11[%dma_start3A_95, %dma_start3A_96] : memref<1024x8xf32, #tpu.memory_space<vmem>> -> memref<128x8xf32, #tpu.memory_space<vmem>>
    %dma_start3A_98 = arith.constant 0 : i32
    %dma_start3A_99 = tpu.memref_slice %arg7[%dma_start3A_94, %dma_start3A_98] : memref<8x128xi32, #tpu.memory_space<vmem>> -> memref<1x128xi32, #tpu.memory_space<vmem>>
    %dma_start3A_100 = tpu.memref_squeeze %dma_start3A_99 : memref<1x128xi32, #tpu.memory_space<vmem>> -> memref<128xi32, #tpu.memory_space<vmem>>
    %dma_start3A_101 = arith.constant 0 : i32
    %dma_start3A_102 = arith.constant 0 : i32
    %dma_start3A_103 = tpu.memref_slice %arg2[%dma_start3A_101, %dma_start3A_102] : memref<100352x8xf32, #tpu.memory_space<hbm>> -> memref<100352x8xf32, #tpu.memory_space<hbm>>
    tpu.enqueue_indirect_dma source(%dma_start3A_103 : memref<100352x8xf32, #tpu.memory_space<hbm>>) target(%dma_start3A_97 : memref<128x8xf32, #tpu.memory_space<vmem>>) offsets(%dma_start3A_100 : memref<128xi32, #tpu.memory_space<vmem>>) semaphore(%arg14 : memref<!tpu.dma_semaphore, #tpu.memory_space<semaphore_mem>>)
    %dma_start3A_104 = arith.constant 2 : i32
    %dma_start3A_105 = arith.constant 256 : i32
    %dma_start3A_106 = arith.constant 0 : i32
    %dma_start3A_107 = tpu.memref_slice %arg11[%dma_start3A_105, %dma_start3A_106] : memref<1024x8xf32, #tpu.memory_space<vmem>> -> memref<128x8xf32, #tpu.memory_space<vmem>>
    %dma_start3A_108 = arith.constant 0 : i32
    %dma_start3A_109 = tpu.memref_slice %arg7[%dma_start3A_104, %dma_start3A_108] : memref<8x128xi32, #tpu.memory_space<vmem>> -> memref<1x128xi32, #tpu.memory_space<vmem>>
    %dma_start3A_110 = tpu.memref_squeeze %dma_start3A_109 : memref<1x128xi32, #tpu.memory_space<vmem>> -> memref<128xi32, #tpu.memory_space<vmem>>
    %dma_start3A_111 = arith.constant 0 : i32
    %dma_start3A_112 = arith.constant 0 : i32
    %dma_start3A_113 = tpu.memref_slice %arg2[%dma_start3A_111, %dma_start3A_112] : memref<100352x8xf32, #tpu.memory_space<hbm>> -> memref<100352x8xf32, #tpu.memory_space<hbm>>
    tpu.enqueue_indirect_dma source(%dma_start3A_113 : memref<100352x8xf32, #tpu.memory_space<hbm>>) target(%dma_start3A_107 : memref<128x8xf32, #tpu.memory_space<vmem>>) offsets(%dma_start3A_110 : memref<128xi32, #tpu.memory_space<vmem>>) semaphore(%arg14 : memref<!tpu.dma_semaphore, #tpu.memory_space<semaphore_mem>>)
    %dma_start3A_114 = arith.constant 3 : i32
    %dma_start3A_115 = arith.constant 384 : i32
    %dma_start3A_116 = arith.constant 0 : i32
    %dma_start3A_117 = tpu.memref_slice %arg11[%dma_start3A_115, %dma_start3A_116] : memref<1024x8xf32, #tpu.memory_space<vmem>> -> memref<128x8xf32, #tpu.memory_space<vmem>>
    %dma_start3A_118 = arith.constant 0 : i32
    %dma_start3A_119 = tpu.memref_slice %arg7[%dma_start3A_114, %dma_start3A_118] : memref<8x128xi32, #tpu.memory_space<vmem>> -> memref<1x128xi32, #tpu.memory_space<vmem>>
    %dma_start3A_120 = tpu.memref_squeeze %dma_start3A_119 : memref<1x128xi32, #tpu.memory_space<vmem>> -> memref<128xi32, #tpu.memory_space<vmem>>
    %dma_start3A_121 = arith.constant 0 : i32
    %dma_start3A_122 = arith.constant 0 : i32
    %dma_start3A_123 = tpu.memref_slice %arg2[%dma_start3A_121, %dma_start3A_122] : memref<100352x8xf32, #tpu.memory_space<hbm>> -> memref<100352x8xf32, #tpu.memory_space<hbm>>
    tpu.enqueue_indirect_dma source(%dma_start3A_123 : memref<100352x8xf32, #tpu.memory_space<hbm>>) target(%dma_start3A_117 : memref<128x8xf32, #tpu.memory_space<vmem>>) offsets(%dma_start3A_120 : memref<128xi32, #tpu.memory_space<vmem>>) semaphore(%arg14 : memref<!tpu.dma_semaphore, #tpu.memory_space<semaphore_mem>>)
    %dma_start3A_124 = arith.constant 4 : i32
    %dma_start3A_125 = arith.constant 512 : i32
    %dma_start3A_126 = arith.constant 0 : i32
    %dma_start3A_127 = tpu.memref_slice %arg11[%dma_start3A_125, %dma_start3A_126] : memref<1024x8xf32, #tpu.memory_space<vmem>> -> memref<128x8xf32, #tpu.memory_space<vmem>>
    %dma_start3A_128 = arith.constant 0 : i32
    %dma_start3A_129 = tpu.memref_slice %arg7[%dma_start3A_124, %dma_start3A_128] : memref<8x128xi32, #tpu.memory_space<vmem>> -> memref<1x128xi32, #tpu.memory_space<vmem>>
    %dma_start3A_130 = tpu.memref_squeeze %dma_start3A_129 : memref<1x128xi32, #tpu.memory_space<vmem>> -> memref<128xi32, #tpu.memory_space<vmem>>
    %dma_start3A_131 = arith.constant 0 : i32
    %dma_start3A_132 = arith.constant 0 : i32
    %dma_start3A_133 = tpu.memref_slice %arg2[%dma_start3A_131, %dma_start3A_132] : memref<100352x8xf32, #tpu.memory_space<hbm>> -> memref<100352x8xf32, #tpu.memory_space<hbm>>
    tpu.enqueue_indirect_dma source(%dma_start3A_133 : memref<100352x8xf32, #tpu.memory_space<hbm>>) target(%dma_start3A_127 : memref<128x8xf32, #tpu.memory_space<vmem>>) offsets(%dma_start3A_130 : memref<128xi32, #tpu.memory_space<vmem>>) semaphore(%arg14 : memref<!tpu.dma_semaphore, #tpu.memory_space<semaphore_mem>>)
    %dma_start3A_134 = arith.constant 5 : i32
    %dma_start3A_135 = arith.constant 640 : i32
    %dma_start3A_136 = arith.constant 0 : i32
    %dma_start3A_137 = tpu.memref_slice %arg11[%dma_start3A_135, %dma_start3A_136] : memref<1024x8xf32, #tpu.memory_space<vmem>> -> memref<128x8xf32, #tpu.memory_space<vmem>>
    %dma_start3A_138 = arith.constant 0 : i32
    %dma_start3A_139 = tpu.memref_slice %arg7[%dma_start3A_134, %dma_start3A_138] : memref<8x128xi32, #tpu.memory_space<vmem>> -> memref<1x128xi32, #tpu.memory_space<vmem>>
    %dma_start3A_140 = tpu.memref_squeeze %dma_start3A_139 : memref<1x128xi32, #tpu.memory_space<vmem>> -> memref<128xi32, #tpu.memory_space<vmem>>
    %dma_start3A_141 = arith.constant 0 : i32
    %dma_start3A_142 = arith.constant 0 : i32
    %dma_start3A_143 = tpu.memref_slice %arg2[%dma_start3A_141, %dma_start3A_142] : memref<100352x8xf32, #tpu.memory_space<hbm>> -> memref<100352x8xf32, #tpu.memory_space<hbm>>
    tpu.enqueue_indirect_dma source(%dma_start3A_143 : memref<100352x8xf32, #tpu.memory_space<hbm>>) target(%dma_start3A_137 : memref<128x8xf32, #tpu.memory_space<vmem>>) offsets(%dma_start3A_140 : memref<128xi32, #tpu.memory_space<vmem>>) semaphore(%arg14 : memref<!tpu.dma_semaphore, #tpu.memory_space<semaphore_mem>>)
    %dma_start3A_144 = arith.constant 6 : i32
    %dma_start3A_145 = arith.constant 768 : i32
    %dma_start3A_146 = arith.constant 0 : i32
    %dma_start3A_147 = tpu.memref_slice %arg11[%dma_start3A_145, %dma_start3A_146] : memref<1024x8xf32, #tpu.memory_space<vmem>> -> memref<128x8xf32, #tpu.memory_space<vmem>>
    %dma_start3A_148 = arith.constant 0 : i32
    %dma_start3A_149 = tpu.memref_slice %arg7[%dma_start3A_144, %dma_start3A_148] : memref<8x128xi32, #tpu.memory_space<vmem>> -> memref<1x128xi32, #tpu.memory_space<vmem>>
    %dma_start3A_150 = tpu.memref_squeeze %dma_start3A_149 : memref<1x128xi32, #tpu.memory_space<vmem>> -> memref<128xi32, #tpu.memory_space<vmem>>
    %dma_start3A_151 = arith.constant 0 : i32
    %dma_start3A_152 = arith.constant 0 : i32
    %dma_start3A_153 = tpu.memref_slice %arg2[%dma_start3A_151, %dma_start3A_152] : memref<100352x8xf32, #tpu.memory_space<hbm>> -> memref<100352x8xf32, #tpu.memory_space<hbm>>
    tpu.enqueue_indirect_dma source(%dma_start3A_153 : memref<100352x8xf32, #tpu.memory_space<hbm>>) target(%dma_start3A_147 : memref<128x8xf32, #tpu.memory_space<vmem>>) offsets(%dma_start3A_150 : memref<128xi32, #tpu.memory_space<vmem>>) semaphore(%arg14 : memref<!tpu.dma_semaphore, #tpu.memory_space<semaphore_mem>>)
    %dma_start3A_154 = arith.constant 7 : i32
    %dma_start3A_155 = arith.constant 896 : i32
    %dma_start3A_156 = arith.constant 0 : i32
    %dma_start3A_157 = tpu.memref_slice %arg11[%dma_start3A_155, %dma_start3A_156] : memref<1024x8xf32, #tpu.memory_space<vmem>> -> memref<128x8xf32, #tpu.memory_space<vmem>>
    %dma_start3A_158 = arith.constant 0 : i32
    %dma_start3A_159 = tpu.memref_slice %arg7[%dma_start3A_154, %dma_start3A_158] : memref<8x128xi32, #tpu.memory_space<vmem>> -> memref<1x128xi32, #tpu.memory_space<vmem>>
    %dma_start3A_160 = tpu.memref_squeeze %dma_start3A_159 : memref<1x128xi32, #tpu.memory_space<vmem>> -> memref<128xi32, #tpu.memory_space<vmem>>
    %dma_start3A_161 = arith.constant 0 : i32
    %dma_start3A_162 = arith.constant 0 : i32
    %dma_start3A_163 = tpu.memref_slice %arg2[%dma_start3A_161, %dma_start3A_162] : memref<100352x8xf32, #tpu.memory_space<hbm>> -> memref<100352x8xf32, #tpu.memory_space<hbm>>
    tpu.enqueue_indirect_dma source(%dma_start3A_163 : memref<100352x8xf32, #tpu.memory_space<hbm>>) target(%dma_start3A_157 : memref<128x8xf32, #tpu.memory_space<vmem>>) offsets(%dma_start3A_160 : memref<128xi32, #tpu.memory_space<vmem>>) semaphore(%arg14 : memref<!tpu.dma_semaphore, #tpu.memory_space<semaphore_mem>>)
    %scan3A = arith.constant 0 : i32
    %scan3A_164 = arith.constant 0 : i32
    %scan3A_165 = arith.constant 98 : i32
    %scan3A_166 = arith.addi %scan3A_164, %scan3A_165 : i32
    %scan3A_167 = arith.constant 1 : i32
    scf.for %scan3A_188 = %scan3A_164 to %scan3A_166 step %scan3A_167  : i32 {
      %mul3A_189 = arith.constant 1568 : i32
      %mul3A_190 = arith.muli %add3A, %mul3A_189 : i32
      %mul3A_191 = arith.constant 2 : i32
      %mul3A_192 = arith.muli %mul3A_191, %scan3A_188 : i32
      %add3A_193 = arith.constant 1 : i32
      %add3A_194 = arith.addi %mul3A_192, %add3A_193 : i32
      %mul3A_195 = arith.constant 8 : i32
      %mul3A_196 = arith.muli %add3A_194, %mul3A_195 : i32
      %add3A_197 = arith.addi %mul3A_190, %mul3A_196 : i32
      %mul3A_198 = arith.constant 1568 : i32
      %mul3A_199 = arith.muli %add3A, %mul3A_198 : i32
      %mul3A_200 = arith.constant 2 : i32
      %mul3A_201 = arith.muli %mul3A_200, %scan3A_188 : i32
      %add3A_202 = arith.constant 2 : i32
      %add3A_203 = arith.addi %mul3A_201, %add3A_202 : i32
      %mul3A_204 = arith.constant 8 : i32
      %mul3A_205 = arith.muli %add3A_203, %mul3A_204 : i32
      %add3A_206 = arith.addi %mul3A_199, %mul3A_205 : i32
      %dma_wait3A_207 = arith.constant 0 : i32
      %dma_wait3A_208 = arith.constant 0 : i32
      %dma_wait3A_209 = tpu.memref_slice %arg2[%dma_wait3A_207, %dma_wait3A_208] : memref<100352x8xf32, #tpu.memory_space<hbm>> -> memref<1024x8xf32, #tpu.memory_space<hbm>>
      %dma_wait3A_210 = arith.constant 0 : i32
      %dma_wait3A_211 = arith.constant 0 : i32
      %dma_wait3A_212 = tpu.memref_slice %arg2[%dma_wait3A_210, %dma_wait3A_211] : memref<100352x8xf32, #tpu.memory_space<hbm>> -> memref<1024x8xf32, #tpu.memory_space<hbm>>
      tpu.wait_dma2 semaphore(%arg14 : memref<!tpu.dma_semaphore, #tpu.memory_space<semaphore_mem>>) src(%dma_wait3A_212 : memref<1024x8xf32, #tpu.memory_space<hbm>>) dst(%arg11 : memref<1024x8xf32, #tpu.memory_space<vmem>>)
      %dma_start3A_213 = arith.constant 0 : i32
      %dma_start3A_214 = arith.constant 0 : i32
      %dma_start3A_215 = arith.constant 0 : i32
      %dma_start3A_216 = tpu.memref_slice %arg11[%dma_start3A_214, %dma_start3A_215] : memref<1024x8xf32, #tpu.memory_space<vmem>> -> memref<128x8xf32, #tpu.memory_space<vmem>>
      %dma_start3A_217 = arith.constant 0 : i32
      %dma_start3A_218 = tpu.memref_slice %arg8[%dma_start3A_213, %dma_start3A_217] : memref<8x128xi32, #tpu.memory_space<vmem>> -> memref<1x128xi32, #tpu.memory_space<vmem>>
      %dma_start3A_219 = tpu.memref_squeeze %dma_start3A_218 : memref<1x128xi32, #tpu.memory_space<vmem>> -> memref<128xi32, #tpu.memory_space<vmem>>
      %dma_start3A_220 = arith.constant 0 : i32
      %dma_start3A_221 = arith.constant 0 : i32
      %dma_start3A_222 = tpu.memref_slice %arg13[%dma_start3A_220, %dma_start3A_221] : memref<100352x8xf32, #tpu.memory_space<vmem_shared>> -> memref<100352x8xf32, #tpu.memory_space<vmem_shared>>
      tpu.enqueue_indirect_dma source(%dma_start3A_216 : memref<128x8xf32, #tpu.memory_space<vmem>>) target(%dma_start3A_222 : memref<100352x8xf32, #tpu.memory_space<vmem_shared>>) offsets(%dma_start3A_219 : memref<128xi32, #tpu.memory_space<vmem>>) semaphore(%arg16 : memref<!tpu.dma_semaphore, #tpu.memory_space<semaphore_mem>>) {add = true}
      %dma_start3A_223 = arith.constant 1 : i32
      %dma_start3A_224 = arith.constant 128 : i32
      %dma_start3A_225 = arith.constant 0 : i32
      %dma_start3A_226 = tpu.memref_slice %arg11[%dma_start3A_224, %dma_start3A_225] : memref<1024x8xf32, #tpu.memory_space<vmem>> -> memref<128x8xf32, #tpu.memory_space<vmem>>
      %dma_start3A_227 = arith.constant 0 : i32
      %dma_start3A_228 = tpu.memref_slice %arg8[%dma_start3A_223, %dma_start3A_227] : memref<8x128xi32, #tpu.memory_space<vmem>> -> memref<1x128xi32, #tpu.memory_space<vmem>>
      %dma_start3A_229 = tpu.memref_squeeze %dma_start3A_228 : memref<1x128xi32, #tpu.memory_space<vmem>> -> memref<128xi32, #tpu.memory_space<vmem>>
      %dma_start3A_230 = arith.constant 0 : i32
      %dma_start3A_231 = arith.constant 0 : i32
      %dma_start3A_232 = tpu.memref_slice %arg13[%dma_start3A_230, %dma_start3A_231] : memref<100352x8xf32, #tpu.memory_space<vmem_shared>> -> memref<100352x8xf32, #tpu.memory_space<vmem_shared>>
      tpu.enqueue_indirect_dma source(%dma_start3A_226 : memref<128x8xf32, #tpu.memory_space<vmem>>) target(%dma_start3A_232 : memref<100352x8xf32, #tpu.memory_space<vmem_shared>>) offsets(%dma_start3A_229 : memref<128xi32, #tpu.memory_space<vmem>>) semaphore(%arg16 : memref<!tpu.dma_semaphore, #tpu.memory_space<semaphore_mem>>) {add = true}
      %dma_start3A_233 = arith.constant 2 : i32
      %dma_start3A_234 = arith.constant 256 : i32
      %dma_start3A_235 = arith.constant 0 : i32
      %dma_start3A_236 = tpu.memref_slice %arg11[%dma_start3A_234, %dma_start3A_235] : memref<1024x8xf32, #tpu.memory_space<vmem>> -> memref<128x8xf32, #tpu.memory_space<vmem>>
      %dma_start3A_237 = arith.constant 0 : i32
      %dma_start3A_238 = tpu.memref_slice %arg8[%dma_start3A_233, %dma_start3A_237] : memref<8x128xi32, #tpu.memory_space<vmem>> -> memref<1x128xi32, #tpu.memory_space<vmem>>
      %dma_start3A_239 = tpu.memref_squeeze %dma_start3A_238 : memref<1x128xi32, #tpu.memory_space<vmem>> -> memref<128xi32, #tpu.memory_space<vmem>>
      %dma_start3A_240 = arith.constant 0 : i32
      %dma_start3A_241 = arith.constant 0 : i32
      %dma_start3A_242 = tpu.memref_slice %arg13[%dma_start3A_240, %dma_start3A_241] : memref<100352x8xf32, #tpu.memory_space<vmem_shared>> -> memref<100352x8xf32, #tpu.memory_space<vmem_shared>>
      tpu.enqueue_indirect_dma source(%dma_start3A_236 : memref<128x8xf32, #tpu.memory_space<vmem>>) target(%dma_start3A_242 : memref<100352x8xf32, #tpu.memory_space<vmem_shared>>) offsets(%dma_start3A_239 : memref<128xi32, #tpu.memory_space<vmem>>) semaphore(%arg16 : memref<!tpu.dma_semaphore, #tpu.memory_space<semaphore_mem>>) {add = true}
      %dma_start3A_243 = arith.constant 3 : i32
      %dma_start3A_244 = arith.constant 384 : i32
      %dma_start3A_245 = arith.constant 0 : i32
      %dma_start3A_246 = tpu.memref_slice %arg11[%dma_start3A_244, %dma_start3A_245] : memref<1024x8xf32, #tpu.memory_space<vmem>> -> memref<128x8xf32, #tpu.memory_space<vmem>>
      %dma_start3A_247 = arith.constant 0 : i32
      %dma_start3A_248 = tpu.memref_slice %arg8[%dma_start3A_243, %dma_start3A_247] : memref<8x128xi32, #tpu.memory_space<vmem>> -> memref<1x128xi32, #tpu.memory_space<vmem>>
      %dma_start3A_249 = tpu.memref_squeeze %dma_start3A_248 : memref<1x128xi32, #tpu.memory_space<vmem>> -> memref<128xi32, #tpu.memory_space<vmem>>
      %dma_start3A_250 = arith.constant 0 : i32
      %dma_start3A_251 = arith.constant 0 : i32
      %dma_start3A_252 = tpu.memref_slice %arg13[%dma_start3A_250, %dma_start3A_251] : memref<100352x8xf32, #tpu.memory_space<vmem_shared>> -> memref<100352x8xf32, #tpu.memory_space<vmem_shared>>
      tpu.enqueue_indirect_dma source(%dma_start3A_246 : memref<128x8xf32, #tpu.memory_space<vmem>>) target(%dma_start3A_252 : memref<100352x8xf32, #tpu.memory_space<vmem_shared>>) offsets(%dma_start3A_249 : memref<128xi32, #tpu.memory_space<vmem>>) semaphore(%arg16 : memref<!tpu.dma_semaphore, #tpu.memory_space<semaphore_mem>>) {add = true}
      %dma_start3A_253 = arith.constant 4 : i32
      %dma_start3A_254 = arith.constant 512 : i32
      %dma_start3A_255 = arith.constant 0 : i32
      %dma_start3A_256 = tpu.memref_slice %arg11[%dma_start3A_254, %dma_start3A_255] : memref<1024x8xf32, #tpu.memory_space<vmem>> -> memref<128x8xf32, #tpu.memory_space<vmem>>
      %dma_start3A_257 = arith.constant 0 : i32
      %dma_start3A_258 = tpu.memref_slice %arg8[%dma_start3A_253, %dma_start3A_257] : memref<8x128xi32, #tpu.memory_space<vmem>> -> memref<1x128xi32, #tpu.memory_space<vmem>>
      %dma_start3A_259 = tpu.memref_squeeze %dma_start3A_258 : memref<1x128xi32, #tpu.memory_space<vmem>> -> memref<128xi32, #tpu.memory_space<vmem>>
      %dma_start3A_260 = arith.constant 0 : i32
      %dma_start3A_261 = arith.constant 0 : i32
      %dma_start3A_262 = tpu.memref_slice %arg13[%dma_start3A_260, %dma_start3A_261] : memref<100352x8xf32, #tpu.memory_space<vmem_shared>> -> memref<100352x8xf32, #tpu.memory_space<vmem_shared>>
      tpu.enqueue_indirect_dma source(%dma_start3A_256 : memref<128x8xf32, #tpu.memory_space<vmem>>) target(%dma_start3A_262 : memref<100352x8xf32, #tpu.memory_space<vmem_shared>>) offsets(%dma_start3A_259 : memref<128xi32, #tpu.memory_space<vmem>>) semaphore(%arg16 : memref<!tpu.dma_semaphore, #tpu.memory_space<semaphore_mem>>) {add = true}
      %dma_start3A_263 = arith.constant 5 : i32
      %dma_start3A_264 = arith.constant 640 : i32
      %dma_start3A_265 = arith.constant 0 : i32
      %dma_start3A_266 = tpu.memref_slice %arg11[%dma_start3A_264, %dma_start3A_265] : memref<1024x8xf32, #tpu.memory_space<vmem>> -> memref<128x8xf32, #tpu.memory_space<vmem>>
      %dma_start3A_267 = arith.constant 0 : i32
      %dma_start3A_268 = tpu.memref_slice %arg8[%dma_start3A_263, %dma_start3A_267] : memref<8x128xi32, #tpu.memory_space<vmem>> -> memref<1x128xi32, #tpu.memory_space<vmem>>
      %dma_start3A_269 = tpu.memref_squeeze %dma_start3A_268 : memref<1x128xi32, #tpu.memory_space<vmem>> -> memref<128xi32, #tpu.memory_space<vmem>>
      %dma_start3A_270 = arith.constant 0 : i32
      %dma_start3A_271 = arith.constant 0 : i32
      %dma_start3A_272 = tpu.memref_slice %arg13[%dma_start3A_270, %dma_start3A_271] : memref<100352x8xf32, #tpu.memory_space<vmem_shared>> -> memref<100352x8xf32, #tpu.memory_space<vmem_shared>>
      tpu.enqueue_indirect_dma source(%dma_start3A_266 : memref<128x8xf32, #tpu.memory_space<vmem>>) target(%dma_start3A_272 : memref<100352x8xf32, #tpu.memory_space<vmem_shared>>) offsets(%dma_start3A_269 : memref<128xi32, #tpu.memory_space<vmem>>) semaphore(%arg16 : memref<!tpu.dma_semaphore, #tpu.memory_space<semaphore_mem>>) {add = true}
      %dma_start3A_273 = arith.constant 6 : i32
      %dma_start3A_274 = arith.constant 768 : i32
      %dma_start3A_275 = arith.constant 0 : i32
      %dma_start3A_276 = tpu.memref_slice %arg11[%dma_start3A_274, %dma_start3A_275] : memref<1024x8xf32, #tpu.memory_space<vmem>> -> memref<128x8xf32, #tpu.memory_space<vmem>>
      %dma_start3A_277 = arith.constant 0 : i32
      %dma_start3A_278 = tpu.memref_slice %arg8[%dma_start3A_273, %dma_start3A_277] : memref<8x128xi32, #tpu.memory_space<vmem>> -> memref<1x128xi32, #tpu.memory_space<vmem>>
      %dma_start3A_279 = tpu.memref_squeeze %dma_start3A_278 : memref<1x128xi32, #tpu.memory_space<vmem>> -> memref<128xi32, #tpu.memory_space<vmem>>
      %dma_start3A_280 = arith.constant 0 : i32
      %dma_start3A_281 = arith.constant 0 : i32
      %dma_start3A_282 = tpu.memref_slice %arg13[%dma_start3A_280, %dma_start3A_281] : memref<100352x8xf32, #tpu.memory_space<vmem_shared>> -> memref<100352x8xf32, #tpu.memory_space<vmem_shared>>
      tpu.enqueue_indirect_dma source(%dma_start3A_276 : memref<128x8xf32, #tpu.memory_space<vmem>>) target(%dma_start3A_282 : memref<100352x8xf32, #tpu.memory_space<vmem_shared>>) offsets(%dma_start3A_279 : memref<128xi32, #tpu.memory_space<vmem>>) semaphore(%arg16 : memref<!tpu.dma_semaphore, #tpu.memory_space<semaphore_mem>>) {add = true}
      %dma_start3A_283 = arith.constant 7 : i32
      %dma_start3A_284 = arith.constant 896 : i32
      %dma_start3A_285 = arith.constant 0 : i32
      %dma_start3A_286 = tpu.memref_slice %arg11[%dma_start3A_284, %dma_start3A_285] : memref<1024x8xf32, #tpu.memory_space<vmem>> -> memref<128x8xf32, #tpu.memory_space<vmem>>
      %dma_start3A_287 = arith.constant 0 : i32
      %dma_start3A_288 = tpu.memref_slice %arg8[%dma_start3A_283, %dma_start3A_287] : memref<8x128xi32, #tpu.memory_space<vmem>> -> memref<1x128xi32, #tpu.memory_space<vmem>>
      %dma_start3A_289 = tpu.memref_squeeze %dma_start3A_288 : memref<1x128xi32, #tpu.memory_space<vmem>> -> memref<128xi32, #tpu.memory_space<vmem>>
      %dma_start3A_290 = arith.constant 0 : i32
      %dma_start3A_291 = arith.constant 0 : i32
      %dma_start3A_292 = tpu.memref_slice %arg13[%dma_start3A_290, %dma_start3A_291] : memref<100352x8xf32, #tpu.memory_space<vmem_shared>> -> memref<100352x8xf32, #tpu.memory_space<vmem_shared>>
      tpu.enqueue_indirect_dma source(%dma_start3A_286 : memref<128x8xf32, #tpu.memory_space<vmem>>) target(%dma_start3A_292 : memref<100352x8xf32, #tpu.memory_space<vmem_shared>>) offsets(%dma_start3A_289 : memref<128xi32, #tpu.memory_space<vmem>>) semaphore(%arg16 : memref<!tpu.dma_semaphore, #tpu.memory_space<semaphore_mem>>) {add = true}
      %dma_wait3A_293 = arith.constant 0 : i32
      %dma_wait3A_294 = arith.constant 0 : i32
      %dma_wait3A_295 = tpu.memref_slice %arg2[%dma_wait3A_293, %dma_wait3A_294] : memref<100352x8xf32, #tpu.memory_space<hbm>> -> memref<1024x8xf32, #tpu.memory_space<hbm>>
      %dma_wait3A_296 = arith.constant 0 : i32
      %dma_wait3A_297 = arith.constant 0 : i32
      %dma_wait3A_298 = tpu.memref_slice %arg2[%dma_wait3A_296, %dma_wait3A_297] : memref<100352x8xf32, #tpu.memory_space<hbm>> -> memref<1024x8xf32, #tpu.memory_space<hbm>>
      tpu.wait_dma2 semaphore(%arg17 : memref<!tpu.dma_semaphore, #tpu.memory_space<semaphore_mem>>) src(%dma_wait3A_298 : memref<1024x8xf32, #tpu.memory_space<hbm>>) dst(%arg12 : memref<1024x8xf32, #tpu.memory_space<vmem>>)
      "tpu.region"() ({
        %run_scoped3A = tpu.sem_alloc : memref<!tpu.dma_semaphore, #tpu.memory_space<semaphore_mem>>
        %dma_start3A_625 = arith.constant 0 : i32
        %dma_start3A_626 = tpu.memref_slice %arg3[%add3A_197, %dma_start3A_625] : memref<50310x128xi32, #tpu.memory_space<hbm>> -> memref<8x128xi32, #tpu.memory_space<hbm>>
        %dma_start3A_627 = arith.constant 0 : i32
        %dma_start3A_628 = tpu.memref_slice %arg3[%add3A_197, %dma_start3A_627] : memref<50310x128xi32, #tpu.memory_space<hbm>> -> memref<8x128xi32, #tpu.memory_space<hbm>>
        tpu.enqueue_dma source(%dma_start3A_628 : memref<8x128xi32, #tpu.memory_space<hbm>>) target(%arg9 : memref<8x128xi32, #tpu.memory_space<vmem>>) target_semaphore(%run_scoped3A : memref<!tpu.dma_semaphore, #tpu.memory_space<semaphore_mem>>)
        %dma_wait3A_629 = arith.constant 0 : i32
        %dma_wait3A_630 = tpu.memref_slice %arg3[%add3A_197, %dma_wait3A_629] : memref<50310x128xi32, #tpu.memory_space<hbm>> -> memref<8x128xi32, #tpu.memory_space<hbm>>
        %dma_wait3A_631 = arith.constant 0 : i32
        %dma_wait3A_632 = tpu.memref_slice %arg3[%add3A_197, %dma_wait3A_631] : memref<50310x128xi32, #tpu.memory_space<hbm>> -> memref<8x128xi32, #tpu.memory_space<hbm>>
        tpu.wait_dma2 semaphore(%run_scoped3A : memref<!tpu.dma_semaphore, #tpu.memory_space<semaphore_mem>>) src(%dma_wait3A_632 : memref<8x128xi32, #tpu.memory_space<hbm>>) dst(%arg9 : memref<8x128xi32, #tpu.memory_space<vmem>>)
        tpu.yield
      }) : () -> ()
      "tpu.region"() ({
        %run_scoped3A = tpu.sem_alloc : memref<!tpu.dma_semaphore, #tpu.memory_space<semaphore_mem>>
        %dma_start3A_625 = arith.constant 0 : i32
        %dma_start3A_626 = tpu.memref_slice %arg4[%add3A_197, %dma_start3A_625] : memref<50310x128xi32, #tpu.memory_space<hbm>> -> memref<8x128xi32, #tpu.memory_space<hbm>>
        %dma_start3A_627 = arith.constant 0 : i32
        %dma_start3A_628 = tpu.memref_slice %arg4[%add3A_197, %dma_start3A_627] : memref<50310x128xi32, #tpu.memory_space<hbm>> -> memref<8x128xi32, #tpu.memory_space<hbm>>
        tpu.enqueue_dma source(%dma_start3A_628 : memref<8x128xi32, #tpu.memory_space<hbm>>) target(%arg10 : memref<8x128xi32, #tpu.memory_space<vmem>>) target_semaphore(%run_scoped3A : memref<!tpu.dma_semaphore, #tpu.memory_space<semaphore_mem>>)
        %dma_wait3A_629 = arith.constant 0 : i32
        %dma_wait3A_630 = tpu.memref_slice %arg4[%add3A_197, %dma_wait3A_629] : memref<50310x128xi32, #tpu.memory_space<hbm>> -> memref<8x128xi32, #tpu.memory_space<hbm>>
        %dma_wait3A_631 = arith.constant 0 : i32
        %dma_wait3A_632 = tpu.memref_slice %arg4[%add3A_197, %dma_wait3A_631] : memref<50310x128xi32, #tpu.memory_space<hbm>> -> memref<8x128xi32, #tpu.memory_space<hbm>>
        tpu.wait_dma2 semaphore(%run_scoped3A : memref<!tpu.dma_semaphore, #tpu.memory_space<semaphore_mem>>) src(%dma_wait3A_632 : memref<8x128xi32, #tpu.memory_space<hbm>>) dst(%arg10 : memref<8x128xi32, #tpu.memory_space<vmem>>)
        tpu.yield
      }) : () -> ()
      %dma_start3A_299 = arith.constant 0 : i32
      %dma_start3A_300 = arith.constant 0 : i32
      %dma_start3A_301 = arith.constant 0 : i32
      %dma_start3A_302 = tpu.memref_slice %arg12[%dma_start3A_300, %dma_start3A_301] : memref<1024x8xf32, #tpu.memory_space<vmem>> -> memref<128x8xf32, #tpu.memory_space<vmem>>
      %dma_start3A_303 = arith.constant 0 : i32
      %dma_start3A_304 = tpu.memref_slice %arg9[%dma_start3A_299, %dma_start3A_303] : memref<8x128xi32, #tpu.memory_space<vmem>> -> memref<1x128xi32, #tpu.memory_space<vmem>>
      %dma_start3A_305 = tpu.memref_squeeze %dma_start3A_304 : memref<1x128xi32, #tpu.memory_space<vmem>> -> memref<128xi32, #tpu.memory_space<vmem>>
      %dma_start3A_306 = arith.constant 0 : i32
      %dma_start3A_307 = arith.constant 0 : i32
      %dma_start3A_308 = tpu.memref_slice %arg2[%dma_start3A_306, %dma_start3A_307] : memref<100352x8xf32, #tpu.memory_space<hbm>> -> memref<100352x8xf32, #tpu.memory_space<hbm>>
      tpu.enqueue_indirect_dma source(%dma_start3A_308 : memref<100352x8xf32, #tpu.memory_space<hbm>>) target(%dma_start3A_302 : memref<128x8xf32, #tpu.memory_space<vmem>>) offsets(%dma_start3A_305 : memref<128xi32, #tpu.memory_space<vmem>>) semaphore(%arg15 : memref<!tpu.dma_semaphore, #tpu.memory_space<semaphore_mem>>)
      %dma_start3A_309 = arith.constant 1 : i32
      %dma_start3A_310 = arith.constant 128 : i32
      %dma_start3A_311 = arith.constant 0 : i32
      %dma_start3A_312 = tpu.memref_slice %arg12[%dma_start3A_310, %dma_start3A_311] : memref<1024x8xf32, #tpu.memory_space<vmem>> -> memref<128x8xf32, #tpu.memory_space<vmem>>
      %dma_start3A_313 = arith.constant 0 : i32
      %dma_start3A_314 = tpu.memref_slice %arg9[%dma_start3A_309, %dma_start3A_313] : memref<8x128xi32, #tpu.memory_space<vmem>> -> memref<1x128xi32, #tpu.memory_space<vmem>>
      %dma_start3A_315 = tpu.memref_squeeze %dma_start3A_314 : memref<1x128xi32, #tpu.memory_space<vmem>> -> memref<128xi32, #tpu.memory_space<vmem>>
      %dma_start3A_316 = arith.constant 0 : i32
      %dma_start3A_317 = arith.constant 0 : i32
      %dma_start3A_318 = tpu.memref_slice %arg2[%dma_start3A_316, %dma_start3A_317] : memref<100352x8xf32, #tpu.memory_space<hbm>> -> memref<100352x8xf32, #tpu.memory_space<hbm>>
      tpu.enqueue_indirect_dma source(%dma_start3A_318 : memref<100352x8xf32, #tpu.memory_space<hbm>>) target(%dma_start3A_312 : memref<128x8xf32, #tpu.memory_space<vmem>>) offsets(%dma_start3A_315 : memref<128xi32, #tpu.memory_space<vmem>>) semaphore(%arg15 : memref<!tpu.dma_semaphore, #tpu.memory_space<semaphore_mem>>)
      %dma_start3A_319 = arith.constant 2 : i32
      %dma_start3A_320 = arith.constant 256 : i32
      %dma_start3A_321 = arith.constant 0 : i32
      %dma_start3A_322 = tpu.memref_slice %arg12[%dma_start3A_320, %dma_start3A_321] : memref<1024x8xf32, #tpu.memory_space<vmem>> -> memref<128x8xf32, #tpu.memory_space<vmem>>
      %dma_start3A_323 = arith.constant 0 : i32
      %dma_start3A_324 = tpu.memref_slice %arg9[%dma_start3A_319, %dma_start3A_323] : memref<8x128xi32, #tpu.memory_space<vmem>> -> memref<1x128xi32, #tpu.memory_space<vmem>>
      %dma_start3A_325 = tpu.memref_squeeze %dma_start3A_324 : memref<1x128xi32, #tpu.memory_space<vmem>> -> memref<128xi32, #tpu.memory_space<vmem>>
      %dma_start3A_326 = arith.constant 0 : i32
      %dma_start3A_327 = arith.constant 0 : i32
      %dma_start3A_328 = tpu.memref_slice %arg2[%dma_start3A_326, %dma_start3A_327] : memref<100352x8xf32, #tpu.memory_space<hbm>> -> memref<100352x8xf32, #tpu.memory_space<hbm>>
      tpu.enqueue_indirect_dma source(%dma_start3A_328 : memref<100352x8xf32, #tpu.memory_space<hbm>>) target(%dma_start3A_322 : memref<128x8xf32, #tpu.memory_space<vmem>>) offsets(%dma_start3A_325 : memref<128xi32, #tpu.memory_space<vmem>>) semaphore(%arg15 : memref<!tpu.dma_semaphore, #tpu.memory_space<semaphore_mem>>)
      %dma_start3A_329 = arith.constant 3 : i32
      %dma_start3A_330 = arith.constant 384 : i32
      %dma_start3A_331 = arith.constant 0 : i32
      %dma_start3A_332 = tpu.memref_slice %arg12[%dma_start3A_330, %dma_start3A_331] : memref<1024x8xf32, #tpu.memory_space<vmem>> -> memref<128x8xf32, #tpu.memory_space<vmem>>
      %dma_start3A_333 = arith.constant 0 : i32
      %dma_start3A_334 = tpu.memref_slice %arg9[%dma_start3A_329, %dma_start3A_333] : memref<8x128xi32, #tpu.memory_space<vmem>> -> memref<1x128xi32, #tpu.memory_space<vmem>>
      %dma_start3A_335 = tpu.memref_squeeze %dma_start3A_334 : memref<1x128xi32, #tpu.memory_space<vmem>> -> memref<128xi32, #tpu.memory_space<vmem>>
      %dma_start3A_336 = arith.constant 0 : i32
      %dma_start3A_337 = arith.constant 0 : i32
      %dma_start3A_338 = tpu.memref_slice %arg2[%dma_start3A_336, %dma_start3A_337] : memref<100352x8xf32, #tpu.memory_space<hbm>> -> memref<100352x8xf32, #tpu.memory_space<hbm>>
      tpu.enqueue_indirect_dma source(%dma_start3A_338 : memref<100352x8xf32, #tpu.memory_space<hbm>>) target(%dma_start3A_332 : memref<128x8xf32, #tpu.memory_space<vmem>>) offsets(%dma_start3A_335 : memref<128xi32, #tpu.memory_space<vmem>>) semaphore(%arg15 : memref<!tpu.dma_semaphore, #tpu.memory_space<semaphore_mem>>)
      %dma_start3A_339 = arith.constant 4 : i32
      %dma_start3A_340 = arith.constant 512 : i32
      %dma_start3A_341 = arith.constant 0 : i32
      %dma_start3A_342 = tpu.memref_slice %arg12[%dma_start3A_340, %dma_start3A_341] : memref<1024x8xf32, #tpu.memory_space<vmem>> -> memref<128x8xf32, #tpu.memory_space<vmem>>
      %dma_start3A_343 = arith.constant 0 : i32
      %dma_start3A_344 = tpu.memref_slice %arg9[%dma_start3A_339, %dma_start3A_343] : memref<8x128xi32, #tpu.memory_space<vmem>> -> memref<1x128xi32, #tpu.memory_space<vmem>>
      %dma_start3A_345 = tpu.memref_squeeze %dma_start3A_344 : memref<1x128xi32, #tpu.memory_space<vmem>> -> memref<128xi32, #tpu.memory_space<vmem>>
      %dma_start3A_346 = arith.constant 0 : i32
      %dma_start3A_347 = arith.constant 0 : i32
      %dma_start3A_348 = tpu.memref_slice %arg2[%dma_start3A_346, %dma_start3A_347] : memref<100352x8xf32, #tpu.memory_space<hbm>> -> memref<100352x8xf32, #tpu.memory_space<hbm>>
      tpu.enqueue_indirect_dma source(%dma_start3A_348 : memref<100352x8xf32, #tpu.memory_space<hbm>>) target(%dma_start3A_342 : memref<128x8xf32, #tpu.memory_space<vmem>>) offsets(%dma_start3A_345 : memref<128xi32, #tpu.memory_space<vmem>>) semaphore(%arg15 : memref<!tpu.dma_semaphore, #tpu.memory_space<semaphore_mem>>)
      %dma_start3A_349 = arith.constant 5 : i32
      %dma_start3A_350 = arith.constant 640 : i32
      %dma_start3A_351 = arith.constant 0 : i32
      %dma_start3A_352 = tpu.memref_slice %arg12[%dma_start3A_350, %dma_start3A_351] : memref<1024x8xf32, #tpu.memory_space<vmem>> -> memref<128x8xf32, #tpu.memory_space<vmem>>
      %dma_start3A_353 = arith.constant 0 : i32
      %dma_start3A_354 = tpu.memref_slice %arg9[%dma_start3A_349, %dma_start3A_353] : memref<8x128xi32, #tpu.memory_space<vmem>> -> memref<1x128xi32, #tpu.memory_space<vmem>>
      %dma_start3A_355 = tpu.memref_squeeze %dma_start3A_354 : memref<1x128xi32, #tpu.memory_space<vmem>> -> memref<128xi32, #tpu.memory_space<vmem>>
      %dma_start3A_356 = arith.constant 0 : i32
      %dma_start3A_357 = arith.constant 0 : i32
      %dma_start3A_358 = tpu.memref_slice %arg2[%dma_start3A_356, %dma_start3A_357] : memref<100352x8xf32, #tpu.memory_space<hbm>> -> memref<100352x8xf32, #tpu.memory_space<hbm>>
      tpu.enqueue_indirect_dma source(%dma_start3A_358 : memref<100352x8xf32, #tpu.memory_space<hbm>>) target(%dma_start3A_352 : memref<128x8xf32, #tpu.memory_space<vmem>>) offsets(%dma_start3A_355 : memref<128xi32, #tpu.memory_space<vmem>>) semaphore(%arg15 : memref<!tpu.dma_semaphore, #tpu.memory_space<semaphore_mem>>)
      %dma_start3A_359 = arith.constant 6 : i32
      %dma_start3A_360 = arith.constant 768 : i32
      %dma_start3A_361 = arith.constant 0 : i32
      %dma_start3A_362 = tpu.memref_slice %arg12[%dma_start3A_360, %dma_start3A_361] : memref<1024x8xf32, #tpu.memory_space<vmem>> -> memref<128x8xf32, #tpu.memory_space<vmem>>
      %dma_start3A_363 = arith.constant 0 : i32
      %dma_start3A_364 = tpu.memref_slice %arg9[%dma_start3A_359, %dma_start3A_363] : memref<8x128xi32, #tpu.memory_space<vmem>> -> memref<1x128xi32, #tpu.memory_space<vmem>>
      %dma_start3A_365 = tpu.memref_squeeze %dma_start3A_364 : memref<1x128xi32, #tpu.memory_space<vmem>> -> memref<128xi32, #tpu.memory_space<vmem>>
      %dma_start3A_366 = arith.constant 0 : i32
      %dma_start3A_367 = arith.constant 0 : i32
      %dma_start3A_368 = tpu.memref_slice %arg2[%dma_start3A_366, %dma_start3A_367] : memref<100352x8xf32, #tpu.memory_space<hbm>> -> memref<100352x8xf32, #tpu.memory_space<hbm>>
      tpu.enqueue_indirect_dma source(%dma_start3A_368 : memref<100352x8xf32, #tpu.memory_space<hbm>>) target(%dma_start3A_362 : memref<128x8xf32, #tpu.memory_space<vmem>>) offsets(%dma_start3A_365 : memref<128xi32, #tpu.memory_space<vmem>>) semaphore(%arg15 : memref<!tpu.dma_semaphore, #tpu.memory_space<semaphore_mem>>)
      %dma_start3A_369 = arith.constant 7 : i32
      %dma_start3A_370 = arith.constant 896 : i32
      %dma_start3A_371 = arith.constant 0 : i32
      %dma_start3A_372 = tpu.memref_slice %arg12[%dma_start3A_370, %dma_start3A_371] : memref<1024x8xf32, #tpu.memory_space<vmem>> -> memref<128x8xf32, #tpu.memory_space<vmem>>
      %dma_start3A_373 = arith.constant 0 : i32
      %dma_start3A_374 = tpu.memref_slice %arg9[%dma_start3A_369, %dma_start3A_373] : memref<8x128xi32, #tpu.memory_space<vmem>> -> memref<1x128xi32, #tpu.memory_space<vmem>>
      %dma_start3A_375 = tpu.memref_squeeze %dma_start3A_374 : memref<1x128xi32, #tpu.memory_space<vmem>> -> memref<128xi32, #tpu.memory_space<vmem>>
      %dma_start3A_376 = arith.constant 0 : i32
      %dma_start3A_377 = arith.constant 0 : i32
      %dma_start3A_378 = tpu.memref_slice %arg2[%dma_start3A_376, %dma_start3A_377] : memref<100352x8xf32, #tpu.memory_space<hbm>> -> memref<100352x8xf32, #tpu.memory_space<hbm>>
      tpu.enqueue_indirect_dma source(%dma_start3A_378 : memref<100352x8xf32, #tpu.memory_space<hbm>>) target(%dma_start3A_372 : memref<128x8xf32, #tpu.memory_space<vmem>>) offsets(%dma_start3A_375 : memref<128xi32, #tpu.memory_space<vmem>>) semaphore(%arg15 : memref<!tpu.dma_semaphore, #tpu.memory_space<semaphore_mem>>)
      %dma_wait3A_379 = arith.constant 0 : i32
      %dma_wait3A_380 = arith.constant 0 : i32
      %dma_wait3A_381 = arith.constant 0 : i32
      %dma_wait3A_382 = tpu.memref_slice %arg11[%dma_wait3A_380, %dma_wait3A_381] : memref<1024x8xf32, #tpu.memory_space<vmem>> -> memref<128x8xf32, #tpu.memory_space<vmem>>
      %dma_wait3A_383 = arith.constant 0 : i32
      %dma_wait3A_384 = tpu.memref_slice %arg8[%dma_wait3A_379, %dma_wait3A_383] : memref<8x128xi32, #tpu.memory_space<vmem>> -> memref<1x128xi32, #tpu.memory_space<vmem>>
      %dma_wait3A_385 = tpu.memref_squeeze %dma_wait3A_384 : memref<1x128xi32, #tpu.memory_space<vmem>> -> memref<128xi32, #tpu.memory_space<vmem>>
      %dma_wait3A_386 = arith.constant 0 : i32
      %dma_wait3A_387 = arith.constant 0 : i32
      %dma_wait3A_388 = tpu.memref_slice %arg13[%dma_wait3A_386, %dma_wait3A_387] : memref<100352x8xf32, #tpu.memory_space<vmem_shared>> -> memref<100352x8xf32, #tpu.memory_space<vmem_shared>>
      tpu.wait_indirect_dma semaphore(%arg16 : memref<!tpu.dma_semaphore, #tpu.memory_space<semaphore_mem>>) src(%dma_wait3A_382 : memref<128x8xf32, #tpu.memory_space<vmem>>) dst(%dma_wait3A_388 : memref<100352x8xf32, #tpu.memory_space<vmem_shared>>)
      %dma_wait3A_389 = arith.constant 1 : i32
      %dma_wait3A_390 = arith.constant 128 : i32
      %dma_wait3A_391 = arith.constant 0 : i32
      %dma_wait3A_392 = tpu.memref_slice %arg11[%dma_wait3A_390, %dma_wait3A_391] : memref<1024x8xf32, #tpu.memory_space<vmem>> -> memref<128x8xf32, #tpu.memory_space<vmem>>
      %dma_wait3A_393 = arith.constant 0 : i32
      %dma_wait3A_394 = tpu.memref_slice %arg8[%dma_wait3A_389, %dma_wait3A_393] : memref<8x128xi32, #tpu.memory_space<vmem>> -> memref<1x128xi32, #tpu.memory_space<vmem>>
      %dma_wait3A_395 = tpu.memref_squeeze %dma_wait3A_394 : memref<1x128xi32, #tpu.memory_space<vmem>> -> memref<128xi32, #tpu.memory_space<vmem>>
      %dma_wait3A_396 = arith.constant 0 : i32
      %dma_wait3A_397 = arith.constant 0 : i32
      %dma_wait3A_398 = tpu.memref_slice %arg13[%dma_wait3A_396, %dma_wait3A_397] : memref<100352x8xf32, #tpu.memory_space<vmem_shared>> -> memref<100352x8xf32, #tpu.memory_space<vmem_shared>>
      tpu.wait_indirect_dma semaphore(%arg16 : memref<!tpu.dma_semaphore, #tpu.memory_space<semaphore_mem>>) src(%dma_wait3A_392 : memref<128x8xf32, #tpu.memory_space<vmem>>) dst(%dma_wait3A_398 : memref<100352x8xf32, #tpu.memory_space<vmem_shared>>)
      %dma_wait3A_399 = arith.constant 2 : i32
      %dma_wait3A_400 = arith.constant 256 : i32
      %dma_wait3A_401 = arith.constant 0 : i32
      %dma_wait3A_402 = tpu.memref_slice %arg11[%dma_wait3A_400, %dma_wait3A_401] : memref<1024x8xf32, #tpu.memory_space<vmem>> -> memref<128x8xf32, #tpu.memory_space<vmem>>
      %dma_wait3A_403 = arith.constant 0 : i32
      %dma_wait3A_404 = tpu.memref_slice %arg8[%dma_wait3A_399, %dma_wait3A_403] : memref<8x128xi32, #tpu.memory_space<vmem>> -> memref<1x128xi32, #tpu.memory_space<vmem>>
      %dma_wait3A_405 = tpu.memref_squeeze %dma_wait3A_404 : memref<1x128xi32, #tpu.memory_space<vmem>> -> memref<128xi32, #tpu.memory_space<vmem>>
      %dma_wait3A_406 = arith.constant 0 : i32
      %dma_wait3A_407 = arith.constant 0 : i32
      %dma_wait3A_408 = tpu.memref_slice %arg13[%dma_wait3A_406, %dma_wait3A_407] : memref<100352x8xf32, #tpu.memory_space<vmem_shared>> -> memref<100352x8xf32, #tpu.memory_space<vmem_shared>>
      tpu.wait_indirect_dma semaphore(%arg16 : memref<!tpu.dma_semaphore, #tpu.memory_space<semaphore_mem>>) src(%dma_wait3A_402 : memref<128x8xf32, #tpu.memory_space<vmem>>) dst(%dma_wait3A_408 : memref<100352x8xf32, #tpu.memory_space<vmem_shared>>)
      %dma_wait3A_409 = arith.constant 3 : i32
      %dma_wait3A_410 = arith.constant 384 : i32
      %dma_wait3A_411 = arith.constant 0 : i32
      %dma_wait3A_412 = tpu.memref_slice %arg11[%dma_wait3A_410, %dma_wait3A_411] : memref<1024x8xf32, #tpu.memory_space<vmem>> -> memref<128x8xf32, #tpu.memory_space<vmem>>
      %dma_wait3A_413 = arith.constant 0 : i32
      %dma_wait3A_414 = tpu.memref_slice %arg8[%dma_wait3A_409, %dma_wait3A_413] : memref<8x128xi32, #tpu.memory_space<vmem>> -> memref<1x128xi32, #tpu.memory_space<vmem>>
      %dma_wait3A_415 = tpu.memref_squeeze %dma_wait3A_414 : memref<1x128xi32, #tpu.memory_space<vmem>> -> memref<128xi32, #tpu.memory_space<vmem>>
      %dma_wait3A_416 = arith.constant 0 : i32
      %dma_wait3A_417 = arith.constant 0 : i32
      %dma_wait3A_418 = tpu.memref_slice %arg13[%dma_wait3A_416, %dma_wait3A_417] : memref<100352x8xf32, #tpu.memory_space<vmem_shared>> -> memref<100352x8xf32, #tpu.memory_space<vmem_shared>>
      tpu.wait_indirect_dma semaphore(%arg16 : memref<!tpu.dma_semaphore, #tpu.memory_space<semaphore_mem>>) src(%dma_wait3A_412 : memref<128x8xf32, #tpu.memory_space<vmem>>) dst(%dma_wait3A_418 : memref<100352x8xf32, #tpu.memory_space<vmem_shared>>)
      %dma_wait3A_419 = arith.constant 4 : i32
      %dma_wait3A_420 = arith.constant 512 : i32
      %dma_wait3A_421 = arith.constant 0 : i32
      %dma_wait3A_422 = tpu.memref_slice %arg11[%dma_wait3A_420, %dma_wait3A_421] : memref<1024x8xf32, #tpu.memory_space<vmem>> -> memref<128x8xf32, #tpu.memory_space<vmem>>
      %dma_wait3A_423 = arith.constant 0 : i32
      %dma_wait3A_424 = tpu.memref_slice %arg8[%dma_wait3A_419, %dma_wait3A_423] : memref<8x128xi32, #tpu.memory_space<vmem>> -> memref<1x128xi32, #tpu.memory_space<vmem>>
      %dma_wait3A_425 = tpu.memref_squeeze %dma_wait3A_424 : memref<1x128xi32, #tpu.memory_space<vmem>> -> memref<128xi32, #tpu.memory_space<vmem>>
      %dma_wait3A_426 = arith.constant 0 : i32
      %dma_wait3A_427 = arith.constant 0 : i32
      %dma_wait3A_428 = tpu.memref_slice %arg13[%dma_wait3A_426, %dma_wait3A_427] : memref<100352x8xf32, #tpu.memory_space<vmem_shared>> -> memref<100352x8xf32, #tpu.memory_space<vmem_shared>>
      tpu.wait_indirect_dma semaphore(%arg16 : memref<!tpu.dma_semaphore, #tpu.memory_space<semaphore_mem>>) src(%dma_wait3A_422 : memref<128x8xf32, #tpu.memory_space<vmem>>) dst(%dma_wait3A_428 : memref<100352x8xf32, #tpu.memory_space<vmem_shared>>)
      %dma_wait3A_429 = arith.constant 5 : i32
      %dma_wait3A_430 = arith.constant 640 : i32
      %dma_wait3A_431 = arith.constant 0 : i32
      %dma_wait3A_432 = tpu.memref_slice %arg11[%dma_wait3A_430, %dma_wait3A_431] : memref<1024x8xf32, #tpu.memory_space<vmem>> -> memref<128x8xf32, #tpu.memory_space<vmem>>
      %dma_wait3A_433 = arith.constant 0 : i32
      %dma_wait3A_434 = tpu.memref_slice %arg8[%dma_wait3A_429, %dma_wait3A_433] : memref<8x128xi32, #tpu.memory_space<vmem>> -> memref<1x128xi32, #tpu.memory_space<vmem>>
      %dma_wait3A_435 = tpu.memref_squeeze %dma_wait3A_434 : memref<1x128xi32, #tpu.memory_space<vmem>> -> memref<128xi32, #tpu.memory_space<vmem>>
      %dma_wait3A_436 = arith.constant 0 : i32
      %dma_wait3A_437 = arith.constant 0 : i32
      %dma_wait3A_438 = tpu.memref_slice %arg13[%dma_wait3A_436, %dma_wait3A_437] : memref<100352x8xf32, #tpu.memory_space<vmem_shared>> -> memref<100352x8xf32, #tpu.memory_space<vmem_shared>>
      tpu.wait_indirect_dma semaphore(%arg16 : memref<!tpu.dma_semaphore, #tpu.memory_space<semaphore_mem>>) src(%dma_wait3A_432 : memref<128x8xf32, #tpu.memory_space<vmem>>) dst(%dma_wait3A_438 : memref<100352x8xf32, #tpu.memory_space<vmem_shared>>)
      %dma_wait3A_439 = arith.constant 6 : i32
      %dma_wait3A_440 = arith.constant 768 : i32
      %dma_wait3A_441 = arith.constant 0 : i32
      %dma_wait3A_442 = tpu.memref_slice %arg11[%dma_wait3A_440, %dma_wait3A_441] : memref<1024x8xf32, #tpu.memory_space<vmem>> -> memref<128x8xf32, #tpu.memory_space<vmem>>
      %dma_wait3A_443 = arith.constant 0 : i32
      %dma_wait3A_444 = tpu.memref_slice %arg8[%dma_wait3A_439, %dma_wait3A_443] : memref<8x128xi32, #tpu.memory_space<vmem>> -> memref<1x128xi32, #tpu.memory_space<vmem>>
      %dma_wait3A_445 = tpu.memref_squeeze %dma_wait3A_444 : memref<1x128xi32, #tpu.memory_space<vmem>> -> memref<128xi32, #tpu.memory_space<vmem>>
      %dma_wait3A_446 = arith.constant 0 : i32
      %dma_wait3A_447 = arith.constant 0 : i32
      %dma_wait3A_448 = tpu.memref_slice %arg13[%dma_wait3A_446, %dma_wait3A_447] : memref<100352x8xf32, #tpu.memory_space<vmem_shared>> -> memref<100352x8xf32, #tpu.memory_space<vmem_shared>>
      tpu.wait_indirect_dma semaphore(%arg16 : memref<!tpu.dma_semaphore, #tpu.memory_space<semaphore_mem>>) src(%dma_wait3A_442 : memref<128x8xf32, #tpu.memory_space<vmem>>) dst(%dma_wait3A_448 : memref<100352x8xf32, #tpu.memory_space<vmem_shared>>)
      %dma_wait3A_449 = arith.constant 7 : i32
      %dma_wait3A_450 = arith.constant 896 : i32
      %dma_wait3A_451 = arith.constant 0 : i32
      %dma_wait3A_452 = tpu.memref_slice %arg11[%dma_wait3A_450, %dma_wait3A_451] : memref<1024x8xf32, #tpu.memory_space<vmem>> -> memref<128x8xf32, #tpu.memory_space<vmem>>
      %dma_wait3A_453 = arith.constant 0 : i32
      %dma_wait3A_454 = tpu.memref_slice %arg8[%dma_wait3A_449, %dma_wait3A_453] : memref<8x128xi32, #tpu.memory_space<vmem>> -> memref<1x128xi32, #tpu.memory_space<vmem>>
      %dma_wait3A_455 = tpu.memref_squeeze %dma_wait3A_454 : memref<1x128xi32, #tpu.memory_space<vmem>> -> memref<128xi32, #tpu.memory_space<vmem>>
      %dma_wait3A_456 = arith.constant 0 : i32
      %dma_wait3A_457 = arith.constant 0 : i32
      %dma_wait3A_458 = tpu.memref_slice %arg13[%dma_wait3A_456, %dma_wait3A_457] : memref<100352x8xf32, #tpu.memory_space<vmem_shared>> -> memref<100352x8xf32, #tpu.memory_space<vmem_shared>>
      tpu.wait_indirect_dma semaphore(%arg16 : memref<!tpu.dma_semaphore, #tpu.memory_space<semaphore_mem>>) src(%dma_wait3A_452 : memref<128x8xf32, #tpu.memory_space<vmem>>) dst(%dma_wait3A_458 : memref<100352x8xf32, #tpu.memory_space<vmem_shared>>)
      "tpu.region"() ({
        %run_scoped3A = tpu.sem_alloc : memref<!tpu.dma_semaphore, #tpu.memory_space<semaphore_mem>>
        %dma_start3A_625 = arith.constant 0 : i32
        %dma_start3A_626 = tpu.memref_slice %arg3[%add3A_206, %dma_start3A_625] : memref<50310x128xi32, #tpu.memory_space<hbm>> -> memref<8x128xi32, #tpu.memory_space<hbm>>
        %dma_start3A_627 = arith.constant 0 : i32
        %dma_start3A_628 = tpu.memref_slice %arg3[%add3A_206, %dma_start3A_627] : memref<50310x128xi32, #tpu.memory_space<hbm>> -> memref<8x128xi32, #tpu.memory_space<hbm>>
        tpu.enqueue_dma source(%dma_start3A_628 : memref<8x128xi32, #tpu.memory_space<hbm>>) target(%arg7 : memref<8x128xi32, #tpu.memory_space<vmem>>) target_semaphore(%run_scoped3A : memref<!tpu.dma_semaphore, #tpu.memory_space<semaphore_mem>>)
        %dma_wait3A_629 = arith.constant 0 : i32
        %dma_wait3A_630 = tpu.memref_slice %arg3[%add3A_206, %dma_wait3A_629] : memref<50310x128xi32, #tpu.memory_space<hbm>> -> memref<8x128xi32, #tpu.memory_space<hbm>>
        %dma_wait3A_631 = arith.constant 0 : i32
        %dma_wait3A_632 = tpu.memref_slice %arg3[%add3A_206, %dma_wait3A_631] : memref<50310x128xi32, #tpu.memory_space<hbm>> -> memref<8x128xi32, #tpu.memory_space<hbm>>
        tpu.wait_dma2 semaphore(%run_scoped3A : memref<!tpu.dma_semaphore, #tpu.memory_space<semaphore_mem>>) src(%dma_wait3A_632 : memref<8x128xi32, #tpu.memory_space<hbm>>) dst(%arg7 : memref<8x128xi32, #tpu.memory_space<vmem>>)
        tpu.yield
      }) : () -> ()
      "tpu.region"() ({
        %run_scoped3A = tpu.sem_alloc : memref<!tpu.dma_semaphore, #tpu.memory_space<semaphore_mem>>
        %dma_start3A_625 = arith.constant 0 : i32
        %dma_start3A_626 = tpu.memref_slice %arg4[%add3A_206, %dma_start3A_625] : memref<50310x128xi32, #tpu.memory_space<hbm>> -> memref<8x128xi32, #tpu.memory_space<hbm>>
        %dma_start3A_627 = arith.constant 0 : i32
        %dma_start3A_628 = tpu.memref_slice %arg4[%add3A_206, %dma_start3A_627] : memref<50310x128xi32, #tpu.memory_space<hbm>> -> memref<8x128xi32, #tpu.memory_space<hbm>>
        tpu.enqueue_dma source(%dma_start3A_628 : memref<8x128xi32, #tpu.memory_space<hbm>>) target(%arg8 : memref<8x128xi32, #tpu.memory_space<vmem>>) target_semaphore(%run_scoped3A : memref<!tpu.dma_semaphore, #tpu.memory_space<semaphore_mem>>)
        %dma_wait3A_629 = arith.constant 0 : i32
        %dma_wait3A_630 = tpu.memref_slice %arg4[%add3A_206, %dma_wait3A_629] : memref<50310x128xi32, #tpu.memory_space<hbm>> -> memref<8x128xi32, #tpu.memory_space<hbm>>
        %dma_wait3A_631 = arith.constant 0 : i32
        %dma_wait3A_632 = tpu.memref_slice %arg4[%add3A_206, %dma_wait3A_631] : memref<50310x128xi32, #tpu.memory_space<hbm>> -> memref<8x128xi32, #tpu.memory_space<hbm>>
        tpu.wait_dma2 semaphore(%run_scoped3A : memref<!tpu.dma_semaphore, #tpu.memory_space<semaphore_mem>>) src(%dma_wait3A_632 : memref<8x128xi32, #tpu.memory_space<hbm>>) dst(%arg8 : memref<8x128xi32, #tpu.memory_space<vmem>>)
        tpu.yield
      }) : () -> ()
      %dma_start3A_459 = arith.constant 0 : i32
      %dma_start3A_460 = arith.constant 0 : i32
      %dma_start3A_461 = arith.constant 0 : i32
      %dma_start3A_462 = tpu.memref_slice %arg11[%dma_start3A_460, %dma_start3A_461] : memref<1024x8xf32, #tpu.memory_space<vmem>> -> memref<128x8xf32, #tpu.memory_space<vmem>>
      %dma_start3A_463 = arith.constant 0 : i32
      %dma_start3A_464 = tpu.memref_slice %arg7[%dma_start3A_459, %dma_start3A_463] : memref<8x128xi32, #tpu.memory_space<vmem>> -> memref<1x128xi32, #tpu.memory_space<vmem>>
      %dma_start3A_465 = tpu.memref_squeeze %dma_start3A_464 : memref<1x128xi32, #tpu.memory_space<vmem>> -> memref<128xi32, #tpu.memory_space<vmem>>
      %dma_start3A_466 = arith.constant 0 : i32
      %dma_start3A_467 = arith.constant 0 : i32
      %dma_start3A_468 = tpu.memref_slice %arg2[%dma_start3A_466, %dma_start3A_467] : memref<100352x8xf32, #tpu.memory_space<hbm>> -> memref<100352x8xf32, #tpu.memory_space<hbm>>
      tpu.enqueue_indirect_dma source(%dma_start3A_468 : memref<100352x8xf32, #tpu.memory_space<hbm>>) target(%dma_start3A_462 : memref<128x8xf32, #tpu.memory_space<vmem>>) offsets(%dma_start3A_465 : memref<128xi32, #tpu.memory_space<vmem>>) semaphore(%arg14 : memref<!tpu.dma_semaphore, #tpu.memory_space<semaphore_mem>>)
      %dma_start3A_469 = arith.constant 1 : i32
      %dma_start3A_470 = arith.constant 128 : i32
      %dma_start3A_471 = arith.constant 0 : i32
      %dma_start3A_472 = tpu.memref_slice %arg11[%dma_start3A_470, %dma_start3A_471] : memref<1024x8xf32, #tpu.memory_space<vmem>> -> memref<128x8xf32, #tpu.memory_space<vmem>>
      %dma_start3A_473 = arith.constant 0 : i32
      %dma_start3A_474 = tpu.memref_slice %arg7[%dma_start3A_469, %dma_start3A_473] : memref<8x128xi32, #tpu.memory_space<vmem>> -> memref<1x128xi32, #tpu.memory_space<vmem>>
      %dma_start3A_475 = tpu.memref_squeeze %dma_start3A_474 : memref<1x128xi32, #tpu.memory_space<vmem>> -> memref<128xi32, #tpu.memory_space<vmem>>
      %dma_start3A_476 = arith.constant 0 : i32
      %dma_start3A_477 = arith.constant 0 : i32
      %dma_start3A_478 = tpu.memref_slice %arg2[%dma_start3A_476, %dma_start3A_477] : memref<100352x8xf32, #tpu.memory_space<hbm>> -> memref<100352x8xf32, #tpu.memory_space<hbm>>
      tpu.enqueue_indirect_dma source(%dma_start3A_478 : memref<100352x8xf32, #tpu.memory_space<hbm>>) target(%dma_start3A_472 : memref<128x8xf32, #tpu.memory_space<vmem>>) offsets(%dma_start3A_475 : memref<128xi32, #tpu.memory_space<vmem>>) semaphore(%arg14 : memref<!tpu.dma_semaphore, #tpu.memory_space<semaphore_mem>>)
      %dma_start3A_479 = arith.constant 2 : i32
      %dma_start3A_480 = arith.constant 256 : i32
      %dma_start3A_481 = arith.constant 0 : i32
      %dma_start3A_482 = tpu.memref_slice %arg11[%dma_start3A_480, %dma_start3A_481] : memref<1024x8xf32, #tpu.memory_space<vmem>> -> memref<128x8xf32, #tpu.memory_space<vmem>>
      %dma_start3A_483 = arith.constant 0 : i32
      %dma_start3A_484 = tpu.memref_slice %arg7[%dma_start3A_479, %dma_start3A_483] : memref<8x128xi32, #tpu.memory_space<vmem>> -> memref<1x128xi32, #tpu.memory_space<vmem>>
      %dma_start3A_485 = tpu.memref_squeeze %dma_start3A_484 : memref<1x128xi32, #tpu.memory_space<vmem>> -> memref<128xi32, #tpu.memory_space<vmem>>
      %dma_start3A_486 = arith.constant 0 : i32
      %dma_start3A_487 = arith.constant 0 : i32
      %dma_start3A_488 = tpu.memref_slice %arg2[%dma_start3A_486, %dma_start3A_487] : memref<100352x8xf32, #tpu.memory_space<hbm>> -> memref<100352x8xf32, #tpu.memory_space<hbm>>
      tpu.enqueue_indirect_dma source(%dma_start3A_488 : memref<100352x8xf32, #tpu.memory_space<hbm>>) target(%dma_start3A_482 : memref<128x8xf32, #tpu.memory_space<vmem>>) offsets(%dma_start3A_485 : memref<128xi32, #tpu.memory_space<vmem>>) semaphore(%arg14 : memref<!tpu.dma_semaphore, #tpu.memory_space<semaphore_mem>>)
      %dma_start3A_489 = arith.constant 3 : i32
      %dma_start3A_490 = arith.constant 384 : i32
      %dma_start3A_491 = arith.constant 0 : i32
      %dma_start3A_492 = tpu.memref_slice %arg11[%dma_start3A_490, %dma_start3A_491] : memref<1024x8xf32, #tpu.memory_space<vmem>> -> memref<128x8xf32, #tpu.memory_space<vmem>>
      %dma_start3A_493 = arith.constant 0 : i32
      %dma_start3A_494 = tpu.memref_slice %arg7[%dma_start3A_489, %dma_start3A_493] : memref<8x128xi32, #tpu.memory_space<vmem>> -> memref<1x128xi32, #tpu.memory_space<vmem>>
      %dma_start3A_495 = tpu.memref_squeeze %dma_start3A_494 : memref<1x128xi32, #tpu.memory_space<vmem>> -> memref<128xi32, #tpu.memory_space<vmem>>
      %dma_start3A_496 = arith.constant 0 : i32
      %dma_start3A_497 = arith.constant 0 : i32
      %dma_start3A_498 = tpu.memref_slice %arg2[%dma_start3A_496, %dma_start3A_497] : memref<100352x8xf32, #tpu.memory_space<hbm>> -> memref<100352x8xf32, #tpu.memory_space<hbm>>
      tpu.enqueue_indirect_dma source(%dma_start3A_498 : memref<100352x8xf32, #tpu.memory_space<hbm>>) target(%dma_start3A_492 : memref<128x8xf32, #tpu.memory_space<vmem>>) offsets(%dma_start3A_495 : memref<128xi32, #tpu.memory_space<vmem>>) semaphore(%arg14 : memref<!tpu.dma_semaphore, #tpu.memory_space<semaphore_mem>>)
      %dma_start3A_499 = arith.constant 4 : i32
      %dma_start3A_500 = arith.constant 512 : i32
      %dma_start3A_501 = arith.constant 0 : i32
      %dma_start3A_502 = tpu.memref_slice %arg11[%dma_start3A_500, %dma_start3A_501] : memref<1024x8xf32, #tpu.memory_space<vmem>> -> memref<128x8xf32, #tpu.memory_space<vmem>>
      %dma_start3A_503 = arith.constant 0 : i32
      %dma_start3A_504 = tpu.memref_slice %arg7[%dma_start3A_499, %dma_start3A_503] : memref<8x128xi32, #tpu.memory_space<vmem>> -> memref<1x128xi32, #tpu.memory_space<vmem>>
      %dma_start3A_505 = tpu.memref_squeeze %dma_start3A_504 : memref<1x128xi32, #tpu.memory_space<vmem>> -> memref<128xi32, #tpu.memory_space<vmem>>
      %dma_start3A_506 = arith.constant 0 : i32
      %dma_start3A_507 = arith.constant 0 : i32
      %dma_start3A_508 = tpu.memref_slice %arg2[%dma_start3A_506, %dma_start3A_507] : memref<100352x8xf32, #tpu.memory_space<hbm>> -> memref<100352x8xf32, #tpu.memory_space<hbm>>
      tpu.enqueue_indirect_dma source(%dma_start3A_508 : memref<100352x8xf32, #tpu.memory_space<hbm>>) target(%dma_start3A_502 : memref<128x8xf32, #tpu.memory_space<vmem>>) offsets(%dma_start3A_505 : memref<128xi32, #tpu.memory_space<vmem>>) semaphore(%arg14 : memref<!tpu.dma_semaphore, #tpu.memory_space<semaphore_mem>>)
      %dma_start3A_509 = arith.constant 5 : i32
      %dma_start3A_510 = arith.constant 640 : i32
      %dma_start3A_511 = arith.constant 0 : i32
      %dma_start3A_512 = tpu.memref_slice %arg11[%dma_start3A_510, %dma_start3A_511] : memref<1024x8xf32, #tpu.memory_space<vmem>> -> memref<128x8xf32, #tpu.memory_space<vmem>>
      %dma_start3A_513 = arith.constant 0 : i32
      %dma_start3A_514 = tpu.memref_slice %arg7[%dma_start3A_509, %dma_start3A_513] : memref<8x128xi32, #tpu.memory_space<vmem>> -> memref<1x128xi32, #tpu.memory_space<vmem>>
      %dma_start3A_515 = tpu.memref_squeeze %dma_start3A_514 : memref<1x128xi32, #tpu.memory_space<vmem>> -> memref<128xi32, #tpu.memory_space<vmem>>
      %dma_start3A_516 = arith.constant 0 : i32
      %dma_start3A_517 = arith.constant 0 : i32
      %dma_start3A_518 = tpu.memref_slice %arg2[%dma_start3A_516, %dma_start3A_517] : memref<100352x8xf32, #tpu.memory_space<hbm>> -> memref<100352x8xf32, #tpu.memory_space<hbm>>
      tpu.enqueue_indirect_dma source(%dma_start3A_518 : memref<100352x8xf32, #tpu.memory_space<hbm>>) target(%dma_start3A_512 : memref<128x8xf32, #tpu.memory_space<vmem>>) offsets(%dma_start3A_515 : memref<128xi32, #tpu.memory_space<vmem>>) semaphore(%arg14 : memref<!tpu.dma_semaphore, #tpu.memory_space<semaphore_mem>>)
      %dma_start3A_519 = arith.constant 6 : i32
      %dma_start3A_520 = arith.constant 768 : i32
      %dma_start3A_521 = arith.constant 0 : i32
      %dma_start3A_522 = tpu.memref_slice %arg11[%dma_start3A_520, %dma_start3A_521] : memref<1024x8xf32, #tpu.memory_space<vmem>> -> memref<128x8xf32, #tpu.memory_space<vmem>>
      %dma_start3A_523 = arith.constant 0 : i32
      %dma_start3A_524 = tpu.memref_slice %arg7[%dma_start3A_519, %dma_start3A_523] : memref<8x128xi32, #tpu.memory_space<vmem>> -> memref<1x128xi32, #tpu.memory_space<vmem>>
      %dma_start3A_525 = tpu.memref_squeeze %dma_start3A_524 : memref<1x128xi32, #tpu.memory_space<vmem>> -> memref<128xi32, #tpu.memory_space<vmem>>
      %dma_start3A_526 = arith.constant 0 : i32
      %dma_start3A_527 = arith.constant 0 : i32
      %dma_start3A_528 = tpu.memref_slice %arg2[%dma_start3A_526, %dma_start3A_527] : memref<100352x8xf32, #tpu.memory_space<hbm>> -> memref<100352x8xf32, #tpu.memory_space<hbm>>
      tpu.enqueue_indirect_dma source(%dma_start3A_528 : memref<100352x8xf32, #tpu.memory_space<hbm>>) target(%dma_start3A_522 : memref<128x8xf32, #tpu.memory_space<vmem>>) offsets(%dma_start3A_525 : memref<128xi32, #tpu.memory_space<vmem>>) semaphore(%arg14 : memref<!tpu.dma_semaphore, #tpu.memory_space<semaphore_mem>>)
      %dma_start3A_529 = arith.constant 7 : i32
      %dma_start3A_530 = arith.constant 896 : i32
      %dma_start3A_531 = arith.constant 0 : i32
      %dma_start3A_532 = tpu.memref_slice %arg11[%dma_start3A_530, %dma_start3A_531] : memref<1024x8xf32, #tpu.memory_space<vmem>> -> memref<128x8xf32, #tpu.memory_space<vmem>>
      %dma_start3A_533 = arith.constant 0 : i32
      %dma_start3A_534 = tpu.memref_slice %arg7[%dma_start3A_529, %dma_start3A_533] : memref<8x128xi32, #tpu.memory_space<vmem>> -> memref<1x128xi32, #tpu.memory_space<vmem>>
      %dma_start3A_535 = tpu.memref_squeeze %dma_start3A_534 : memref<1x128xi32, #tpu.memory_space<vmem>> -> memref<128xi32, #tpu.memory_space<vmem>>
      %dma_start3A_536 = arith.constant 0 : i32
      %dma_start3A_537 = arith.constant 0 : i32
      %dma_start3A_538 = tpu.memref_slice %arg2[%dma_start3A_536, %dma_start3A_537] : memref<100352x8xf32, #tpu.memory_space<hbm>> -> memref<100352x8xf32, #tpu.memory_space<hbm>>
      tpu.enqueue_indirect_dma source(%dma_start3A_538 : memref<100352x8xf32, #tpu.memory_space<hbm>>) target(%dma_start3A_532 : memref<128x8xf32, #tpu.memory_space<vmem>>) offsets(%dma_start3A_535 : memref<128xi32, #tpu.memory_space<vmem>>) semaphore(%arg14 : memref<!tpu.dma_semaphore, #tpu.memory_space<semaphore_mem>>)
      %dma_wait3A_539 = arith.constant 0 : i32
      %dma_wait3A_540 = arith.constant 0 : i32
      %dma_wait3A_541 = tpu.memref_slice %arg2[%dma_wait3A_539, %dma_wait3A_540] : memref<100352x8xf32, #tpu.memory_space<hbm>> -> memref<1024x8xf32, #tpu.memory_space<hbm>>
      %dma_wait3A_542 = arith.constant 0 : i32
      %dma_wait3A_543 = arith.constant 0 : i32
      %dma_wait3A_544 = tpu.memref_slice %arg2[%dma_wait3A_542, %dma_wait3A_543] : memref<100352x8xf32, #tpu.memory_space<hbm>> -> memref<1024x8xf32, #tpu.memory_space<hbm>>
      tpu.wait_dma2 semaphore(%arg15 : memref<!tpu.dma_semaphore, #tpu.memory_space<semaphore_mem>>) src(%dma_wait3A_544 : memref<1024x8xf32, #tpu.memory_space<hbm>>) dst(%arg12 : memref<1024x8xf32, #tpu.memory_space<vmem>>)
      %dma_start3A_545 = arith.constant 0 : i32
      %dma_start3A_546 = arith.constant 0 : i32
      %dma_start3A_547 = arith.constant 0 : i32
      %dma_start3A_548 = tpu.memref_slice %arg12[%dma_start3A_546, %dma_start3A_547] : memref<1024x8xf32, #tpu.memory_space<vmem>> -> memref<128x8xf32, #tpu.memory_space<vmem>>
      %dma_start3A_549 = arith.constant 0 : i32
      %dma_start3A_550 = tpu.memref_slice %arg10[%dma_start3A_545, %dma_start3A_549] : memref<8x128xi32, #tpu.memory_space<vmem>> -> memref<1x128xi32, #tpu.memory_space<vmem>>
      %dma_start3A_551 = tpu.memref_squeeze %dma_start3A_550 : memref<1x128xi32, #tpu.memory_space<vmem>> -> memref<128xi32, #tpu.memory_space<vmem>>
      %dma_start3A_552 = arith.constant 0 : i32
      %dma_start3A_553 = arith.constant 0 : i32
      %dma_start3A_554 = tpu.memref_slice %arg13[%dma_start3A_552, %dma_start3A_553] : memref<100352x8xf32, #tpu.memory_space<vmem_shared>> -> memref<100352x8xf32, #tpu.memory_space<vmem_shared>>
      tpu.enqueue_indirect_dma source(%dma_start3A_548 : memref<128x8xf32, #tpu.memory_space<vmem>>) target(%dma_start3A_554 : memref<100352x8xf32, #tpu.memory_space<vmem_shared>>) offsets(%dma_start3A_551 : memref<128xi32, #tpu.memory_space<vmem>>) semaphore(%arg17 : memref<!tpu.dma_semaphore, #tpu.memory_space<semaphore_mem>>) {add = true}
      %dma_start3A_555 = arith.constant 1 : i32
      %dma_start3A_556 = arith.constant 128 : i32
      %dma_start3A_557 = arith.constant 0 : i32
      %dma_start3A_558 = tpu.memref_slice %arg12[%dma_start3A_556, %dma_start3A_557] : memref<1024x8xf32, #tpu.memory_space<vmem>> -> memref<128x8xf32, #tpu.memory_space<vmem>>
      %dma_start3A_559 = arith.constant 0 : i32
      %dma_start3A_560 = tpu.memref_slice %arg10[%dma_start3A_555, %dma_start3A_559] : memref<8x128xi32, #tpu.memory_space<vmem>> -> memref<1x128xi32, #tpu.memory_space<vmem>>
      %dma_start3A_561 = tpu.memref_squeeze %dma_start3A_560 : memref<1x128xi32, #tpu.memory_space<vmem>> -> memref<128xi32, #tpu.memory_space<vmem>>
      %dma_start3A_562 = arith.constant 0 : i32
      %dma_start3A_563 = arith.constant 0 : i32
      %dma_start3A_564 = tpu.memref_slice %arg13[%dma_start3A_562, %dma_start3A_563] : memref<100352x8xf32, #tpu.memory_space<vmem_shared>> -> memref<100352x8xf32, #tpu.memory_space<vmem_shared>>
      tpu.enqueue_indirect_dma source(%dma_start3A_558 : memref<128x8xf32, #tpu.memory_space<vmem>>) target(%dma_start3A_564 : memref<100352x8xf32, #tpu.memory_space<vmem_shared>>) offsets(%dma_start3A_561 : memref<128xi32, #tpu.memory_space<vmem>>) semaphore(%arg17 : memref<!tpu.dma_semaphore, #tpu.memory_space<semaphore_mem>>) {add = true}
      %dma_start3A_565 = arith.constant 2 : i32
      %dma_start3A_566 = arith.constant 256 : i32
      %dma_start3A_567 = arith.constant 0 : i32
      %dma_start3A_568 = tpu.memref_slice %arg12[%dma_start3A_566, %dma_start3A_567] : memref<1024x8xf32, #tpu.memory_space<vmem>> -> memref<128x8xf32, #tpu.memory_space<vmem>>
      %dma_start3A_569 = arith.constant 0 : i32
      %dma_start3A_570 = tpu.memref_slice %arg10[%dma_start3A_565, %dma_start3A_569] : memref<8x128xi32, #tpu.memory_space<vmem>> -> memref<1x128xi32, #tpu.memory_space<vmem>>
      %dma_start3A_571 = tpu.memref_squeeze %dma_start3A_570 : memref<1x128xi32, #tpu.memory_space<vmem>> -> memref<128xi32, #tpu.memory_space<vmem>>
      %dma_start3A_572 = arith.constant 0 : i32
      %dma_start3A_573 = arith.constant 0 : i32
      %dma_start3A_574 = tpu.memref_slice %arg13[%dma_start3A_572, %dma_start3A_573] : memref<100352x8xf32, #tpu.memory_space<vmem_shared>> -> memref<100352x8xf32, #tpu.memory_space<vmem_shared>>
      tpu.enqueue_indirect_dma source(%dma_start3A_568 : memref<128x8xf32, #tpu.memory_space<vmem>>) target(%dma_start3A_574 : memref<100352x8xf32, #tpu.memory_space<vmem_shared>>) offsets(%dma_start3A_571 : memref<128xi32, #tpu.memory_space<vmem>>) semaphore(%arg17 : memref<!tpu.dma_semaphore, #tpu.memory_space<semaphore_mem>>) {add = true}
      %dma_start3A_575 = arith.constant 3 : i32
      %dma_start3A_576 = arith.constant 384 : i32
      %dma_start3A_577 = arith.constant 0 : i32
      %dma_start3A_578 = tpu.memref_slice %arg12[%dma_start3A_576, %dma_start3A_577] : memref<1024x8xf32, #tpu.memory_space<vmem>> -> memref<128x8xf32, #tpu.memory_space<vmem>>
      %dma_start3A_579 = arith.constant 0 : i32
      %dma_start3A_580 = tpu.memref_slice %arg10[%dma_start3A_575, %dma_start3A_579] : memref<8x128xi32, #tpu.memory_space<vmem>> -> memref<1x128xi32, #tpu.memory_space<vmem>>
      %dma_start3A_581 = tpu.memref_squeeze %dma_start3A_580 : memref<1x128xi32, #tpu.memory_space<vmem>> -> memref<128xi32, #tpu.memory_space<vmem>>
      %dma_start3A_582 = arith.constant 0 : i32
      %dma_start3A_583 = arith.constant 0 : i32
      %dma_start3A_584 = tpu.memref_slice %arg13[%dma_start3A_582, %dma_start3A_583] : memref<100352x8xf32, #tpu.memory_space<vmem_shared>> -> memref<100352x8xf32, #tpu.memory_space<vmem_shared>>
      tpu.enqueue_indirect_dma source(%dma_start3A_578 : memref<128x8xf32, #tpu.memory_space<vmem>>) target(%dma_start3A_584 : memref<100352x8xf32, #tpu.memory_space<vmem_shared>>) offsets(%dma_start3A_581 : memref<128xi32, #tpu.memory_space<vmem>>) semaphore(%arg17 : memref<!tpu.dma_semaphore, #tpu.memory_space<semaphore_mem>>) {add = true}
      %dma_start3A_585 = arith.constant 4 : i32
      %dma_start3A_586 = arith.constant 512 : i32
      %dma_start3A_587 = arith.constant 0 : i32
      %dma_start3A_588 = tpu.memref_slice %arg12[%dma_start3A_586, %dma_start3A_587] : memref<1024x8xf32, #tpu.memory_space<vmem>> -> memref<128x8xf32, #tpu.memory_space<vmem>>
      %dma_start3A_589 = arith.constant 0 : i32
      %dma_start3A_590 = tpu.memref_slice %arg10[%dma_start3A_585, %dma_start3A_589] : memref<8x128xi32, #tpu.memory_space<vmem>> -> memref<1x128xi32, #tpu.memory_space<vmem>>
      %dma_start3A_591 = tpu.memref_squeeze %dma_start3A_590 : memref<1x128xi32, #tpu.memory_space<vmem>> -> memref<128xi32, #tpu.memory_space<vmem>>
      %dma_start3A_592 = arith.constant 0 : i32
      %dma_start3A_593 = arith.constant 0 : i32
      %dma_start3A_594 = tpu.memref_slice %arg13[%dma_start3A_592, %dma_start3A_593] : memref<100352x8xf32, #tpu.memory_space<vmem_shared>> -> memref<100352x8xf32, #tpu.memory_space<vmem_shared>>
      tpu.enqueue_indirect_dma source(%dma_start3A_588 : memref<128x8xf32, #tpu.memory_space<vmem>>) target(%dma_start3A_594 : memref<100352x8xf32, #tpu.memory_space<vmem_shared>>) offsets(%dma_start3A_591 : memref<128xi32, #tpu.memory_space<vmem>>) semaphore(%arg17 : memref<!tpu.dma_semaphore, #tpu.memory_space<semaphore_mem>>) {add = true}
      %dma_start3A_595 = arith.constant 5 : i32
      %dma_start3A_596 = arith.constant 640 : i32
      %dma_start3A_597 = arith.constant 0 : i32
      %dma_start3A_598 = tpu.memref_slice %arg12[%dma_start3A_596, %dma_start3A_597] : memref<1024x8xf32, #tpu.memory_space<vmem>> -> memref<128x8xf32, #tpu.memory_space<vmem>>
      %dma_start3A_599 = arith.constant 0 : i32
      %dma_start3A_600 = tpu.memref_slice %arg10[%dma_start3A_595, %dma_start3A_599] : memref<8x128xi32, #tpu.memory_space<vmem>> -> memref<1x128xi32, #tpu.memory_space<vmem>>
      %dma_start3A_601 = tpu.memref_squeeze %dma_start3A_600 : memref<1x128xi32, #tpu.memory_space<vmem>> -> memref<128xi32, #tpu.memory_space<vmem>>
      %dma_start3A_602 = arith.constant 0 : i32
      %dma_start3A_603 = arith.constant 0 : i32
      %dma_start3A_604 = tpu.memref_slice %arg13[%dma_start3A_602, %dma_start3A_603] : memref<100352x8xf32, #tpu.memory_space<vmem_shared>> -> memref<100352x8xf32, #tpu.memory_space<vmem_shared>>
      tpu.enqueue_indirect_dma source(%dma_start3A_598 : memref<128x8xf32, #tpu.memory_space<vmem>>) target(%dma_start3A_604 : memref<100352x8xf32, #tpu.memory_space<vmem_shared>>) offsets(%dma_start3A_601 : memref<128xi32, #tpu.memory_space<vmem>>) semaphore(%arg17 : memref<!tpu.dma_semaphore, #tpu.memory_space<semaphore_mem>>) {add = true}
      %dma_start3A_605 = arith.constant 6 : i32
      %dma_start3A_606 = arith.constant 768 : i32
      %dma_start3A_607 = arith.constant 0 : i32
      %dma_start3A_608 = tpu.memref_slice %arg12[%dma_start3A_606, %dma_start3A_607] : memref<1024x8xf32, #tpu.memory_space<vmem>> -> memref<128x8xf32, #tpu.memory_space<vmem>>
      %dma_start3A_609 = arith.constant 0 : i32
      %dma_start3A_610 = tpu.memref_slice %arg10[%dma_start3A_605, %dma_start3A_609] : memref<8x128xi32, #tpu.memory_space<vmem>> -> memref<1x128xi32, #tpu.memory_space<vmem>>
      %dma_start3A_611 = tpu.memref_squeeze %dma_start3A_610 : memref<1x128xi32, #tpu.memory_space<vmem>> -> memref<128xi32, #tpu.memory_space<vmem>>
      %dma_start3A_612 = arith.constant 0 : i32
      %dma_start3A_613 = arith.constant 0 : i32
      %dma_start3A_614 = tpu.memref_slice %arg13[%dma_start3A_612, %dma_start3A_613] : memref<100352x8xf32, #tpu.memory_space<vmem_shared>> -> memref<100352x8xf32, #tpu.memory_space<vmem_shared>>
      tpu.enqueue_indirect_dma source(%dma_start3A_608 : memref<128x8xf32, #tpu.memory_space<vmem>>) target(%dma_start3A_614 : memref<100352x8xf32, #tpu.memory_space<vmem_shared>>) offsets(%dma_start3A_611 : memref<128xi32, #tpu.memory_space<vmem>>) semaphore(%arg17 : memref<!tpu.dma_semaphore, #tpu.memory_space<semaphore_mem>>) {add = true}
      %dma_start3A_615 = arith.constant 7 : i32
      %dma_start3A_616 = arith.constant 896 : i32
      %dma_start3A_617 = arith.constant 0 : i32
      %dma_start3A_618 = tpu.memref_slice %arg12[%dma_start3A_616, %dma_start3A_617] : memref<1024x8xf32, #tpu.memory_space<vmem>> -> memref<128x8xf32, #tpu.memory_space<vmem>>
      %dma_start3A_619 = arith.constant 0 : i32
      %dma_start3A_620 = tpu.memref_slice %arg10[%dma_start3A_615, %dma_start3A_619] : memref<8x128xi32, #tpu.memory_space<vmem>> -> memref<1x128xi32, #tpu.memory_space<vmem>>
      %dma_start3A_621 = tpu.memref_squeeze %dma_start3A_620 : memref<1x128xi32, #tpu.memory_space<vmem>> -> memref<128xi32, #tpu.memory_space<vmem>>
      %dma_start3A_622 = arith.constant 0 : i32
      %dma_start3A_623 = arith.constant 0 : i32
      %dma_start3A_624 = tpu.memref_slice %arg13[%dma_start3A_622, %dma_start3A_623] : memref<100352x8xf32, #tpu.memory_space<vmem_shared>> -> memref<100352x8xf32, #tpu.memory_space<vmem_shared>>
      tpu.enqueue_indirect_dma source(%dma_start3A_618 : memref<128x8xf32, #tpu.memory_space<vmem>>) target(%dma_start3A_624 : memref<100352x8xf32, #tpu.memory_space<vmem_shared>>) offsets(%dma_start3A_621 : memref<128xi32, #tpu.memory_space<vmem>>) semaphore(%arg17 : memref<!tpu.dma_semaphore, #tpu.memory_space<semaphore_mem>>) {add = true}
    }
    %scan3A_168 = arith.constant 98 : i32
    %dma_wait3A = arith.constant 0 : i32
    %dma_wait3A_169 = arith.constant 0 : i32
    %dma_wait3A_170 = tpu.memref_slice %arg2[%dma_wait3A, %dma_wait3A_169] : memref<100352x8xf32, #tpu.memory_space<hbm>> -> memref<1024x8xf32, #tpu.memory_space<hbm>>
    %dma_wait3A_171 = arith.constant 0 : i32
    %dma_wait3A_172 = arith.constant 0 : i32
    %dma_wait3A_173 = tpu.memref_slice %arg2[%dma_wait3A_171, %dma_wait3A_172] : memref<100352x8xf32, #tpu.memory_space<hbm>> -> memref<1024x8xf32, #tpu.memory_space<hbm>>
    tpu.wait_dma2 semaphore(%arg14 : memref<!tpu.dma_semaphore, #tpu.memory_space<semaphore_mem>>) src(%dma_wait3A_173 : memref<1024x8xf32, #tpu.memory_space<hbm>>) dst(%arg11 : memref<1024x8xf32, #tpu.memory_space<vmem>>)
    %dma_wait3A_174 = arith.constant 0 : i32
    %dma_wait3A_175 = arith.constant 0 : i32
    %dma_wait3A_176 = tpu.memref_slice %arg2[%dma_wait3A_174, %dma_wait3A_175] : memref<100352x8xf32, #tpu.memory_space<hbm>> -> memref<1024x8xf32, #tpu.memory_space<hbm>>
    %dma_wait3A_177 = arith.constant 0 : i32
    %dma_wait3A_178 = arith.constant 0 : i32
    %dma_wait3A_179 = tpu.memref_slice %arg2[%dma_wait3A_177, %dma_wait3A_178] : memref<100352x8xf32, #tpu.memory_space<hbm>> -> memref<1024x8xf32, #tpu.memory_space<hbm>>
    tpu.wait_dma2 semaphore(%arg17 : memref<!tpu.dma_semaphore, #tpu.memory_space<semaphore_mem>>) src(%dma_wait3A_179 : memref<1024x8xf32, #tpu.memory_space<hbm>>) dst(%arg12 : memref<1024x8xf32, #tpu.memory_space<vmem>>)
    %barrier3A_180 = arith.constant 0 : index
    tpu.barrier barrier_id(%barrier3A_180)
    %mul3A_181 = arith.constant 6272 : i32
    %mul3A_182 = arith.muli %arg1, %mul3A_181 : i32
    %mul3A_183 = arith.constant 100352 : i32
    %mul3A_184 = arith.muli %arg0, %mul3A_183 : i32
    %mul3A_185 = arith.constant 6272 : i32
    %mul3A_186 = arith.muli %arg1, %mul3A_185 : i32
    %add3A_187 = arith.addi %mul3A_184, %mul3A_186 : i32
    "tpu.region"() ({
      %run_scoped3A = tpu.sem_alloc : memref<!tpu.dma_semaphore, #tpu.memory_space<semaphore_mem>>
      %dma_start3A_188 = arith.constant 0 : i32
      %dma_start3A_189 = tpu.memref_slice %arg6[%add3A_187, %dma_start3A_188] : memref<200704x8xf32, #tpu.memory_space<hbm>> -> memref<6272x8xf32, #tpu.memory_space<hbm>>
      %dma_start3A_190 = arith.constant 0 : i32
      %dma_start3A_191 = tpu.memref_slice %arg13[%mul3A_182, %dma_start3A_190] : memref<100352x8xf32, #tpu.memory_space<vmem_shared>> -> memref<6272x8xf32, #tpu.memory_space<vmem_shared>>
      tpu.enqueue_dma source(%dma_start3A_191 : memref<6272x8xf32, #tpu.memory_space<vmem_shared>>) target(%dma_start3A_189 : memref<6272x8xf32, #tpu.memory_space<hbm>>) target_semaphore(%run_scoped3A : memref<!tpu.dma_semaphore, #tpu.memory_space<semaphore_mem>>)
      %dma_wait3A_192 = arith.constant 0 : i32
      %dma_wait3A_193 = tpu.memref_slice %arg6[%add3A_187, %dma_wait3A_192] : memref<200704x8xf32, #tpu.memory_space<hbm>> -> memref<6272x8xf32, #tpu.memory_space<hbm>>
      %dma_wait3A_194 = arith.constant 0 : i32
      %dma_wait3A_195 = tpu.memref_slice %arg13[%mul3A_182, %dma_wait3A_194] : memref<100352x8xf32, #tpu.memory_space<vmem_shared>> -> memref<6272x8xf32, #tpu.memory_space<vmem_shared>>
      tpu.wait_dma2 semaphore(%run_scoped3A : memref<!tpu.dma_semaphore, #tpu.memory_space<semaphore_mem>>) src(%dma_wait3A_195 : memref<6272x8xf32, #tpu.memory_space<vmem_shared>>) dst(%dma_wait3A_193 : memref<6272x8xf32, #tpu.memory_space<hbm>>)
      tpu.yield
    }) : () -> ()
    return
  }
}

#map = affine_map<(d0, d1) -> (0, 0)>
#map1 = affine_map<(d0, d1) -> (0)>
module attributes {stable_mosaic.version = 14 : i64} {
  func.func @body(%arg0: i32, %arg1: i32, %arg2: memref<50310x128xi32, #tpu.memory_space<hbm>>, %arg3: memref<6272xf32, #tpu.memory_space<hbm>>, %arg4: memref<200704xf32, #tpu.memory_space<hbm>>, %arg5: memref<5x128xi32, #tpu.memory_space<vmem>>, %arg6: memref<5x128xi32, #tpu.memory_space<vmem>>, %arg7: memref<128xf32, #tpu.memory_space<vmem>>, %arg8: memref<100352xf32, #tpu.memory_space<vmem_shared>>, %arg9: memref<!tpu.dma_semaphore, #tpu.memory_space<semaphore_mem>>, %arg10: memref<!tpu.dma_semaphore, #tpu.memory_space<semaphore_mem>>) attributes {dimension_semantics = [#tpu.dimension_semantics<core_parallel>, #tpu.dimension_semantics<subcore_parallel>], iteration_bounds = array<i64: 2, 16>, scalar_prefetch = 0 : i64, scratch_operands = 6 : i64, tpu.core_type = #tpu.core_type<sc_vector_subcore>, window_params = [{transform_indices = #map}, {transform_indices = #map1}, {transform_indices = #map1}]} {
    %mul3A = arith.constant 16 : i32
    %mul3A_0 = arith.muli %arg0, %mul3A : i32
    %add3A = arith.addi %mul3A_0, %arg1 : i32
    %broadcast_in_dim3A = arith.constant 1.000000e+00 : f32
    %broadcast_in_dim3A_1 = vector.broadcast %broadcast_in_dim3A : f32 to vector<16xf32>
    %swap3A = arith.constant 0 : index
    %swap3A_2 = tpu.vector_load %arg7[%swap3A] {strides = array<i32>} : memref<128xf32, #tpu.memory_space<vmem>>, vector<16xf32>,
    %swap3A_3 = vector.shape_cast %swap3A_2 : vector<16xf32> to vector<16xf32>
    %swap3A_4 = vector.shape_cast %broadcast_in_dim3A_1 : vector<16xf32> to vector<16xf32>
    tpu.vector_store %arg7[%swap3A], %swap3A_4 {strides = array<i32>} : memref<128xf32, #tpu.memory_space<vmem>>, vector<16xf32>,
    %broadcast_in_dim3A_5 = arith.constant 1.000000e+00 : f32
    %broadcast_in_dim3A_6 = vector.broadcast %broadcast_in_dim3A_5 : f32 to vector<16xf32>
    %swap3A_7 = arith.constant 16 : index
    %swap3A_8 = tpu.vector_load %arg7[%swap3A_7] {strides = array<i32>} : memref<128xf32, #tpu.memory_space<vmem>>, vector<16xf32>,
    %swap3A_9 = vector.shape_cast %swap3A_8 : vector<16xf32> to vector<16xf32>
    %swap3A_10 = vector.shape_cast %broadcast_in_dim3A_6 : vector<16xf32> to vector<16xf32>
    tpu.vector_store %arg7[%swap3A_7], %swap3A_10 {strides = array<i32>} : memref<128xf32, #tpu.memory_space<vmem>>, vector<16xf32>,
    %broadcast_in_dim3A_11 = arith.constant 1.000000e+00 : f32
    %broadcast_in_dim3A_12 = vector.broadcast %broadcast_in_dim3A_11 : f32 to vector<16xf32>
    %swap3A_13 = arith.constant 32 : index
    %swap3A_14 = tpu.vector_load %arg7[%swap3A_13] {strides = array<i32>} : memref<128xf32, #tpu.memory_space<vmem>>, vector<16xf32>,
    %swap3A_15 = vector.shape_cast %swap3A_14 : vector<16xf32> to vector<16xf32>
    %swap3A_16 = vector.shape_cast %broadcast_in_dim3A_12 : vector<16xf32> to vector<16xf32>
    tpu.vector_store %arg7[%swap3A_13], %swap3A_16 {strides = array<i32>} : memref<128xf32, #tpu.memory_space<vmem>>, vector<16xf32>,
    %broadcast_in_dim3A_17 = arith.constant 1.000000e+00 : f32
    %broadcast_in_dim3A_18 = vector.broadcast %broadcast_in_dim3A_17 : f32 to vector<16xf32>
    %swap3A_19 = arith.constant 48 : index
    %swap3A_20 = tpu.vector_load %arg7[%swap3A_19] {strides = array<i32>} : memref<128xf32, #tpu.memory_space<vmem>>, vector<16xf32>,
    %swap3A_21 = vector.shape_cast %swap3A_20 : vector<16xf32> to vector<16xf32>
    %swap3A_22 = vector.shape_cast %broadcast_in_dim3A_18 : vector<16xf32> to vector<16xf32>
    tpu.vector_store %arg7[%swap3A_19], %swap3A_22 {strides = array<i32>} : memref<128xf32, #tpu.memory_space<vmem>>, vector<16xf32>,
    %broadcast_in_dim3A_23 = arith.constant 1.000000e+00 : f32
    %broadcast_in_dim3A_24 = vector.broadcast %broadcast_in_dim3A_23 : f32 to vector<16xf32>
    %swap3A_25 = arith.constant 64 : index
    %swap3A_26 = tpu.vector_load %arg7[%swap3A_25] {strides = array<i32>} : memref<128xf32, #tpu.memory_space<vmem>>, vector<16xf32>,
    %swap3A_27 = vector.shape_cast %swap3A_26 : vector<16xf32> to vector<16xf32>
    %swap3A_28 = vector.shape_cast %broadcast_in_dim3A_24 : vector<16xf32> to vector<16xf32>
    tpu.vector_store %arg7[%swap3A_25], %swap3A_28 {strides = array<i32>} : memref<128xf32, #tpu.memory_space<vmem>>, vector<16xf32>,
    %broadcast_in_dim3A_29 = arith.constant 1.000000e+00 : f32
    %broadcast_in_dim3A_30 = vector.broadcast %broadcast_in_dim3A_29 : f32 to vector<16xf32>
    %swap3A_31 = arith.constant 80 : index
    %swap3A_32 = tpu.vector_load %arg7[%swap3A_31] {strides = array<i32>} : memref<128xf32, #tpu.memory_space<vmem>>, vector<16xf32>,
    %swap3A_33 = vector.shape_cast %swap3A_32 : vector<16xf32> to vector<16xf32>
    %swap3A_34 = vector.shape_cast %broadcast_in_dim3A_30 : vector<16xf32> to vector<16xf32>
    tpu.vector_store %arg7[%swap3A_31], %swap3A_34 {strides = array<i32>} : memref<128xf32, #tpu.memory_space<vmem>>, vector<16xf32>,
    %broadcast_in_dim3A_35 = arith.constant 1.000000e+00 : f32
    %broadcast_in_dim3A_36 = vector.broadcast %broadcast_in_dim3A_35 : f32 to vector<16xf32>
    %swap3A_37 = arith.constant 96 : index
    %swap3A_38 = tpu.vector_load %arg7[%swap3A_37] {strides = array<i32>} : memref<128xf32, #tpu.memory_space<vmem>>, vector<16xf32>,
    %swap3A_39 = vector.shape_cast %swap3A_38 : vector<16xf32> to vector<16xf32>
    %swap3A_40 = vector.shape_cast %broadcast_in_dim3A_36 : vector<16xf32> to vector<16xf32>
    tpu.vector_store %arg7[%swap3A_37], %swap3A_40 {strides = array<i32>} : memref<128xf32, #tpu.memory_space<vmem>>, vector<16xf32>,
    %broadcast_in_dim3A_41 = arith.constant 1.000000e+00 : f32
    %broadcast_in_dim3A_42 = vector.broadcast %broadcast_in_dim3A_41 : f32 to vector<16xf32>
    %swap3A_43 = arith.constant 112 : index
    %swap3A_44 = tpu.vector_load %arg7[%swap3A_43] {strides = array<i32>} : memref<128xf32, #tpu.memory_space<vmem>>, vector<16xf32>,
    %swap3A_45 = vector.shape_cast %swap3A_44 : vector<16xf32> to vector<16xf32>
    %swap3A_46 = vector.shape_cast %broadcast_in_dim3A_42 : vector<16xf32> to vector<16xf32>
    tpu.vector_store %arg7[%swap3A_43], %swap3A_46 {strides = array<i32>} : memref<128xf32, #tpu.memory_space<vmem>>, vector<16xf32>,
    %mul3A_47 = arith.constant 6272 : i32
    %mul3A_48 = arith.muli %arg1, %mul3A_47 : i32
    "tpu.region"() ({
      %run_scoped3A = tpu.sem_alloc : memref<!tpu.dma_semaphore, #tpu.memory_space<semaphore_mem>>
      %dma_start3A_112 = tpu.memref_slice %arg8[%mul3A_48] : memref<100352xf32, #tpu.memory_space<vmem_shared>> -> memref<6272xf32, #tpu.memory_space<vmem_shared>>
      tpu.enqueue_dma source(%arg3 : memref<6272xf32, #tpu.memory_space<hbm>>) target(%dma_start3A_112 : memref<6272xf32, #tpu.memory_space<vmem_shared>>) target_semaphore(%run_scoped3A : memref<!tpu.dma_semaphore, #tpu.memory_space<semaphore_mem>>)
      %dma_wait3A_113 = tpu.memref_slice %arg8[%mul3A_48] : memref<100352xf32, #tpu.memory_space<vmem_shared>> -> memref<6272xf32, #tpu.memory_space<vmem_shared>>
      tpu.wait_dma2 semaphore(%run_scoped3A : memref<!tpu.dma_semaphore, #tpu.memory_space<semaphore_mem>>) src(%arg3 : memref<6272xf32, #tpu.memory_space<hbm>>) dst(%dma_wait3A_113 : memref<6272xf32, #tpu.memory_space<vmem_shared>>)
      tpu.yield
    }) : () -> ()
    %barrier3A = arith.constant 0 : index
    tpu.barrier barrier_id(%barrier3A)
    "tpu.region"() ({
      %run_scoped3A = tpu.sem_alloc : memref<!tpu.dma_semaphore, #tpu.memory_space<semaphore_mem>>
      %dma_start3A_112 = arith.constant 50240 : i32
      %dma_start3A_113 = arith.constant 0 : i32
      %dma_start3A_114 = tpu.memref_slice %arg2[%dma_start3A_112, %dma_start3A_113] : memref<50310x128xi32, #tpu.memory_space<hbm>> -> memref<5x128xi32, #tpu.memory_space<hbm>>
      %dma_start3A_115 = arith.constant 50240 : i32
      %dma_start3A_116 = arith.constant 0 : i32
      %dma_start3A_117 = tpu.memref_slice %arg2[%dma_start3A_115, %dma_start3A_116] : memref<50310x128xi32, #tpu.memory_space<hbm>> -> memref<5x128xi32, #tpu.memory_space<hbm>>
      tpu.enqueue_dma source(%dma_start3A_117 : memref<5x128xi32, #tpu.memory_space<hbm>>) target(%arg6 : memref<5x128xi32, #tpu.memory_space<vmem>>) target_semaphore(%run_scoped3A : memref<!tpu.dma_semaphore, #tpu.memory_space<semaphore_mem>>)
      %dma_wait3A_118 = arith.constant 50240 : i32
      %dma_wait3A_119 = arith.constant 0 : i32
      %dma_wait3A_120 = tpu.memref_slice %arg2[%dma_wait3A_118, %dma_wait3A_119] : memref<50310x128xi32, #tpu.memory_space<hbm>> -> memref<5x128xi32, #tpu.memory_space<hbm>>
      %dma_wait3A_121 = arith.constant 50240 : i32
      %dma_wait3A_122 = arith.constant 0 : i32
      %dma_wait3A_123 = tpu.memref_slice %arg2[%dma_wait3A_121, %dma_wait3A_122] : memref<50310x128xi32, #tpu.memory_space<hbm>> -> memref<5x128xi32, #tpu.memory_space<hbm>>
      tpu.wait_dma2 semaphore(%run_scoped3A : memref<!tpu.dma_semaphore, #tpu.memory_space<semaphore_mem>>) src(%dma_wait3A_123 : memref<5x128xi32, #tpu.memory_space<hbm>>) dst(%arg6 : memref<5x128xi32, #tpu.memory_space<vmem>>)
      tpu.yield
    }) : () -> ()
    %dma_start3A = arith.constant 0 : i32
    %dma_start3A_49 = arith.constant 0 : i32
    %dma_start3A_50 = tpu.memref_slice %arg6[%dma_start3A, %dma_start3A_49] : memref<5x128xi32, #tpu.memory_space<vmem>> -> memref<1x128xi32, #tpu.memory_space<vmem>>
    %dma_start3A_51 = tpu.memref_squeeze %dma_start3A_50 : memref<1x128xi32, #tpu.memory_space<vmem>> -> memref<128xi32, #tpu.memory_space<vmem>>
    %dma_start3A_52 = arith.constant 0 : i32
    %dma_start3A_53 = tpu.memref_slice %arg8[%dma_start3A_52] : memref<100352xf32, #tpu.memory_space<vmem_shared>> -> memref<100352xf32, #tpu.memory_space<vmem_shared>>
    tpu.enqueue_indirect_dma source(%arg7 : memref<128xf32, #tpu.memory_space<vmem>>) target(%dma_start3A_53 : memref<100352xf32, #tpu.memory_space<vmem_shared>>) offsets(%dma_start3A_51 : memref<128xi32, #tpu.memory_space<vmem>>) semaphore(%arg10 : memref<!tpu.dma_semaphore, #tpu.memory_space<semaphore_mem>>) {add = true}
    %dma_start3A_54 = arith.constant 1 : i32
    %dma_start3A_55 = arith.constant 0 : i32
    %dma_start3A_56 = tpu.memref_slice %arg6[%dma_start3A_54, %dma_start3A_55] : memref<5x128xi32, #tpu.memory_space<vmem>> -> memref<1x128xi32, #tpu.memory_space<vmem>>
    %dma_start3A_57 = tpu.memref_squeeze %dma_start3A_56 : memref<1x128xi32, #tpu.memory_space<vmem>> -> memref<128xi32, #tpu.memory_space<vmem>>
    %dma_start3A_58 = arith.constant 0 : i32
    %dma_start3A_59 = tpu.memref_slice %arg8[%dma_start3A_58] : memref<100352xf32, #tpu.memory_space<vmem_shared>> -> memref<100352xf32, #tpu.memory_space<vmem_shared>>
    tpu.enqueue_indirect_dma source(%arg7 : memref<128xf32, #tpu.memory_space<vmem>>) target(%dma_start3A_59 : memref<100352xf32, #tpu.memory_space<vmem_shared>>) offsets(%dma_start3A_57 : memref<128xi32, #tpu.memory_space<vmem>>) semaphore(%arg10 : memref<!tpu.dma_semaphore, #tpu.memory_space<semaphore_mem>>) {add = true}
    %dma_start3A_60 = arith.constant 2 : i32
    %dma_start3A_61 = arith.constant 0 : i32
    %dma_start3A_62 = tpu.memref_slice %arg6[%dma_start3A_60, %dma_start3A_61] : memref<5x128xi32, #tpu.memory_space<vmem>> -> memref<1x128xi32, #tpu.memory_space<vmem>>
    %dma_start3A_63 = tpu.memref_squeeze %dma_start3A_62 : memref<1x128xi32, #tpu.memory_space<vmem>> -> memref<128xi32, #tpu.memory_space<vmem>>
    %dma_start3A_64 = arith.constant 0 : i32
    %dma_start3A_65 = tpu.memref_slice %arg8[%dma_start3A_64] : memref<100352xf32, #tpu.memory_space<vmem_shared>> -> memref<100352xf32, #tpu.memory_space<vmem_shared>>
    tpu.enqueue_indirect_dma source(%arg7 : memref<128xf32, #tpu.memory_space<vmem>>) target(%dma_start3A_65 : memref<100352xf32, #tpu.memory_space<vmem_shared>>) offsets(%dma_start3A_63 : memref<128xi32, #tpu.memory_space<vmem>>) semaphore(%arg10 : memref<!tpu.dma_semaphore, #tpu.memory_space<semaphore_mem>>) {add = true}
    %dma_start3A_66 = arith.constant 3 : i32
    %dma_start3A_67 = arith.constant 0 : i32
    %dma_start3A_68 = tpu.memref_slice %arg6[%dma_start3A_66, %dma_start3A_67] : memref<5x128xi32, #tpu.memory_space<vmem>> -> memref<1x128xi32, #tpu.memory_space<vmem>>
    %dma_start3A_69 = tpu.memref_squeeze %dma_start3A_68 : memref<1x128xi32, #tpu.memory_space<vmem>> -> memref<128xi32, #tpu.memory_space<vmem>>
    %dma_start3A_70 = arith.constant 0 : i32
    %dma_start3A_71 = tpu.memref_slice %arg8[%dma_start3A_70] : memref<100352xf32, #tpu.memory_space<vmem_shared>> -> memref<100352xf32, #tpu.memory_space<vmem_shared>>
    tpu.enqueue_indirect_dma source(%arg7 : memref<128xf32, #tpu.memory_space<vmem>>) target(%dma_start3A_71 : memref<100352xf32, #tpu.memory_space<vmem_shared>>) offsets(%dma_start3A_69 : memref<128xi32, #tpu.memory_space<vmem>>) semaphore(%arg10 : memref<!tpu.dma_semaphore, #tpu.memory_space<semaphore_mem>>) {add = true}
    %dma_start3A_72 = arith.constant 4 : i32
    %dma_start3A_73 = arith.constant 0 : i32
    %dma_start3A_74 = tpu.memref_slice %arg6[%dma_start3A_72, %dma_start3A_73] : memref<5x128xi32, #tpu.memory_space<vmem>> -> memref<1x128xi32, #tpu.memory_space<vmem>>
    %dma_start3A_75 = tpu.memref_squeeze %dma_start3A_74 : memref<1x128xi32, #tpu.memory_space<vmem>> -> memref<128xi32, #tpu.memory_space<vmem>>
    %dma_start3A_76 = arith.constant 0 : i32
    %dma_start3A_77 = tpu.memref_slice %arg8[%dma_start3A_76] : memref<100352xf32, #tpu.memory_space<vmem_shared>> -> memref<100352xf32, #tpu.memory_space<vmem_shared>>
    tpu.enqueue_indirect_dma source(%arg7 : memref<128xf32, #tpu.memory_space<vmem>>) target(%dma_start3A_77 : memref<100352xf32, #tpu.memory_space<vmem_shared>>) offsets(%dma_start3A_75 : memref<128xi32, #tpu.memory_space<vmem>>) semaphore(%arg10 : memref<!tpu.dma_semaphore, #tpu.memory_space<semaphore_mem>>) {add = true}
    %mul3A_78 = arith.constant 1570 : i32
    %mul3A_79 = arith.muli %add3A, %mul3A_78 : i32
    "tpu.region"() ({
      %run_scoped3A = tpu.sem_alloc : memref<!tpu.dma_semaphore, #tpu.memory_space<semaphore_mem>>
      %dma_start3A_112 = arith.constant 0 : i32
      %dma_start3A_113 = tpu.memref_slice %arg2[%mul3A_79, %dma_start3A_112] : memref<50310x128xi32, #tpu.memory_space<hbm>> -> memref<5x128xi32, #tpu.memory_space<hbm>>
      %dma_start3A_114 = arith.constant 0 : i32
      %dma_start3A_115 = tpu.memref_slice %arg2[%mul3A_79, %dma_start3A_114] : memref<50310x128xi32, #tpu.memory_space<hbm>> -> memref<5x128xi32, #tpu.memory_space<hbm>>
      tpu.enqueue_dma source(%dma_start3A_115 : memref<5x128xi32, #tpu.memory_space<hbm>>) target(%arg5 : memref<5x128xi32, #tpu.memory_space<vmem>>) target_semaphore(%run_scoped3A : memref<!tpu.dma_semaphore, #tpu.memory_space<semaphore_mem>>)
      %dma_wait3A_116 = arith.constant 0 : i32
      %dma_wait3A_117 = tpu.memref_slice %arg2[%mul3A_79, %dma_wait3A_116] : memref<50310x128xi32, #tpu.memory_space<hbm>> -> memref<5x128xi32, #tpu.memory_space<hbm>>
      %dma_wait3A_118 = arith.constant 0 : i32
      %dma_wait3A_119 = tpu.memref_slice %arg2[%mul3A_79, %dma_wait3A_118] : memref<50310x128xi32, #tpu.memory_space<hbm>> -> memref<5x128xi32, #tpu.memory_space<hbm>>
      tpu.wait_dma2 semaphore(%run_scoped3A : memref<!tpu.dma_semaphore, #tpu.memory_space<semaphore_mem>>) src(%dma_wait3A_119 : memref<5x128xi32, #tpu.memory_space<hbm>>) dst(%arg5 : memref<5x128xi32, #tpu.memory_space<vmem>>)
      tpu.yield
    }) : () -> ()
    %scan3A = arith.constant 0 : i32
    %scan3A_80 = arith.constant 0 : i32
    %scan3A_81 = arith.constant 157 : i32
    %scan3A_82 = arith.addi %scan3A_80, %scan3A_81 : i32
    %scan3A_83 = arith.constant 1 : i32
    scf.for %scan3A_112 = %scan3A_80 to %scan3A_82 step %scan3A_83  : i32 {
      %mul3A_113 = arith.constant 1570 : i32
      %mul3A_114 = arith.muli %add3A, %mul3A_113 : i32
      %mul3A_115 = arith.constant 2 : i32
      %mul3A_116 = arith.muli %mul3A_115, %scan3A_112 : i32
      %mul3A_117 = arith.constant 5 : i32
      %mul3A_118 = arith.muli %mul3A_116, %mul3A_117 : i32
      %add3A_119 = arith.addi %mul3A_114, %mul3A_118 : i32
      %dma_start3A_120 = arith.constant 0 : i32
      %dma_start3A_121 = arith.constant 0 : i32
      %dma_start3A_122 = tpu.memref_slice %arg5[%dma_start3A_120, %dma_start3A_121] : memref<5x128xi32, #tpu.memory_space<vmem>> -> memref<1x128xi32, #tpu.memory_space<vmem>>
      %dma_start3A_123 = tpu.memref_squeeze %dma_start3A_122 : memref<1x128xi32, #tpu.memory_space<vmem>> -> memref<128xi32, #tpu.memory_space<vmem>>
      %dma_start3A_124 = arith.constant 0 : i32
      %dma_start3A_125 = tpu.memref_slice %arg8[%dma_start3A_124] : memref<100352xf32, #tpu.memory_space<vmem_shared>> -> memref<100352xf32, #tpu.memory_space<vmem_shared>>
      tpu.enqueue_indirect_dma source(%arg7 : memref<128xf32, #tpu.memory_space<vmem>>) target(%dma_start3A_125 : memref<100352xf32, #tpu.memory_space<vmem_shared>>) offsets(%dma_start3A_123 : memref<128xi32, #tpu.memory_space<vmem>>) semaphore(%arg9 : memref<!tpu.dma_semaphore, #tpu.memory_space<semaphore_mem>>) {add = true}
      %dma_start3A_126 = arith.constant 1 : i32
      %dma_start3A_127 = arith.constant 0 : i32
      %dma_start3A_128 = tpu.memref_slice %arg5[%dma_start3A_126, %dma_start3A_127] : memref<5x128xi32, #tpu.memory_space<vmem>> -> memref<1x128xi32, #tpu.memory_space<vmem>>
      %dma_start3A_129 = tpu.memref_squeeze %dma_start3A_128 : memref<1x128xi32, #tpu.memory_space<vmem>> -> memref<128xi32, #tpu.memory_space<vmem>>
      %dma_start3A_130 = arith.constant 0 : i32
      %dma_start3A_131 = tpu.memref_slice %arg8[%dma_start3A_130] : memref<100352xf32, #tpu.memory_space<vmem_shared>> -> memref<100352xf32, #tpu.memory_space<vmem_shared>>
      tpu.enqueue_indirect_dma source(%arg7 : memref<128xf32, #tpu.memory_space<vmem>>) target(%dma_start3A_131 : memref<100352xf32, #tpu.memory_space<vmem_shared>>) offsets(%dma_start3A_129 : memref<128xi32, #tpu.memory_space<vmem>>) semaphore(%arg9 : memref<!tpu.dma_semaphore, #tpu.memory_space<semaphore_mem>>) {add = true}
      %dma_start3A_132 = arith.constant 2 : i32
      %dma_start3A_133 = arith.constant 0 : i32
      %dma_start3A_134 = tpu.memref_slice %arg5[%dma_start3A_132, %dma_start3A_133] : memref<5x128xi32, #tpu.memory_space<vmem>> -> memref<1x128xi32, #tpu.memory_space<vmem>>
      %dma_start3A_135 = tpu.memref_squeeze %dma_start3A_134 : memref<1x128xi32, #tpu.memory_space<vmem>> -> memref<128xi32, #tpu.memory_space<vmem>>
      %dma_start3A_136 = arith.constant 0 : i32
      %dma_start3A_137 = tpu.memref_slice %arg8[%dma_start3A_136] : memref<100352xf32, #tpu.memory_space<vmem_shared>> -> memref<100352xf32, #tpu.memory_space<vmem_shared>>
      tpu.enqueue_indirect_dma source(%arg7 : memref<128xf32, #tpu.memory_space<vmem>>) target(%dma_start3A_137 : memref<100352xf32, #tpu.memory_space<vmem_shared>>) offsets(%dma_start3A_135 : memref<128xi32, #tpu.memory_space<vmem>>) semaphore(%arg9 : memref<!tpu.dma_semaphore, #tpu.memory_space<semaphore_mem>>) {add = true}
      %dma_start3A_138 = arith.constant 3 : i32
      %dma_start3A_139 = arith.constant 0 : i32
      %dma_start3A_140 = tpu.memref_slice %arg5[%dma_start3A_138, %dma_start3A_139] : memref<5x128xi32, #tpu.memory_space<vmem>> -> memref<1x128xi32, #tpu.memory_space<vmem>>
      %dma_start3A_141 = tpu.memref_squeeze %dma_start3A_140 : memref<1x128xi32, #tpu.memory_space<vmem>> -> memref<128xi32, #tpu.memory_space<vmem>>
      %dma_start3A_142 = arith.constant 0 : i32
      %dma_start3A_143 = tpu.memref_slice %arg8[%dma_start3A_142] : memref<100352xf32, #tpu.memory_space<vmem_shared>> -> memref<100352xf32, #tpu.memory_space<vmem_shared>>
      tpu.enqueue_indirect_dma source(%arg7 : memref<128xf32, #tpu.memory_space<vmem>>) target(%dma_start3A_143 : memref<100352xf32, #tpu.memory_space<vmem_shared>>) offsets(%dma_start3A_141 : memref<128xi32, #tpu.memory_space<vmem>>) semaphore(%arg9 : memref<!tpu.dma_semaphore, #tpu.memory_space<semaphore_mem>>) {add = true}
      %dma_start3A_144 = arith.constant 4 : i32
      %dma_start3A_145 = arith.constant 0 : i32
      %dma_start3A_146 = tpu.memref_slice %arg5[%dma_start3A_144, %dma_start3A_145] : memref<5x128xi32, #tpu.memory_space<vmem>> -> memref<1x128xi32, #tpu.memory_space<vmem>>
      %dma_start3A_147 = tpu.memref_squeeze %dma_start3A_146 : memref<1x128xi32, #tpu.memory_space<vmem>> -> memref<128xi32, #tpu.memory_space<vmem>>
      %dma_start3A_148 = arith.constant 0 : i32
      %dma_start3A_149 = tpu.memref_slice %arg8[%dma_start3A_148] : memref<100352xf32, #tpu.memory_space<vmem_shared>> -> memref<100352xf32, #tpu.memory_space<vmem_shared>>
      tpu.enqueue_indirect_dma source(%arg7 : memref<128xf32, #tpu.memory_space<vmem>>) target(%dma_start3A_149 : memref<100352xf32, #tpu.memory_space<vmem_shared>>) offsets(%dma_start3A_147 : memref<128xi32, #tpu.memory_space<vmem>>) semaphore(%arg9 : memref<!tpu.dma_semaphore, #tpu.memory_space<semaphore_mem>>) {add = true}
      %dma_wait3A_150 = arith.constant 0 : i32
      %dma_wait3A_151 = tpu.memref_slice %arg3[%dma_wait3A_150] : memref<6272xf32, #tpu.memory_space<hbm>> -> memref<128xf32, #tpu.memory_space<hbm>>
      %dma_wait3A_152 = arith.constant 0 : i32
      %dma_wait3A_153 = tpu.memref_slice %arg3[%dma_wait3A_152] : memref<6272xf32, #tpu.memory_space<hbm>> -> memref<128xf32, #tpu.memory_space<hbm>>
      tpu.wait_dma2 semaphore(%arg10 : memref<!tpu.dma_semaphore, #tpu.memory_space<semaphore_mem>>) src(%dma_wait3A_153 : memref<128xf32, #tpu.memory_space<hbm>>) dst(%arg7 : memref<128xf32, #tpu.memory_space<vmem>>)
      %dma_wait3A_154 = arith.constant 0 : i32
      %dma_wait3A_155 = tpu.memref_slice %arg3[%dma_wait3A_154] : memref<6272xf32, #tpu.memory_space<hbm>> -> memref<128xf32, #tpu.memory_space<hbm>>
      %dma_wait3A_156 = arith.constant 0 : i32
      %dma_wait3A_157 = tpu.memref_slice %arg3[%dma_wait3A_156] : memref<6272xf32, #tpu.memory_space<hbm>> -> memref<128xf32, #tpu.memory_space<hbm>>
      tpu.wait_dma2 semaphore(%arg10 : memref<!tpu.dma_semaphore, #tpu.memory_space<semaphore_mem>>) src(%dma_wait3A_157 : memref<128xf32, #tpu.memory_space<hbm>>) dst(%arg7 : memref<128xf32, #tpu.memory_space<vmem>>)
      %dma_wait3A_158 = arith.constant 0 : i32
      %dma_wait3A_159 = tpu.memref_slice %arg3[%dma_wait3A_158] : memref<6272xf32, #tpu.memory_space<hbm>> -> memref<128xf32, #tpu.memory_space<hbm>>
      %dma_wait3A_160 = arith.constant 0 : i32
      %dma_wait3A_161 = tpu.memref_slice %arg3[%dma_wait3A_160] : memref<6272xf32, #tpu.memory_space<hbm>> -> memref<128xf32, #tpu.memory_space<hbm>>
      tpu.wait_dma2 semaphore(%arg10 : memref<!tpu.dma_semaphore, #tpu.memory_space<semaphore_mem>>) src(%dma_wait3A_161 : memref<128xf32, #tpu.memory_space<hbm>>) dst(%arg7 : memref<128xf32, #tpu.memory_space<vmem>>)
      %dma_wait3A_162 = arith.constant 0 : i32
      %dma_wait3A_163 = tpu.memref_slice %arg3[%dma_wait3A_162] : memref<6272xf32, #tpu.memory_space<hbm>> -> memref<128xf32, #tpu.memory_space<hbm>>
      %dma_wait3A_164 = arith.constant 0 : i32
      %dma_wait3A_165 = tpu.memref_slice %arg3[%dma_wait3A_164] : memref<6272xf32, #tpu.memory_space<hbm>> -> memref<128xf32, #tpu.memory_space<hbm>>
      tpu.wait_dma2 semaphore(%arg10 : memref<!tpu.dma_semaphore, #tpu.memory_space<semaphore_mem>>) src(%dma_wait3A_165 : memref<128xf32, #tpu.memory_space<hbm>>) dst(%arg7 : memref<128xf32, #tpu.memory_space<vmem>>)
      %dma_wait3A_166 = arith.constant 0 : i32
      %dma_wait3A_167 = tpu.memref_slice %arg3[%dma_wait3A_166] : memref<6272xf32, #tpu.memory_space<hbm>> -> memref<128xf32, #tpu.memory_space<hbm>>
      %dma_wait3A_168 = arith.constant 0 : i32
      %dma_wait3A_169 = tpu.memref_slice %arg3[%dma_wait3A_168] : memref<6272xf32, #tpu.memory_space<hbm>> -> memref<128xf32, #tpu.memory_space<hbm>>
      tpu.wait_dma2 semaphore(%arg10 : memref<!tpu.dma_semaphore, #tpu.memory_space<semaphore_mem>>) src(%dma_wait3A_169 : memref<128xf32, #tpu.memory_space<hbm>>) dst(%arg7 : memref<128xf32, #tpu.memory_space<vmem>>)
      %add3A_170 = arith.constant 5 : i32
      %add3A_171 = arith.addi %add3A_119, %add3A_170 : i32
      "tpu.region"() ({
        %run_scoped3A = tpu.sem_alloc : memref<!tpu.dma_semaphore, #tpu.memory_space<semaphore_mem>>
        %dma_start3A_224 = arith.constant 0 : i32
        %dma_start3A_225 = tpu.memref_slice %arg2[%add3A_171, %dma_start3A_224] : memref<50310x128xi32, #tpu.memory_space<hbm>> -> memref<5x128xi32, #tpu.memory_space<hbm>>
        %dma_start3A_226 = arith.constant 0 : i32
        %dma_start3A_227 = tpu.memref_slice %arg2[%add3A_171, %dma_start3A_226] : memref<50310x128xi32, #tpu.memory_space<hbm>> -> memref<5x128xi32, #tpu.memory_space<hbm>>
        tpu.enqueue_dma source(%dma_start3A_227 : memref<5x128xi32, #tpu.memory_space<hbm>>) target(%arg6 : memref<5x128xi32, #tpu.memory_space<vmem>>) target_semaphore(%run_scoped3A : memref<!tpu.dma_semaphore, #tpu.memory_space<semaphore_mem>>)
        %dma_wait3A_228 = arith.constant 0 : i32
        %dma_wait3A_229 = tpu.memref_slice %arg2[%add3A_171, %dma_wait3A_228] : memref<50310x128xi32, #tpu.memory_space<hbm>> -> memref<5x128xi32, #tpu.memory_space<hbm>>
        %dma_wait3A_230 = arith.constant 0 : i32
        %dma_wait3A_231 = tpu.memref_slice %arg2[%add3A_171, %dma_wait3A_230] : memref<50310x128xi32, #tpu.memory_space<hbm>> -> memref<5x128xi32, #tpu.memory_space<hbm>>
        tpu.wait_dma2 semaphore(%run_scoped3A : memref<!tpu.dma_semaphore, #tpu.memory_space<semaphore_mem>>) src(%dma_wait3A_231 : memref<5x128xi32, #tpu.memory_space<hbm>>) dst(%arg6 : memref<5x128xi32, #tpu.memory_space<vmem>>)
        tpu.yield
      }) : () -> ()
      %dma_start3A_172 = arith.constant 0 : i32
      %dma_start3A_173 = arith.constant 0 : i32
      %dma_start3A_174 = tpu.memref_slice %arg6[%dma_start3A_172, %dma_start3A_173] : memref<5x128xi32, #tpu.memory_space<vmem>> -> memref<1x128xi32, #tpu.memory_space<vmem>>
      %dma_start3A_175 = tpu.memref_squeeze %dma_start3A_174 : memref<1x128xi32, #tpu.memory_space<vmem>> -> memref<128xi32, #tpu.memory_space<vmem>>
      %dma_start3A_176 = arith.constant 0 : i32
      %dma_start3A_177 = tpu.memref_slice %arg8[%dma_start3A_176] : memref<100352xf32, #tpu.memory_space<vmem_shared>> -> memref<100352xf32, #tpu.memory_space<vmem_shared>>
      tpu.enqueue_indirect_dma source(%arg7 : memref<128xf32, #tpu.memory_space<vmem>>) target(%dma_start3A_177 : memref<100352xf32, #tpu.memory_space<vmem_shared>>) offsets(%dma_start3A_175 : memref<128xi32, #tpu.memory_space<vmem>>) semaphore(%arg10 : memref<!tpu.dma_semaphore, #tpu.memory_space<semaphore_mem>>) {add = true}
      %dma_start3A_178 = arith.constant 1 : i32
      %dma_start3A_179 = arith.constant 0 : i32
      %dma_start3A_180 = tpu.memref_slice %arg6[%dma_start3A_178, %dma_start3A_179] : memref<5x128xi32, #tpu.memory_space<vmem>> -> memref<1x128xi32, #tpu.memory_space<vmem>>
      %dma_start3A_181 = tpu.memref_squeeze %dma_start3A_180 : memref<1x128xi32, #tpu.memory_space<vmem>> -> memref<128xi32, #tpu.memory_space<vmem>>
      %dma_start3A_182 = arith.constant 0 : i32
      %dma_start3A_183 = tpu.memref_slice %arg8[%dma_start3A_182] : memref<100352xf32, #tpu.memory_space<vmem_shared>> -> memref<100352xf32, #tpu.memory_space<vmem_shared>>
      tpu.enqueue_indirect_dma source(%arg7 : memref<128xf32, #tpu.memory_space<vmem>>) target(%dma_start3A_183 : memref<100352xf32, #tpu.memory_space<vmem_shared>>) offsets(%dma_start3A_181 : memref<128xi32, #tpu.memory_space<vmem>>) semaphore(%arg10 : memref<!tpu.dma_semaphore, #tpu.memory_space<semaphore_mem>>) {add = true}
      %dma_start3A_184 = arith.constant 2 : i32
      %dma_start3A_185 = arith.constant 0 : i32
      %dma_start3A_186 = tpu.memref_slice %arg6[%dma_start3A_184, %dma_start3A_185] : memref<5x128xi32, #tpu.memory_space<vmem>> -> memref<1x128xi32, #tpu.memory_space<vmem>>
      %dma_start3A_187 = tpu.memref_squeeze %dma_start3A_186 : memref<1x128xi32, #tpu.memory_space<vmem>> -> memref<128xi32, #tpu.memory_space<vmem>>
      %dma_start3A_188 = arith.constant 0 : i32
      %dma_start3A_189 = tpu.memref_slice %arg8[%dma_start3A_188] : memref<100352xf32, #tpu.memory_space<vmem_shared>> -> memref<100352xf32, #tpu.memory_space<vmem_shared>>
      tpu.enqueue_indirect_dma source(%arg7 : memref<128xf32, #tpu.memory_space<vmem>>) target(%dma_start3A_189 : memref<100352xf32, #tpu.memory_space<vmem_shared>>) offsets(%dma_start3A_187 : memref<128xi32, #tpu.memory_space<vmem>>) semaphore(%arg10 : memref<!tpu.dma_semaphore, #tpu.memory_space<semaphore_mem>>) {add = true}
      %dma_start3A_190 = arith.constant 3 : i32
      %dma_start3A_191 = arith.constant 0 : i32
      %dma_start3A_192 = tpu.memref_slice %arg6[%dma_start3A_190, %dma_start3A_191] : memref<5x128xi32, #tpu.memory_space<vmem>> -> memref<1x128xi32, #tpu.memory_space<vmem>>
      %dma_start3A_193 = tpu.memref_squeeze %dma_start3A_192 : memref<1x128xi32, #tpu.memory_space<vmem>> -> memref<128xi32, #tpu.memory_space<vmem>>
      %dma_start3A_194 = arith.constant 0 : i32
      %dma_start3A_195 = tpu.memref_slice %arg8[%dma_start3A_194] : memref<100352xf32, #tpu.memory_space<vmem_shared>> -> memref<100352xf32, #tpu.memory_space<vmem_shared>>
      tpu.enqueue_indirect_dma source(%arg7 : memref<128xf32, #tpu.memory_space<vmem>>) target(%dma_start3A_195 : memref<100352xf32, #tpu.memory_space<vmem_shared>>) offsets(%dma_start3A_193 : memref<128xi32, #tpu.memory_space<vmem>>) semaphore(%arg10 : memref<!tpu.dma_semaphore, #tpu.memory_space<semaphore_mem>>) {add = true}
      %dma_start3A_196 = arith.constant 4 : i32
      %dma_start3A_197 = arith.constant 0 : i32
      %dma_start3A_198 = tpu.memref_slice %arg6[%dma_start3A_196, %dma_start3A_197] : memref<5x128xi32, #tpu.memory_space<vmem>> -> memref<1x128xi32, #tpu.memory_space<vmem>>
      %dma_start3A_199 = tpu.memref_squeeze %dma_start3A_198 : memref<1x128xi32, #tpu.memory_space<vmem>> -> memref<128xi32, #tpu.memory_space<vmem>>
      %dma_start3A_200 = arith.constant 0 : i32
      %dma_start3A_201 = tpu.memref_slice %arg8[%dma_start3A_200] : memref<100352xf32, #tpu.memory_space<vmem_shared>> -> memref<100352xf32, #tpu.memory_space<vmem_shared>>
      tpu.enqueue_indirect_dma source(%arg7 : memref<128xf32, #tpu.memory_space<vmem>>) target(%dma_start3A_201 : memref<100352xf32, #tpu.memory_space<vmem_shared>>) offsets(%dma_start3A_199 : memref<128xi32, #tpu.memory_space<vmem>>) semaphore(%arg10 : memref<!tpu.dma_semaphore, #tpu.memory_space<semaphore_mem>>) {add = true}
      %dma_wait3A_202 = arith.constant 0 : i32
      %dma_wait3A_203 = tpu.memref_slice %arg3[%dma_wait3A_202] : memref<6272xf32, #tpu.memory_space<hbm>> -> memref<128xf32, #tpu.memory_space<hbm>>
      %dma_wait3A_204 = arith.constant 0 : i32
      %dma_wait3A_205 = tpu.memref_slice %arg3[%dma_wait3A_204] : memref<6272xf32, #tpu.memory_space<hbm>> -> memref<128xf32, #tpu.memory_space<hbm>>
      tpu.wait_dma2 semaphore(%arg9 : memref<!tpu.dma_semaphore, #tpu.memory_space<semaphore_mem>>) src(%dma_wait3A_205 : memref<128xf32, #tpu.memory_space<hbm>>) dst(%arg7 : memref<128xf32, #tpu.memory_space<vmem>>)
      %dma_wait3A_206 = arith.constant 0 : i32
      %dma_wait3A_207 = tpu.memref_slice %arg3[%dma_wait3A_206] : memref<6272xf32, #tpu.memory_space<hbm>> -> memref<128xf32, #tpu.memory_space<hbm>>
      %dma_wait3A_208 = arith.constant 0 : i32
      %dma_wait3A_209 = tpu.memref_slice %arg3[%dma_wait3A_208] : memref<6272xf32, #tpu.memory_space<hbm>> -> memref<128xf32, #tpu.memory_space<hbm>>
      tpu.wait_dma2 semaphore(%arg9 : memref<!tpu.dma_semaphore, #tpu.memory_space<semaphore_mem>>) src(%dma_wait3A_209 : memref<128xf32, #tpu.memory_space<hbm>>) dst(%arg7 : memref<128xf32, #tpu.memory_space<vmem>>)
      %dma_wait3A_210 = arith.constant 0 : i32
      %dma_wait3A_211 = tpu.memref_slice %arg3[%dma_wait3A_210] : memref<6272xf32, #tpu.memory_space<hbm>> -> memref<128xf32, #tpu.memory_space<hbm>>
      %dma_wait3A_212 = arith.constant 0 : i32
      %dma_wait3A_213 = tpu.memref_slice %arg3[%dma_wait3A_212] : memref<6272xf32, #tpu.memory_space<hbm>> -> memref<128xf32, #tpu.memory_space<hbm>>
      tpu.wait_dma2 semaphore(%arg9 : memref<!tpu.dma_semaphore, #tpu.memory_space<semaphore_mem>>) src(%dma_wait3A_213 : memref<128xf32, #tpu.memory_space<hbm>>) dst(%arg7 : memref<128xf32, #tpu.memory_space<vmem>>)
      %dma_wait3A_214 = arith.constant 0 : i32
      %dma_wait3A_215 = tpu.memref_slice %arg3[%dma_wait3A_214] : memref<6272xf32, #tpu.memory_space<hbm>> -> memref<128xf32, #tpu.memory_space<hbm>>
      %dma_wait3A_216 = arith.constant 0 : i32
      %dma_wait3A_217 = tpu.memref_slice %arg3[%dma_wait3A_216] : memref<6272xf32, #tpu.memory_space<hbm>> -> memref<128xf32, #tpu.memory_space<hbm>>
      tpu.wait_dma2 semaphore(%arg9 : memref<!tpu.dma_semaphore, #tpu.memory_space<semaphore_mem>>) src(%dma_wait3A_217 : memref<128xf32, #tpu.memory_space<hbm>>) dst(%arg7 : memref<128xf32, #tpu.memory_space<vmem>>)
      %dma_wait3A_218 = arith.constant 0 : i32
      %dma_wait3A_219 = tpu.memref_slice %arg3[%dma_wait3A_218] : memref<6272xf32, #tpu.memory_space<hbm>> -> memref<128xf32, #tpu.memory_space<hbm>>
      %dma_wait3A_220 = arith.constant 0 : i32
      %dma_wait3A_221 = tpu.memref_slice %arg3[%dma_wait3A_220] : memref<6272xf32, #tpu.memory_space<hbm>> -> memref<128xf32, #tpu.memory_space<hbm>>
      tpu.wait_dma2 semaphore(%arg9 : memref<!tpu.dma_semaphore, #tpu.memory_space<semaphore_mem>>) src(%dma_wait3A_221 : memref<128xf32, #tpu.memory_space<hbm>>) dst(%arg7 : memref<128xf32, #tpu.memory_space<vmem>>)
      %add3A_222 = arith.constant 10 : i32
      %add3A_223 = arith.addi %add3A_119, %add3A_222 : i32
      "tpu.region"() ({
        %run_scoped3A = tpu.sem_alloc : memref<!tpu.dma_semaphore, #tpu.memory_space<semaphore_mem>>
        %dma_start3A_224 = arith.constant 0 : i32
        %dma_start3A_225 = tpu.memref_slice %arg2[%add3A_223, %dma_start3A_224] : memref<50310x128xi32, #tpu.memory_space<hbm>> -> memref<5x128xi32, #tpu.memory_space<hbm>>
        %dma_start3A_226 = arith.constant 0 : i32
        %dma_start3A_227 = tpu.memref_slice %arg2[%add3A_223, %dma_start3A_226] : memref<50310x128xi32, #tpu.memory_space<hbm>> -> memref<5x128xi32, #tpu.memory_space<hbm>>
        tpu.enqueue_dma source(%dma_start3A_227 : memref<5x128xi32, #tpu.memory_space<hbm>>) target(%arg5 : memref<5x128xi32, #tpu.memory_space<vmem>>) target_semaphore(%run_scoped3A : memref<!tpu.dma_semaphore, #tpu.memory_space<semaphore_mem>>)
        %dma_wait3A_228 = arith.constant 0 : i32
        %dma_wait3A_229 = tpu.memref_slice %arg2[%add3A_223, %dma_wait3A_228] : memref<50310x128xi32, #tpu.memory_space<hbm>> -> memref<5x128xi32, #tpu.memory_space<hbm>>
        %dma_wait3A_230 = arith.constant 0 : i32
        %dma_wait3A_231 = tpu.memref_slice %arg2[%add3A_223, %dma_wait3A_230] : memref<50310x128xi32, #tpu.memory_space<hbm>> -> memref<5x128xi32, #tpu.memory_space<hbm>>
        tpu.wait_dma2 semaphore(%run_scoped3A : memref<!tpu.dma_semaphore, #tpu.memory_space<semaphore_mem>>) src(%dma_wait3A_231 : memref<5x128xi32, #tpu.memory_space<hbm>>) dst(%arg5 : memref<5x128xi32, #tpu.memory_space<vmem>>)
        tpu.yield
      }) : () -> ()
    }
    %scan3A_84 = arith.constant 157 : i32
    %dma_wait3A = arith.constant 0 : i32
    %dma_wait3A_85 = tpu.memref_slice %arg3[%dma_wait3A] : memref<6272xf32, #tpu.memory_space<hbm>> -> memref<128xf32, #tpu.memory_space<hbm>>
    %dma_wait3A_86 = arith.constant 0 : i32
    %dma_wait3A_87 = tpu.memref_slice %arg3[%dma_wait3A_86] : memref<6272xf32, #tpu.memory_space<hbm>> -> memref<128xf32, #tpu.memory_space<hbm>>
    tpu.wait_dma2 semaphore(%arg10 : memref<!tpu.dma_semaphore, #tpu.memory_space<semaphore_mem>>) src(%dma_wait3A_87 : memref<128xf32, #tpu.memory_space<hbm>>) dst(%arg7 : memref<128xf32, #tpu.memory_space<vmem>>)
    %dma_wait3A_88 = arith.constant 0 : i32
    %dma_wait3A_89 = tpu.memref_slice %arg3[%dma_wait3A_88] : memref<6272xf32, #tpu.memory_space<hbm>> -> memref<128xf32, #tpu.memory_space<hbm>>
    %dma_wait3A_90 = arith.constant 0 : i32
    %dma_wait3A_91 = tpu.memref_slice %arg3[%dma_wait3A_90] : memref<6272xf32, #tpu.memory_space<hbm>> -> memref<128xf32, #tpu.memory_space<hbm>>
    tpu.wait_dma2 semaphore(%arg10 : memref<!tpu.dma_semaphore, #tpu.memory_space<semaphore_mem>>) src(%dma_wait3A_91 : memref<128xf32, #tpu.memory_space<hbm>>) dst(%arg7 : memref<128xf32, #tpu.memory_space<vmem>>)
    %dma_wait3A_92 = arith.constant 0 : i32
    %dma_wait3A_93 = tpu.memref_slice %arg3[%dma_wait3A_92] : memref<6272xf32, #tpu.memory_space<hbm>> -> memref<128xf32, #tpu.memory_space<hbm>>
    %dma_wait3A_94 = arith.constant 0 : i32
    %dma_wait3A_95 = tpu.memref_slice %arg3[%dma_wait3A_94] : memref<6272xf32, #tpu.memory_space<hbm>> -> memref<128xf32, #tpu.memory_space<hbm>>
    tpu.wait_dma2 semaphore(%arg10 : memref<!tpu.dma_semaphore, #tpu.memory_space<semaphore_mem>>) src(%dma_wait3A_95 : memref<128xf32, #tpu.memory_space<hbm>>) dst(%arg7 : memref<128xf32, #tpu.memory_space<vmem>>)
    %dma_wait3A_96 = arith.constant 0 : i32
    %dma_wait3A_97 = tpu.memref_slice %arg3[%dma_wait3A_96] : memref<6272xf32, #tpu.memory_space<hbm>> -> memref<128xf32, #tpu.memory_space<hbm>>
    %dma_wait3A_98 = arith.constant 0 : i32
    %dma_wait3A_99 = tpu.memref_slice %arg3[%dma_wait3A_98] : memref<6272xf32, #tpu.memory_space<hbm>> -> memref<128xf32, #tpu.memory_space<hbm>>
    tpu.wait_dma2 semaphore(%arg10 : memref<!tpu.dma_semaphore, #tpu.memory_space<semaphore_mem>>) src(%dma_wait3A_99 : memref<128xf32, #tpu.memory_space<hbm>>) dst(%arg7 : memref<128xf32, #tpu.memory_space<vmem>>)
    %dma_wait3A_100 = arith.constant 0 : i32
    %dma_wait3A_101 = tpu.memref_slice %arg3[%dma_wait3A_100] : memref<6272xf32, #tpu.memory_space<hbm>> -> memref<128xf32, #tpu.memory_space<hbm>>
    %dma_wait3A_102 = arith.constant 0 : i32
    %dma_wait3A_103 = tpu.memref_slice %arg3[%dma_wait3A_102] : memref<6272xf32, #tpu.memory_space<hbm>> -> memref<128xf32, #tpu.memory_space<hbm>>
    tpu.wait_dma2 semaphore(%arg10 : memref<!tpu.dma_semaphore, #tpu.memory_space<semaphore_mem>>) src(%dma_wait3A_103 : memref<128xf32, #tpu.memory_space<hbm>>) dst(%arg7 : memref<128xf32, #tpu.memory_space<vmem>>)
    %barrier3A_104 = arith.constant 0 : index
    tpu.barrier barrier_id(%barrier3A_104)
    %mul3A_105 = arith.constant 6272 : i32
    %mul3A_106 = arith.muli %arg1, %mul3A_105 : i32
    %mul3A_107 = arith.constant 100352 : i32
    %mul3A_108 = arith.muli %arg0, %mul3A_107 : i32
    %mul3A_109 = arith.constant 6272 : i32
    %mul3A_110 = arith.muli %arg1, %mul3A_109 : i32
    %add3A_111 = arith.addi %mul3A_108, %mul3A_110 : i32
    "tpu.region"() ({
      %run_scoped3A = tpu.sem_alloc : memref<!tpu.dma_semaphore, #tpu.memory_space<semaphore_mem>>
      %dma_start3A_112 = tpu.memref_slice %arg4[%add3A_111] : memref<200704xf32, #tpu.memory_space<hbm>> -> memref<6272xf32, #tpu.memory_space<hbm>>
      %dma_start3A_113 = tpu.memref_slice %arg8[%mul3A_106] : memref<100352xf32, #tpu.memory_space<vmem_shared>> -> memref<6272xf32, #tpu.memory_space<vmem_shared>>
      tpu.enqueue_dma source(%dma_start3A_113 : memref<6272xf32, #tpu.memory_space<vmem_shared>>) target(%dma_start3A_112 : memref<6272xf32, #tpu.memory_space<hbm>>) target_semaphore(%run_scoped3A : memref<!tpu.dma_semaphore, #tpu.memory_space<semaphore_mem>>)
      %dma_wait3A_114 = tpu.memref_slice %arg4[%add3A_111] : memref<200704xf32, #tpu.memory_space<hbm>> -> memref<6272xf32, #tpu.memory_space<hbm>>
      %dma_wait3A_115 = tpu.memref_slice %arg8[%mul3A_106] : memref<100352xf32, #tpu.memory_space<vmem_shared>> -> memref<6272xf32, #tpu.memory_space<vmem_shared>>
      tpu.wait_dma2 semaphore(%run_scoped3A : memref<!tpu.dma_semaphore, #tpu.memory_space<semaphore_mem>>) src(%dma_wait3A_115 : memref<6272xf32, #tpu.memory_space<vmem_shared>>) dst(%dma_wait3A_114 : memref<6272xf32, #tpu.memory_space<hbm>>)
      tpu.yield
    }) : () -> ()
    return
  }
}

#map = affine_map<(d0, d1) -> (0, 0)>
module attributes {stable_mosaic.version = 14 : i64} {
  func.func @body(%arg0: i32, %arg1: i32, %arg2: memref<100352x8xf32, #tpu.memory_space<hbm>>, %arg3: memref<50310x128xi32, #tpu.memory_space<hbm>>, %arg4: memref<50310x128xi32, #tpu.memory_space<hbm>>, %arg5: memref<6272x8xf32, #tpu.memory_space<hbm>>, %arg6: memref<200704x8xf32, #tpu.memory_space<hbm>>, %arg7: memref<8x128xi32, #tpu.memory_space<vmem>>, %arg8: memref<8x128xi32, #tpu.memory_space<vmem>>, %arg9: memref<8x128xi32, #tpu.memory_space<vmem>>, %arg10: memref<8x128xi32, #tpu.memory_space<vmem>>, %arg11: memref<1024x8xf32, #tpu.memory_space<vmem>>, %arg12: memref<1024x8xf32, #tpu.memory_space<vmem>>, %arg13: memref<100352x8xf32, #tpu.memory_space<vmem_shared>>, %arg14: memref<!tpu.dma_semaphore, #tpu.memory_space<semaphore_mem>>, %arg15: memref<!tpu.dma_semaphore, #tpu.memory_space<semaphore_mem>>, %arg16: memref<!tpu.dma_semaphore, #tpu.memory_space<semaphore_mem>>, %arg17: memref<!tpu.dma_semaphore, #tpu.memory_space<semaphore_mem>>) attributes {dimension_semantics = [#tpu.dimension_semantics<core_parallel>, #tpu.dimension_semantics<subcore_parallel>], iteration_bounds = array<i64: 2, 16>, scalar_prefetch = 0 : i64, scratch_operands = 11 : i64, tpu.core_type = #tpu.core_type<sc_vector_subcore>, window_params = [{transform_indices = #map}, {transform_indices = #map}, {transform_indices = #map}, {transform_indices = #map}, {transform_indices = #map}]} {
    %mul3A = arith.constant 16 : i32
    %mul3A_0 = arith.muli %arg0, %mul3A : i32
    %add3A = arith.addi %mul3A_0, %arg1 : i32
    %mul3A_1 = arith.constant 6272 : i32
    %mul3A_2 = arith.muli %arg1, %mul3A_1 : i32
    "tpu.region"() ({
      %run_scoped3A = tpu.sem_alloc : memref<!tpu.dma_semaphore, #tpu.memory_space<semaphore_mem>>
      %dma_start3A_188 = arith.constant 0 : i32
      %dma_start3A_189 = tpu.memref_slice %arg13[%mul3A_2, %dma_start3A_188] : memref<100352x8xf32, #tpu.memory_space<vmem_shared>> -> memref<6272x8xf32, #tpu.memory_space<vmem_shared>>
      tpu.enqueue_dma source(%arg5 : memref<6272x8xf32, #tpu.memory_space<hbm>>) target(%dma_start3A_189 : memref<6272x8xf32, #tpu.memory_space<vmem_shared>>) target_semaphore(%run_scoped3A : memref<!tpu.dma_semaphore, #tpu.memory_space<semaphore_mem>>)
      %dma_wait3A_190 = arith.constant 0 : i32
      %dma_wait3A_191 = tpu.memref_slice %arg13[%mul3A_2, %dma_wait3A_190] : memref<100352x8xf32, #tpu.memory_space<vmem_shared>> -> memref<6272x8xf32, #tpu.memory_space<vmem_shared>>
      tpu.wait_dma2 semaphore(%run_scoped3A : memref<!tpu.dma_semaphore, #tpu.memory_space<semaphore_mem>>) src(%arg5 : memref<6272x8xf32, #tpu.memory_space<hbm>>) dst(%dma_wait3A_191 : memref<6272x8xf32, #tpu.memory_space<vmem_shared>>)
      tpu.yield
    }) : () -> ()
    %barrier3A = arith.constant 0 : index
    tpu.barrier barrier_id(%barrier3A)
    "tpu.region"() ({
      %run_scoped3A = tpu.sem_alloc : memref<!tpu.dma_semaphore, #tpu.memory_space<semaphore_mem>>
      %dma_start3A_188 = arith.constant 50176 : i32
      %dma_start3A_189 = arith.constant 0 : i32
      %dma_start3A_190 = tpu.memref_slice %arg3[%dma_start3A_188, %dma_start3A_189] : memref<50310x128xi32, #tpu.memory_space<hbm>> -> memref<8x128xi32, #tpu.memory_space<hbm>>
      %dma_start3A_191 = arith.constant 50176 : i32
      %dma_start3A_192 = arith.constant 0 : i32
      %dma_start3A_193 = tpu.memref_slice %arg3[%dma_start3A_191, %dma_start3A_192] : memref<50310x128xi32, #tpu.memory_space<hbm>> -> memref<8x128xi32, #tpu.memory_space<hbm>>
      tpu.enqueue_dma source(%dma_start3A_193 : memref<8x128xi32, #tpu.memory_space<hbm>>) target(%arg9 : memref<8x128xi32, #tpu.memory_space<vmem>>) target_semaphore(%run_scoped3A : memref<!tpu.dma_semaphore, #tpu.memory_space<semaphore_mem>>)
      %dma_wait3A_194 = arith.constant 50176 : i32
      %dma_wait3A_195 = arith.constant 0 : i32
      %dma_wait3A_196 = tpu.memref_slice %arg3[%dma_wait3A_194, %dma_wait3A_195] : memref<50310x128xi32, #tpu.memory_space<hbm>> -> memref<8x128xi32, #tpu.memory_space<hbm>>
      %dma_wait3A_197 = arith.constant 50176 : i32
      %dma_wait3A_198 = arith.constant 0 : i32
      %dma_wait3A_199 = tpu.memref_slice %arg3[%dma_wait3A_197, %dma_wait3A_198] : memref<50310x128xi32, #tpu.memory_space<hbm>> -> memref<8x128xi32, #tpu.memory_space<hbm>>
      tpu.wait_dma2 semaphore(%run_scoped3A : memref<!tpu.dma_semaphore, #tpu.memory_space<semaphore_mem>>) src(%dma_wait3A_199 : memref<8x128xi32, #tpu.memory_space<hbm>>) dst(%arg9 : memref<8x128xi32, #tpu.memory_space<vmem>>)
      tpu.yield
    }) : () -> ()
    "tpu.region"() ({
      %run_scoped3A = tpu.sem_alloc : memref<!tpu.dma_semaphore, #tpu.memory_space<semaphore_mem>>
      %dma_start3A_188 = arith.constant 50176 : i32
      %dma_start3A_189 = arith.constant 0 : i32
      %dma_start3A_190 = tpu.memref_slice %arg4[%dma_start3A_188, %dma_start3A_189] : memref<50310x128xi32, #tpu.memory_space<hbm>> -> memref<8x128xi32, #tpu.memory_space<hbm>>
      %dma_start3A_191 = arith.constant 50176 : i32
      %dma_start3A_192 = arith.constant 0 : i32
      %dma_start3A_193 = tpu.memref_slice %arg4[%dma_start3A_191, %dma_start3A_192] : memref<50310x128xi32, #tpu.memory_space<hbm>> -> memref<8x128xi32, #tpu.memory_space<hbm>>
      tpu.enqueue_dma source(%dma_start3A_193 : memref<8x128xi32, #tpu.memory_space<hbm>>) target(%arg10 : memref<8x128xi32, #tpu.memory_space<vmem>>) target_semaphore(%run_scoped3A : memref<!tpu.dma_semaphore, #tpu.memory_space<semaphore_mem>>)
      %dma_wait3A_194 = arith.constant 50176 : i32
      %dma_wait3A_195 = arith.constant 0 : i32
      %dma_wait3A_196 = tpu.memref_slice %arg4[%dma_wait3A_194, %dma_wait3A_195] : memref<50310x128xi32, #tpu.memory_space<hbm>> -> memref<8x128xi32, #tpu.memory_space<hbm>>
      %dma_wait3A_197 = arith.constant 50176 : i32
      %dma_wait3A_198 = arith.constant 0 : i32
      %dma_wait3A_199 = tpu.memref_slice %arg4[%dma_wait3A_197, %dma_wait3A_198] : memref<50310x128xi32, #tpu.memory_space<hbm>> -> memref<8x128xi32, #tpu.memory_space<hbm>>
      tpu.wait_dma2 semaphore(%run_scoped3A : memref<!tpu.dma_semaphore, #tpu.memory_space<semaphore_mem>>) src(%dma_wait3A_199 : memref<8x128xi32, #tpu.memory_space<hbm>>) dst(%arg10 : memref<8x128xi32, #tpu.memory_space<vmem>>)
      tpu.yield
    }) : () -> ()
    %dma_start3A = arith.constant 0 : i32
    %dma_start3A_3 = arith.constant 0 : i32
    %dma_start3A_4 = arith.constant 0 : i32
    %dma_start3A_5 = tpu.memref_slice %arg12[%dma_start3A_3, %dma_start3A_4] : memref<1024x8xf32, #tpu.memory_space<vmem>> -> memref<128x8xf32, #tpu.memory_space<vmem>>
    %dma_start3A_6 = arith.constant 0 : i32
    %dma_start3A_7 = tpu.memref_slice %arg10[%dma_start3A, %dma_start3A_6] : memref<8x128xi32, #tpu.memory_space<vmem>> -> memref<1x128xi32, #tpu.memory_space<vmem>>
    %dma_start3A_8 = tpu.memref_squeeze %dma_start3A_7 : memref<1x128xi32, #tpu.memory_space<vmem>> -> memref<128xi32, #tpu.memory_space<vmem>>
    %dma_start3A_9 = arith.constant 0 : i32
    %dma_start3A_10 = arith.constant 0 : i32
    %dma_start3A_11 = tpu.memref_slice %arg13[%dma_start3A_9, %dma_start3A_10] : memref<100352x8xf32, #tpu.memory_space<vmem_shared>> -> memref<100352x8xf32, #tpu.memory_space<vmem_shared>>
    tpu.enqueue_indirect_dma source(%dma_start3A_5 : memref<128x8xf32, #tpu.memory_space<vmem>>) target(%dma_start3A_11 : memref<100352x8xf32, #tpu.memory_space<vmem_shared>>) offsets(%dma_start3A_8 : memref<128xi32, #tpu.memory_space<vmem>>) semaphore(%arg17 : memref<!tpu.dma_semaphore, #tpu.memory_space<semaphore_mem>>) {add = true}
    %dma_start3A_12 = arith.constant 1 : i32
    %dma_start3A_13 = arith.constant 128 : i32
    %dma_start3A_14 = arith.constant 0 : i32
    %dma_start3A_15 = tpu.memref_slice %arg12[%dma_start3A_13, %dma_start3A_14] : memref<1024x8xf32, #tpu.memory_space<vmem>> -> memref<128x8xf32, #tpu.memory_space<vmem>>
    %dma_start3A_16 = arith.constant 0 : i32
    %dma_start3A_17 = tpu.memref_slice %arg10[%dma_start3A_12, %dma_start3A_16] : memref<8x128xi32, #tpu.memory_space<vmem>> -> memref<1x128xi32, #tpu.memory_space<vmem>>
    %dma_start3A_18 = tpu.memref_squeeze %dma_start3A_17 : memref<1x128xi32, #tpu.memory_space<vmem>> -> memref<128xi32, #tpu.memory_space<vmem>>
    %dma_start3A_19 = arith.constant 0 : i32
    %dma_start3A_20 = arith.constant 0 : i32
    %dma_start3A_21 = tpu.memref_slice %arg13[%dma_start3A_19, %dma_start3A_20] : memref<100352x8xf32, #tpu.memory_space<vmem_shared>> -> memref<100352x8xf32, #tpu.memory_space<vmem_shared>>
    tpu.enqueue_indirect_dma source(%dma_start3A_15 : memref<128x8xf32, #tpu.memory_space<vmem>>) target(%dma_start3A_21 : memref<100352x8xf32, #tpu.memory_space<vmem_shared>>) offsets(%dma_start3A_18 : memref<128xi32, #tpu.memory_space<vmem>>) semaphore(%arg17 : memref<!tpu.dma_semaphore, #tpu.memory_space<semaphore_mem>>) {add = true}
    %dma_start3A_22 = arith.constant 2 : i32
    %dma_start3A_23 = arith.constant 256 : i32
    %dma_start3A_24 = arith.constant 0 : i32
    %dma_start3A_25 = tpu.memref_slice %arg12[%dma_start3A_23, %dma_start3A_24] : memref<1024x8xf32, #tpu.memory_space<vmem>> -> memref<128x8xf32, #tpu.memory_space<vmem>>
    %dma_start3A_26 = arith.constant 0 : i32
    %dma_start3A_27 = tpu.memref_slice %arg10[%dma_start3A_22, %dma_start3A_26] : memref<8x128xi32, #tpu.memory_space<vmem>> -> memref<1x128xi32, #tpu.memory_space<vmem>>
    %dma_start3A_28 = tpu.memref_squeeze %dma_start3A_27 : memref<1x128xi32, #tpu.memory_space<vmem>> -> memref<128xi32, #tpu.memory_space<vmem>>
    %dma_start3A_29 = arith.constant 0 : i32
    %dma_start3A_30 = arith.constant 0 : i32
    %dma_start3A_31 = tpu.memref_slice %arg13[%dma_start3A_29, %dma_start3A_30] : memref<100352x8xf32, #tpu.memory_space<vmem_shared>> -> memref<100352x8xf32, #tpu.memory_space<vmem_shared>>
    tpu.enqueue_indirect_dma source(%dma_start3A_25 : memref<128x8xf32, #tpu.memory_space<vmem>>) target(%dma_start3A_31 : memref<100352x8xf32, #tpu.memory_space<vmem_shared>>) offsets(%dma_start3A_28 : memref<128xi32, #tpu.memory_space<vmem>>) semaphore(%arg17 : memref<!tpu.dma_semaphore, #tpu.memory_space<semaphore_mem>>) {add = true}
    %dma_start3A_32 = arith.constant 3 : i32
    %dma_start3A_33 = arith.constant 384 : i32
    %dma_start3A_34 = arith.constant 0 : i32
    %dma_start3A_35 = tpu.memref_slice %arg12[%dma_start3A_33, %dma_start3A_34] : memref<1024x8xf32, #tpu.memory_space<vmem>> -> memref<128x8xf32, #tpu.memory_space<vmem>>
    %dma_start3A_36 = arith.constant 0 : i32
    %dma_start3A_37 = tpu.memref_slice %arg10[%dma_start3A_32, %dma_start3A_36] : memref<8x128xi32, #tpu.memory_space<vmem>> -> memref<1x128xi32, #tpu.memory_space<vmem>>
    %dma_start3A_38 = tpu.memref_squeeze %dma_start3A_37 : memref<1x128xi32, #tpu.memory_space<vmem>> -> memref<128xi32, #tpu.memory_space<vmem>>
    %dma_start3A_39 = arith.constant 0 : i32
    %dma_start3A_40 = arith.constant 0 : i32
    %dma_start3A_41 = tpu.memref_slice %arg13[%dma_start3A_39, %dma_start3A_40] : memref<100352x8xf32, #tpu.memory_space<vmem_shared>> -> memref<100352x8xf32, #tpu.memory_space<vmem_shared>>
    tpu.enqueue_indirect_dma source(%dma_start3A_35 : memref<128x8xf32, #tpu.memory_space<vmem>>) target(%dma_start3A_41 : memref<100352x8xf32, #tpu.memory_space<vmem_shared>>) offsets(%dma_start3A_38 : memref<128xi32, #tpu.memory_space<vmem>>) semaphore(%arg17 : memref<!tpu.dma_semaphore, #tpu.memory_space<semaphore_mem>>) {add = true}
    %dma_start3A_42 = arith.constant 4 : i32
    %dma_start3A_43 = arith.constant 512 : i32
    %dma_start3A_44 = arith.constant 0 : i32
    %dma_start3A_45 = tpu.memref_slice %arg12[%dma_start3A_43, %dma_start3A_44] : memref<1024x8xf32, #tpu.memory_space<vmem>> -> memref<128x8xf32, #tpu.memory_space<vmem>>
    %dma_start3A_46 = arith.constant 0 : i32
    %dma_start3A_47 = tpu.memref_slice %arg10[%dma_start3A_42, %dma_start3A_46] : memref<8x128xi32, #tpu.memory_space<vmem>> -> memref<1x128xi32, #tpu.memory_space<vmem>>
    %dma_start3A_48 = tpu.memref_squeeze %dma_start3A_47 : memref<1x128xi32, #tpu.memory_space<vmem>> -> memref<128xi32, #tpu.memory_space<vmem>>
    %dma_start3A_49 = arith.constant 0 : i32
    %dma_start3A_50 = arith.constant 0 : i32
    %dma_start3A_51 = tpu.memref_slice %arg13[%dma_start3A_49, %dma_start3A_50] : memref<100352x8xf32, #tpu.memory_space<vmem_shared>> -> memref<100352x8xf32, #tpu.memory_space<vmem_shared>>
    tpu.enqueue_indirect_dma source(%dma_start3A_45 : memref<128x8xf32, #tpu.memory_space<vmem>>) target(%dma_start3A_51 : memref<100352x8xf32, #tpu.memory_space<vmem_shared>>) offsets(%dma_start3A_48 : memref<128xi32, #tpu.memory_space<vmem>>) semaphore(%arg17 : memref<!tpu.dma_semaphore, #tpu.memory_space<semaphore_mem>>) {add = true}
    %dma_start3A_52 = arith.constant 5 : i32
    %dma_start3A_53 = arith.constant 640 : i32
    %dma_start3A_54 = arith.constant 0 : i32
    %dma_start3A_55 = tpu.memref_slice %arg12[%dma_start3A_53, %dma_start3A_54] : memref<1024x8xf32, #tpu.memory_space<vmem>> -> memref<128x8xf32, #tpu.memory_space<vmem>>
    %dma_start3A_56 = arith.constant 0 : i32
    %dma_start3A_57 = tpu.memref_slice %arg10[%dma_start3A_52, %dma_start3A_56] : memref<8x128xi32, #tpu.memory_space<vmem>> -> memref<1x128xi32, #tpu.memory_space<vmem>>
    %dma_start3A_58 = tpu.memref_squeeze %dma_start3A_57 : memref<1x128xi32, #tpu.memory_space<vmem>> -> memref<128xi32, #tpu.memory_space<vmem>>
    %dma_start3A_59 = arith.constant 0 : i32
    %dma_start3A_60 = arith.constant 0 : i32
    %dma_start3A_61 = tpu.memref_slice %arg13[%dma_start3A_59, %dma_start3A_60] : memref<100352x8xf32, #tpu.memory_space<vmem_shared>> -> memref<100352x8xf32, #tpu.memory_space<vmem_shared>>
    tpu.enqueue_indirect_dma source(%dma_start3A_55 : memref<128x8xf32, #tpu.memory_space<vmem>>) target(%dma_start3A_61 : memref<100352x8xf32, #tpu.memory_space<vmem_shared>>) offsets(%dma_start3A_58 : memref<128xi32, #tpu.memory_space<vmem>>) semaphore(%arg17 : memref<!tpu.dma_semaphore, #tpu.memory_space<semaphore_mem>>) {add = true}
    %dma_start3A_62 = arith.constant 6 : i32
    %dma_start3A_63 = arith.constant 768 : i32
    %dma_start3A_64 = arith.constant 0 : i32
    %dma_start3A_65 = tpu.memref_slice %arg12[%dma_start3A_63, %dma_start3A_64] : memref<1024x8xf32, #tpu.memory_space<vmem>> -> memref<128x8xf32, #tpu.memory_space<vmem>>
    %dma_start3A_66 = arith.constant 0 : i32
    %dma_start3A_67 = tpu.memref_slice %arg10[%dma_start3A_62, %dma_start3A_66] : memref<8x128xi32, #tpu.memory_space<vmem>> -> memref<1x128xi32, #tpu.memory_space<vmem>>
    %dma_start3A_68 = tpu.memref_squeeze %dma_start3A_67 : memref<1x128xi32, #tpu.memory_space<vmem>> -> memref<128xi32, #tpu.memory_space<vmem>>
    %dma_start3A_69 = arith.constant 0 : i32
    %dma_start3A_70 = arith.constant 0 : i32
    %dma_start3A_71 = tpu.memref_slice %arg13[%dma_start3A_69, %dma_start3A_70] : memref<100352x8xf32, #tpu.memory_space<vmem_shared>> -> memref<100352x8xf32, #tpu.memory_space<vmem_shared>>
    tpu.enqueue_indirect_dma source(%dma_start3A_65 : memref<128x8xf32, #tpu.memory_space<vmem>>) target(%dma_start3A_71 : memref<100352x8xf32, #tpu.memory_space<vmem_shared>>) offsets(%dma_start3A_68 : memref<128xi32, #tpu.memory_space<vmem>>) semaphore(%arg17 : memref<!tpu.dma_semaphore, #tpu.memory_space<semaphore_mem>>) {add = true}
    %dma_start3A_72 = arith.constant 7 : i32
    %dma_start3A_73 = arith.constant 896 : i32
    %dma_start3A_74 = arith.constant 0 : i32
    %dma_start3A_75 = tpu.memref_slice %arg12[%dma_start3A_73, %dma_start3A_74] : memref<1024x8xf32, #tpu.memory_space<vmem>> -> memref<128x8xf32, #tpu.memory_space<vmem>>
    %dma_start3A_76 = arith.constant 0 : i32
    %dma_start3A_77 = tpu.memref_slice %arg10[%dma_start3A_72, %dma_start3A_76] : memref<8x128xi32, #tpu.memory_space<vmem>> -> memref<1x128xi32, #tpu.memory_space<vmem>>
    %dma_start3A_78 = tpu.memref_squeeze %dma_start3A_77 : memref<1x128xi32, #tpu.memory_space<vmem>> -> memref<128xi32, #tpu.memory_space<vmem>>
    %dma_start3A_79 = arith.constant 0 : i32
    %dma_start3A_80 = arith.constant 0 : i32
    %dma_start3A_81 = tpu.memref_slice %arg13[%dma_start3A_79, %dma_start3A_80] : memref<100352x8xf32, #tpu.memory_space<vmem_shared>> -> memref<100352x8xf32, #tpu.memory_space<vmem_shared>>
    tpu.enqueue_indirect_dma source(%dma_start3A_75 : memref<128x8xf32, #tpu.memory_space<vmem>>) target(%dma_start3A_81 : memref<100352x8xf32, #tpu.memory_space<vmem_shared>>) offsets(%dma_start3A_78 : memref<128xi32, #tpu.memory_space<vmem>>) semaphore(%arg17 : memref<!tpu.dma_semaphore, #tpu.memory_space<semaphore_mem>>) {add = true}
    %mul3A_82 = arith.constant 1568 : i32
    %mul3A_83 = arith.muli %add3A, %mul3A_82 : i32
    "tpu.region"() ({
      %run_scoped3A = tpu.sem_alloc : memref<!tpu.dma_semaphore, #tpu.memory_space<semaphore_mem>>
      %dma_start3A_188 = arith.constant 0 : i32
      %dma_start3A_189 = tpu.memref_slice %arg3[%mul3A_83, %dma_start3A_188] : memref<50310x128xi32, #tpu.memory_space<hbm>> -> memref<8x128xi32, #tpu.memory_space<hbm>>
      %dma_start3A_190 = arith.constant 0 : i32
      %dma_start3A_191 = tpu.memref_slice %arg3[%mul3A_83, %dma_start3A_190] : memref<50310x128xi32, #tpu.memory_space<hbm>> -> memref<8x128xi32, #tpu.memory_space<hbm>>
      tpu.enqueue_dma source(%dma_start3A_191 : memref<8x128xi32, #tpu.memory_space<hbm>>) target(%arg7 : memref<8x128xi32, #tpu.memory_space<vmem>>) target_semaphore(%run_scoped3A : memref<!tpu.dma_semaphore, #tpu.memory_space<semaphore_mem>>)
      %dma_wait3A_192 = arith.constant 0 : i32
      %dma_wait3A_193 = tpu.memref_slice %arg3[%mul3A_83, %dma_wait3A_192] : memref<50310x128xi32, #tpu.memory_space<hbm>> -> memref<8x128xi32, #tpu.memory_space<hbm>>
      %dma_wait3A_194 = arith.constant 0 : i32
      %dma_wait3A_195 = tpu.memref_slice %arg3[%mul3A_83, %dma_wait3A_194] : memref<50310x128xi32, #tpu.memory_space<hbm>> -> memref<8x128xi32, #tpu.memory_space<hbm>>
      tpu.wait_dma2 semaphore(%run_scoped3A : memref<!tpu.dma_semaphore, #tpu.memory_space<semaphore_mem>>) src(%dma_wait3A_195 : memref<8x128xi32, #tpu.memory_space<hbm>>) dst(%arg7 : memref<8x128xi32, #tpu.memory_space<vmem>>)
      tpu.yield
    }) : () -> ()
    "tpu.region"() ({
      %run_scoped3A = tpu.sem_alloc : memref<!tpu.dma_semaphore, #tpu.memory_space<semaphore_mem>>
      %dma_start3A_188 = arith.constant 0 : i32
      %dma_start3A_189 = tpu.memref_slice %arg4[%mul3A_83, %dma_start3A_188] : memref<50310x128xi32, #tpu.memory_space<hbm>> -> memref<8x128xi32, #tpu.memory_space<hbm>>
      %dma_start3A_190 = arith.constant 0 : i32
      %dma_start3A_191 = tpu.memref_slice %arg4[%mul3A_83, %dma_start3A_190] : memref<50310x128xi32, #tpu.memory_space<hbm>> -> memref<8x128xi32, #tpu.memory_space<hbm>>
      tpu.enqueue_dma source(%dma_start3A_191 : memref<8x128xi32, #tpu.memory_space<hbm>>) target(%arg8 : memref<8x128xi32, #tpu.memory_space<vmem>>) target_semaphore(%run_scoped3A : memref<!tpu.dma_semaphore, #tpu.memory_space<semaphore_mem>>)
      %dma_wait3A_192 = arith.constant 0 : i32
      %dma_wait3A_193 = tpu.memref_slice %arg4[%mul3A_83, %dma_wait3A_192] : memref<50310x128xi32, #tpu.memory_space<hbm>> -> memref<8x128xi32, #tpu.memory_space<hbm>>
      %dma_wait3A_194 = arith.constant 0 : i32
      %dma_wait3A_195 = tpu.memref_slice %arg4[%mul3A_83, %dma_wait3A_194] : memref<50310x128xi32, #tpu.memory_space<hbm>> -> memref<8x128xi32, #tpu.memory_space<hbm>>
      tpu.wait_dma2 semaphore(%run_scoped3A : memref<!tpu.dma_semaphore, #tpu.memory_space<semaphore_mem>>) src(%dma_wait3A_195 : memref<8x128xi32, #tpu.memory_space<hbm>>) dst(%arg8 : memref<8x128xi32, #tpu.memory_space<vmem>>)
      tpu.yield
    }) : () -> ()
    %dma_start3A_84 = arith.constant 0 : i32
    %dma_start3A_85 = arith.constant 0 : i32
    %dma_start3A_86 = arith.constant 0 : i32
    %dma_start3A_87 = tpu.memref_slice %arg11[%dma_start3A_85, %dma_start3A_86] : memref<1024x8xf32, #tpu.memory_space<vmem>> -> memref<128x8xf32, #tpu.memory_space<vmem>>
    %dma_start3A_88 = arith.constant 0 : i32
    %dma_start3A_89 = tpu.memref_slice %arg7[%dma_start3A_84, %dma_start3A_88] : memref<8x128xi32, #tpu.memory_space<vmem>> -> memref<1x128xi32, #tpu.memory_space<vmem>>
    %dma_start3A_90 = tpu.memref_squeeze %dma_start3A_89 : memref<1x128xi32, #tpu.memory_space<vmem>> -> memref<128xi32, #tpu.memory_space<vmem>>
    %dma_start3A_91 = arith.constant 0 : i32
    %dma_start3A_92 = arith.constant 0 : i32
    %dma_start3A_93 = tpu.memref_slice %arg2[%dma_start3A_91, %dma_start3A_92] : memref<100352x8xf32, #tpu.memory_space<hbm>> -> memref<100352x8xf32, #tpu.memory_space<hbm>>
    tpu.enqueue_indirect_dma source(%dma_start3A_93 : memref<100352x8xf32, #tpu.memory_space<hbm>>) target(%dma_start3A_87 : memref<128x8xf32, #tpu.memory_space<vmem>>) offsets(%dma_start3A_90 : memref<128xi32, #tpu.memory_space<vmem>>) semaphore(%arg14 : memref<!tpu.dma_semaphore, #tpu.memory_space<semaphore_mem>>)
    %dma_start3A_94 = arith.constant 1 : i32
    %dma_start3A_95 = arith.constant 128 : i32
    %dma_start3A_96 = arith.constant 0 : i32
    %dma_start3A_97 = tpu.memref_slice %arg11[%dma_start3A_95, %dma_start3A_96] : memref<1024x8xf32, #tpu.memory_space<vmem>> -> memref<128x8xf32, #tpu.memory_space<vmem>>
    %dma_start3A_98 = arith.constant 0 : i32
    %dma_start3A_99 = tpu.memref_slice %arg7[%dma_start3A_94, %dma_start3A_98] : memref<8x128xi32, #tpu.memory_space<vmem>> -> memref<1x128xi32, #tpu.memory_space<vmem>>
    %dma_start3A_100 = tpu.memref_squeeze %dma_start3A_99 : memref<1x128xi32, #tpu.memory_space<vmem>> -> memref<128xi32, #tpu.memory_space<vmem>>
    %dma_start3A_101 = arith.constant 0 : i32
    %dma_start3A_102 = arith.constant 0 : i32
    %dma_start3A_103 = tpu.memref_slice %arg2[%dma_start3A_101, %dma_start3A_102] : memref<100352x8xf32, #tpu.memory_space<hbm>> -> memref<100352x8xf32, #tpu.memory_space<hbm>>
    tpu.enqueue_indirect_dma source(%dma_start3A_103 : memref<100352x8xf32, #tpu.memory_space<hbm>>) target(%dma_start3A_97 : memref<128x8xf32, #tpu.memory_space<vmem>>) offsets(%dma_start3A_100 : memref<128xi32, #tpu.memory_space<vmem>>) semaphore(%arg14 : memref<!tpu.dma_semaphore, #tpu.memory_space<semaphore_mem>>)
    %dma_start3A_104 = arith.constant 2 : i32
    %dma_start3A_105 = arith.constant 256 : i32
    %dma_start3A_106 = arith.constant 0 : i32
    %dma_start3A_107 = tpu.memref_slice %arg11[%dma_start3A_105, %dma_start3A_106] : memref<1024x8xf32, #tpu.memory_space<vmem>> -> memref<128x8xf32, #tpu.memory_space<vmem>>
    %dma_start3A_108 = arith.constant 0 : i32
    %dma_start3A_109 = tpu.memref_slice %arg7[%dma_start3A_104, %dma_start3A_108] : memref<8x128xi32, #tpu.memory_space<vmem>> -> memref<1x128xi32, #tpu.memory_space<vmem>>
    %dma_start3A_110 = tpu.memref_squeeze %dma_start3A_109 : memref<1x128xi32, #tpu.memory_space<vmem>> -> memref<128xi32, #tpu.memory_space<vmem>>
    %dma_start3A_111 = arith.constant 0 : i32
    %dma_start3A_112 = arith.constant 0 : i32
    %dma_start3A_113 = tpu.memref_slice %arg2[%dma_start3A_111, %dma_start3A_112] : memref<100352x8xf32, #tpu.memory_space<hbm>> -> memref<100352x8xf32, #tpu.memory_space<hbm>>
    tpu.enqueue_indirect_dma source(%dma_start3A_113 : memref<100352x8xf32, #tpu.memory_space<hbm>>) target(%dma_start3A_107 : memref<128x8xf32, #tpu.memory_space<vmem>>) offsets(%dma_start3A_110 : memref<128xi32, #tpu.memory_space<vmem>>) semaphore(%arg14 : memref<!tpu.dma_semaphore, #tpu.memory_space<semaphore_mem>>)
    %dma_start3A_114 = arith.constant 3 : i32
    %dma_start3A_115 = arith.constant 384 : i32
    %dma_start3A_116 = arith.constant 0 : i32
    %dma_start3A_117 = tpu.memref_slice %arg11[%dma_start3A_115, %dma_start3A_116] : memref<1024x8xf32, #tpu.memory_space<vmem>> -> memref<128x8xf32, #tpu.memory_space<vmem>>
    %dma_start3A_118 = arith.constant 0 : i32
    %dma_start3A_119 = tpu.memref_slice %arg7[%dma_start3A_114, %dma_start3A_118] : memref<8x128xi32, #tpu.memory_space<vmem>> -> memref<1x128xi32, #tpu.memory_space<vmem>>
    %dma_start3A_120 = tpu.memref_squeeze %dma_start3A_119 : memref<1x128xi32, #tpu.memory_space<vmem>> -> memref<128xi32, #tpu.memory_space<vmem>>
    %dma_start3A_121 = arith.constant 0 : i32
    %dma_start3A_122 = arith.constant 0 : i32
    %dma_start3A_123 = tpu.memref_slice %arg2[%dma_start3A_121, %dma_start3A_122] : memref<100352x8xf32, #tpu.memory_space<hbm>> -> memref<100352x8xf32, #tpu.memory_space<hbm>>
    tpu.enqueue_indirect_dma source(%dma_start3A_123 : memref<100352x8xf32, #tpu.memory_space<hbm>>) target(%dma_start3A_117 : memref<128x8xf32, #tpu.memory_space<vmem>>) offsets(%dma_start3A_120 : memref<128xi32, #tpu.memory_space<vmem>>) semaphore(%arg14 : memref<!tpu.dma_semaphore, #tpu.memory_space<semaphore_mem>>)
    %dma_start3A_124 = arith.constant 4 : i32
    %dma_start3A_125 = arith.constant 512 : i32
    %dma_start3A_126 = arith.constant 0 : i32
    %dma_start3A_127 = tpu.memref_slice %arg11[%dma_start3A_125, %dma_start3A_126] : memref<1024x8xf32, #tpu.memory_space<vmem>> -> memref<128x8xf32, #tpu.memory_space<vmem>>
    %dma_start3A_128 = arith.constant 0 : i32
    %dma_start3A_129 = tpu.memref_slice %arg7[%dma_start3A_124, %dma_start3A_128] : memref<8x128xi32, #tpu.memory_space<vmem>> -> memref<1x128xi32, #tpu.memory_space<vmem>>
    %dma_start3A_130 = tpu.memref_squeeze %dma_start3A_129 : memref<1x128xi32, #tpu.memory_space<vmem>> -> memref<128xi32, #tpu.memory_space<vmem>>
    %dma_start3A_131 = arith.constant 0 : i32
    %dma_start3A_132 = arith.constant 0 : i32
    %dma_start3A_133 = tpu.memref_slice %arg2[%dma_start3A_131, %dma_start3A_132] : memref<100352x8xf32, #tpu.memory_space<hbm>> -> memref<100352x8xf32, #tpu.memory_space<hbm>>
    tpu.enqueue_indirect_dma source(%dma_start3A_133 : memref<100352x8xf32, #tpu.memory_space<hbm>>) target(%dma_start3A_127 : memref<128x8xf32, #tpu.memory_space<vmem>>) offsets(%dma_start3A_130 : memref<128xi32, #tpu.memory_space<vmem>>) semaphore(%arg14 : memref<!tpu.dma_semaphore, #tpu.memory_space<semaphore_mem>>)
    %dma_start3A_134 = arith.constant 5 : i32
    %dma_start3A_135 = arith.constant 640 : i32
    %dma_start3A_136 = arith.constant 0 : i32
    %dma_start3A_137 = tpu.memref_slice %arg11[%dma_start3A_135, %dma_start3A_136] : memref<1024x8xf32, #tpu.memory_space<vmem>> -> memref<128x8xf32, #tpu.memory_space<vmem>>
    %dma_start3A_138 = arith.constant 0 : i32
    %dma_start3A_139 = tpu.memref_slice %arg7[%dma_start3A_134, %dma_start3A_138] : memref<8x128xi32, #tpu.memory_space<vmem>> -> memref<1x128xi32, #tpu.memory_space<vmem>>
    %dma_start3A_140 = tpu.memref_squeeze %dma_start3A_139 : memref<1x128xi32, #tpu.memory_space<vmem>> -> memref<128xi32, #tpu.memory_space<vmem>>
    %dma_start3A_141 = arith.constant 0 : i32
    %dma_start3A_142 = arith.constant 0 : i32
    %dma_start3A_143 = tpu.memref_slice %arg2[%dma_start3A_141, %dma_start3A_142] : memref<100352x8xf32, #tpu.memory_space<hbm>> -> memref<100352x8xf32, #tpu.memory_space<hbm>>
    tpu.enqueue_indirect_dma source(%dma_start3A_143 : memref<100352x8xf32, #tpu.memory_space<hbm>>) target(%dma_start3A_137 : memref<128x8xf32, #tpu.memory_space<vmem>>) offsets(%dma_start3A_140 : memref<128xi32, #tpu.memory_space<vmem>>) semaphore(%arg14 : memref<!tpu.dma_semaphore, #tpu.memory_space<semaphore_mem>>)
    %dma_start3A_144 = arith.constant 6 : i32
    %dma_start3A_145 = arith.constant 768 : i32
    %dma_start3A_146 = arith.constant 0 : i32
    %dma_start3A_147 = tpu.memref_slice %arg11[%dma_start3A_145, %dma_start3A_146] : memref<1024x8xf32, #tpu.memory_space<vmem>> -> memref<128x8xf32, #tpu.memory_space<vmem>>
    %dma_start3A_148 = arith.constant 0 : i32
    %dma_start3A_149 = tpu.memref_slice %arg7[%dma_start3A_144, %dma_start3A_148] : memref<8x128xi32, #tpu.memory_space<vmem>> -> memref<1x128xi32, #tpu.memory_space<vmem>>
    %dma_start3A_150 = tpu.memref_squeeze %dma_start3A_149 : memref<1x128xi32, #tpu.memory_space<vmem>> -> memref<128xi32, #tpu.memory_space<vmem>>
    %dma_start3A_151 = arith.constant 0 : i32
    %dma_start3A_152 = arith.constant 0 : i32
    %dma_start3A_153 = tpu.memref_slice %arg2[%dma_start3A_151, %dma_start3A_152] : memref<100352x8xf32, #tpu.memory_space<hbm>> -> memref<100352x8xf32, #tpu.memory_space<hbm>>
    tpu.enqueue_indirect_dma source(%dma_start3A_153 : memref<100352x8xf32, #tpu.memory_space<hbm>>) target(%dma_start3A_147 : memref<128x8xf32, #tpu.memory_space<vmem>>) offsets(%dma_start3A_150 : memref<128xi32, #tpu.memory_space<vmem>>) semaphore(%arg14 : memref<!tpu.dma_semaphore, #tpu.memory_space<semaphore_mem>>)
    %dma_start3A_154 = arith.constant 7 : i32
    %dma_start3A_155 = arith.constant 896 : i32
    %dma_start3A_156 = arith.constant 0 : i32
    %dma_start3A_157 = tpu.memref_slice %arg11[%dma_start3A_155, %dma_start3A_156] : memref<1024x8xf32, #tpu.memory_space<vmem>> -> memref<128x8xf32, #tpu.memory_space<vmem>>
    %dma_start3A_158 = arith.constant 0 : i32
    %dma_start3A_159 = tpu.memref_slice %arg7[%dma_start3A_154, %dma_start3A_158] : memref<8x128xi32, #tpu.memory_space<vmem>> -> memref<1x128xi32, #tpu.memory_space<vmem>>
    %dma_start3A_160 = tpu.memref_squeeze %dma_start3A_159 : memref<1x128xi32, #tpu.memory_space<vmem>> -> memref<128xi32, #tpu.memory_space<vmem>>
    %dma_start3A_161 = arith.constant 0 : i32
    %dma_start3A_162 = arith.constant 0 : i32
    %dma_start3A_163 = tpu.memref_slice %arg2[%dma_start3A_161, %dma_start3A_162] : memref<100352x8xf32, #tpu.memory_space<hbm>> -> memref<100352x8xf32, #tpu.memory_space<hbm>>
    tpu.enqueue_indirect_dma source(%dma_start3A_163 : memref<100352x8xf32, #tpu.memory_space<hbm>>) target(%dma_start3A_157 : memref<128x8xf32, #tpu.memory_space<vmem>>) offsets(%dma_start3A_160 : memref<128xi32, #tpu.memory_space<vmem>>) semaphore(%arg14 : memref<!tpu.dma_semaphore, #tpu.memory_space<semaphore_mem>>)
    %scan3A = arith.constant 0 : i32
    %scan3A_164 = arith.constant 0 : i32
    %scan3A_165 = arith.constant 98 : i32
    %scan3A_166 = arith.addi %scan3A_164, %scan3A_165 : i32
    %scan3A_167 = arith.constant 1 : i32
    scf.for %scan3A_188 = %scan3A_164 to %scan3A_166 step %scan3A_167  : i32 {
      %mul3A_189 = arith.constant 1568 : i32
      %mul3A_190 = arith.muli %add3A, %mul3A_189 : i32
      %mul3A_191 = arith.constant 2 : i32
      %mul3A_192 = arith.muli %mul3A_191, %scan3A_188 : i32
      %add3A_193 = arith.constant 1 : i32
      %add3A_194 = arith.addi %mul3A_192, %add3A_193 : i32
      %mul3A_195 = arith.constant 8 : i32
      %mul3A_196 = arith.muli %add3A_194, %mul3A_195 : i32
      %add3A_197 = arith.addi %mul3A_190, %mul3A_196 : i32
      %mul3A_198 = arith.constant 1568 : i32
      %mul3A_199 = arith.muli %add3A, %mul3A_198 : i32
      %mul3A_200 = arith.constant 2 : i32
      %mul3A_201 = arith.muli %mul3A_200, %scan3A_188 : i32
      %add3A_202 = arith.constant 2 : i32
      %add3A_203 = arith.addi %mul3A_201, %add3A_202 : i32
      %mul3A_204 = arith.constant 8 : i32
      %mul3A_205 = arith.muli %add3A_203, %mul3A_204 : i32
      %add3A_206 = arith.addi %mul3A_199, %mul3A_205 : i32
      %dma_wait3A_207 = arith.constant 0 : i32
      %dma_wait3A_208 = arith.constant 0 : i32
      %dma_wait3A_209 = tpu.memref_slice %arg2[%dma_wait3A_207, %dma_wait3A_208] : memref<100352x8xf32, #tpu.memory_space<hbm>> -> memref<1024x8xf32, #tpu.memory_space<hbm>>
      %dma_wait3A_210 = arith.constant 0 : i32
      %dma_wait3A_211 = arith.constant 0 : i32
      %dma_wait3A_212 = tpu.memref_slice %arg2[%dma_wait3A_210, %dma_wait3A_211] : memref<100352x8xf32, #tpu.memory_space<hbm>> -> memref<1024x8xf32, #tpu.memory_space<hbm>>
      tpu.wait_dma2 semaphore(%arg14 : memref<!tpu.dma_semaphore, #tpu.memory_space<semaphore_mem>>) src(%dma_wait3A_212 : memref<1024x8xf32, #tpu.memory_space<hbm>>) dst(%arg11 : memref<1024x8xf32, #tpu.memory_space<vmem>>)
      %dma_start3A_213 = arith.constant 0 : i32
      %dma_start3A_214 = arith.constant 0 : i32
      %dma_start3A_215 = arith.constant 0 : i32
      %dma_start3A_216 = tpu.memref_slice %arg11[%dma_start3A_214, %dma_start3A_215] : memref<1024x8xf32, #tpu.memory_space<vmem>> -> memref<128x8xf32, #tpu.memory_space<vmem>>
      %dma_start3A_217 = arith.constant 0 : i32
      %dma_start3A_218 = tpu.memref_slice %arg8[%dma_start3A_213, %dma_start3A_217] : memref<8x128xi32, #tpu.memory_space<vmem>> -> memref<1x128xi32, #tpu.memory_space<vmem>>
      %dma_start3A_219 = tpu.memref_squeeze %dma_start3A_218 : memref<1x128xi32, #tpu.memory_space<vmem>> -> memref<128xi32, #tpu.memory_space<vmem>>
      %dma_start3A_220 = arith.constant 0 : i32
      %dma_start3A_221 = arith.constant 0 : i32
      %dma_start3A_222 = tpu.memref_slice %arg13[%dma_start3A_220, %dma_start3A_221] : memref<100352x8xf32, #tpu.memory_space<vmem_shared>> -> memref<100352x8xf32, #tpu.memory_space<vmem_shared>>
      tpu.enqueue_indirect_dma source(%dma_start3A_216 : memref<128x8xf32, #tpu.memory_space<vmem>>) target(%dma_start3A_222 : memref<100352x8xf32, #tpu.memory_space<vmem_shared>>) offsets(%dma_start3A_219 : memref<128xi32, #tpu.memory_space<vmem>>) semaphore(%arg16 : memref<!tpu.dma_semaphore, #tpu.memory_space<semaphore_mem>>) {add = true}
      %dma_start3A_223 = arith.constant 1 : i32
      %dma_start3A_224 = arith.constant 128 : i32
      %dma_start3A_225 = arith.constant 0 : i32
      %dma_start3A_226 = tpu.memref_slice %arg11[%dma_start3A_224, %dma_start3A_225] : memref<1024x8xf32, #tpu.memory_space<vmem>> -> memref<128x8xf32, #tpu.memory_space<vmem>>
      %dma_start3A_227 = arith.constant 0 : i32
      %dma_start3A_228 = tpu.memref_slice %arg8[%dma_start3A_223, %dma_start3A_227] : memref<8x128xi32, #tpu.memory_space<vmem>> -> memref<1x128xi32, #tpu.memory_space<vmem>>
      %dma_start3A_229 = tpu.memref_squeeze %dma_start3A_228 : memref<1x128xi32, #tpu.memory_space<vmem>> -> memref<128xi32, #tpu.memory_space<vmem>>
      %dma_start3A_230 = arith.constant 0 : i32
      %dma_start3A_231 = arith.constant 0 : i32
      %dma_start3A_232 = tpu.memref_slice %arg13[%dma_start3A_230, %dma_start3A_231] : memref<100352x8xf32, #tpu.memory_space<vmem_shared>> -> memref<100352x8xf32, #tpu.memory_space<vmem_shared>>
      tpu.enqueue_indirect_dma source(%dma_start3A_226 : memref<128x8xf32, #tpu.memory_space<vmem>>) target(%dma_start3A_232 : memref<100352x8xf32, #tpu.memory_space<vmem_shared>>) offsets(%dma_start3A_229 : memref<128xi32, #tpu.memory_space<vmem>>) semaphore(%arg16 : memref<!tpu.dma_semaphore, #tpu.memory_space<semaphore_mem>>) {add = true}
      %dma_start3A_233 = arith.constant 2 : i32
      %dma_start3A_234 = arith.constant 256 : i32
      %dma_start3A_235 = arith.constant 0 : i32
      %dma_start3A_236 = tpu.memref_slice %arg11[%dma_start3A_234, %dma_start3A_235] : memref<1024x8xf32, #tpu.memory_space<vmem>> -> memref<128x8xf32, #tpu.memory_space<vmem>>
      %dma_start3A_237 = arith.constant 0 : i32
      %dma_start3A_238 = tpu.memref_slice %arg8[%dma_start3A_233, %dma_start3A_237] : memref<8x128xi32, #tpu.memory_space<vmem>> -> memref<1x128xi32, #tpu.memory_space<vmem>>
      %dma_start3A_239 = tpu.memref_squeeze %dma_start3A_238 : memref<1x128xi32, #tpu.memory_space<vmem>> -> memref<128xi32, #tpu.memory_space<vmem>>
      %dma_start3A_240 = arith.constant 0 : i32
      %dma_start3A_241 = arith.constant 0 : i32
      %dma_start3A_242 = tpu.memref_slice %arg13[%dma_start3A_240, %dma_start3A_241] : memref<100352x8xf32, #tpu.memory_space<vmem_shared>> -> memref<100352x8xf32, #tpu.memory_space<vmem_shared>>
      tpu.enqueue_indirect_dma source(%dma_start3A_236 : memref<128x8xf32, #tpu.memory_space<vmem>>) target(%dma_start3A_242 : memref<100352x8xf32, #tpu.memory_space<vmem_shared>>) offsets(%dma_start3A_239 : memref<128xi32, #tpu.memory_space<vmem>>) semaphore(%arg16 : memref<!tpu.dma_semaphore, #tpu.memory_space<semaphore_mem>>) {add = true}
      %dma_start3A_243 = arith.constant 3 : i32
      %dma_start3A_244 = arith.constant 384 : i32
      %dma_start3A_245 = arith.constant 0 : i32
      %dma_start3A_246 = tpu.memref_slice %arg11[%dma_start3A_244, %dma_start3A_245] : memref<1024x8xf32, #tpu.memory_space<vmem>> -> memref<128x8xf32, #tpu.memory_space<vmem>>
      %dma_start3A_247 = arith.constant 0 : i32
      %dma_start3A_248 = tpu.memref_slice %arg8[%dma_start3A_243, %dma_start3A_247] : memref<8x128xi32, #tpu.memory_space<vmem>> -> memref<1x128xi32, #tpu.memory_space<vmem>>
      %dma_start3A_249 = tpu.memref_squeeze %dma_start3A_248 : memref<1x128xi32, #tpu.memory_space<vmem>> -> memref<128xi32, #tpu.memory_space<vmem>>
      %dma_start3A_250 = arith.constant 0 : i32
      %dma_start3A_251 = arith.constant 0 : i32
      %dma_start3A_252 = tpu.memref_slice %arg13[%dma_start3A_250, %dma_start3A_251] : memref<100352x8xf32, #tpu.memory_space<vmem_shared>> -> memref<100352x8xf32, #tpu.memory_space<vmem_shared>>
      tpu.enqueue_indirect_dma source(%dma_start3A_246 : memref<128x8xf32, #tpu.memory_space<vmem>>) target(%dma_start3A_252 : memref<100352x8xf32, #tpu.memory_space<vmem_shared>>) offsets(%dma_start3A_249 : memref<128xi32, #tpu.memory_space<vmem>>) semaphore(%arg16 : memref<!tpu.dma_semaphore, #tpu.memory_space<semaphore_mem>>) {add = true}
      %dma_start3A_253 = arith.constant 4 : i32
      %dma_start3A_254 = arith.constant 512 : i32
      %dma_start3A_255 = arith.constant 0 : i32
      %dma_start3A_256 = tpu.memref_slice %arg11[%dma_start3A_254, %dma_start3A_255] : memref<1024x8xf32, #tpu.memory_space<vmem>> -> memref<128x8xf32, #tpu.memory_space<vmem>>
      %dma_start3A_257 = arith.constant 0 : i32
      %dma_start3A_258 = tpu.memref_slice %arg8[%dma_start3A_253, %dma_start3A_257] : memref<8x128xi32, #tpu.memory_space<vmem>> -> memref<1x128xi32, #tpu.memory_space<vmem>>
      %dma_start3A_259 = tpu.memref_squeeze %dma_start3A_258 : memref<1x128xi32, #tpu.memory_space<vmem>> -> memref<128xi32, #tpu.memory_space<vmem>>
      %dma_start3A_260 = arith.constant 0 : i32
      %dma_start3A_261 = arith.constant 0 : i32
      %dma_start3A_262 = tpu.memref_slice %arg13[%dma_start3A_260, %dma_start3A_261] : memref<100352x8xf32, #tpu.memory_space<vmem_shared>> -> memref<100352x8xf32, #tpu.memory_space<vmem_shared>>
      tpu.enqueue_indirect_dma source(%dma_start3A_256 : memref<128x8xf32, #tpu.memory_space<vmem>>) target(%dma_start3A_262 : memref<100352x8xf32, #tpu.memory_space<vmem_shared>>) offsets(%dma_start3A_259 : memref<128xi32, #tpu.memory_space<vmem>>) semaphore(%arg16 : memref<!tpu.dma_semaphore, #tpu.memory_space<semaphore_mem>>) {add = true}
      %dma_start3A_263 = arith.constant 5 : i32
      %dma_start3A_264 = arith.constant 640 : i32
      %dma_start3A_265 = arith.constant 0 : i32
      %dma_start3A_266 = tpu.memref_slice %arg11[%dma_start3A_264, %dma_start3A_265] : memref<1024x8xf32, #tpu.memory_space<vmem>> -> memref<128x8xf32, #tpu.memory_space<vmem>>
      %dma_start3A_267 = arith.constant 0 : i32
      %dma_start3A_268 = tpu.memref_slice %arg8[%dma_start3A_263, %dma_start3A_267] : memref<8x128xi32, #tpu.memory_space<vmem>> -> memref<1x128xi32, #tpu.memory_space<vmem>>
      %dma_start3A_269 = tpu.memref_squeeze %dma_start3A_268 : memref<1x128xi32, #tpu.memory_space<vmem>> -> memref<128xi32, #tpu.memory_space<vmem>>
      %dma_start3A_270 = arith.constant 0 : i32
      %dma_start3A_271 = arith.constant 0 : i32
      %dma_start3A_272 = tpu.memref_slice %arg13[%dma_start3A_270, %dma_start3A_271] : memref<100352x8xf32, #tpu.memory_space<vmem_shared>> -> memref<100352x8xf32, #tpu.memory_space<vmem_shared>>
      tpu.enqueue_indirect_dma source(%dma_start3A_266 : memref<128x8xf32, #tpu.memory_space<vmem>>) target(%dma_start3A_272 : memref<100352x8xf32, #tpu.memory_space<vmem_shared>>) offsets(%dma_start3A_269 : memref<128xi32, #tpu.memory_space<vmem>>) semaphore(%arg16 : memref<!tpu.dma_semaphore, #tpu.memory_space<semaphore_mem>>) {add = true}
      %dma_start3A_273 = arith.constant 6 : i32
      %dma_start3A_274 = arith.constant 768 : i32
      %dma_start3A_275 = arith.constant 0 : i32
      %dma_start3A_276 = tpu.memref_slice %arg11[%dma_start3A_274, %dma_start3A_275] : memref<1024x8xf32, #tpu.memory_space<vmem>> -> memref<128x8xf32, #tpu.memory_space<vmem>>
      %dma_start3A_277 = arith.constant 0 : i32
      %dma_start3A_278 = tpu.memref_slice %arg8[%dma_start3A_273, %dma_start3A_277] : memref<8x128xi32, #tpu.memory_space<vmem>> -> memref<1x128xi32, #tpu.memory_space<vmem>>
      %dma_start3A_279 = tpu.memref_squeeze %dma_start3A_278 : memref<1x128xi32, #tpu.memory_space<vmem>> -> memref<128xi32, #tpu.memory_space<vmem>>
      %dma_start3A_280 = arith.constant 0 : i32
      %dma_start3A_281 = arith.constant 0 : i32
      %dma_start3A_282 = tpu.memref_slice %arg13[%dma_start3A_280, %dma_start3A_281] : memref<100352x8xf32, #tpu.memory_space<vmem_shared>> -> memref<100352x8xf32, #tpu.memory_space<vmem_shared>>
      tpu.enqueue_indirect_dma source(%dma_start3A_276 : memref<128x8xf32, #tpu.memory_space<vmem>>) target(%dma_start3A_282 : memref<100352x8xf32, #tpu.memory_space<vmem_shared>>) offsets(%dma_start3A_279 : memref<128xi32, #tpu.memory_space<vmem>>) semaphore(%arg16 : memref<!tpu.dma_semaphore, #tpu.memory_space<semaphore_mem>>) {add = true}
      %dma_start3A_283 = arith.constant 7 : i32
      %dma_start3A_284 = arith.constant 896 : i32
      %dma_start3A_285 = arith.constant 0 : i32
      %dma_start3A_286 = tpu.memref_slice %arg11[%dma_start3A_284, %dma_start3A_285] : memref<1024x8xf32, #tpu.memory_space<vmem>> -> memref<128x8xf32, #tpu.memory_space<vmem>>
      %dma_start3A_287 = arith.constant 0 : i32
      %dma_start3A_288 = tpu.memref_slice %arg8[%dma_start3A_283, %dma_start3A_287] : memref<8x128xi32, #tpu.memory_space<vmem>> -> memref<1x128xi32, #tpu.memory_space<vmem>>
      %dma_start3A_289 = tpu.memref_squeeze %dma_start3A_288 : memref<1x128xi32, #tpu.memory_space<vmem>> -> memref<128xi32, #tpu.memory_space<vmem>>
      %dma_start3A_290 = arith.constant 0 : i32
      %dma_start3A_291 = arith.constant 0 : i32
      %dma_start3A_292 = tpu.memref_slice %arg13[%dma_start3A_290, %dma_start3A_291] : memref<100352x8xf32, #tpu.memory_space<vmem_shared>> -> memref<100352x8xf32, #tpu.memory_space<vmem_shared>>
      tpu.enqueue_indirect_dma source(%dma_start3A_286 : memref<128x8xf32, #tpu.memory_space<vmem>>) target(%dma_start3A_292 : memref<100352x8xf32, #tpu.memory_space<vmem_shared>>) offsets(%dma_start3A_289 : memref<128xi32, #tpu.memory_space<vmem>>) semaphore(%arg16 : memref<!tpu.dma_semaphore, #tpu.memory_space<semaphore_mem>>) {add = true}
      %dma_wait3A_293 = arith.constant 0 : i32
      %dma_wait3A_294 = arith.constant 0 : i32
      %dma_wait3A_295 = tpu.memref_slice %arg2[%dma_wait3A_293, %dma_wait3A_294] : memref<100352x8xf32, #tpu.memory_space<hbm>> -> memref<1024x8xf32, #tpu.memory_space<hbm>>
      %dma_wait3A_296 = arith.constant 0 : i32
      %dma_wait3A_297 = arith.constant 0 : i32
      %dma_wait3A_298 = tpu.memref_slice %arg2[%dma_wait3A_296, %dma_wait3A_297] : memref<100352x8xf32, #tpu.memory_space<hbm>> -> memref<1024x8xf32, #tpu.memory_space<hbm>>
      tpu.wait_dma2 semaphore(%arg17 : memref<!tpu.dma_semaphore, #tpu.memory_space<semaphore_mem>>) src(%dma_wait3A_298 : memref<1024x8xf32, #tpu.memory_space<hbm>>) dst(%arg12 : memref<1024x8xf32, #tpu.memory_space<vmem>>)
      "tpu.region"() ({
        %run_scoped3A = tpu.sem_alloc : memref<!tpu.dma_semaphore, #tpu.memory_space<semaphore_mem>>
        %dma_start3A_625 = arith.constant 0 : i32
        %dma_start3A_626 = tpu.memref_slice %arg3[%add3A_197, %dma_start3A_625] : memref<50310x128xi32, #tpu.memory_space<hbm>> -> memref<8x128xi32, #tpu.memory_space<hbm>>
        %dma_start3A_627 = arith.constant 0 : i32
        %dma_start3A_628 = tpu.memref_slice %arg3[%add3A_197, %dma_start3A_627] : memref<50310x128xi32, #tpu.memory_space<hbm>> -> memref<8x128xi32, #tpu.memory_space<hbm>>
        tpu.enqueue_dma source(%dma_start3A_628 : memref<8x128xi32, #tpu.memory_space<hbm>>) target(%arg9 : memref<8x128xi32, #tpu.memory_space<vmem>>) target_semaphore(%run_scoped3A : memref<!tpu.dma_semaphore, #tpu.memory_space<semaphore_mem>>)
        %dma_wait3A_629 = arith.constant 0 : i32
        %dma_wait3A_630 = tpu.memref_slice %arg3[%add3A_197, %dma_wait3A_629] : memref<50310x128xi32, #tpu.memory_space<hbm>> -> memref<8x128xi32, #tpu.memory_space<hbm>>
        %dma_wait3A_631 = arith.constant 0 : i32
        %dma_wait3A_632 = tpu.memref_slice %arg3[%add3A_197, %dma_wait3A_631] : memref<50310x128xi32, #tpu.memory_space<hbm>> -> memref<8x128xi32, #tpu.memory_space<hbm>>
        tpu.wait_dma2 semaphore(%run_scoped3A : memref<!tpu.dma_semaphore, #tpu.memory_space<semaphore_mem>>) src(%dma_wait3A_632 : memref<8x128xi32, #tpu.memory_space<hbm>>) dst(%arg9 : memref<8x128xi32, #tpu.memory_space<vmem>>)
        tpu.yield
      }) : () -> ()
      "tpu.region"() ({
        %run_scoped3A = tpu.sem_alloc : memref<!tpu.dma_semaphore, #tpu.memory_space<semaphore_mem>>
        %dma_start3A_625 = arith.constant 0 : i32
        %dma_start3A_626 = tpu.memref_slice %arg4[%add3A_197, %dma_start3A_625] : memref<50310x128xi32, #tpu.memory_space<hbm>> -> memref<8x128xi32, #tpu.memory_space<hbm>>
        %dma_start3A_627 = arith.constant 0 : i32
        %dma_start3A_628 = tpu.memref_slice %arg4[%add3A_197, %dma_start3A_627] : memref<50310x128xi32, #tpu.memory_space<hbm>> -> memref<8x128xi32, #tpu.memory_space<hbm>>
        tpu.enqueue_dma source(%dma_start3A_628 : memref<8x128xi32, #tpu.memory_space<hbm>>) target(%arg10 : memref<8x128xi32, #tpu.memory_space<vmem>>) target_semaphore(%run_scoped3A : memref<!tpu.dma_semaphore, #tpu.memory_space<semaphore_mem>>)
        %dma_wait3A_629 = arith.constant 0 : i32
        %dma_wait3A_630 = tpu.memref_slice %arg4[%add3A_197, %dma_wait3A_629] : memref<50310x128xi32, #tpu.memory_space<hbm>> -> memref<8x128xi32, #tpu.memory_space<hbm>>
        %dma_wait3A_631 = arith.constant 0 : i32
        %dma_wait3A_632 = tpu.memref_slice %arg4[%add3A_197, %dma_wait3A_631] : memref<50310x128xi32, #tpu.memory_space<hbm>> -> memref<8x128xi32, #tpu.memory_space<hbm>>
        tpu.wait_dma2 semaphore(%run_scoped3A : memref<!tpu.dma_semaphore, #tpu.memory_space<semaphore_mem>>) src(%dma_wait3A_632 : memref<8x128xi32, #tpu.memory_space<hbm>>) dst(%arg10 : memref<8x128xi32, #tpu.memory_space<vmem>>)
        tpu.yield
      }) : () -> ()
      %dma_start3A_299 = arith.constant 0 : i32
      %dma_start3A_300 = arith.constant 0 : i32
      %dma_start3A_301 = arith.constant 0 : i32
      %dma_start3A_302 = tpu.memref_slice %arg12[%dma_start3A_300, %dma_start3A_301] : memref<1024x8xf32, #tpu.memory_space<vmem>> -> memref<128x8xf32, #tpu.memory_space<vmem>>
      %dma_start3A_303 = arith.constant 0 : i32
      %dma_start3A_304 = tpu.memref_slice %arg9[%dma_start3A_299, %dma_start3A_303] : memref<8x128xi32, #tpu.memory_space<vmem>> -> memref<1x128xi32, #tpu.memory_space<vmem>>
      %dma_start3A_305 = tpu.memref_squeeze %dma_start3A_304 : memref<1x128xi32, #tpu.memory_space<vmem>> -> memref<128xi32, #tpu.memory_space<vmem>>
      %dma_start3A_306 = arith.constant 0 : i32
      %dma_start3A_307 = arith.constant 0 : i32
      %dma_start3A_308 = tpu.memref_slice %arg2[%dma_start3A_306, %dma_start3A_307] : memref<100352x8xf32, #tpu.memory_space<hbm>> -> memref<100352x8xf32, #tpu.memory_space<hbm>>
      tpu.enqueue_indirect_dma source(%dma_start3A_308 : memref<100352x8xf32, #tpu.memory_space<hbm>>) target(%dma_start3A_302 : memref<128x8xf32, #tpu.memory_space<vmem>>) offsets(%dma_start3A_305 : memref<128xi32, #tpu.memory_space<vmem>>) semaphore(%arg15 : memref<!tpu.dma_semaphore, #tpu.memory_space<semaphore_mem>>)
      %dma_start3A_309 = arith.constant 1 : i32
      %dma_start3A_310 = arith.constant 128 : i32
      %dma_start3A_311 = arith.constant 0 : i32
      %dma_start3A_312 = tpu.memref_slice %arg12[%dma_start3A_310, %dma_start3A_311] : memref<1024x8xf32, #tpu.memory_space<vmem>> -> memref<128x8xf32, #tpu.memory_space<vmem>>
      %dma_start3A_313 = arith.constant 0 : i32
      %dma_start3A_314 = tpu.memref_slice %arg9[%dma_start3A_309, %dma_start3A_313] : memref<8x128xi32, #tpu.memory_space<vmem>> -> memref<1x128xi32, #tpu.memory_space<vmem>>
      %dma_start3A_315 = tpu.memref_squeeze %dma_start3A_314 : memref<1x128xi32, #tpu.memory_space<vmem>> -> memref<128xi32, #tpu.memory_space<vmem>>
      %dma_start3A_316 = arith.constant 0 : i32
      %dma_start3A_317 = arith.constant 0 : i32
      %dma_start3A_318 = tpu.memref_slice %arg2[%dma_start3A_316, %dma_start3A_317] : memref<100352x8xf32, #tpu.memory_space<hbm>> -> memref<100352x8xf32, #tpu.memory_space<hbm>>
      tpu.enqueue_indirect_dma source(%dma_start3A_318 : memref<100352x8xf32, #tpu.memory_space<hbm>>) target(%dma_start3A_312 : memref<128x8xf32, #tpu.memory_space<vmem>>) offsets(%dma_start3A_315 : memref<128xi32, #tpu.memory_space<vmem>>) semaphore(%arg15 : memref<!tpu.dma_semaphore, #tpu.memory_space<semaphore_mem>>)
      %dma_start3A_319 = arith.constant 2 : i32
      %dma_start3A_320 = arith.constant 256 : i32
      %dma_start3A_321 = arith.constant 0 : i32
      %dma_start3A_322 = tpu.memref_slice %arg12[%dma_start3A_320, %dma_start3A_321] : memref<1024x8xf32, #tpu.memory_space<vmem>> -> memref<128x8xf32, #tpu.memory_space<vmem>>
      %dma_start3A_323 = arith.constant 0 : i32
      %dma_start3A_324 = tpu.memref_slice %arg9[%dma_start3A_319, %dma_start3A_323] : memref<8x128xi32, #tpu.memory_space<vmem>> -> memref<1x128xi32, #tpu.memory_space<vmem>>
      %dma_start3A_325 = tpu.memref_squeeze %dma_start3A_324 : memref<1x128xi32, #tpu.memory_space<vmem>> -> memref<128xi32, #tpu.memory_space<vmem>>
      %dma_start3A_326 = arith.constant 0 : i32
      %dma_start3A_327 = arith.constant 0 : i32
      %dma_start3A_328 = tpu.memref_slice %arg2[%dma_start3A_326, %dma_start3A_327] : memref<100352x8xf32, #tpu.memory_space<hbm>> -> memref<100352x8xf32, #tpu.memory_space<hbm>>
      tpu.enqueue_indirect_dma source(%dma_start3A_328 : memref<100352x8xf32, #tpu.memory_space<hbm>>) target(%dma_start3A_322 : memref<128x8xf32, #tpu.memory_space<vmem>>) offsets(%dma_start3A_325 : memref<128xi32, #tpu.memory_space<vmem>>) semaphore(%arg15 : memref<!tpu.dma_semaphore, #tpu.memory_space<semaphore_mem>>)
      %dma_start3A_329 = arith.constant 3 : i32
      %dma_start3A_330 = arith.constant 384 : i32
      %dma_start3A_331 = arith.constant 0 : i32
      %dma_start3A_332 = tpu.memref_slice %arg12[%dma_start3A_330, %dma_start3A_331] : memref<1024x8xf32, #tpu.memory_space<vmem>> -> memref<128x8xf32, #tpu.memory_space<vmem>>
      %dma_start3A_333 = arith.constant 0 : i32
      %dma_start3A_334 = tpu.memref_slice %arg9[%dma_start3A_329, %dma_start3A_333] : memref<8x128xi32, #tpu.memory_space<vmem>> -> memref<1x128xi32, #tpu.memory_space<vmem>>
      %dma_start3A_335 = tpu.memref_squeeze %dma_start3A_334 : memref<1x128xi32, #tpu.memory_space<vmem>> -> memref<128xi32, #tpu.memory_space<vmem>>
      %dma_start3A_336 = arith.constant 0 : i32
      %dma_start3A_337 = arith.constant 0 : i32
      %dma_start3A_338 = tpu.memref_slice %arg2[%dma_start3A_336, %dma_start3A_337] : memref<100352x8xf32, #tpu.memory_space<hbm>> -> memref<100352x8xf32, #tpu.memory_space<hbm>>
      tpu.enqueue_indirect_dma source(%dma_start3A_338 : memref<100352x8xf32, #tpu.memory_space<hbm>>) target(%dma_start3A_332 : memref<128x8xf32, #tpu.memory_space<vmem>>) offsets(%dma_start3A_335 : memref<128xi32, #tpu.memory_space<vmem>>) semaphore(%arg15 : memref<!tpu.dma_semaphore, #tpu.memory_space<semaphore_mem>>)
      %dma_start3A_339 = arith.constant 4 : i32
      %dma_start3A_340 = arith.constant 512 : i32
      %dma_start3A_341 = arith.constant 0 : i32
      %dma_start3A_342 = tpu.memref_slice %arg12[%dma_start3A_340, %dma_start3A_341] : memref<1024x8xf32, #tpu.memory_space<vmem>> -> memref<128x8xf32, #tpu.memory_space<vmem>>
      %dma_start3A_343 = arith.constant 0 : i32
      %dma_start3A_344 = tpu.memref_slice %arg9[%dma_start3A_339, %dma_start3A_343] : memref<8x128xi32, #tpu.memory_space<vmem>> -> memref<1x128xi32, #tpu.memory_space<vmem>>
      %dma_start3A_345 = tpu.memref_squeeze %dma_start3A_344 : memref<1x128xi32, #tpu.memory_space<vmem>> -> memref<128xi32, #tpu.memory_space<vmem>>
      %dma_start3A_346 = arith.constant 0 : i32
      %dma_start3A_347 = arith.constant 0 : i32
      %dma_start3A_348 = tpu.memref_slice %arg2[%dma_start3A_346, %dma_start3A_347] : memref<100352x8xf32, #tpu.memory_space<hbm>> -> memref<100352x8xf32, #tpu.memory_space<hbm>>
      tpu.enqueue_indirect_dma source(%dma_start3A_348 : memref<100352x8xf32, #tpu.memory_space<hbm>>) target(%dma_start3A_342 : memref<128x8xf32, #tpu.memory_space<vmem>>) offsets(%dma_start3A_345 : memref<128xi32, #tpu.memory_space<vmem>>) semaphore(%arg15 : memref<!tpu.dma_semaphore, #tpu.memory_space<semaphore_mem>>)
      %dma_start3A_349 = arith.constant 5 : i32
      %dma_start3A_350 = arith.constant 640 : i32
      %dma_start3A_351 = arith.constant 0 : i32
      %dma_start3A_352 = tpu.memref_slice %arg12[%dma_start3A_350, %dma_start3A_351] : memref<1024x8xf32, #tpu.memory_space<vmem>> -> memref<128x8xf32, #tpu.memory_space<vmem>>
      %dma_start3A_353 = arith.constant 0 : i32
      %dma_start3A_354 = tpu.memref_slice %arg9[%dma_start3A_349, %dma_start3A_353] : memref<8x128xi32, #tpu.memory_space<vmem>> -> memref<1x128xi32, #tpu.memory_space<vmem>>
      %dma_start3A_355 = tpu.memref_squeeze %dma_start3A_354 : memref<1x128xi32, #tpu.memory_space<vmem>> -> memref<128xi32, #tpu.memory_space<vmem>>
      %dma_start3A_356 = arith.constant 0 : i32
      %dma_start3A_357 = arith.constant 0 : i32
      %dma_start3A_358 = tpu.memref_slice %arg2[%dma_start3A_356, %dma_start3A_357] : memref<100352x8xf32, #tpu.memory_space<hbm>> -> memref<100352x8xf32, #tpu.memory_space<hbm>>
      tpu.enqueue_indirect_dma source(%dma_start3A_358 : memref<100352x8xf32, #tpu.memory_space<hbm>>) target(%dma_start3A_352 : memref<128x8xf32, #tpu.memory_space<vmem>>) offsets(%dma_start3A_355 : memref<128xi32, #tpu.memory_space<vmem>>) semaphore(%arg15 : memref<!tpu.dma_semaphore, #tpu.memory_space<semaphore_mem>>)
      %dma_start3A_359 = arith.constant 6 : i32
      %dma_start3A_360 = arith.constant 768 : i32
      %dma_start3A_361 = arith.constant 0 : i32
      %dma_start3A_362 = tpu.memref_slice %arg12[%dma_start3A_360, %dma_start3A_361] : memref<1024x8xf32, #tpu.memory_space<vmem>> -> memref<128x8xf32, #tpu.memory_space<vmem>>
      %dma_start3A_363 = arith.constant 0 : i32
      %dma_start3A_364 = tpu.memref_slice %arg9[%dma_start3A_359, %dma_start3A_363] : memref<8x128xi32, #tpu.memory_space<vmem>> -> memref<1x128xi32, #tpu.memory_space<vmem>>
      %dma_start3A_365 = tpu.memref_squeeze %dma_start3A_364 : memref<1x128xi32, #tpu.memory_space<vmem>> -> memref<128xi32, #tpu.memory_space<vmem>>
      %dma_start3A_366 = arith.constant 0 : i32
      %dma_start3A_367 = arith.constant 0 : i32
      %dma_start3A_368 = tpu.memref_slice %arg2[%dma_start3A_366, %dma_start3A_367] : memref<100352x8xf32, #tpu.memory_space<hbm>> -> memref<100352x8xf32, #tpu.memory_space<hbm>>
      tpu.enqueue_indirect_dma source(%dma_start3A_368 : memref<100352x8xf32, #tpu.memory_space<hbm>>) target(%dma_start3A_362 : memref<128x8xf32, #tpu.memory_space<vmem>>) offsets(%dma_start3A_365 : memref<128xi32, #tpu.memory_space<vmem>>) semaphore(%arg15 : memref<!tpu.dma_semaphore, #tpu.memory_space<semaphore_mem>>)
      %dma_start3A_369 = arith.constant 7 : i32
      %dma_start3A_370 = arith.constant 896 : i32
      %dma_start3A_371 = arith.constant 0 : i32
      %dma_start3A_372 = tpu.memref_slice %arg12[%dma_start3A_370, %dma_start3A_371] : memref<1024x8xf32, #tpu.memory_space<vmem>> -> memref<128x8xf32, #tpu.memory_space<vmem>>
      %dma_start3A_373 = arith.constant 0 : i32
      %dma_start3A_374 = tpu.memref_slice %arg9[%dma_start3A_369, %dma_start3A_373] : memref<8x128xi32, #tpu.memory_space<vmem>> -> memref<1x128xi32, #tpu.memory_space<vmem>>
      %dma_start3A_375 = tpu.memref_squeeze %dma_start3A_374 : memref<1x128xi32, #tpu.memory_space<vmem>> -> memref<128xi32, #tpu.memory_space<vmem>>
      %dma_start3A_376 = arith.constant 0 : i32
      %dma_start3A_377 = arith.constant 0 : i32
      %dma_start3A_378 = tpu.memref_slice %arg2[%dma_start3A_376, %dma_start3A_377] : memref<100352x8xf32, #tpu.memory_space<hbm>> -> memref<100352x8xf32, #tpu.memory_space<hbm>>
      tpu.enqueue_indirect_dma source(%dma_start3A_378 : memref<100352x8xf32, #tpu.memory_space<hbm>>) target(%dma_start3A_372 : memref<128x8xf32, #tpu.memory_space<vmem>>) offsets(%dma_start3A_375 : memref<128xi32, #tpu.memory_space<vmem>>) semaphore(%arg15 : memref<!tpu.dma_semaphore, #tpu.memory_space<semaphore_mem>>)
      %dma_wait3A_379 = arith.constant 0 : i32
      %dma_wait3A_380 = arith.constant 0 : i32
      %dma_wait3A_381 = arith.constant 0 : i32
      %dma_wait3A_382 = tpu.memref_slice %arg11[%dma_wait3A_380, %dma_wait3A_381] : memref<1024x8xf32, #tpu.memory_space<vmem>> -> memref<128x8xf32, #tpu.memory_space<vmem>>
      %dma_wait3A_383 = arith.constant 0 : i32
      %dma_wait3A_384 = tpu.memref_slice %arg8[%dma_wait3A_379, %dma_wait3A_383] : memref<8x128xi32, #tpu.memory_space<vmem>> -> memref<1x128xi32, #tpu.memory_space<vmem>>
      %dma_wait3A_385 = tpu.memref_squeeze %dma_wait3A_384 : memref<1x128xi32, #tpu.memory_space<vmem>> -> memref<128xi32, #tpu.memory_space<vmem>>
      %dma_wait3A_386 = arith.constant 0 : i32
      %dma_wait3A_387 = arith.constant 0 : i32
      %dma_wait3A_388 = tpu.memref_slice %arg13[%dma_wait3A_386, %dma_wait3A_387] : memref<100352x8xf32, #tpu.memory_space<vmem_shared>> -> memref<100352x8xf32, #tpu.memory_space<vmem_shared>>
      tpu.wait_indirect_dma semaphore(%arg16 : memref<!tpu.dma_semaphore, #tpu.memory_space<semaphore_mem>>) src(%dma_wait3A_382 : memref<128x8xf32, #tpu.memory_space<vmem>>) dst(%dma_wait3A_388 : memref<100352x8xf32, #tpu.memory_space<vmem_shared>>)
      %dma_wait3A_389 = arith.constant 1 : i32
      %dma_wait3A_390 = arith.constant 128 : i32
      %dma_wait3A_391 = arith.constant 0 : i32
      %dma_wait3A_392 = tpu.memref_slice %arg11[%dma_wait3A_390, %dma_wait3A_391] : memref<1024x8xf32, #tpu.memory_space<vmem>> -> memref<128x8xf32, #tpu.memory_space<vmem>>
      %dma_wait3A_393 = arith.constant 0 : i32
      %dma_wait3A_394 = tpu.memref_slice %arg8[%dma_wait3A_389, %dma_wait3A_393] : memref<8x128xi32, #tpu.memory_space<vmem>> -> memref<1x128xi32, #tpu.memory_space<vmem>>
      %dma_wait3A_395 = tpu.memref_squeeze %dma_wait3A_394 : memref<1x128xi32, #tpu.memory_space<vmem>> -> memref<128xi32, #tpu.memory_space<vmem>>
      %dma_wait3A_396 = arith.constant 0 : i32
      %dma_wait3A_397 = arith.constant 0 : i32
      %dma_wait3A_398 = tpu.memref_slice %arg13[%dma_wait3A_396, %dma_wait3A_397] : memref<100352x8xf32, #tpu.memory_space<vmem_shared>> -> memref<100352x8xf32, #tpu.memory_space<vmem_shared>>
      tpu.wait_indirect_dma semaphore(%arg16 : memref<!tpu.dma_semaphore, #tpu.memory_space<semaphore_mem>>) src(%dma_wait3A_392 : memref<128x8xf32, #tpu.memory_space<vmem>>) dst(%dma_wait3A_398 : memref<100352x8xf32, #tpu.memory_space<vmem_shared>>)
      %dma_wait3A_399 = arith.constant 2 : i32
      %dma_wait3A_400 = arith.constant 256 : i32
      %dma_wait3A_401 = arith.constant 0 : i32
      %dma_wait3A_402 = tpu.memref_slice %arg11[%dma_wait3A_400, %dma_wait3A_401] : memref<1024x8xf32, #tpu.memory_space<vmem>> -> memref<128x8xf32, #tpu.memory_space<vmem>>
      %dma_wait3A_403 = arith.constant 0 : i32
      %dma_wait3A_404 = tpu.memref_slice %arg8[%dma_wait3A_399, %dma_wait3A_403] : memref<8x128xi32, #tpu.memory_space<vmem>> -> memref<1x128xi32, #tpu.memory_space<vmem>>
      %dma_wait3A_405 = tpu.memref_squeeze %dma_wait3A_404 : memref<1x128xi32, #tpu.memory_space<vmem>> -> memref<128xi32, #tpu.memory_space<vmem>>
      %dma_wait3A_406 = arith.constant 0 : i32
      %dma_wait3A_407 = arith.constant 0 : i32
      %dma_wait3A_408 = tpu.memref_slice %arg13[%dma_wait3A_406, %dma_wait3A_407] : memref<100352x8xf32, #tpu.memory_space<vmem_shared>> -> memref<100352x8xf32, #tpu.memory_space<vmem_shared>>
      tpu.wait_indirect_dma semaphore(%arg16 : memref<!tpu.dma_semaphore, #tpu.memory_space<semaphore_mem>>) src(%dma_wait3A_402 : memref<128x8xf32, #tpu.memory_space<vmem>>) dst(%dma_wait3A_408 : memref<100352x8xf32, #tpu.memory_space<vmem_shared>>)
      %dma_wait3A_409 = arith.constant 3 : i32
      %dma_wait3A_410 = arith.constant 384 : i32
      %dma_wait3A_411 = arith.constant 0 : i32
      %dma_wait3A_412 = tpu.memref_slice %arg11[%dma_wait3A_410, %dma_wait3A_411] : memref<1024x8xf32, #tpu.memory_space<vmem>> -> memref<128x8xf32, #tpu.memory_space<vmem>>
      %dma_wait3A_413 = arith.constant 0 : i32
      %dma_wait3A_414 = tpu.memref_slice %arg8[%dma_wait3A_409, %dma_wait3A_413] : memref<8x128xi32, #tpu.memory_space<vmem>> -> memref<1x128xi32, #tpu.memory_space<vmem>>
      %dma_wait3A_415 = tpu.memref_squeeze %dma_wait3A_414 : memref<1x128xi32, #tpu.memory_space<vmem>> -> memref<128xi32, #tpu.memory_space<vmem>>
      %dma_wait3A_416 = arith.constant 0 : i32
      %dma_wait3A_417 = arith.constant 0 : i32
      %dma_wait3A_418 = tpu.memref_slice %arg13[%dma_wait3A_416, %dma_wait3A_417] : memref<100352x8xf32, #tpu.memory_space<vmem_shared>> -> memref<100352x8xf32, #tpu.memory_space<vmem_shared>>
      tpu.wait_indirect_dma semaphore(%arg16 : memref<!tpu.dma_semaphore, #tpu.memory_space<semaphore_mem>>) src(%dma_wait3A_412 : memref<128x8xf32, #tpu.memory_space<vmem>>) dst(%dma_wait3A_418 : memref<100352x8xf32, #tpu.memory_space<vmem_shared>>)
      %dma_wait3A_419 = arith.constant 4 : i32
      %dma_wait3A_420 = arith.constant 512 : i32
      %dma_wait3A_421 = arith.constant 0 : i32
      %dma_wait3A_422 = tpu.memref_slice %arg11[%dma_wait3A_420, %dma_wait3A_421] : memref<1024x8xf32, #tpu.memory_space<vmem>> -> memref<128x8xf32, #tpu.memory_space<vmem>>
      %dma_wait3A_423 = arith.constant 0 : i32
      %dma_wait3A_424 = tpu.memref_slice %arg8[%dma_wait3A_419, %dma_wait3A_423] : memref<8x128xi32, #tpu.memory_space<vmem>> -> memref<1x128xi32, #tpu.memory_space<vmem>>
      %dma_wait3A_425 = tpu.memref_squeeze %dma_wait3A_424 : memref<1x128xi32, #tpu.memory_space<vmem>> -> memref<128xi32, #tpu.memory_space<vmem>>
      %dma_wait3A_426 = arith.constant 0 : i32
      %dma_wait3A_427 = arith.constant 0 : i32
      %dma_wait3A_428 = tpu.memref_slice %arg13[%dma_wait3A_426, %dma_wait3A_427] : memref<100352x8xf32, #tpu.memory_space<vmem_shared>> -> memref<100352x8xf32, #tpu.memory_space<vmem_shared>>
      tpu.wait_indirect_dma semaphore(%arg16 : memref<!tpu.dma_semaphore, #tpu.memory_space<semaphore_mem>>) src(%dma_wait3A_422 : memref<128x8xf32, #tpu.memory_space<vmem>>) dst(%dma_wait3A_428 : memref<100352x8xf32, #tpu.memory_space<vmem_shared>>)
      %dma_wait3A_429 = arith.constant 5 : i32
      %dma_wait3A_430 = arith.constant 640 : i32
      %dma_wait3A_431 = arith.constant 0 : i32
      %dma_wait3A_432 = tpu.memref_slice %arg11[%dma_wait3A_430, %dma_wait3A_431] : memref<1024x8xf32, #tpu.memory_space<vmem>> -> memref<128x8xf32, #tpu.memory_space<vmem>>
      %dma_wait3A_433 = arith.constant 0 : i32
      %dma_wait3A_434 = tpu.memref_slice %arg8[%dma_wait3A_429, %dma_wait3A_433] : memref<8x128xi32, #tpu.memory_space<vmem>> -> memref<1x128xi32, #tpu.memory_space<vmem>>
      %dma_wait3A_435 = tpu.memref_squeeze %dma_wait3A_434 : memref<1x128xi32, #tpu.memory_space<vmem>> -> memref<128xi32, #tpu.memory_space<vmem>>
      %dma_wait3A_436 = arith.constant 0 : i32
      %dma_wait3A_437 = arith.constant 0 : i32
      %dma_wait3A_438 = tpu.memref_slice %arg13[%dma_wait3A_436, %dma_wait3A_437] : memref<100352x8xf32, #tpu.memory_space<vmem_shared>> -> memref<100352x8xf32, #tpu.memory_space<vmem_shared>>
      tpu.wait_indirect_dma semaphore(%arg16 : memref<!tpu.dma_semaphore, #tpu.memory_space<semaphore_mem>>) src(%dma_wait3A_432 : memref<128x8xf32, #tpu.memory_space<vmem>>) dst(%dma_wait3A_438 : memref<100352x8xf32, #tpu.memory_space<vmem_shared>>)
      %dma_wait3A_439 = arith.constant 6 : i32
      %dma_wait3A_440 = arith.constant 768 : i32
      %dma_wait3A_441 = arith.constant 0 : i32
      %dma_wait3A_442 = tpu.memref_slice %arg11[%dma_wait3A_440, %dma_wait3A_441] : memref<1024x8xf32, #tpu.memory_space<vmem>> -> memref<128x8xf32, #tpu.memory_space<vmem>>
      %dma_wait3A_443 = arith.constant 0 : i32
      %dma_wait3A_444 = tpu.memref_slice %arg8[%dma_wait3A_439, %dma_wait3A_443] : memref<8x128xi32, #tpu.memory_space<vmem>> -> memref<1x128xi32, #tpu.memory_space<vmem>>
      %dma_wait3A_445 = tpu.memref_squeeze %dma_wait3A_444 : memref<1x128xi32, #tpu.memory_space<vmem>> -> memref<128xi32, #tpu.memory_space<vmem>>
      %dma_wait3A_446 = arith.constant 0 : i32
      %dma_wait3A_447 = arith.constant 0 : i32
      %dma_wait3A_448 = tpu.memref_slice %arg13[%dma_wait3A_446, %dma_wait3A_447] : memref<100352x8xf32, #tpu.memory_space<vmem_shared>> -> memref<100352x8xf32, #tpu.memory_space<vmem_shared>>
      tpu.wait_indirect_dma semaphore(%arg16 : memref<!tpu.dma_semaphore, #tpu.memory_space<semaphore_mem>>) src(%dma_wait3A_442 : memref<128x8xf32, #tpu.memory_space<vmem>>) dst(%dma_wait3A_448 : memref<100352x8xf32, #tpu.memory_space<vmem_shared>>)
      %dma_wait3A_449 = arith.constant 7 : i32
      %dma_wait3A_450 = arith.constant 896 : i32
      %dma_wait3A_451 = arith.constant 0 : i32
      %dma_wait3A_452 = tpu.memref_slice %arg11[%dma_wait3A_450, %dma_wait3A_451] : memref<1024x8xf32, #tpu.memory_space<vmem>> -> memref<128x8xf32, #tpu.memory_space<vmem>>
      %dma_wait3A_453 = arith.constant 0 : i32
      %dma_wait3A_454 = tpu.memref_slice %arg8[%dma_wait3A_449, %dma_wait3A_453] : memref<8x128xi32, #tpu.memory_space<vmem>> -> memref<1x128xi32, #tpu.memory_space<vmem>>
      %dma_wait3A_455 = tpu.memref_squeeze %dma_wait3A_454 : memref<1x128xi32, #tpu.memory_space<vmem>> -> memref<128xi32, #tpu.memory_space<vmem>>
      %dma_wait3A_456 = arith.constant 0 : i32
      %dma_wait3A_457 = arith.constant 0 : i32
      %dma_wait3A_458 = tpu.memref_slice %arg13[%dma_wait3A_456, %dma_wait3A_457] : memref<100352x8xf32, #tpu.memory_space<vmem_shared>> -> memref<100352x8xf32, #tpu.memory_space<vmem_shared>>
      tpu.wait_indirect_dma semaphore(%arg16 : memref<!tpu.dma_semaphore, #tpu.memory_space<semaphore_mem>>) src(%dma_wait3A_452 : memref<128x8xf32, #tpu.memory_space<vmem>>) dst(%dma_wait3A_458 : memref<100352x8xf32, #tpu.memory_space<vmem_shared>>)
      "tpu.region"() ({
        %run_scoped3A = tpu.sem_alloc : memref<!tpu.dma_semaphore, #tpu.memory_space<semaphore_mem>>
        %dma_start3A_625 = arith.constant 0 : i32
        %dma_start3A_626 = tpu.memref_slice %arg3[%add3A_206, %dma_start3A_625] : memref<50310x128xi32, #tpu.memory_space<hbm>> -> memref<8x128xi32, #tpu.memory_space<hbm>>
        %dma_start3A_627 = arith.constant 0 : i32
        %dma_start3A_628 = tpu.memref_slice %arg3[%add3A_206, %dma_start3A_627] : memref<50310x128xi32, #tpu.memory_space<hbm>> -> memref<8x128xi32, #tpu.memory_space<hbm>>
        tpu.enqueue_dma source(%dma_start3A_628 : memref<8x128xi32, #tpu.memory_space<hbm>>) target(%arg7 : memref<8x128xi32, #tpu.memory_space<vmem>>) target_semaphore(%run_scoped3A : memref<!tpu.dma_semaphore, #tpu.memory_space<semaphore_mem>>)
        %dma_wait3A_629 = arith.constant 0 : i32
        %dma_wait3A_630 = tpu.memref_slice %arg3[%add3A_206, %dma_wait3A_629] : memref<50310x128xi32, #tpu.memory_space<hbm>> -> memref<8x128xi32, #tpu.memory_space<hbm>>
        %dma_wait3A_631 = arith.constant 0 : i32
        %dma_wait3A_632 = tpu.memref_slice %arg3[%add3A_206, %dma_wait3A_631] : memref<50310x128xi32, #tpu.memory_space<hbm>> -> memref<8x128xi32, #tpu.memory_space<hbm>>
        tpu.wait_dma2 semaphore(%run_scoped3A : memref<!tpu.dma_semaphore, #tpu.memory_space<semaphore_mem>>) src(%dma_wait3A_632 : memref<8x128xi32, #tpu.memory_space<hbm>>) dst(%arg7 : memref<8x128xi32, #tpu.memory_space<vmem>>)
        tpu.yield
      }) : () -> ()
      "tpu.region"() ({
        %run_scoped3A = tpu.sem_alloc : memref<!tpu.dma_semaphore, #tpu.memory_space<semaphore_mem>>
        %dma_start3A_625 = arith.constant 0 : i32
        %dma_start3A_626 = tpu.memref_slice %arg4[%add3A_206, %dma_start3A_625] : memref<50310x128xi32, #tpu.memory_space<hbm>> -> memref<8x128xi32, #tpu.memory_space<hbm>>
        %dma_start3A_627 = arith.constant 0 : i32
        %dma_start3A_628 = tpu.memref_slice %arg4[%add3A_206, %dma_start3A_627] : memref<50310x128xi32, #tpu.memory_space<hbm>> -> memref<8x128xi32, #tpu.memory_space<hbm>>
        tpu.enqueue_dma source(%dma_start3A_628 : memref<8x128xi32, #tpu.memory_space<hbm>>) target(%arg8 : memref<8x128xi32, #tpu.memory_space<vmem>>) target_semaphore(%run_scoped3A : memref<!tpu.dma_semaphore, #tpu.memory_space<semaphore_mem>>)
        %dma_wait3A_629 = arith.constant 0 : i32
        %dma_wait3A_630 = tpu.memref_slice %arg4[%add3A_206, %dma_wait3A_629] : memref<50310x128xi32, #tpu.memory_space<hbm>> -> memref<8x128xi32, #tpu.memory_space<hbm>>
        %dma_wait3A_631 = arith.constant 0 : i32
        %dma_wait3A_632 = tpu.memref_slice %arg4[%add3A_206, %dma_wait3A_631] : memref<50310x128xi32, #tpu.memory_space<hbm>> -> memref<8x128xi32, #tpu.memory_space<hbm>>
        tpu.wait_dma2 semaphore(%run_scoped3A : memref<!tpu.dma_semaphore, #tpu.memory_space<semaphore_mem>>) src(%dma_wait3A_632 : memref<8x128xi32, #tpu.memory_space<hbm>>) dst(%arg8 : memref<8x128xi32, #tpu.memory_space<vmem>>)
        tpu.yield
      }) : () -> ()
      %dma_start3A_459 = arith.constant 0 : i32
      %dma_start3A_460 = arith.constant 0 : i32
      %dma_start3A_461 = arith.constant 0 : i32
      %dma_start3A_462 = tpu.memref_slice %arg11[%dma_start3A_460, %dma_start3A_461] : memref<1024x8xf32, #tpu.memory_space<vmem>> -> memref<128x8xf32, #tpu.memory_space<vmem>>
      %dma_start3A_463 = arith.constant 0 : i32
      %dma_start3A_464 = tpu.memref_slice %arg7[%dma_start3A_459, %dma_start3A_463] : memref<8x128xi32, #tpu.memory_space<vmem>> -> memref<1x128xi32, #tpu.memory_space<vmem>>
      %dma_start3A_465 = tpu.memref_squeeze %dma_start3A_464 : memref<1x128xi32, #tpu.memory_space<vmem>> -> memref<128xi32, #tpu.memory_space<vmem>>
      %dma_start3A_466 = arith.constant 0 : i32
      %dma_start3A_467 = arith.constant 0 : i32
      %dma_start3A_468 = tpu.memref_slice %arg2[%dma_start3A_466, %dma_start3A_467] : memref<100352x8xf32, #tpu.memory_space<hbm>> -> memref<100352x8xf32, #tpu.memory_space<hbm>>
      tpu.enqueue_indirect_dma source(%dma_start3A_468 : memref<100352x8xf32, #tpu.memory_space<hbm>>) target(%dma_start3A_462 : memref<128x8xf32, #tpu.memory_space<vmem>>) offsets(%dma_start3A_465 : memref<128xi32, #tpu.memory_space<vmem>>) semaphore(%arg14 : memref<!tpu.dma_semaphore, #tpu.memory_space<semaphore_mem>>)
      %dma_start3A_469 = arith.constant 1 : i32
      %dma_start3A_470 = arith.constant 128 : i32
      %dma_start3A_471 = arith.constant 0 : i32
      %dma_start3A_472 = tpu.memref_slice %arg11[%dma_start3A_470, %dma_start3A_471] : memref<1024x8xf32, #tpu.memory_space<vmem>> -> memref<128x8xf32, #tpu.memory_space<vmem>>
      %dma_start3A_473 = arith.constant 0 : i32
      %dma_start3A_474 = tpu.memref_slice %arg7[%dma_start3A_469, %dma_start3A_473] : memref<8x128xi32, #tpu.memory_space<vmem>> -> memref<1x128xi32, #tpu.memory_space<vmem>>
      %dma_start3A_475 = tpu.memref_squeeze %dma_start3A_474 : memref<1x128xi32, #tpu.memory_space<vmem>> -> memref<128xi32, #tpu.memory_space<vmem>>
      %dma_start3A_476 = arith.constant 0 : i32
      %dma_start3A_477 = arith.constant 0 : i32
      %dma_start3A_478 = tpu.memref_slice %arg2[%dma_start3A_476, %dma_start3A_477] : memref<100352x8xf32, #tpu.memory_space<hbm>> -> memref<100352x8xf32, #tpu.memory_space<hbm>>
      tpu.enqueue_indirect_dma source(%dma_start3A_478 : memref<100352x8xf32, #tpu.memory_space<hbm>>) target(%dma_start3A_472 : memref<128x8xf32, #tpu.memory_space<vmem>>) offsets(%dma_start3A_475 : memref<128xi32, #tpu.memory_space<vmem>>) semaphore(%arg14 : memref<!tpu.dma_semaphore, #tpu.memory_space<semaphore_mem>>)
      %dma_start3A_479 = arith.constant 2 : i32
      %dma_start3A_480 = arith.constant 256 : i32
      %dma_start3A_481 = arith.constant 0 : i32
      %dma_start3A_482 = tpu.memref_slice %arg11[%dma_start3A_480, %dma_start3A_481] : memref<1024x8xf32, #tpu.memory_space<vmem>> -> memref<128x8xf32, #tpu.memory_space<vmem>>
      %dma_start3A_483 = arith.constant 0 : i32
      %dma_start3A_484 = tpu.memref_slice %arg7[%dma_start3A_479, %dma_start3A_483] : memref<8x128xi32, #tpu.memory_space<vmem>> -> memref<1x128xi32, #tpu.memory_space<vmem>>
      %dma_start3A_485 = tpu.memref_squeeze %dma_start3A_484 : memref<1x128xi32, #tpu.memory_space<vmem>> -> memref<128xi32, #tpu.memory_space<vmem>>
      %dma_start3A_486 = arith.constant 0 : i32
      %dma_start3A_487 = arith.constant 0 : i32
      %dma_start3A_488 = tpu.memref_slice %arg2[%dma_start3A_486, %dma_start3A_487] : memref<100352x8xf32, #tpu.memory_space<hbm>> -> memref<100352x8xf32, #tpu.memory_space<hbm>>
      tpu.enqueue_indirect_dma source(%dma_start3A_488 : memref<100352x8xf32, #tpu.memory_space<hbm>>) target(%dma_start3A_482 : memref<128x8xf32, #tpu.memory_space<vmem>>) offsets(%dma_start3A_485 : memref<128xi32, #tpu.memory_space<vmem>>) semaphore(%arg14 : memref<!tpu.dma_semaphore, #tpu.memory_space<semaphore_mem>>)
      %dma_start3A_489 = arith.constant 3 : i32
      %dma_start3A_490 = arith.constant 384 : i32
      %dma_start3A_491 = arith.constant 0 : i32
      %dma_start3A_492 = tpu.memref_slice %arg11[%dma_start3A_490, %dma_start3A_491] : memref<1024x8xf32, #tpu.memory_space<vmem>> -> memref<128x8xf32, #tpu.memory_space<vmem>>
      %dma_start3A_493 = arith.constant 0 : i32
      %dma_start3A_494 = tpu.memref_slice %arg7[%dma_start3A_489, %dma_start3A_493] : memref<8x128xi32, #tpu.memory_space<vmem>> -> memref<1x128xi32, #tpu.memory_space<vmem>>
      %dma_start3A_495 = tpu.memref_squeeze %dma_start3A_494 : memref<1x128xi32, #tpu.memory_space<vmem>> -> memref<128xi32, #tpu.memory_space<vmem>>
      %dma_start3A_496 = arith.constant 0 : i32
      %dma_start3A_497 = arith.constant 0 : i32
      %dma_start3A_498 = tpu.memref_slice %arg2[%dma_start3A_496, %dma_start3A_497] : memref<100352x8xf32, #tpu.memory_space<hbm>> -> memref<100352x8xf32, #tpu.memory_space<hbm>>
      tpu.enqueue_indirect_dma source(%dma_start3A_498 : memref<100352x8xf32, #tpu.memory_space<hbm>>) target(%dma_start3A_492 : memref<128x8xf32, #tpu.memory_space<vmem>>) offsets(%dma_start3A_495 : memref<128xi32, #tpu.memory_space<vmem>>) semaphore(%arg14 : memref<!tpu.dma_semaphore, #tpu.memory_space<semaphore_mem>>)
      %dma_start3A_499 = arith.constant 4 : i32
      %dma_start3A_500 = arith.constant 512 : i32
      %dma_start3A_501 = arith.constant 0 : i32
      %dma_start3A_502 = tpu.memref_slice %arg11[%dma_start3A_500, %dma_start3A_501] : memref<1024x8xf32, #tpu.memory_space<vmem>> -> memref<128x8xf32, #tpu.memory_space<vmem>>
      %dma_start3A_503 = arith.constant 0 : i32
      %dma_start3A_504 = tpu.memref_slice %arg7[%dma_start3A_499, %dma_start3A_503] : memref<8x128xi32, #tpu.memory_space<vmem>> -> memref<1x128xi32, #tpu.memory_space<vmem>>
      %dma_start3A_505 = tpu.memref_squeeze %dma_start3A_504 : memref<1x128xi32, #tpu.memory_space<vmem>> -> memref<128xi32, #tpu.memory_space<vmem>>
      %dma_start3A_506 = arith.constant 0 : i32
      %dma_start3A_507 = arith.constant 0 : i32
      %dma_start3A_508 = tpu.memref_slice %arg2[%dma_start3A_506, %dma_start3A_507] : memref<100352x8xf32, #tpu.memory_space<hbm>> -> memref<100352x8xf32, #tpu.memory_space<hbm>>
      tpu.enqueue_indirect_dma source(%dma_start3A_508 : memref<100352x8xf32, #tpu.memory_space<hbm>>) target(%dma_start3A_502 : memref<128x8xf32, #tpu.memory_space<vmem>>) offsets(%dma_start3A_505 : memref<128xi32, #tpu.memory_space<vmem>>) semaphore(%arg14 : memref<!tpu.dma_semaphore, #tpu.memory_space<semaphore_mem>>)
      %dma_start3A_509 = arith.constant 5 : i32
      %dma_start3A_510 = arith.constant 640 : i32
      %dma_start3A_511 = arith.constant 0 : i32
      %dma_start3A_512 = tpu.memref_slice %arg11[%dma_start3A_510, %dma_start3A_511] : memref<1024x8xf32, #tpu.memory_space<vmem>> -> memref<128x8xf32, #tpu.memory_space<vmem>>
      %dma_start3A_513 = arith.constant 0 : i32
      %dma_start3A_514 = tpu.memref_slice %arg7[%dma_start3A_509, %dma_start3A_513] : memref<8x128xi32, #tpu.memory_space<vmem>> -> memref<1x128xi32, #tpu.memory_space<vmem>>
      %dma_start3A_515 = tpu.memref_squeeze %dma_start3A_514 : memref<1x128xi32, #tpu.memory_space<vmem>> -> memref<128xi32, #tpu.memory_space<vmem>>
      %dma_start3A_516 = arith.constant 0 : i32
      %dma_start3A_517 = arith.constant 0 : i32
      %dma_start3A_518 = tpu.memref_slice %arg2[%dma_start3A_516, %dma_start3A_517] : memref<100352x8xf32, #tpu.memory_space<hbm>> -> memref<100352x8xf32, #tpu.memory_space<hbm>>
      tpu.enqueue_indirect_dma source(%dma_start3A_518 : memref<100352x8xf32, #tpu.memory_space<hbm>>) target(%dma_start3A_512 : memref<128x8xf32, #tpu.memory_space<vmem>>) offsets(%dma_start3A_515 : memref<128xi32, #tpu.memory_space<vmem>>) semaphore(%arg14 : memref<!tpu.dma_semaphore, #tpu.memory_space<semaphore_mem>>)
      %dma_start3A_519 = arith.constant 6 : i32
      %dma_start3A_520 = arith.constant 768 : i32
      %dma_start3A_521 = arith.constant 0 : i32
      %dma_start3A_522 = tpu.memref_slice %arg11[%dma_start3A_520, %dma_start3A_521] : memref<1024x8xf32, #tpu.memory_space<vmem>> -> memref<128x8xf32, #tpu.memory_space<vmem>>
      %dma_start3A_523 = arith.constant 0 : i32
      %dma_start3A_524 = tpu.memref_slice %arg7[%dma_start3A_519, %dma_start3A_523] : memref<8x128xi32, #tpu.memory_space<vmem>> -> memref<1x128xi32, #tpu.memory_space<vmem>>
      %dma_start3A_525 = tpu.memref_squeeze %dma_start3A_524 : memref<1x128xi32, #tpu.memory_space<vmem>> -> memref<128xi32, #tpu.memory_space<vmem>>
      %dma_start3A_526 = arith.constant 0 : i32
      %dma_start3A_527 = arith.constant 0 : i32
      %dma_start3A_528 = tpu.memref_slice %arg2[%dma_start3A_526, %dma_start3A_527] : memref<100352x8xf32, #tpu.memory_space<hbm>> -> memref<100352x8xf32, #tpu.memory_space<hbm>>
      tpu.enqueue_indirect_dma source(%dma_start3A_528 : memref<100352x8xf32, #tpu.memory_space<hbm>>) target(%dma_start3A_522 : memref<128x8xf32, #tpu.memory_space<vmem>>) offsets(%dma_start3A_525 : memref<128xi32, #tpu.memory_space<vmem>>) semaphore(%arg14 : memref<!tpu.dma_semaphore, #tpu.memory_space<semaphore_mem>>)
      %dma_start3A_529 = arith.constant 7 : i32
      %dma_start3A_530 = arith.constant 896 : i32
      %dma_start3A_531 = arith.constant 0 : i32
      %dma_start3A_532 = tpu.memref_slice %arg11[%dma_start3A_530, %dma_start3A_531] : memref<1024x8xf32, #tpu.memory_space<vmem>> -> memref<128x8xf32, #tpu.memory_space<vmem>>
      %dma_start3A_533 = arith.constant 0 : i32
      %dma_start3A_534 = tpu.memref_slice %arg7[%dma_start3A_529, %dma_start3A_533] : memref<8x128xi32, #tpu.memory_space<vmem>> -> memref<1x128xi32, #tpu.memory_space<vmem>>
      %dma_start3A_535 = tpu.memref_squeeze %dma_start3A_534 : memref<1x128xi32, #tpu.memory_space<vmem>> -> memref<128xi32, #tpu.memory_space<vmem>>
      %dma_start3A_536 = arith.constant 0 : i32
      %dma_start3A_537 = arith.constant 0 : i32
      %dma_start3A_538 = tpu.memref_slice %arg2[%dma_start3A_536, %dma_start3A_537] : memref<100352x8xf32, #tpu.memory_space<hbm>> -> memref<100352x8xf32, #tpu.memory_space<hbm>>
      tpu.enqueue_indirect_dma source(%dma_start3A_538 : memref<100352x8xf32, #tpu.memory_space<hbm>>) target(%dma_start3A_532 : memref<128x8xf32, #tpu.memory_space<vmem>>) offsets(%dma_start3A_535 : memref<128xi32, #tpu.memory_space<vmem>>) semaphore(%arg14 : memref<!tpu.dma_semaphore, #tpu.memory_space<semaphore_mem>>)
      %dma_wait3A_539 = arith.constant 0 : i32
      %dma_wait3A_540 = arith.constant 0 : i32
      %dma_wait3A_541 = tpu.memref_slice %arg2[%dma_wait3A_539, %dma_wait3A_540] : memref<100352x8xf32, #tpu.memory_space<hbm>> -> memref<1024x8xf32, #tpu.memory_space<hbm>>
      %dma_wait3A_542 = arith.constant 0 : i32
      %dma_wait3A_543 = arith.constant 0 : i32
      %dma_wait3A_544 = tpu.memref_slice %arg2[%dma_wait3A_542, %dma_wait3A_543] : memref<100352x8xf32, #tpu.memory_space<hbm>> -> memref<1024x8xf32, #tpu.memory_space<hbm>>
      tpu.wait_dma2 semaphore(%arg15 : memref<!tpu.dma_semaphore, #tpu.memory_space<semaphore_mem>>) src(%dma_wait3A_544 : memref<1024x8xf32, #tpu.memory_space<hbm>>) dst(%arg12 : memref<1024x8xf32, #tpu.memory_space<vmem>>)
      %dma_start3A_545 = arith.constant 0 : i32
      %dma_start3A_546 = arith.constant 0 : i32
      %dma_start3A_547 = arith.constant 0 : i32
      %dma_start3A_548 = tpu.memref_slice %arg12[%dma_start3A_546, %dma_start3A_547] : memref<1024x8xf32, #tpu.memory_space<vmem>> -> memref<128x8xf32, #tpu.memory_space<vmem>>
      %dma_start3A_549 = arith.constant 0 : i32
      %dma_start3A_550 = tpu.memref_slice %arg10[%dma_start3A_545, %dma_start3A_549] : memref<8x128xi32, #tpu.memory_space<vmem>> -> memref<1x128xi32, #tpu.memory_space<vmem>>
      %dma_start3A_551 = tpu.memref_squeeze %dma_start3A_550 : memref<1x128xi32, #tpu.memory_space<vmem>> -> memref<128xi32, #tpu.memory_space<vmem>>
      %dma_start3A_552 = arith.constant 0 : i32
      %dma_start3A_553 = arith.constant 0 : i32
      %dma_start3A_554 = tpu.memref_slice %arg13[%dma_start3A_552, %dma_start3A_553] : memref<100352x8xf32, #tpu.memory_space<vmem_shared>> -> memref<100352x8xf32, #tpu.memory_space<vmem_shared>>
      tpu.enqueue_indirect_dma source(%dma_start3A_548 : memref<128x8xf32, #tpu.memory_space<vmem>>) target(%dma_start3A_554 : memref<100352x8xf32, #tpu.memory_space<vmem_shared>>) offsets(%dma_start3A_551 : memref<128xi32, #tpu.memory_space<vmem>>) semaphore(%arg17 : memref<!tpu.dma_semaphore, #tpu.memory_space<semaphore_mem>>) {add = true}
      %dma_start3A_555 = arith.constant 1 : i32
      %dma_start3A_556 = arith.constant 128 : i32
      %dma_start3A_557 = arith.constant 0 : i32
      %dma_start3A_558 = tpu.memref_slice %arg12[%dma_start3A_556, %dma_start3A_557] : memref<1024x8xf32, #tpu.memory_space<vmem>> -> memref<128x8xf32, #tpu.memory_space<vmem>>
      %dma_start3A_559 = arith.constant 0 : i32
      %dma_start3A_560 = tpu.memref_slice %arg10[%dma_start3A_555, %dma_start3A_559] : memref<8x128xi32, #tpu.memory_space<vmem>> -> memref<1x128xi32, #tpu.memory_space<vmem>>
      %dma_start3A_561 = tpu.memref_squeeze %dma_start3A_560 : memref<1x128xi32, #tpu.memory_space<vmem>> -> memref<128xi32, #tpu.memory_space<vmem>>
      %dma_start3A_562 = arith.constant 0 : i32
      %dma_start3A_563 = arith.constant 0 : i32
      %dma_start3A_564 = tpu.memref_slice %arg13[%dma_start3A_562, %dma_start3A_563] : memref<100352x8xf32, #tpu.memory_space<vmem_shared>> -> memref<100352x8xf32, #tpu.memory_space<vmem_shared>>
      tpu.enqueue_indirect_dma source(%dma_start3A_558 : memref<128x8xf32, #tpu.memory_space<vmem>>) target(%dma_start3A_564 : memref<100352x8xf32, #tpu.memory_space<vmem_shared>>) offsets(%dma_start3A_561 : memref<128xi32, #tpu.memory_space<vmem>>) semaphore(%arg17 : memref<!tpu.dma_semaphore, #tpu.memory_space<semaphore_mem>>) {add = true}
      %dma_start3A_565 = arith.constant 2 : i32
      %dma_start3A_566 = arith.constant 256 : i32
      %dma_start3A_567 = arith.constant 0 : i32
      %dma_start3A_568 = tpu.memref_slice %arg12[%dma_start3A_566, %dma_start3A_567] : memref<1024x8xf32, #tpu.memory_space<vmem>> -> memref<128x8xf32, #tpu.memory_space<vmem>>
      %dma_start3A_569 = arith.constant 0 : i32
      %dma_start3A_570 = tpu.memref_slice %arg10[%dma_start3A_565, %dma_start3A_569] : memref<8x128xi32, #tpu.memory_space<vmem>> -> memref<1x128xi32, #tpu.memory_space<vmem>>
      %dma_start3A_571 = tpu.memref_squeeze %dma_start3A_570 : memref<1x128xi32, #tpu.memory_space<vmem>> -> memref<128xi32, #tpu.memory_space<vmem>>
      %dma_start3A_572 = arith.constant 0 : i32
      %dma_start3A_573 = arith.constant 0 : i32
      %dma_start3A_574 = tpu.memref_slice %arg13[%dma_start3A_572, %dma_start3A_573] : memref<100352x8xf32, #tpu.memory_space<vmem_shared>> -> memref<100352x8xf32, #tpu.memory_space<vmem_shared>>
      tpu.enqueue_indirect_dma source(%dma_start3A_568 : memref<128x8xf32, #tpu.memory_space<vmem>>) target(%dma_start3A_574 : memref<100352x8xf32, #tpu.memory_space<vmem_shared>>) offsets(%dma_start3A_571 : memref<128xi32, #tpu.memory_space<vmem>>) semaphore(%arg17 : memref<!tpu.dma_semaphore, #tpu.memory_space<semaphore_mem>>) {add = true}
      %dma_start3A_575 = arith.constant 3 : i32
      %dma_start3A_576 = arith.constant 384 : i32
      %dma_start3A_577 = arith.constant 0 : i32
      %dma_start3A_578 = tpu.memref_slice %arg12[%dma_start3A_576, %dma_start3A_577] : memref<1024x8xf32, #tpu.memory_space<vmem>> -> memref<128x8xf32, #tpu.memory_space<vmem>>
      %dma_start3A_579 = arith.constant 0 : i32
      %dma_start3A_580 = tpu.memref_slice %arg10[%dma_start3A_575, %dma_start3A_579] : memref<8x128xi32, #tpu.memory_space<vmem>> -> memref<1x128xi32, #tpu.memory_space<vmem>>
      %dma_start3A_581 = tpu.memref_squeeze %dma_start3A_580 : memref<1x128xi32, #tpu.memory_space<vmem>> -> memref<128xi32, #tpu.memory_space<vmem>>
      %dma_start3A_582 = arith.constant 0 : i32
      %dma_start3A_583 = arith.constant 0 : i32
      %dma_start3A_584 = tpu.memref_slice %arg13[%dma_start3A_582, %dma_start3A_583] : memref<100352x8xf32, #tpu.memory_space<vmem_shared>> -> memref<100352x8xf32, #tpu.memory_space<vmem_shared>>
      tpu.enqueue_indirect_dma source(%dma_start3A_578 : memref<128x8xf32, #tpu.memory_space<vmem>>) target(%dma_start3A_584 : memref<100352x8xf32, #tpu.memory_space<vmem_shared>>) offsets(%dma_start3A_581 : memref<128xi32, #tpu.memory_space<vmem>>) semaphore(%arg17 : memref<!tpu.dma_semaphore, #tpu.memory_space<semaphore_mem>>) {add = true}
      %dma_start3A_585 = arith.constant 4 : i32
      %dma_start3A_586 = arith.constant 512 : i32
      %dma_start3A_587 = arith.constant 0 : i32
      %dma_start3A_588 = tpu.memref_slice %arg12[%dma_start3A_586, %dma_start3A_587] : memref<1024x8xf32, #tpu.memory_space<vmem>> -> memref<128x8xf32, #tpu.memory_space<vmem>>
      %dma_start3A_589 = arith.constant 0 : i32
      %dma_start3A_590 = tpu.memref_slice %arg10[%dma_start3A_585, %dma_start3A_589] : memref<8x128xi32, #tpu.memory_space<vmem>> -> memref<1x128xi32, #tpu.memory_space<vmem>>
      %dma_start3A_591 = tpu.memref_squeeze %dma_start3A_590 : memref<1x128xi32, #tpu.memory_space<vmem>> -> memref<128xi32, #tpu.memory_space<vmem>>
      %dma_start3A_592 = arith.constant 0 : i32
      %dma_start3A_593 = arith.constant 0 : i32
      %dma_start3A_594 = tpu.memref_slice %arg13[%dma_start3A_592, %dma_start3A_593] : memref<100352x8xf32, #tpu.memory_space<vmem_shared>> -> memref<100352x8xf32, #tpu.memory_space<vmem_shared>>
      tpu.enqueue_indirect_dma source(%dma_start3A_588 : memref<128x8xf32, #tpu.memory_space<vmem>>) target(%dma_start3A_594 : memref<100352x8xf32, #tpu.memory_space<vmem_shared>>) offsets(%dma_start3A_591 : memref<128xi32, #tpu.memory_space<vmem>>) semaphore(%arg17 : memref<!tpu.dma_semaphore, #tpu.memory_space<semaphore_mem>>) {add = true}
      %dma_start3A_595 = arith.constant 5 : i32
      %dma_start3A_596 = arith.constant 640 : i32
      %dma_start3A_597 = arith.constant 0 : i32
      %dma_start3A_598 = tpu.memref_slice %arg12[%dma_start3A_596, %dma_start3A_597] : memref<1024x8xf32, #tpu.memory_space<vmem>> -> memref<128x8xf32, #tpu.memory_space<vmem>>
      %dma_start3A_599 = arith.constant 0 : i32
      %dma_start3A_600 = tpu.memref_slice %arg10[%dma_start3A_595, %dma_start3A_599] : memref<8x128xi32, #tpu.memory_space<vmem>> -> memref<1x128xi32, #tpu.memory_space<vmem>>
      %dma_start3A_601 = tpu.memref_squeeze %dma_start3A_600 : memref<1x128xi32, #tpu.memory_space<vmem>> -> memref<128xi32, #tpu.memory_space<vmem>>
      %dma_start3A_602 = arith.constant 0 : i32
      %dma_start3A_603 = arith.constant 0 : i32
      %dma_start3A_604 = tpu.memref_slice %arg13[%dma_start3A_602, %dma_start3A_603] : memref<100352x8xf32, #tpu.memory_space<vmem_shared>> -> memref<100352x8xf32, #tpu.memory_space<vmem_shared>>
      tpu.enqueue_indirect_dma source(%dma_start3A_598 : memref<128x8xf32, #tpu.memory_space<vmem>>) target(%dma_start3A_604 : memref<100352x8xf32, #tpu.memory_space<vmem_shared>>) offsets(%dma_start3A_601 : memref<128xi32, #tpu.memory_space<vmem>>) semaphore(%arg17 : memref<!tpu.dma_semaphore, #tpu.memory_space<semaphore_mem>>) {add = true}
      %dma_start3A_605 = arith.constant 6 : i32
      %dma_start3A_606 = arith.constant 768 : i32
      %dma_start3A_607 = arith.constant 0 : i32
      %dma_start3A_608 = tpu.memref_slice %arg12[%dma_start3A_606, %dma_start3A_607] : memref<1024x8xf32, #tpu.memory_space<vmem>> -> memref<128x8xf32, #tpu.memory_space<vmem>>
      %dma_start3A_609 = arith.constant 0 : i32
      %dma_start3A_610 = tpu.memref_slice %arg10[%dma_start3A_605, %dma_start3A_609] : memref<8x128xi32, #tpu.memory_space<vmem>> -> memref<1x128xi32, #tpu.memory_space<vmem>>
      %dma_start3A_611 = tpu.memref_squeeze %dma_start3A_610 : memref<1x128xi32, #tpu.memory_space<vmem>> -> memref<128xi32, #tpu.memory_space<vmem>>
      %dma_start3A_612 = arith.constant 0 : i32
      %dma_start3A_613 = arith.constant 0 : i32
      %dma_start3A_614 = tpu.memref_slice %arg13[%dma_start3A_612, %dma_start3A_613] : memref<100352x8xf32, #tpu.memory_space<vmem_shared>> -> memref<100352x8xf32, #tpu.memory_space<vmem_shared>>
      tpu.enqueue_indirect_dma source(%dma_start3A_608 : memref<128x8xf32, #tpu.memory_space<vmem>>) target(%dma_start3A_614 : memref<100352x8xf32, #tpu.memory_space<vmem_shared>>) offsets(%dma_start3A_611 : memref<128xi32, #tpu.memory_space<vmem>>) semaphore(%arg17 : memref<!tpu.dma_semaphore, #tpu.memory_space<semaphore_mem>>) {add = true}
      %dma_start3A_615 = arith.constant 7 : i32
      %dma_start3A_616 = arith.constant 896 : i32
      %dma_start3A_617 = arith.constant 0 : i32
      %dma_start3A_618 = tpu.memref_slice %arg12[%dma_start3A_616, %dma_start3A_617] : memref<1024x8xf32, #tpu.memory_space<vmem>> -> memref<128x8xf32, #tpu.memory_space<vmem>>
      %dma_start3A_619 = arith.constant 0 : i32
      %dma_start3A_620 = tpu.memref_slice %arg10[%dma_start3A_615, %dma_start3A_619] : memref<8x128xi32, #tpu.memory_space<vmem>> -> memref<1x128xi32, #tpu.memory_space<vmem>>
      %dma_start3A_621 = tpu.memref_squeeze %dma_start3A_620 : memref<1x128xi32, #tpu.memory_space<vmem>> -> memref<128xi32, #tpu.memory_space<vmem>>
      %dma_start3A_622 = arith.constant 0 : i32
      %dma_start3A_623 = arith.constant 0 : i32
      %dma_start3A_624 = tpu.memref_slice %arg13[%dma_start3A_622, %dma_start3A_623] : memref<100352x8xf32, #tpu.memory_space<vmem_shared>> -> memref<100352x8xf32, #tpu.memory_space<vmem_shared>>
      tpu.enqueue_indirect_dma source(%dma_start3A_618 : memref<128x8xf32, #tpu.memory_space<vmem>>) target(%dma_start3A_624 : memref<100352x8xf32, #tpu.memory_space<vmem_shared>>) offsets(%dma_start3A_621 : memref<128xi32, #tpu.memory_space<vmem>>) semaphore(%arg17 : memref<!tpu.dma_semaphore, #tpu.memory_space<semaphore_mem>>) {add = true}
    }
    %scan3A_168 = arith.constant 98 : i32
    %dma_wait3A = arith.constant 0 : i32
    %dma_wait3A_169 = arith.constant 0 : i32
    %dma_wait3A_170 = tpu.memref_slice %arg2[%dma_wait3A, %dma_wait3A_169] : memref<100352x8xf32, #tpu.memory_space<hbm>> -> memref<1024x8xf32, #tpu.memory_space<hbm>>
    %dma_wait3A_171 = arith.constant 0 : i32
    %dma_wait3A_172 = arith.constant 0 : i32
    %dma_wait3A_173 = tpu.memref_slice %arg2[%dma_wait3A_171, %dma_wait3A_172] : memref<100352x8xf32, #tpu.memory_space<hbm>> -> memref<1024x8xf32, #tpu.memory_space<hbm>>
    tpu.wait_dma2 semaphore(%arg14 : memref<!tpu.dma_semaphore, #tpu.memory_space<semaphore_mem>>) src(%dma_wait3A_173 : memref<1024x8xf32, #tpu.memory_space<hbm>>) dst(%arg11 : memref<1024x8xf32, #tpu.memory_space<vmem>>)
    %dma_wait3A_174 = arith.constant 0 : i32
    %dma_wait3A_175 = arith.constant 0 : i32
    %dma_wait3A_176 = tpu.memref_slice %arg2[%dma_wait3A_174, %dma_wait3A_175] : memref<100352x8xf32, #tpu.memory_space<hbm>> -> memref<1024x8xf32, #tpu.memory_space<hbm>>
    %dma_wait3A_177 = arith.constant 0 : i32
    %dma_wait3A_178 = arith.constant 0 : i32
    %dma_wait3A_179 = tpu.memref_slice %arg2[%dma_wait3A_177, %dma_wait3A_178] : memref<100352x8xf32, #tpu.memory_space<hbm>> -> memref<1024x8xf32, #tpu.memory_space<hbm>>
    tpu.wait_dma2 semaphore(%arg17 : memref<!tpu.dma_semaphore, #tpu.memory_space<semaphore_mem>>) src(%dma_wait3A_179 : memref<1024x8xf32, #tpu.memory_space<hbm>>) dst(%arg12 : memref<1024x8xf32, #tpu.memory_space<vmem>>)
    %barrier3A_180 = arith.constant 0 : index
    tpu.barrier barrier_id(%barrier3A_180)
    %mul3A_181 = arith.constant 6272 : i32
    %mul3A_182 = arith.muli %arg1, %mul3A_181 : i32
    %mul3A_183 = arith.constant 100352 : i32
    %mul3A_184 = arith.muli %arg0, %mul3A_183 : i32
    %mul3A_185 = arith.constant 6272 : i32
    %mul3A_186 = arith.muli %arg1, %mul3A_185 : i32
    %add3A_187 = arith.addi %mul3A_184, %mul3A_186 : i32
    "tpu.region"() ({
      %run_scoped3A = tpu.sem_alloc : memref<!tpu.dma_semaphore, #tpu.memory_space<semaphore_mem>>
      %dma_start3A_188 = arith.constant 0 : i32
      %dma_start3A_189 = tpu.memref_slice %arg6[%add3A_187, %dma_start3A_188] : memref<200704x8xf32, #tpu.memory_space<hbm>> -> memref<6272x8xf32, #tpu.memory_space<hbm>>
      %dma_start3A_190 = arith.constant 0 : i32
      %dma_start3A_191 = tpu.memref_slice %arg13[%mul3A_182, %dma_start3A_190] : memref<100352x8xf32, #tpu.memory_space<vmem_shared>> -> memref<6272x8xf32, #tpu.memory_space<vmem_shared>>
      tpu.enqueue_dma source(%dma_start3A_191 : memref<6272x8xf32, #tpu.memory_space<vmem_shared>>) target(%dma_start3A_189 : memref<6272x8xf32, #tpu.memory_space<hbm>>) target_semaphore(%run_scoped3A : memref<!tpu.dma_semaphore, #tpu.memory_space<semaphore_mem>>)
      %dma_wait3A_192 = arith.constant 0 : i32
      %dma_wait3A_193 = tpu.memref_slice %arg6[%add3A_187, %dma_wait3A_192] : memref<200704x8xf32, #tpu.memory_space<hbm>> -> memref<6272x8xf32, #tpu.memory_space<hbm>>
      %dma_wait3A_194 = arith.constant 0 : i32
      %dma_wait3A_195 = tpu.memref_slice %arg13[%mul3A_182, %dma_wait3A_194] : memref<100352x8xf32, #tpu.memory_space<vmem_shared>> -> memref<6272x8xf32, #tpu.memory_space<vmem_shared>>
      tpu.wait_dma2 semaphore(%run_scoped3A : memref<!tpu.dma_semaphore, #tpu.memory_space<semaphore_mem>>) src(%dma_wait3A_195 : memref<6272x8xf32, #tpu.memory_space<vmem_shared>>) dst(%dma_wait3A_193 : memref<6272x8xf32, #tpu.memory_space<hbm>>)
      tpu.yield
    }) : () -> ()
    return
  }
}

module attributes {stable_mosaic.version = 14 : i64} {
  func.func @body(%arg0: i32, %arg1: memref<1024x1xf32, #tpu.memory_space<vmem>>, %arg2: memref<1024x1xf32, #tpu.memory_space<vmem>>, %arg3: memref<1024x8xf32, #tpu.memory_space<vmem>>, %arg4: memref<1024x1xf32, #tpu.memory_space<vmem>>, %arg5: memref<1024x8xf32, #tpu.memory_space<vmem>>) attributes {dimension_semantics = [#tpu.dimension_semantics<arbitrary>], iteration_bounds = array<i64: 98>, scalar_prefetch = 0 : i64, scratch_operands = 0 : i64, tpu.core_type = #tpu.core_type<tc>, window_params = [{transform_indices = @transform_0, window_bounds = array<i64: 1024, 1>}, {transform_indices = @transform_1, window_bounds = array<i64: 1024, 1>}, {transform_indices = @transform_2, window_bounds = array<i64: 1024, 8>}, {transform_indices = @transform_3, window_bounds = array<i64: 1024, 1>}, {transform_indices = @transform_4, window_bounds = array<i64: 1024, 8>}]} {
    %get3A = arith.constant 0 : index
    %get3A_0 = arith.constant 0 : index
    %get3A_1 = vector.load %arg1[%get3A, %get3A_0] : memref<1024x1xf32, #tpu.memory_space<vmem>>, vector<1024x1xf32>
    %get3A_2 = arith.constant 0 : index
    %get3A_3 = arith.constant 0 : index
    %get3A_4 = vector.load %arg2[%get3A_2, %get3A_3] : memref<1024x1xf32, #tpu.memory_space<vmem>>, vector<1024x1xf32>
    %add3A = arith.addf %get3A_1, %get3A_4 : vector<1024x1xf32>
    %add3A_5 = arith.constant 1.000000e+00 : f32
    %add3A_6 = vector.broadcast %add3A_5 : f32 to vector<1024x1xf32>
    %add3A_7 = arith.addf %add3A, %add3A_6 : vector<1024x1xf32>
    %rsqrt3A = math.rsqrt %add3A_7 : vector<1024x1xf32>
    %swap3A = arith.constant 0 : index
    %swap3A_8 = arith.constant 0 : index
    %swap3A_9 = vector.load %arg4[%swap3A, %swap3A_8] : memref<1024x1xf32, #tpu.memory_space<vmem>>, vector<1024x1xf32>
    tpu.vector_store %arg4[%swap3A, %swap3A_8], %rsqrt3A {strides = array<i32>} : memref<1024x1xf32, #tpu.memory_space<vmem>>, vector<1024x1xf32>,
    %get3A_10 = arith.constant 0 : index
    %get3A_11 = arith.constant 0 : index
    %get3A_12 = vector.load %arg3[%get3A_10, %get3A_11] : memref<1024x8xf32, #tpu.memory_space<vmem>>, vector<1024x8xf32>
    %mul3A = vector.broadcast %rsqrt3A : vector<1024x1xf32> to vector<1024x8xf32>
    %mul3A_13 = arith.mulf %mul3A, %get3A_12 : vector<1024x8xf32>
    %swap3A_14 = arith.constant 0 : index
    %swap3A_15 = arith.constant 0 : index
    %swap3A_16 = vector.load %arg5[%swap3A_14, %swap3A_15] : memref<1024x8xf32, #tpu.memory_space<vmem>>, vector<1024x8xf32>
    tpu.vector_store %arg5[%swap3A_14, %swap3A_15], %mul3A_13 {strides = array<i32>} : memref<1024x8xf32, #tpu.memory_space<vmem>>, vector<1024x8xf32>,
    return
  }
  func.func @transform_0(%arg0: i32) -> (i32, i32) {
    %c0_i32 = arith.constant 0 : i32
    %c0_i32_0 = arith.constant 0 : i32
    return %arg0, %c0_i32 : i32, i32
  }
  func.func @transform_1(%arg0: i32) -> (i32, i32) {
    %c0_i32 = arith.constant 0 : i32
    %c0_i32_0 = arith.constant 0 : i32
    return %arg0, %c0_i32 : i32, i32
  }
  func.func @transform_2(%arg0: i32) -> (i32, i32) {
    %c0_i32 = arith.constant 0 : i32
    %c0_i32_0 = arith.constant 0 : i32
    return %arg0, %c0_i32 : i32, i32
  }
  func.func @transform_3(%arg0: i32) -> (i32, i32) {
    %c0_i32 = arith.constant 0 : i32
    %c0_i32_0 = arith.constant 0 : i32
    return %arg0, %c0_i32 : i32, i32
  }
  func.func @transform_4(%arg0: i32) -> (i32, i32) {
    %c0_i32 = arith.constant 0 : i32
    %c0_i32_0 = arith.constant 0 : i32
    return %arg0, %c0_i32 : i32, i32
  }
}

module attributes {stable_mosaic.version = 14 : i64} {
  func.func @body(%arg0: i32, %arg1: memref<1024x8xf32, #tpu.memory_space<vmem>>, %arg2: memref<1024x8xf32, #tpu.memory_space<vmem>>, %arg3: memref<1024x8xf32, #tpu.memory_space<vmem>>, %arg4: memref<1024x1xf32, #tpu.memory_space<vmem>>, %arg5: memref<8x16xf32, #tpu.memory_space<vmem>>, %arg6: memref<1x16xf32, #tpu.memory_space<vmem>>, %arg7: memref<1024x16xf32, #tpu.memory_space<vmem>>) attributes {dimension_semantics = [#tpu.dimension_semantics<arbitrary>], iteration_bounds = array<i64: 98>, scalar_prefetch = 0 : i64, scratch_operands = 0 : i64, tpu.core_type = #tpu.core_type<tc>, window_params = [{transform_indices = @transform_0, window_bounds = array<i64: 1024, 8>}, {transform_indices = @transform_1, window_bounds = array<i64: 1024, 8>}, {transform_indices = @transform_2, window_bounds = array<i64: 1024, 8>}, {transform_indices = @transform_3, window_bounds = array<i64: 1024, 1>}, {pipeline_mode = #tpu.pipeline_mode<synchronous>, transform_indices = @transform_4, window_bounds = array<i64: 8, 16>}, {pipeline_mode = #tpu.pipeline_mode<synchronous>, transform_indices = @transform_5, window_bounds = array<i64: 1, 16>}, {transform_indices = @transform_6, window_bounds = array<i64: 1024, 16>}]} {
    %get3A = arith.constant 0 : index
    %get3A_0 = arith.constant 0 : index
    %get3A_1 = vector.load %arg4[%get3A, %get3A_0] : memref<1024x1xf32, #tpu.memory_space<vmem>>, vector<1024x1xf32>
    %get3A_2 = arith.constant 0 : index
    %get3A_3 = arith.constant 0 : index
    %get3A_4 = vector.load %arg1[%get3A_2, %get3A_3] : memref<1024x8xf32, #tpu.memory_space<vmem>>, vector<1024x8xf32>
    %get3A_5 = arith.constant 0 : index
    %get3A_6 = arith.constant 0 : index
    %get3A_7 = vector.load %arg2[%get3A_5, %get3A_6] : memref<1024x8xf32, #tpu.memory_space<vmem>>, vector<1024x8xf32>
    %add3A = arith.addf %get3A_4, %get3A_7 : vector<1024x8xf32>
    %get3A_8 = arith.constant 0 : index
    %get3A_9 = arith.constant 0 : index
    %get3A_10 = vector.load %arg3[%get3A_8, %get3A_9] : memref<1024x8xf32, #tpu.memory_space<vmem>>, vector<1024x8xf32>
    %add3A_11 = arith.addf %add3A, %get3A_10 : vector<1024x8xf32>
    %mul3A = vector.broadcast %get3A_1 : vector<1024x1xf32> to vector<1024x8xf32>
    %mul3A_12 = arith.mulf %mul3A, %add3A_11 : vector<1024x8xf32>
    %get3A_13 = arith.constant 0 : index
    %get3A_14 = arith.constant 0 : index
    %get3A_15 = vector.load %arg5[%get3A_13, %get3A_14] : memref<8x16xf32, #tpu.memory_space<vmem>>, vector<8x16xf32>
    %dot_general3A = arith.constant dense<0.000000e+00> : vector<1024x16xf32>
    %dot_general3A_16 = tpu.matmul %mul3A_12, %get3A_15, %dot_general3A {dimension_numbers = #tpu.dot_dimension_numbers<[1], [0], [0], [1], [0, 0, 1, 1], [], []>, transpose_lhs_hint = false} : vector<1024x8xf32>, vector<8x16xf32>, vector<1024x16xf32> -> vector<1024x16xf32>
    %get3A_17 = arith.constant 0 : index
    %get3A_18 = arith.constant 0 : index
    %get3A_19 = vector.load %arg6[%get3A_17, %get3A_18] : memref<1x16xf32, #tpu.memory_space<vmem>>, vector<1x16xf32>
    %add3A_20 = vector.broadcast %get3A_19 : vector<1x16xf32> to vector<1024x16xf32>
    %add3A_21 = arith.addf %dot_general3A_16, %add3A_20 : vector<1024x16xf32>
    %max3A = arith.constant 0.000000e+00 : f32
    %max3A_22 = vector.broadcast %max3A : f32 to vector<1024x16xf32>
    %max3A_23 = arith.maximumf %add3A_21, %max3A_22 : vector<1024x16xf32>
    %mul3A_24 = vector.broadcast %get3A_1 : vector<1024x1xf32> to vector<1024x16xf32>
    %mul3A_25 = arith.mulf %mul3A_24, %max3A_23 : vector<1024x16xf32>
    %swap3A = arith.constant 0 : index
    %swap3A_26 = arith.constant 0 : index
    %swap3A_27 = vector.load %arg7[%swap3A, %swap3A_26] : memref<1024x16xf32, #tpu.memory_space<vmem>>, vector<1024x16xf32>
    tpu.vector_store %arg7[%swap3A, %swap3A_26], %mul3A_25 {strides = array<i32>} : memref<1024x16xf32, #tpu.memory_space<vmem>>, vector<1024x16xf32>,
    return
  }
  func.func @transform_0(%arg0: i32) -> (i32, i32) {
    %c0_i32 = arith.constant 0 : i32
    %c0_i32_0 = arith.constant 0 : i32
    return %arg0, %c0_i32 : i32, i32
  }
  func.func @transform_1(%arg0: i32) -> (i32, i32) {
    %c0_i32 = arith.constant 0 : i32
    %c0_i32_0 = arith.constant 0 : i32
    return %arg0, %c0_i32 : i32, i32
  }
  func.func @transform_2(%arg0: i32) -> (i32, i32) {
    %c0_i32 = arith.constant 0 : i32
    %c0_i32_0 = arith.constant 0 : i32
    return %arg0, %c0_i32 : i32, i32
  }
  func.func @transform_3(%arg0: i32) -> (i32, i32) {
    %c0_i32 = arith.constant 0 : i32
    %c0_i32_0 = arith.constant 0 : i32
    return %arg0, %c0_i32 : i32, i32
  }
  func.func @transform_4(%arg0: i32) -> (i32, i32) {
    %c0_i32 = arith.constant 0 : i32
    %c0_i32_0 = arith.constant 0 : i32
    %c0_i32_1 = arith.constant 0 : i32
    return %c0_i32, %c0_i32_0 : i32, i32
  }
  func.func @transform_5(%arg0: i32) -> (i32, i32) {
    %c0_i32 = arith.constant 0 : i32
    %c0_i32_0 = arith.constant 0 : i32
    %c0_i32_1 = arith.constant 0 : i32
    return %c0_i32, %c0_i32_0 : i32, i32
  }
  func.func @transform_6(%arg0: i32) -> (i32, i32) {
    %c0_i32 = arith.constant 0 : i32
    %c0_i32_0 = arith.constant 0 : i32
    return %arg0, %c0_i32 : i32, i32
  }
}

module attributes {stable_mosaic.version = 14 : i64} {
  func.func @body(%arg0: i32, %arg1: memref<1024x16xf32, #tpu.memory_space<vmem>>, %arg2: memref<1024x16xf32, #tpu.memory_space<vmem>>, %arg3: memref<1024x16xf32, #tpu.memory_space<vmem>>, %arg4: memref<1024x1xf32, #tpu.memory_space<vmem>>, %arg5: memref<16x32xf32, #tpu.memory_space<vmem>>, %arg6: memref<1x32xf32, #tpu.memory_space<vmem>>, %arg7: memref<32x8xf32, #tpu.memory_space<vmem>>, %arg8: memref<1024x8xf32, #tpu.memory_space<vmem>>) attributes {dimension_semantics = [#tpu.dimension_semantics<arbitrary>], iteration_bounds = array<i64: 98>, scalar_prefetch = 0 : i64, scratch_operands = 0 : i64, tpu.core_type = #tpu.core_type<tc>, window_params = [{transform_indices = @transform_0, window_bounds = array<i64: 1024, 16>}, {transform_indices = @transform_1, window_bounds = array<i64: 1024, 16>}, {transform_indices = @transform_2, window_bounds = array<i64: 1024, 16>}, {transform_indices = @transform_3, window_bounds = array<i64: 1024, 1>}, {pipeline_mode = #tpu.pipeline_mode<synchronous>, transform_indices = @transform_4, window_bounds = array<i64: 16, 32>}, {pipeline_mode = #tpu.pipeline_mode<synchronous>, transform_indices = @transform_5, window_bounds = array<i64: 1, 32>}, {pipeline_mode = #tpu.pipeline_mode<synchronous>, transform_indices = @transform_6, window_bounds = array<i64: 32, 8>}, {transform_indices = @transform_7, window_bounds = array<i64: 1024, 8>}]} {
    %get3A = arith.constant 0 : index
    %get3A_0 = arith.constant 0 : index
    %get3A_1 = vector.load %arg4[%get3A, %get3A_0] : memref<1024x1xf32, #tpu.memory_space<vmem>>, vector<1024x1xf32>
    %get3A_2 = arith.constant 0 : index
    %get3A_3 = arith.constant 0 : index
    %get3A_4 = vector.load %arg1[%get3A_2, %get3A_3] : memref<1024x16xf32, #tpu.memory_space<vmem>>, vector<1024x16xf32>
    %get3A_5 = arith.constant 0 : index
    %get3A_6 = arith.constant 0 : index
    %get3A_7 = vector.load %arg2[%get3A_5, %get3A_6] : memref<1024x16xf32, #tpu.memory_space<vmem>>, vector<1024x16xf32>
    %add3A = arith.addf %get3A_4, %get3A_7 : vector<1024x16xf32>
    %get3A_8 = arith.constant 0 : index
    %get3A_9 = arith.constant 0 : index
    %get3A_10 = vector.load %arg3[%get3A_8, %get3A_9] : memref<1024x16xf32, #tpu.memory_space<vmem>>, vector<1024x16xf32>
    %add3A_11 = arith.addf %add3A, %get3A_10 : vector<1024x16xf32>
    %mul3A = vector.broadcast %get3A_1 : vector<1024x1xf32> to vector<1024x16xf32>
    %mul3A_12 = arith.mulf %mul3A, %add3A_11 : vector<1024x16xf32>
    %get3A_13 = arith.constant 0 : index
    %get3A_14 = arith.constant 0 : index
    %get3A_15 = vector.load %arg5[%get3A_13, %get3A_14] : memref<16x32xf32, #tpu.memory_space<vmem>>, vector<16x32xf32>
    %dot_general3A = arith.constant dense<0.000000e+00> : vector<1024x32xf32>
    %dot_general3A_16 = tpu.matmul %mul3A_12, %get3A_15, %dot_general3A {dimension_numbers = #tpu.dot_dimension_numbers<[1], [0], [0], [1], [0, 0, 1, 1], [], []>, transpose_lhs_hint = false} : vector<1024x16xf32>, vector<16x32xf32>, vector<1024x32xf32> -> vector<1024x32xf32>
    %get3A_17 = arith.constant 0 : index
    %get3A_18 = arith.constant 0 : index
    %get3A_19 = vector.load %arg6[%get3A_17, %get3A_18] : memref<1x32xf32, #tpu.memory_space<vmem>>, vector<1x32xf32>
    %add3A_20 = vector.broadcast %get3A_19 : vector<1x32xf32> to vector<1024x32xf32>
    %add3A_21 = arith.addf %dot_general3A_16, %add3A_20 : vector<1024x32xf32>
    %max3A = arith.constant 0.000000e+00 : f32
    %max3A_22 = vector.broadcast %max3A : f32 to vector<1024x32xf32>
    %max3A_23 = arith.maximumf %add3A_21, %max3A_22 : vector<1024x32xf32>
    %get3A_24 = arith.constant 0 : index
    %get3A_25 = arith.constant 0 : index
    %get3A_26 = vector.load %arg7[%get3A_24, %get3A_25] : memref<32x8xf32, #tpu.memory_space<vmem>>, vector<32x8xf32>
    %dot_general3A_27 = arith.constant dense<0.000000e+00> : vector<1024x8xf32>
    %dot_general3A_28 = tpu.matmul %max3A_23, %get3A_26, %dot_general3A_27 {dimension_numbers = #tpu.dot_dimension_numbers<[1], [0], [0], [1], [0, 0, 1, 1], [], []>, transpose_lhs_hint = false} : vector<1024x32xf32>, vector<32x8xf32>, vector<1024x8xf32> -> vector<1024x8xf32>
    %mul3A_29 = vector.broadcast %get3A_1 : vector<1024x1xf32> to vector<1024x8xf32>
    %mul3A_30 = arith.mulf %mul3A_29, %dot_general3A_28 : vector<1024x8xf32>
    %swap3A = arith.constant 0 : index
    %swap3A_31 = arith.constant 0 : index
    %swap3A_32 = vector.load %arg8[%swap3A, %swap3A_31] : memref<1024x8xf32, #tpu.memory_space<vmem>>, vector<1024x8xf32>
    tpu.vector_store %arg8[%swap3A, %swap3A_31], %mul3A_30 {strides = array<i32>} : memref<1024x8xf32, #tpu.memory_space<vmem>>, vector<1024x8xf32>,
    return
  }
  func.func @transform_0(%arg0: i32) -> (i32, i32) {
    %c0_i32 = arith.constant 0 : i32
    %c0_i32_0 = arith.constant 0 : i32
    return %arg0, %c0_i32 : i32, i32
  }
  func.func @transform_1(%arg0: i32) -> (i32, i32) {
    %c0_i32 = arith.constant 0 : i32
    %c0_i32_0 = arith.constant 0 : i32
    return %arg0, %c0_i32 : i32, i32
  }
  func.func @transform_2(%arg0: i32) -> (i32, i32) {
    %c0_i32 = arith.constant 0 : i32
    %c0_i32_0 = arith.constant 0 : i32
    return %arg0, %c0_i32 : i32, i32
  }
  func.func @transform_3(%arg0: i32) -> (i32, i32) {
    %c0_i32 = arith.constant 0 : i32
    %c0_i32_0 = arith.constant 0 : i32
    return %arg0, %c0_i32 : i32, i32
  }
  func.func @transform_4(%arg0: i32) -> (i32, i32) {
    %c0_i32 = arith.constant 0 : i32
    %c0_i32_0 = arith.constant 0 : i32
    %c0_i32_1 = arith.constant 0 : i32
    return %c0_i32, %c0_i32_0 : i32, i32
  }
  func.func @transform_5(%arg0: i32) -> (i32, i32) {
    %c0_i32 = arith.constant 0 : i32
    %c0_i32_0 = arith.constant 0 : i32
    %c0_i32_1 = arith.constant 0 : i32
    return %c0_i32, %c0_i32_0 : i32, i32
  }
  func.func @transform_6(%arg0: i32) -> (i32, i32) {
    %c0_i32 = arith.constant 0 : i32
    %c0_i32_0 = arith.constant 0 : i32
    %c0_i32_1 = arith.constant 0 : i32
    return %c0_i32, %c0_i32_0 : i32, i32
  }
  func.func @transform_7(%arg0: i32) -> (i32, i32) {
    %c0_i32 = arith.constant 0 : i32
    %c0_i32_0 = arith.constant 0 : i32
    return %arg0, %c0_i32 : i32, i32
  }
}

module attributes {stable_mosaic.version = 14 : i64} {
  func.func @body(%arg0: i32, %arg1: memref<1024x8xf32, #tpu.memory_space<vmem>>, %arg2: memref<1024x8xf32, #tpu.memory_space<vmem>>, %arg3: memref<1024x8xf32, #tpu.memory_space<vmem>>, %arg4: memref<1024x1xf32, #tpu.memory_space<vmem>>, %arg5: memref<1x8xf32, #tpu.memory_space<vmem>>, %arg6: memref<1024x8xf32, #tpu.memory_space<vmem>>) attributes {dimension_semantics = [#tpu.dimension_semantics<arbitrary>], iteration_bounds = array<i64: 98>, scalar_prefetch = 0 : i64, scratch_operands = 0 : i64, tpu.core_type = #tpu.core_type<tc>, window_params = [{transform_indices = @transform_0, window_bounds = array<i64: 1024, 8>}, {transform_indices = @transform_1, window_bounds = array<i64: 1024, 8>}, {transform_indices = @transform_2, window_bounds = array<i64: 1024, 8>}, {transform_indices = @transform_3, window_bounds = array<i64: 1024, 1>}, {pipeline_mode = #tpu.pipeline_mode<synchronous>, transform_indices = @transform_4, window_bounds = array<i64: 1, 8>}, {transform_indices = @transform_5, window_bounds = array<i64: 1024, 8>}]} {
    %get3A = arith.constant 0 : index
    %get3A_0 = arith.constant 0 : index
    %get3A_1 = vector.load %arg4[%get3A, %get3A_0] : memref<1024x1xf32, #tpu.memory_space<vmem>>, vector<1024x1xf32>
    %get3A_2 = arith.constant 0 : index
    %get3A_3 = arith.constant 0 : index
    %get3A_4 = vector.load %arg1[%get3A_2, %get3A_3] : memref<1024x8xf32, #tpu.memory_space<vmem>>, vector<1024x8xf32>
    %get3A_5 = arith.constant 0 : index
    %get3A_6 = arith.constant 0 : index
    %get3A_7 = vector.load %arg2[%get3A_5, %get3A_6] : memref<1024x8xf32, #tpu.memory_space<vmem>>, vector<1024x8xf32>
    %add3A = arith.addf %get3A_4, %get3A_7 : vector<1024x8xf32>
    %get3A_8 = arith.constant 0 : index
    %get3A_9 = arith.constant 0 : index
    %get3A_10 = vector.load %arg3[%get3A_8, %get3A_9] : memref<1024x8xf32, #tpu.memory_space<vmem>>, vector<1024x8xf32>
    %add3A_11 = arith.addf %add3A, %get3A_10 : vector<1024x8xf32>
    %mul3A = vector.broadcast %get3A_1 : vector<1024x1xf32> to vector<1024x8xf32>
    %mul3A_12 = arith.mulf %mul3A, %add3A_11 : vector<1024x8xf32>
    %get3A_13 = arith.constant 0 : index
    %get3A_14 = arith.constant 0 : index
    %get3A_15 = vector.load %arg5[%get3A_13, %get3A_14] : memref<1x8xf32, #tpu.memory_space<vmem>>, vector<1x8xf32>
    %add3A_16 = vector.broadcast %get3A_15 : vector<1x8xf32> to vector<1024x8xf32>
    %add3A_17 = arith.addf %mul3A_12, %add3A_16 : vector<1024x8xf32>
    %swap3A = arith.constant 0 : index
    %swap3A_18 = arith.constant 0 : index
    %swap3A_19 = vector.load %arg6[%swap3A, %swap3A_18] : memref<1024x8xf32, #tpu.memory_space<vmem>>, vector<1024x8xf32>
    tpu.vector_store %arg6[%swap3A, %swap3A_18], %add3A_17 {strides = array<i32>} : memref<1024x8xf32, #tpu.memory_space<vmem>>, vector<1024x8xf32>,
    return
  }
  func.func @transform_0(%arg0: i32) -> (i32, i32) {
    %c0_i32 = arith.constant 0 : i32
    %c0_i32_0 = arith.constant 0 : i32
    return %arg0, %c0_i32 : i32, i32
  }
  func.func @transform_1(%arg0: i32) -> (i32, i32) {
    %c0_i32 = arith.constant 0 : i32
    %c0_i32_0 = arith.constant 0 : i32
    return %arg0, %c0_i32 : i32, i32
  }
  func.func @transform_2(%arg0: i32) -> (i32, i32) {
    %c0_i32 = arith.constant 0 : i32
    %c0_i32_0 = arith.constant 0 : i32
    return %arg0, %c0_i32 : i32, i32
  }
  func.func @transform_3(%arg0: i32) -> (i32, i32) {
    %c0_i32 = arith.constant 0 : i32
    %c0_i32_0 = arith.constant 0 : i32
    return %arg0, %c0_i32 : i32, i32
  }
  func.func @transform_4(%arg0: i32) -> (i32, i32) {
    %c0_i32 = arith.constant 0 : i32
    %c0_i32_0 = arith.constant 0 : i32
    %c0_i32_1 = arith.constant 0 : i32
    return %c0_i32, %c0_i32_0 : i32, i32
  }
  func.func @transform_5(%arg0: i32) -> (i32, i32) {
    %c0_i32 = arith.constant 0 : i32
    %c0_i32_0 = arith.constant 0 : i32
    return %arg0, %c0_i32 : i32, i32
  }
}

</mosaic_0001>

<sc_bundles>
// kernel: kernel.10.cloned.1.call-start
scs
__scs_entry_jumppad:
0x0: {  	(pc) =	sbr.rel $0x88, $3  }
0x1: {  	(tag) =	ssettag $0x0;
	lr =	simm.s32 $0x1  }
0x2: {  	[smem:$0x3F99] =	sst lr;
	_ =	strace $0xD0000000  }
0x3: {  	_ = 	snop  }
0x4: {  	_ = 	snop  }
0x5: {  	_ = 	snop  }
0x6: {  	_ = 	snop  }
0x7: {  	_ = 	snop  }
__scs_overlays_trampoline_lowered:
0x8: {  	[smem:$0x3FA8] =	sst s0  }
0x9: {  	[smem:$0x3FA9] =	sst s1  }
0xa: {  	[smem:$0x3FAA] =	sst s2  }
0xb: {  	[smem:$0x3FAB] =	sst s3  }
0xc: {  	[smem:$0x3FAC] =	sst s4  }
0xd: {  	[smem:$0x3FAD] =	sst s5  }
0xe: {  	[smem:$0x3FAE] =	sst s6  }
0xf: {  	[smem:$0x3FAF] =	sst s7  }
0x10: {  	[smem:$0x3FB0] =	sst s8  }
0x11: {  	[smem:$0x3FB1] =	sst s9;
	s0 =	simm.s32 @!p0 $0x0  }
0x12: {  	s1 =	sld [smem:$0x3F97];
	s0 =	simm.s32 @p0 $0x1  }
0x13: {  	[smem:$0x3FB2] =	sst s0;
	s0 =	simm.s32 @!p1 $0x0  }
0x14: {  	s2 =	sld [smem:$0x3F96];
	s0 =	simm.s32 @p1 $0x1  }
0x15: {  	[smem:$0x3FB3] =	sst s0;
	s0 =	simm.s32 @!p2 $0x0  }
0x16: {  	s3 =	sld [smem:$0x3FDB];
	s0 =	simm.s32 @p2 $0x1  }
0x17: {  	s4 =	simm.s32 $0x1BF5;
	[smem:$0x3FB5] =	sst s0  }
0x18: {  	s0 =	sld [smem:$0x3F98];
	_ =	swait.ge [sflag:s4], $0x0  }
0x19: {  	s7 =	sld [smem:$0x3F99]  }
0x1a: {  	s8 =	sadd.s32 $0xFFFFE003, lr  }
0x1b: {  	s9 =	sadd.s32 $0xFFFFFEF7, lr;
	s5 =	simm.s32 $0xFFFFFFFF;
	p2 =	slt.u32 s8, $0xFFFFF086  }
0x1c: {  	p1 =	slt.u32 s9, $0xF7A;
	s5 =	simm.s32 @!p2 $0x0  }
0x1d: {  	s5 =	simm.s32 @p1 $0x1;
	p0 =	seq.s32 s7, s2  }
0x1e: {  	s7 =	smul.u32 @!p0 $0xF7A, s2;
	p2 =	seq.s32 @!p0 s5, $0x0  }
0x1f: {  	s9 =	smul.u32 $0xF7A, s1;
	s8 =	simm.s32 @!p0 $0x1BF5;
	p2 =	por !p2, p0  }
0x20: {  	[sflag:s8] =	ssyncset.s32 @!p0 $0xFFFFF086;
	s6 =	sadd.s32 @!p0 s3, s7;
	s7 =	simm.s32 @!p0 $0x108  }
0x21: {  	s3 =	sadd.s32 s3, s9;
	s6 =	sadd.s32 @!p0 $0x88, s6;
	s7 =	simm.s32 @p2 $0x1082  }
0x22: {  	[simem:s7], [sflag:s8] =	dma.local @!p0 [hbm:s6], $0xF7A  }
0x23: {  	s9 =	sor.u32 $0xD0000000, s2;
	s6 =	simm.s32 $0x108;
	_ =	swait.ge @!p0 [sflag:s8], $0x0  }
0x24: {  	s3 =	sadd.s32 $0x88, s3;
	s6 =	simm.s32 @!p1 $0x1082;
	[sflag:s4] =	ssyncset.s32 $0xFFFFF086  }
0x25: {  	[simem:s6], [sflag:s4] =	dma.local [hbm:s3], $0xF7A  }
0x26: {  	[smem:$0x3F99] =	sst s1;
	(tag) =	ssettag s2;
	_ =	strace s9  }
0x27: {  	s1 =	sld [smem:$0x3FA9]  }
0x28: {  	s2 =	sld [smem:$0x3FAA]  }
0x29: {  	s4 =	sld [smem:$0x3FAC]  }
0x2a: {  	p0 =	seq.s32 s5, $0x0;
	s5 =	sld [smem:$0x3FAD]  }
0x2b: {  	s6 =	sld [smem:$0x3FAE]  }
0x2c: {  	s7 =	sld [smem:$0x3FAF]  }
0x2d: {  	s3 =	simm.s32 $0x108;
	s8 =	sld [smem:$0x3FB0]  }
0x2e: {  	s3 =	simm.s32 @!p0 $0x1082;
	s9 =	sld [smem:$0x3FB1]  }
0x2f: {  	lr =	sadd.s32 s0, s3;
	s0 =	sld [smem:$0x3FA8]  }
0x30: {  	s3 =	sld [smem:$0x3FAB]  }
0x31: {  	[smem:$0x3FB4] =	sst s10  }
0x32: {  	s10 =	sld [smem:$0x3FB2];
	_ =	sdelay $0x3  }
0x33: {  	p0 =	seq.s32 s10, $0x1;
	s10 =	sld [smem:$0x3FB4];
	_ =	sdelay $0x3  }
0x34: {  	[smem:$0x3FB4] =	sst s10  }
0x35: {  	s10 =	sld [smem:$0x3FB3];
	_ =	sdelay $0x3  }
0x36: {  	p1 =	seq.s32 s10, $0x1;
	s10 =	sld [smem:$0x3FB4];
	_ =	sdelay $0x3  }
0x37: {  	[smem:$0x3FB4] =	sst s10  }
0x38: {  	s10 =	sld [smem:$0x3FB5]  }
0x39: {  	_ = 	snop;
	(pc) =	sbr.ind lr, $3  }
0x3a: {  	_ = 	snop  }
0x3b: {  	_ = 	snop  }
0x3c: {  	p2 =	seq.s32 s10, $0x1;
	s10 =	sld [smem:$0x3FB4]  }
0x3d: {  	_ =	shalt  }
0x3e: {  	_ =	shalt  }
0x3f: {  	_ =	shalt  }
0x40: {  	_ =	shalt  }
0x41: {  	_ =	shalt  }
0x42: {  	_ =	shalt  }
0x43: {  	_ =	shalt  }
0x44: {  	_ =	shalt  }
0x45: {  	_ =	shalt  }
0x46: {  	_ =	shalt  }
0x47: {  	_ =	shalt  }
0x48: {  	_ =	shalt  }
0x49: {  	_ =	shalt  }
0x4a: {  	_ =	shalt  }
0x4b: {  	_ =	shalt  }
0x4c: {  	_ =	shalt  }
0x4d: {  	_ =	shalt  }
0x4e: {  	_ =	shalt  }
0x4f: {  	_ =	shalt  }
0x50: {  	_ =	shalt  }
0x51: {  	_ =	shalt  }
0x52: {  	_ =	shalt  }
0x53: {  	_ =	shalt  }
0x54: {  	_ =	shalt  }
0x55: {  	_ =	shalt  }
0x56: {  	_ =	shalt  }
0x57: {  	_ =	shalt  }
0x58: {  	_ =	shalt  }
0x59: {  	_ =	shalt  }
0x5a: {  	_ =	shalt  }
0x5b: {  	_ =	shalt  }
0x5c: {  	_ =	shalt  }
0x5d: {  	_ =	shalt  }
0x5e: {  	_ =	shalt  }
0x5f: {  	_ =	shalt  }
0x60: {  	_ =	shalt  }
0x61: {  	_ =	shalt  }
0x62: {  	_ =	shalt  }
0x63: {  	_ =	shalt  }
0x64: {  	_ =	shalt  }
0x65: {  	_ =	shalt  }
0x66: {  	_ =	shalt  }
0x67: {  	_ =	shalt  }
0x68: {  	_ =	shalt  }
0x69: {  	_ =	shalt  }
0x6a: {  	_ =	shalt  }
0x6b: {  	_ =	shalt  }
0x6c: {  	_ =	shalt  }
0x6d: {  	_ =	shalt  }
0x6e: {  	_ =	shalt  }
0x6f: {  	_ =	shalt  }
0x70: {  	_ =	shalt  }
0x71: {  	_ =	shalt  }
0x72: {  	_ =	shalt  }
0x73: {  	_ =	shalt  }
0x74: {  	_ =	shalt  }
0x75: {  	_ =	shalt  }
0x76: {  	_ =	shalt  }
0x77: {  	_ =	shalt  }
0x78: {  	_ =	shalt  }
0x79: {  	_ =	shalt  }
0x7a: {  	_ =	shalt  }
0x7b: {  	_ =	shalt  }
0x7c: {  	_ =	shalt  }
0x7d: {  	_ =	shalt  }
0x7e: {  	_ =	shalt  }
0x7f: {  	_ =	shalt  }
0x80: {  	_ =	shalt  }
0x81: {  	_ =	shalt  }
0x82: {  	_ =	shalt  }
0x83: {  	_ =	shalt  }
0x84: {  	_ =	shalt  }
0x85: {  	_ =	shalt  }
0x86: {  	_ =	shalt  }
0x87: {  	_ =	shalt  }
.Lfunc_end0:
.L_simem_size_0:
called_computation_lowered:
.L_overlay_start_0:
0x88: {  	s2 =	sld [smem:$0x3FD9]  }
0x89: {  	s3 =	sld [smem:$0x3FFE];
	_ =	sdelay $0x1  }
0x8a: {  	s1 =	srdreg.scid  }
0x8b: {  	s0 =	sand.u32 $0x1, s1  }
0x8c: {  	s17 =	sshll.u32 s0, $0xA;
	s2 =	sadd.s32 s3, s2  }
0x8d: {  	s2 =	sadd.s32 s2, s17  }
0x8e: {  	[smem:$0x3FC0] =	sst s2  }
0x8f: {  	_ = 	snop  }
0x90: {  	s2 =	sld [smem:$0x3FD0];
	(tm) =	ssettm $0x1  }
0x91: {  	s18 =	sld [smem:$0x3FFB];
	_ =	sdelay $0x3  }
0x92: {  	_ =	strace s18  }
0x93: {  	s3 =	sld [smem:$0x3FFC];
	_ =	sdelay $0x3  }
0x94: {  	_ =	strace s3  }
0x95: {  	s3 =	sld [smem:$0x3FFD];
	_ =	sdelay $0x3  }
0x96: {  	_ =	strace s3  }
0x97: {  	_ =	strace $0x8FFFFFFF  }
0x98: {  	s19 =	sld [smem:$0x3FDB];
	_ =	sdelay $0x1  }
0x99: {  	s4 =	simm.s32 $_scs_section_size  }
0x9a: {  	s5 =	simm.s32 $_size__tile_overlayer_lowered;
	s6 =	simm.s32 $_tile_overlayer_lowered  }
0x9b: {  	s22 =	simm.s32 $0x1BFF;
	s21 =	sshll.u32 s6, $0x1;
	s3 =	sadd.s32 s4, s19  }
0x9c: {  	s7 =	simm.s32 $0x0;
	s20 =	sshll.u32 s5, $0x1;
	s5 =	sadd.s32 s21, s3  }
0x9d: {  	[timem:s7], [sflag:s22] =	dma.local [hbm:s5], s20  }
0x9e: {  	_ =	swait.ge [sflag:s22], s20  }
0x9f: {  	s4 =	ssub.s32 $0x0, s20;
	[sflag:s22] =	ssyncset.done $0x0  }
0xa0: {  	[sflag:s22] =	ssyncadd.s32 s4;
	_ =	sdelay $0x1  }
0xa1: {  	s23 =	simm.s32 $0x1B8B  }
0xa2: {  	_ =	swait.ge [sflag:s23], $0x1  }
0xa3: {  	[sflag:s23] =	ssyncset.done $0x0  }
0xa4: {  	s25 =	simm.s32 $0x1B8E;
	s24 =	sld [smem:$0x3FFE];
	[sflag:s23] =	ssyncadd.s32 $0xFFFFFFFF  }
0xa5: {  	s26 =	simm.s32 $execute0_lowered;
	[smem:$0x3FD2] =	sst s25  }
0xa6: {  	s5 =	sshll.u32 s26, $0x1;
	_ =	strace $0x80000046;
	[dreg:$0x1] =	wrdreg $0xFFFFFFFF  }
0xa7: {  	s28 =	simm.s32 $_size_execute0_lowered;
	s3 =	sadd.s32 s3, s5;
	[dreg:$0x0] =	wrdreg $0x0  }
0xa8: {  	s5 =	sshll.u32 s28, $0x1;
	[dreg:$0x2] =	wrdreg s3  }
0xa9: {  	[dreg:$0x3] =	wrdreg s5  }
0xaa: {  	[dreg:$0x4] =	wrdreg $0xC0  }
0xab: {  	_ =	task [dreg:s7], $0x5FFFF  }
0xac: {  	[dreg:$0x1] =	wrdreg $0xFFFFFFFF  }
0xad: {  	[dreg:$0x0] =	wrdreg $0x60  }
0xae: {  	[dreg:$0x2] =	wrdreg s24  }
0xaf: {  	[dreg:$0x3] =	wrdreg s2  }
0xb0: {  	[dreg:$0x4] =	wrdreg $0x5800  }
0xb1: {  	[dreg:$0x5] =	wrdreg $0x9  }
0xb2: {  	_ =	task.clear_ibuf [dreg:s7], $0x6FFFF;
	_ =	strace $0x90000046  }
0xb3: {  	s29 =	simm.s32 $0x9;
	_ =	strace $0x80000048  }
0xb4: {  	_ =	swait.ge [sflag:s29], $0x1  }
0xb5: {  	[sflag:s29] =	ssyncadd.s32 $0xFFFFFFFF  }
0xb6: {  	_ =	strace $0x90000048  }
0xb7: {  	_ =	sfence  }
0xb8: {  	s30 =	sld [smem:$0x0];
	_ =	sdelay $0x2  }
0xb9: {  	s31 =	sshll.u32 s1, $0xD;
	s1 =	sshrl.u32 s1, $0x2  }
0xba: {  	s3 =	sand.u32 $0x4000, s31;
	s1 =	sadd.s32 s1, s30  }
0xbb: {  	s0 =	sor.u32 s3, s0;
	s1 =	sshll.u32 s1, $0x11  }
0xbc: {  	s0 =	sor.u32 s1, s0  }
0xbd: {  	s0 =	sadd.s32 $0x8F2B, s0  }
0xbe: {  	[sflag:s0] =	ssyncadd.remote.s32 $0x1  }
0xbf: {  	_ =	sfence.sel $0xFFFF  }
0xc0: {  	[dreg:$0x0] =	wrdreg $0xFFFFFFFF;
	(pc) =	sbr.abs _section_cstart, $3  }
0xc1: {  	[dreg:$0x1] =	wrdreg $0xFFFFFFFF  }
0xc2: {  	_ =	task.clear_ibuf [dreg:s7], $0x2FFFF;
	_ =	strace $0x9FFFFFFF  }
0xc3: {  	(tm) =	ssettm $0x7FFFFFFF  }
tec
execute0_lowered:
.L_overlay_start_1:
0x0: {  	(tag) =	ssettag $0x1  }
0x1: {  	s6 =	rddreg [dreg:$0x0]  }
0x2: {  	s2 =	rddreg [dreg:$0x1]  }
0x3: {  	s3 =	rddreg [dreg:$0x2]  }
0x4: {  	s0 =	rddreg [dreg:$0x3]  }
0x5: {  	s5 =	srdreg.scid;
	s1 =	stileid.u32  }
0x6: {  	s4 =	simm.s32 $0x0;
	s15 =	simm.s32 $0x500;
	s16 =	simm.s32 $0x300  }
0x7: {  	s17 =	simm.s32 $0x380;
	s18 =	simm.s32 $0x400;
	s19 =	simm.s32 $0x480  }
0x8: {  	s20 =	simm.s32 $0x100;
	s21 =	simm.s32 $0x180;
	s22 =	simm.s32 $0x200  }
0x9: {  	s23 =	simm.s32 $0x2;
	s24 =	simm.s32 $0x1;
	s25 =	simm.s32 $0x0  }
0xa: {  	s5 =	sand.u32 $0x1, s5;
	s7 =	smul.u32 $0x1880, s1;
	[smem:$0x7FF] =	sst s4  }
0xb: {  	s9 =	sadd.s32 $0xC5C00, s6;
	s29 =	sshll.u32 s1, $0x6;
	s30 =	smul.u32 $0x6220, s1  }
0xc: {  	s8 =	smul.u32 $0x18800, s5;
	_ =	strace $0x80000047;
	s10 =	sshll.u32 s5, $0x4  }
0xd: {  	s11 =	ssub.s32 $0x2, s5;
	s13 =	smul.u32 $0x62200, s5;
	s5 =	sor.u32 $0x1C03, s29  }
0xe: {  	s10 =	sor.u32 s1, s10;
	s12 =	sshrl.u32 s11, $0x1;
	s14 =	sadd.s32 s7, s3  }
0xf: {  	s8 =	sadd.s32 s7, s8;
	s10 =	smul.u32 $0x6220, s10;
	s11 =	ssub.s32 s11, s12  }
0x10: {  	s31 =	sadd.s32 s13, s9;
	s12 =	simm.s32 $0x3;
	s8 =	sshrl.u32 s8, $0x3  }
0x11: {  	s13 =	simm.s32 $0x280;
	s8 =	sadd.s32 s8, s6;
	s6 =	sadd.s32 $0x18A000, s6  }
0x12: {  	s7 =	sadd.s32 s9, s10;
	s9 =	smax.u32 s11, $0x1;
	s10 =	sadd.s32 s30, s31  }
0x13: {  	v0 =	vimm.f32 $1.000000000e+00;
	s11 =	sshrl.u32 s14, $0x3;
	s14 =	simm.s32 $0x80;
	s8 =	sadd.s32 $0x2600, s8  }
.LBB2_1:
0x14: {  	[tilespmem:$0x500] =	vst v0  }
0x15: {  	[tilespmem:$0x510] =	vst v0  }
0x16: {  	[tilespmem:$0x520] =	vst v0  }
0x17: {  	[tilespmem:$0x530] =	vst v0  }
0x18: {  	[tilespmem:$0x540] =	vst v0  }
0x19: {  	[tilespmem:$0x550] =	vst v0  }
0x1a: {  	[tilespmem:$0x560] =	vst v0  }
0x1b: {  	[tilespmem:$0x570] =	vst v0  }
0x1c: {  	[spmem:s11], [sflag:s5] =	dma.local [hbm:s2], $0x310  }
0x1d: {  	_ =	swait.ge [sflag:s12], $0x310  }
0x1e: {  	[sflag:s12] =	ssyncset.done $0x0  }
0x1f: {  	[sflag:s12] =	ssyncadd.s32 $0xFFFFFCF0  }
0x20: {  	[bflag:$0x0] =	sbarrier.arrive $0xFFFF  }
0x21: {  	[tilespmem:s13], [sflag:$0x3] =	stream.linear.gather [hbm4b:s6+s4], $0x280, $0x38;
	[tilespmem:$0x1E00] =	vst v63  }
0x22: {  	_ =	swait.ge [sflag:s12], $0x280  }
0x23: {  	[sflag:s12] =	ssyncset.done $0x0  }
0x24: {  	[sflag:s12] =	ssyncadd.s32 $0xFFFFFD80  }
0x25: {  	[spmem:s3] =	stream.indirect.scatter.add.f32 [tilespmem:s15], [sflag:$0x2], $0x1, s13, s14, $0xb8;
	[tilespmem:$0x1E00] =	vst v63  }
0x26: {  	_ = 	snop  }
0x27: {  	[spmem:s3] =	stream.indirect.scatter.add.f32 [tilespmem:s15], [sflag:$0x2], $0x1, s16, s14, $0xb8;
	[tilespmem:$0x1E00] =	vst v63  }
0x28: {  	_ = 	snop  }
0x29: {  	[spmem:s3] =	stream.indirect.scatter.add.f32 [tilespmem:s15], [sflag:$0x2], $0x1, s17, s14, $0xb8;
	[tilespmem:$0x1E00] =	vst v63  }
0x2a: {  	_ = 	snop  }
0x2b: {  	[spmem:s3] =	stream.indirect.scatter.add.f32 [tilespmem:s15], [sflag:$0x2], $0x1, s18, s14, $0xb8;
	[tilespmem:$0x1E00] =	vst v63  }
0x2c: {  	_ = 	snop  }
0x2d: {  	[spmem:s3] =	stream.indirect.scatter.add.f32 [tilespmem:s15], [sflag:$0x2], $0x1, s19, s14, $0xb8;
	[tilespmem:$0x1E00] =	vst v63  }
0x2e: {  	_ = 	snop  }
0x2f: {  	[tilespmem:s4], [sflag:$0x3] =	stream.linear.gather [hbm4b:s7+s4], $0x280, $0x38;
	[tilespmem:$0x1E00] =	vst v63  }
0x30: {  	_ =	swait.ge [sflag:s12], $0x280  }
0x31: {  	[sflag:s12] =	ssyncset.done $0x0  }
0x32: {  	[sflag:s12] =	ssyncadd.s32 $0xFFFFFD80  }
0x33: {  	[spmem:s3] =	stream.indirect.scatter.add.f32 [tilespmem:s15], [sflag:$0x1], $0x1, s4, s14, $0xb8;
	[tilespmem:$0x1E00] =	vst v63  }
0x34: {  	_ = 	snop  }
0x35: {  	[spmem:s3] =	stream.indirect.scatter.add.f32 [tilespmem:s15], [sflag:$0x1], $0x1, s14, s14, $0xb8;
	[tilespmem:$0x1E00] =	vst v63  }
0x36: {  	_ = 	snop  }
0x37: {  	[spmem:s3] =	stream.indirect.scatter.add.f32 [tilespmem:s15], [sflag:$0x1], $0x1, s20, s14, $0xb8;
	[tilespmem:$0x1E00] =	vst v63  }
0x38: {  	_ = 	snop  }
0x39: {  	[spmem:s3] =	stream.indirect.scatter.add.f32 [tilespmem:s15], [sflag:$0x1], $0x1, s21, s14, $0xb8;
	[tilespmem:$0x1E00] =	vst v63  }
0x3a: {  	_ = 	snop  }
0x3b: {  	[spmem:s3] =	stream.indirect.scatter.add.f32 [tilespmem:s15], [sflag:$0x1], $0x1, s22, s14, $0xb8;
	[tilespmem:$0x1E00] =	vst v63  }
0x3c: {  	_ =	swait.ge [sflag:s23], $0x80  }
0x3d: {  	[sflag:s23] =	ssyncset.done $0x0  }
0x3e: {  	[sflag:s23] =	ssyncadd.s32 $0xFFFFFF80  }
0x3f: {  	_ =	swait.ge [sflag:s23], $0x80  }
0x40: {  	[sflag:s23] =	ssyncset.done $0x0  }
0x41: {  	[sflag:s23] =	ssyncadd.s32 $0xFFFFFF80  }
0x42: {  	_ =	swait.ge [sflag:s23], $0x80  }
0x43: {  	[sflag:s23] =	ssyncset.done $0x0  }
0x44: {  	[sflag:s23] =	ssyncadd.s32 $0xFFFFFF80  }
0x45: {  	_ =	swait.ge [sflag:s23], $0x80  }
0x46: {  	[sflag:s23] =	ssyncset.done $0x0  }
0x47: {  	[sflag:s23] =	ssyncadd.s32 $0xFFFFFF80  }
0x48: {  	_ =	swait.ge [sflag:s23], $0x80  }
0x49: {  	s26 =	sadd.s32 $0xFFFF9DE0, s10;
	[sflag:s23] =	ssyncset.done $0x0  }
0x4a: {  	s28 =	sadd.s32 $0x6270, s26;
	[sflag:s23] =	ssyncadd.s32 $0xFFFFFF80  }
0x4b: {  	[tilespmem:s13], [sflag:$0x3] =	stream.linear.gather [hbm4b:s28+s4], $0x280, $0x38;
	[tilespmem:$0x1E00] =	vst v63  }
0x4c: {  	_ =	swait.ge [sflag:s12], $0x280  }
0x4d: {  	[sflag:s12] =	ssyncset.done $0x0  }
0x4e: {  	[sflag:s12] =	ssyncadd.s32 $0xFFFFFD80  }
0x4f: {  	[spmem:s3] =	stream.indirect.scatter.add.f32 [tilespmem:s15], [sflag:$0x2], $0x1, s13, s14, $0xb8;
	[tilespmem:$0x1E00] =	vst v63  }
0x50: {  	_ = 	snop  }
0x51: {  	[spmem:s3] =	stream.indirect.scatter.add.f32 [tilespmem:s15], [sflag:$0x2], $0x1, s16, s14, $0xb8;
	[tilespmem:$0x1E00] =	vst v63  }
0x52: {  	_ = 	snop  }
0x53: {  	[spmem:s3] =	stream.indirect.scatter.add.f32 [tilespmem:s15], [sflag:$0x2], $0x1, s17, s14, $0xb8;
	[tilespmem:$0x1E00] =	vst v63  }
0x54: {  	_ = 	snop  }
0x55: {  	[spmem:s3] =	stream.indirect.scatter.add.f32 [tilespmem:s15], [sflag:$0x2], $0x1, s18, s14, $0xb8;
	[tilespmem:$0x1E00] =	vst v63  }
0x56: {  	_ = 	snop  }
0x57: {  	[spmem:s3] =	stream.indirect.scatter.add.f32 [tilespmem:s15], [sflag:$0x2], $0x1, s19, s14, $0xb8;
	[tilespmem:$0x1E00] =	vst v63  }
0x58: {  	_ =	swait.ge [sflag:s24], $0x80  }
0x59: {  	[sflag:s24] =	ssyncset.done $0x0  }
0x5a: {  	[sflag:s24] =	ssyncadd.s32 $0xFFFFFF80  }
0x5b: {  	_ =	swait.ge [sflag:s24], $0x80  }
0x5c: {  	[sflag:s24] =	ssyncset.done $0x0  }
0x5d: {  	[sflag:s24] =	ssyncadd.s32 $0xFFFFFF80  }
0x5e: {  	_ =	swait.ge [sflag:s24], $0x80  }
0x5f: {  	[sflag:s24] =	ssyncset.done $0x0  }
0x60: {  	[sflag:s24] =	ssyncadd.s32 $0xFFFFFF80  }
0x61: {  	_ =	swait.ge [sflag:s24], $0x80  }
0x62: {  	[sflag:s24] =	ssyncset.done $0x0  }
0x63: {  	[sflag:s24] =	ssyncadd.s32 $0xFFFFFF80  }
0x64: {  	_ =	swait.ge [sflag:s24], $0x80  }
0x65: {  	[sflag:s24] =	ssyncset.done $0x0  }
0x66: {  	s26 =	sadd.s32 $0x62C0, s26;
	[sflag:s24] =	ssyncadd.s32 $0xFFFFFF80  }
0x67: {  	[tilespmem:s4], [sflag:$0x3] =	stream.linear.gather [hbm4b:s26+s4], $0x280, $0x38;
	[tilespmem:$0x1E00] =	vst v63  }
0x68: {  	_ =	swait.ge [sflag:s12], $0x280  }
0x69: {  	s26 =	simm.s32 $0xFFFF9E80;
	[sflag:s12] =	ssyncset.done $0x0  }
.LBB2_2:
0x6a: {  	p0 =	sne.s32 s26, $0xFFFFFF60  }
0x6b: {  	[sflag:s12] =	ssyncadd.s32 $0xFFFFFD80;
	s28 =	smov.u32 s26;
	s26 =	sadd.s32 $0xA0, s26  }
0x6c: {  	[spmem:s3] =	stream.indirect.scatter.add.f32 [tilespmem:s15], [sflag:$0x1], $0x1, s4, s14, $0xb8;
	[tilespmem:$0x1E00] =	vst v63  }
0x6d: {  	_ = 	snop  }
0x6e: {  	[spmem:s3] =	stream.indirect.scatter.add.f32 [tilespmem:s15], [sflag:$0x1], $0x1, s14, s14, $0xb8;
	[tilespmem:$0x1E00] =	vst v63  }
0x6f: {  	_ = 	snop  }
0x70: {  	[spmem:s3] =	stream.indirect.scatter.add.f32 [tilespmem:s15], [sflag:$0x1], $0x1, s20, s14, $0xb8;
	[tilespmem:$0x1E00] =	vst v63  }
0x71: {  	_ = 	snop  }
0x72: {  	[spmem:s3] =	stream.indirect.scatter.add.f32 [tilespmem:s15], [sflag:$0x1], $0x1, s21, s14, $0xb8;
	[tilespmem:$0x1E00] =	vst v63  }
0x73: {  	_ = 	snop  }
0x74: {  	[spmem:s3] =	stream.indirect.scatter.add.f32 [tilespmem:s15], [sflag:$0x1], $0x1, s22, s14, $0xb8;
	[tilespmem:$0x1E00] =	vst v63  }
0x75: {  	_ =	swait.ge [sflag:s23], $0x80  }
0x76: {  	[sflag:s23] =	ssyncset.done $0x0  }
0x77: {  	[sflag:s23] =	ssyncadd.s32 $0xFFFFFF80  }
0x78: {  	_ =	swait.ge [sflag:s23], $0x80  }
0x79: {  	[sflag:s23] =	ssyncset.done $0x0  }
0x7a: {  	[sflag:s23] =	ssyncadd.s32 $0xFFFFFF80  }
0x7b: {  	_ =	swait.ge [sflag:s23], $0x80  }
0x7c: {  	[sflag:s23] =	ssyncset.done $0x0  }
0x7d: {  	[sflag:s23] =	ssyncadd.s32 $0xFFFFFF80  }
0x7e: {  	_ =	swait.ge [sflag:s23], $0x80  }
0x7f: {  	[sflag:s23] =	ssyncset.done $0x0  }
0x80: {  	[sflag:s23] =	ssyncadd.s32 $0xFFFFFF80  }
0x81: {  	_ =	swait.ge [sflag:s23], $0x80  }
0x82: {  	s28 =	sadd.s32 s28, s10;
	[sflag:s23] =	ssyncset.done $0x0  }
0x83: {  	s29 =	sadd.s32 $0x6270, s28;
	[sflag:s23] =	ssyncadd.s32 $0xFFFFFF80  }
0x84: {  	[tilespmem:s13], [sflag:$0x3] =	stream.linear.gather [hbm4b:s29+s4], $0x280, $0x38;
	[tilespmem:$0x1E00] =	vst v63  }
0x85: {  	_ =	swait.ge [sflag:s12], $0x280  }
0x86: {  	[sflag:s12] =	ssyncset.done $0x0  }
0x87: {  	[sflag:s12] =	ssyncadd.s32 $0xFFFFFD80  }
0x88: {  	[spmem:s3] =	stream.indirect.scatter.add.f32 [tilespmem:s15], [sflag:$0x2], $0x1, s13, s14, $0xb8;
	[tilespmem:$0x1E00] =	vst v63  }
0x89: {  	_ = 	snop  }
0x8a: {  	[spmem:s3] =	stream.indirect.scatter.add.f32 [tilespmem:s15], [sflag:$0x2], $0x1, s16, s14, $0xb8;
	[tilespmem:$0x1E00] =	vst v63  }
0x8b: {  	_ = 	snop  }
0x8c: {  	[spmem:s3] =	stream.indirect.scatter.add.f32 [tilespmem:s15], [sflag:$0x2], $0x1, s17, s14, $0xb8;
	[tilespmem:$0x1E00] =	vst v63  }
0x8d: {  	_ = 	snop  }
0x8e: {  	[spmem:s3] =	stream.indirect.scatter.add.f32 [tilespmem:s15], [sflag:$0x2], $0x1, s18, s14, $0xb8;
	[tilespmem:$0x1E00] =	vst v63  }
0x8f: {  	_ = 	snop  }
0x90: {  	[spmem:s3] =	stream.indirect.scatter.add.f32 [tilespmem:s15], [sflag:$0x2], $0x1, s19, s14, $0xb8;
	[tilespmem:$0x1E00] =	vst v63  }
0x91: {  	_ =	swait.ge [sflag:s24], $0x80  }
0x92: {  	[sflag:s24] =	ssyncset.done $0x0  }
0x93: {  	[sflag:s24] =	ssyncadd.s32 $0xFFFFFF80  }
0x94: {  	_ =	swait.ge [sflag:s24], $0x80  }
0x95: {  	[sflag:s24] =	ssyncset.done $0x0  }
0x96: {  	[sflag:s24] =	ssyncadd.s32 $0xFFFFFF80  }
0x97: {  	_ =	swait.ge [sflag:s24], $0x80  }
0x98: {  	[sflag:s24] =	ssyncset.done $0x0  }
0x99: {  	[sflag:s24] =	ssyncadd.s32 $0xFFFFFF80  }
0x9a: {  	_ =	swait.ge [sflag:s24], $0x80  }
0x9b: {  	[sflag:s24] =	ssyncset.done $0x0  }
0x9c: {  	[sflag:s24] =	ssyncadd.s32 $0xFFFFFF80  }
0x9d: {  	_ =	swait.ge [sflag:s24], $0x80  }
.Ltmp0:
0x9e: {  	[sflag:s24] =	ssyncset.done $0x0;
	(pc) =	sbr.rel @p0 .LBB2_2-.Ltmp0, $4  }
0x9f: {  	s28 =	sadd.s32 $0x62C0, s28;
	[sflag:s24] =	ssyncadd.s32 $0xFFFFFF80  }
0xa0: {  	[tilespmem:s4], [sflag:$0x3] =	stream.linear.gather [hbm4b:s28+s4], $0x280, $0x38;
	[tilespmem:$0x1E00] =	vst v63  }
0xa1: {  	_ =	swait.ge [sflag:s12], $0x280  }
0xa2: {  	[sflag:s12] =	ssyncset.done $0x0  }
0xa3: {  	[sflag:s12] =	ssyncadd.s32 $0xFFFFFD80  }
0xa4: {  	_ =	swait.ge [sflag:s23], $0x80  }
0xa5: {  	[sflag:s23] =	ssyncset.done $0x0  }
0xa6: {  	[sflag:s23] =	ssyncadd.s32 $0xFFFFFF80  }
0xa7: {  	_ =	swait.ge [sflag:s23], $0x80  }
0xa8: {  	[sflag:s23] =	ssyncset.done $0x0  }
0xa9: {  	[sflag:s23] =	ssyncadd.s32 $0xFFFFFF80  }
0xaa: {  	_ =	swait.ge [sflag:s23], $0x80  }
0xab: {  	[sflag:s23] =	ssyncset.done $0x0  }
0xac: {  	[sflag:s23] =	ssyncadd.s32 $0xFFFFFF80  }
0xad: {  	_ =	swait.ge [sflag:s23], $0x80  }
0xae: {  	[sflag:s23] =	ssyncset.done $0x0  }
0xaf: {  	[sflag:s23] =	ssyncadd.s32 $0xFFFFFF80  }
0xb0: {  	_ =	swait.ge [sflag:s23], $0x80  }
0xb1: {  	s25 =	sadd.s32 $0x1, s25;
	[sflag:s23] =	ssyncset.done $0x0  }
0xb2: {  	p0 =	sne.s32 s25, s9;
	[sflag:s23] =	ssyncadd.s32 $0xFFFFFF80  }
.Ltmp1:
0xb3: {  	[bflag:$0x0] =	sbarrier.arrive $0xFFFF;
	(pc) =	sbr.rel @p0 .LBB2_1-.Ltmp1, $4  }
0xb4: {  	[hbm:s8], [sflag:s5] =	dma.local [spmem:s11], $0x310  }
0xb5: {  	_ =	swait.ge [sflag:s12], $0x310  }
0xb6: {  	[sflag:s12] =	ssyncset.done $0x0  }
0xb7: {  	[sflag:s12] =	ssyncadd.s32 $0xFFFFFCF0  }
0xb8: {  	_ =	sfence.sel $0x180000  }
0xb9: {  	[bflag:$0x0] =	sbarrier.arrive $0xFFFF  }
0xba: {  	p0 =	sne.s32 s1, $0x0;
	_ =	strace $0x90000047  }
0xbb: {  	s0 =	sadd.s32 @!p0 $0x100000, s0;
	[bflag:$0x2] =	sbarrier.arrive $0xFFFF  }
0xbc: {  	[sflag:s0] =	ssyncadd.tile.s32 @!p0 $0x1;
	_ =	shalt  }
.Lfunc_end2:
_tile_overlayer_lowered:
.L_overlay_start_2:
0xbd: {  	(tag) =	ssettag $0x2  }
0xbe: {  	s0 =	rddreg [dreg:$0x0];
	s2 =	stileid.u32  }
0xbf: {  	s1 =	rddreg [dreg:$0x1];
	p0 =	sne.s32 s2, $0x0  }
0xc0: {  	s3 =	rddreg [dreg:$0x2];
	[bflag:$0x3] =	sbarrier.arrive $0xFFFF;
	s2 =	simm.s32 @!p0 $0x1C03  }
0xc1: {  	[timem:s3], [sflag:s2] =	dma.local @!p0 [hbm:s0], s1  }
0xc2: {  	s0 =	simm.s32 @!p0 $0x3  }
0xc3: {  	_ =	swait.ge @!p0 [sflag:s0], s1  }
0xc4: {  	s1 =	ssub.s32 @!p0 $0x0, s1;
	[sflag:s0] =	ssyncset.done @!p0 $0x0  }
0xc5: {  	[sflag:s0] =	ssyncadd.s32 @!p0 s1  }
0xc6: {  	[bflag:$0x3] =	sbarrier.arrive $0xFFFF  }
0xc7: {  	_ =	shalt  }

// kernel: kernel.13.cloned.1.call-start
scs
__scs_entry_jumppad:
0x0: {  	(pc) =	sbr.rel $0x88, $3  }
0x1: {  	(tag) =	ssettag $0x0;
	lr =	simm.s32 $0x1  }
0x2: {  	[smem:$0x3F99] =	sst lr;
	_ =	strace $0xD0000000  }
0x3: {  	_ = 	snop  }
0x4: {  	_ = 	snop  }
0x5: {  	_ = 	snop  }
0x6: {  	_ = 	snop  }
0x7: {  	_ = 	snop  }
__scs_overlays_trampoline_lowered:
0x8: {  	[smem:$0x3FA8] =	sst s0  }
0x9: {  	[smem:$0x3FA9] =	sst s1  }
0xa: {  	[smem:$0x3FAA] =	sst s2  }
0xb: {  	[smem:$0x3FAB] =	sst s3  }
0xc: {  	[smem:$0x3FAC] =	sst s4  }
0xd: {  	[smem:$0x3FAD] =	sst s5  }
0xe: {  	[smem:$0x3FAE] =	sst s6  }
0xf: {  	[smem:$0x3FAF] =	sst s7  }
0x10: {  	[smem:$0x3FB0] =	sst s8  }
0x11: {  	[smem:$0x3FB1] =	sst s9;
	s0 =	simm.s32 @!p0 $0x0  }
0x12: {  	s1 =	sld [smem:$0x3F97];
	s0 =	simm.s32 @p0 $0x1  }
0x13: {  	[smem:$0x3FB2] =	sst s0;
	s0 =	simm.s32 @!p1 $0x0  }
0x14: {  	s2 =	sld [smem:$0x3F96];
	s0 =	simm.s32 @p1 $0x1  }
0x15: {  	[smem:$0x3FB3] =	sst s0;
	s0 =	simm.s32 @!p2 $0x0  }
0x16: {  	s3 =	sld [smem:$0x3FDB];
	s0 =	simm.s32 @p2 $0x1  }
0x17: {  	s4 =	simm.s32 $0x1BF5;
	[smem:$0x3FB5] =	sst s0  }
0x18: {  	s0 =	sld [smem:$0x3F98];
	_ =	swait.ge [sflag:s4], $0x0  }
0x19: {  	s7 =	sld [smem:$0x3F99]  }
0x1a: {  	s8 =	sadd.s32 $0xFFFFE003, lr  }
0x1b: {  	s9 =	sadd.s32 $0xFFFFFEF7, lr;
	s5 =	simm.s32 $0xFFFFFFFF;
	p2 =	slt.u32 s8, $0xFFFFF086  }
0x1c: {  	p1 =	slt.u32 s9, $0xF7A;
	s5 =	simm.s32 @!p2 $0x0  }
0x1d: {  	s5 =	simm.s32 @p1 $0x1;
	p0 =	seq.s32 s7, s2  }
0x1e: {  	s7 =	smul.u32 @!p0 $0xF7A, s2;
	p2 =	seq.s32 @!p0 s5, $0x0  }
0x1f: {  	s9 =	smul.u32 $0xF7A, s1;
	s8 =	simm.s32 @!p0 $0x1BF5;
	p2 =	por !p2, p0  }
0x20: {  	[sflag:s8] =	ssyncset.s32 @!p0 $0xFFFFF086;
	s6 =	sadd.s32 @!p0 s3, s7;
	s7 =	simm.s32 @!p0 $0x108  }
0x21: {  	s3 =	sadd.s32 s3, s9;
	s6 =	sadd.s32 @!p0 $0x88, s6;
	s7 =	simm.s32 @p2 $0x1082  }
0x22: {  	[simem:s7], [sflag:s8] =	dma.local @!p0 [hbm:s6], $0xF7A  }
0x23: {  	s9 =	sor.u32 $0xD0000000, s2;
	s6 =	simm.s32 $0x108;
	_ =	swait.ge @!p0 [sflag:s8], $0x0  }
0x24: {  	s3 =	sadd.s32 $0x88, s3;
	s6 =	simm.s32 @!p1 $0x1082;
	[sflag:s4] =	ssyncset.s32 $0xFFFFF086  }
0x25: {  	[simem:s6], [sflag:s4] =	dma.local [hbm:s3], $0xF7A  }
0x26: {  	[smem:$0x3F99] =	sst s1;
	(tag) =	ssettag s2;
	_ =	strace s9  }
0x27: {  	s1 =	sld [smem:$0x3FA9]  }
0x28: {  	s2 =	sld [smem:$0x3FAA]  }
0x29: {  	s4 =	sld [smem:$0x3FAC]  }
0x2a: {  	p0 =	seq.s32 s5, $0x0;
	s5 =	sld [smem:$0x3FAD]  }
0x2b: {  	s6 =	sld [smem:$0x3FAE]  }
0x2c: {  	s7 =	sld [smem:$0x3FAF]  }
0x2d: {  	s3 =	simm.s32 $0x108;
	s8 =	sld [smem:$0x3FB0]  }
0x2e: {  	s3 =	simm.s32 @!p0 $0x1082;
	s9 =	sld [smem:$0x3FB1]  }
0x2f: {  	lr =	sadd.s32 s0, s3;
	s0 =	sld [smem:$0x3FA8]  }
0x30: {  	s3 =	sld [smem:$0x3FAB]  }
0x31: {  	[smem:$0x3FB4] =	sst s10  }
0x32: {  	s10 =	sld [smem:$0x3FB2];
	_ =	sdelay $0x3  }
0x33: {  	p0 =	seq.s32 s10, $0x1;
	s10 =	sld [smem:$0x3FB4];
	_ =	sdelay $0x3  }
0x34: {  	[smem:$0x3FB4] =	sst s10  }
0x35: {  	s10 =	sld [smem:$0x3FB3];
	_ =	sdelay $0x3  }
0x36: {  	p1 =	seq.s32 s10, $0x1;
	s10 =	sld [smem:$0x3FB4];
	_ =	sdelay $0x3  }
0x37: {  	[smem:$0x3FB4] =	sst s10  }
0x38: {  	s10 =	sld [smem:$0x3FB5]  }
0x39: {  	_ = 	snop;
	(pc) =	sbr.ind lr, $3  }
0x3a: {  	_ = 	snop  }
0x3b: {  	_ = 	snop  }
0x3c: {  	p2 =	seq.s32 s10, $0x1;
	s10 =	sld [smem:$0x3FB4]  }
0x3d: {  	_ =	shalt  }
0x3e: {  	_ =	shalt  }
0x3f: {  	_ =	shalt  }
0x40: {  	_ =	shalt  }
0x41: {  	_ =	shalt  }
0x42: {  	_ =	shalt  }
0x43: {  	_ =	shalt  }
0x44: {  	_ =	shalt  }
0x45: {  	_ =	shalt  }
0x46: {  	_ =	shalt  }
0x47: {  	_ =	shalt  }
0x48: {  	_ =	shalt  }
0x49: {  	_ =	shalt  }
0x4a: {  	_ =	shalt  }
0x4b: {  	_ =	shalt  }
0x4c: {  	_ =	shalt  }
0x4d: {  	_ =	shalt  }
0x4e: {  	_ =	shalt  }
0x4f: {  	_ =	shalt  }
0x50: {  	_ =	shalt  }
0x51: {  	_ =	shalt  }
0x52: {  	_ =	shalt  }
0x53: {  	_ =	shalt  }
0x54: {  	_ =	shalt  }
0x55: {  	_ =	shalt  }
0x56: {  	_ =	shalt  }
0x57: {  	_ =	shalt  }
0x58: {  	_ =	shalt  }
0x59: {  	_ =	shalt  }
0x5a: {  	_ =	shalt  }
0x5b: {  	_ =	shalt  }
0x5c: {  	_ =	shalt  }
0x5d: {  	_ =	shalt  }
0x5e: {  	_ =	shalt  }
0x5f: {  	_ =	shalt  }
0x60: {  	_ =	shalt  }
0x61: {  	_ =	shalt  }
0x62: {  	_ =	shalt  }
0x63: {  	_ =	shalt  }
0x64: {  	_ =	shalt  }
0x65: {  	_ =	shalt  }
0x66: {  	_ =	shalt  }
0x67: {  	_ =	shalt  }
0x68: {  	_ =	shalt  }
0x69: {  	_ =	shalt  }
0x6a: {  	_ =	shalt  }
0x6b: {  	_ =	shalt  }
0x6c: {  	_ =	shalt  }
0x6d: {  	_ =	shalt  }
0x6e: {  	_ =	shalt  }
0x6f: {  	_ =	shalt  }
0x70: {  	_ =	shalt  }
0x71: {  	_ =	shalt  }
0x72: {  	_ =	shalt  }
0x73: {  	_ =	shalt  }
0x74: {  	_ =	shalt  }
0x75: {  	_ =	shalt  }
0x76: {  	_ =	shalt  }
0x77: {  	_ =	shalt  }
0x78: {  	_ =	shalt  }
0x79: {  	_ =	shalt  }
0x7a: {  	_ =	shalt  }
0x7b: {  	_ =	shalt  }
0x7c: {  	_ =	shalt  }
0x7d: {  	_ =	shalt  }
0x7e: {  	_ =	shalt  }
0x7f: {  	_ =	shalt  }
0x80: {  	_ =	shalt  }
0x81: {  	_ =	shalt  }
0x82: {  	_ =	shalt  }
0x83: {  	_ =	shalt  }
0x84: {  	_ =	shalt  }
0x85: {  	_ =	shalt  }
0x86: {  	_ =	shalt  }
0x87: {  	_ =	shalt  }
.Lfunc_end0:
.L_simem_size_0:
called_computation.1_lowered:
.L_overlay_start_0:
0x88: {  	s2 =	sld [smem:$0x3FD9]  }
0x89: {  	s3 =	sld [smem:$0x3FFE];
	_ =	sdelay $0x1  }
0x8a: {  	s1 =	srdreg.scid  }
0x8b: {  	s0 =	sand.u32 $0x1, s1  }
0x8c: {  	s16 =	sshll.u32 s0, $0xA;
	s2 =	sadd.s32 s3, s2  }
0x8d: {  	s2 =	sadd.s32 s2, s16  }
0x8e: {  	[smem:$0x3FC0] =	sst s2  }
0x8f: {  	_ = 	snop  }
0x90: {  	(tm) =	ssettm $0x1  }
0x91: {  	s17 =	sld [smem:$0x3FFB];
	_ =	sdelay $0x3  }
0x92: {  	_ =	strace s17  }
0x93: {  	s2 =	sld [smem:$0x3FFC];
	_ =	sdelay $0x3  }
0x94: {  	_ =	strace s2  }
0x95: {  	s2 =	sld [smem:$0x3FFD];
	_ =	sdelay $0x3  }
0x96: {  	_ =	strace s2  }
0x97: {  	_ =	strace $0x8FFFFFFF  }
0x98: {  	s18 =	sld [smem:$0x3FDB];
	_ =	sdelay $0x1  }
0x99: {  	s19 =	simm.s32 $_scs_section_size  }
0x9a: {  	s4 =	simm.s32 $_size__tile_overlayer_lowered;
	s5 =	simm.s32 $_tile_overlayer_lowered  }
0x9b: {  	s22 =	simm.s32 $0x1BFF;
	s21 =	sshll.u32 s5, $0x1;
	s2 =	sadd.s32 s19, s18  }
0x9c: {  	s6 =	simm.s32 $0x0;
	s20 =	sshll.u32 s4, $0x1;
	s4 =	sadd.s32 s21, s2  }
0x9d: {  	[timem:s6], [sflag:s22] =	dma.local [hbm:s4], s20  }
0x9e: {  	_ =	swait.ge [sflag:s22], s20  }
0x9f: {  	s3 =	ssub.s32 $0x0, s20;
	[sflag:s22] =	ssyncset.done $0x0  }
0xa0: {  	[sflag:s22] =	ssyncadd.s32 s3;
	_ =	sdelay $0x1  }
0xa1: {  	s23 =	simm.s32 $0x1B8B  }
0xa2: {  	_ =	swait.ge [sflag:s23], $0x1  }
0xa3: {  	[sflag:s23] =	ssyncset.done $0x0  }
0xa4: {  	s25 =	simm.s32 $0x1B8E;
	s24 =	sld [smem:$0x3FFE];
	[sflag:s23] =	ssyncadd.s32 $0xFFFFFFFF  }
0xa5: {  	s26 =	simm.s32 $execute0_lowered;
	[smem:$0x3FD2] =	sst s25  }
0xa6: {  	s4 =	sshll.u32 s26, $0x1;
	_ =	strace $0x80000049;
	[dreg:$0x1] =	wrdreg $0xFFFFFFFF  }
0xa7: {  	s28 =	simm.s32 $_size_execute0_lowered;
	s2 =	sadd.s32 s2, s4;
	[dreg:$0x0] =	wrdreg $0x0  }
0xa8: {  	s4 =	sshll.u32 s28, $0x1;
	[dreg:$0x2] =	wrdreg s2  }
0xa9: {  	[dreg:$0x3] =	wrdreg s4  }
0xaa: {  	[dreg:$0x4] =	wrdreg $0xC0  }
0xab: {  	_ =	task [dreg:s6], $0x5FFFF  }
0xac: {  	[dreg:$0x1] =	wrdreg $0xFFFFFFFF  }
0xad: {  	[dreg:$0x0] =	wrdreg $0x60  }
0xae: {  	[dreg:$0x2] =	wrdreg s24  }
0xaf: {  	[dreg:$0x3] =	wrdreg $0x50000  }
0xb0: {  	[dreg:$0x4] =	wrdreg $0x9  }
0xb1: {  	_ =	task.clear_ibuf [dreg:s6], $0x5FFFF;
	_ =	strace $0x90000049  }
0xb2: {  	s29 =	simm.s32 $0x9;
	_ =	strace $0x8000004B  }
0xb3: {  	_ =	swait.ge [sflag:s29], $0x1  }
0xb4: {  	[sflag:s29] =	ssyncadd.s32 $0xFFFFFFFF  }
0xb5: {  	_ =	strace $0x9000004B  }
0xb6: {  	_ =	sfence  }
0xb7: {  	s30 =	sld [smem:$0x0];
	_ =	sdelay $0x2  }
0xb8: {  	s31 =	sshll.u32 s1, $0xD;
	s1 =	sshrl.u32 s1, $0x2  }
0xb9: {  	s3 =	sand.u32 $0x4000, s31;
	s1 =	sadd.s32 s1, s30  }
0xba: {  	s0 =	sor.u32 s3, s0;
	s1 =	sshll.u32 s1, $0x11  }
0xbb: {  	s0 =	sor.u32 s1, s0  }
0xbc: {  	s0 =	sadd.s32 $0x8F2B, s0  }
0xbd: {  	[sflag:s0] =	ssyncadd.remote.s32 $0x1  }
0xbe: {  	_ =	sfence.sel $0xFFFF  }
0xbf: {  	[dreg:$0x0] =	wrdreg $0xFFFFFFFF;
	(pc) =	sbr.abs _section_cstart, $3  }
0xc0: {  	[dreg:$0x1] =	wrdreg $0xFFFFFFFF  }
0xc1: {  	_ =	task.clear_ibuf [dreg:s6], $0x2FFFF;
	_ =	strace $0x9FFFFFFF  }
0xc2: {  	(tm) =	ssettm $0x7FFFFFFF  }
0xc3: {  	_ =	shalt  }
tec
execute0_lowered:
.L_overlay_start_1:
0x0: {  	(tag) =	ssettag $0x1  }
0x1: {  	s0 =	rddreg [dreg:$0x0]  }
0x2: {  	s1 =	rddreg [dreg:$0x1];
	s3 =	simm.s32 $0x0;
	s13 =	stileid.u32  }
0x3: {  	s6 =	srdreg.scid;
	s28 =	simm.s32 $0xC00;
	s29 =	simm.s32 $0x4400  }
0x4: {  	s31 =	simm.s32 $0x4800;
	s30 =	simm.s32 $0x2C00;
	[smem:$0x7FF] =	sst s3  }
0x5: {  	s4 =	sadd.s32 $0x2600, s0;
	s2 =	sadd.s32 $0x18A600, s0;
	s5 =	smul.u32 $0x1880, s13  }
0x6: {  	s7 =	sadd.s32 $0xC5C00, s0;
	s6 =	sand.u32 $0x1, s6;
	s8 =	smul.u32 $0x31000, s13  }
0x7: {  	s9 =	sadd.s32 $0x1AE00, s0;
	s12 =	smul.u32 $0x620, s13;
	s16 =	sshll.u32 s13, $0x6  }
0x8: {  	s17 =	sadd.s32 $0x24E600, s0;
	_ =	strace $0x8000004A;
	[dreg:$0x15] =	wrdreg s9  }
0x9: {  	s14 =	ssub.s32 $0x2, s6;
	s10 =	smul.u32 $0x6200, s6;
	s15 =	sshll.u32 s6, $0x4  }
0xa: {  	s19 =	sor.u32 $0x1C05, s16;
	[dreg:$0x17] =	wrdreg s17;
	s6 =	smul.u32 $0x18800, s6  }
0xb: {  	s16 =	simm.s32 $0x800;
	s17 =	simm.s32 $0x80;
	s5 =	sadd.s32 s5, s0  }
0xc: {  	s11 =	sshrl.u32 s14, $0x1;
	s0 =	sadd.s32 $0x189C00, s0;
	[dreg:$0x16] =	wrdreg s19  }
0xd: {  	[dreg:$0x18] =	wrdreg s0;
	s26 =	sadd.s32 s6, s5;
	s5 =	simm.s32 $0x480  }
0xe: {  	s9 =	ssub.s32 s14, s11;
	s6 =	simm.s32 $0x500;
	[dreg:$0x7] =	wrdreg s5  }
0xf: {  	s10 =	sadd.s32 s12, s10;
	s12 =	simm.s32 $0x700;
	[dreg:$0x8] =	wrdreg s6  }
0x10: {  	s11 =	sor.u32 s13, s15;
	s13 =	simm.s32 $0x780;
	[dreg:$0xc] =	wrdreg s12  }
0x11: {  	s15 =	simm.s32 $0x880;
	s11 =	smul.u32 $0x6200, s11;
	[dreg:$0xd] =	wrdreg s13  }
0x12: {  	s10 =	sshll.u32 s10, $0x4;
	[dreg:$0xe] =	wrdreg s15;
	s15 =	simm.s32 $0x0  }
0x13: {  	s18 =	sor.u32 $0x80, s10;
	[dreg:$0x1e] =	wrdreg s15;
	s20 =	sadd.s32 s2, s11  }
0x14: {  	s8 =	sshrl.u32 s8, $0x2;
	s21 =	sadd.s32 s18, s2;
	[dreg:$0x19] =	wrdreg s20  }
0x15: {  	s8 =	sadd.s32 s8, s1;
	s22 =	sadd.s32 s18, s7;
	[dreg:$0x3] =	wrdreg s21  }
0x16: {  	s10 =	sor.u32 $0x100, s10;
	s24 =	sadd.s32 s7, s11;
	[dreg:$0x4] =	wrdreg s22  }
0x17: {  	s14 =	simm.s32 $0x5;
	s23 =	sadd.s32 s10, s2;
	[dreg:$0x1a] =	wrdreg s24  }
0x18: {  	s0 =	simm.s32 $0x1;
	s25 =	sadd.s32 s10, s7;
	[dreg:$0x5] =	wrdreg s23  }
0x19: {  	s5 =	simm.s32 $0x400;
	s2 =	sadd.s32 $0x1C800, s26;
	[dreg:$0x6] =	wrdreg s25  }
0x1a: {  	s12 =	simm.s32 $0x1C00;
	s7 =	smax.u32 s9, $0x1;
	[dreg:$0x1b] =	wrdreg s2  }
0x1b: {  	s13 =	simm.s32 $0x2000;
	s9 =	simm.s32 $0x580;
	[dreg:$0x1c] =	wrdreg s7  }
0x1c: {  	s6 =	simm.s32 $0x2;
	s10 =	simm.s32 $0x600;
	[dreg:$0x9] =	wrdreg s9  }
0x1d: {  	s11 =	simm.s32 $0x680;
	s18 =	simm.s32 $0x3000;
	[dreg:$0xa] =	wrdreg s10  }
0x1e: {  	s26 =	simm.s32 $0xB80;
	s23 =	sshrl.u32 s8, $0x3;
	[dreg:$0xb] =	wrdreg s11  }
0x1f: {  	s20 =	simm.s32 $0x900;
	s21 =	simm.s32 $0x980;
	s22 =	simm.s32 $0xA00  }
0x20: {  	s24 =	simm.s32 $0xA80;
	s25 =	simm.s32 $0xB00;
	[dreg:$0x14] =	wrdreg s26  }
0x21: {  	s26 =	simm.s32 $0x4000;
	s2 =	simm.s32 $0x4C00;
	[dreg:$0xf] =	wrdreg s20  }
0x22: {  	s7 =	simm.s32 $0x1000;
	s8 =	simm.s32 $0x1400;
	[dreg:$0x10] =	wrdreg s21  }
0x23: {  	s10 =	simm.s32 $0x1800;
	s9 =	simm.s32 $0x4;
	[dreg:$0x11] =	wrdreg s22  }
0x24: {  	s11 =	simm.s32 $0x3;
	s20 =	simm.s32 $0x3400;
	[dreg:$0x12] =	wrdreg s24  }
0x25: {  	s22 =	simm.s32 $0x3800;
	[dreg:$0x13] =	wrdreg s25;
	s24 =	simm.s32 $0x3C00  }
0x26: {  	s21 =	simm.s32 $0x2400;
	s25 =	simm.s32 $0x2800;
	[dreg:$0x1d] =	wrdreg s23  }
.LBB2_1:
0x27: {  	s15 =	rddreg [dreg:$0x15]  }
0x28: {  	[spmem:s23], [sflag:s19] =	dma.local [hbm:s15], $0x1880  }
0x29: {  	_ =	swait.ge [sflag:s14], $0x1880  }
0x2a: {  	[sflag:s14] =	ssyncset.done $0x0  }
0x2b: {  	[sflag:s14] =	ssyncadd.s32 $0xFFFFE780  }
0x2c: {  	[bflag:$0x0] =	sbarrier.arrive $0xFFFF  }
0x2d: {  	s19 =	rddreg [dreg:$0x17]  }
0x2e: {  	[tilespmem:s16], [sflag:$0x5] =	stream.linear.gather [hbm4b:s19+s3], $0x400, $0x38;
	[tilespmem:$0x11400] =	vst v63  }
0x2f: {  	_ =	swait.ge [sflag:s14], $0x400  }
0x30: {  	[sflag:s14] =	ssyncset.done $0x0  }
0x31: {  	s23 =	rddreg [dreg:$0x18];
	[sflag:s14] =	ssyncadd.s32 $0xFFFFFC00  }
0x32: {  	[tilespmem:s28], [sflag:$0x5] =	stream.linear.gather [hbm4b:s23+s3], $0x400, $0x38;
	[tilespmem:$0x11400] =	vst v63  }
0x33: {  	_ =	swait.ge [sflag:s14], $0x400  }
0x34: {  	[sflag:s14] =	ssyncset.done $0x0  }
0x35: {  	[sflag:s14] =	ssyncadd.s32 $0xFFFFFC00  }
0x36: {  	[spmem:s1] =	stream.indirect.scatter.add.f32 [tilespmem:s18], [sflag:$0x4], $0x8, s28, s17, $0xb8;
	[tilespmem:$0x11400] =	vst v63  }
0x37: {  	s19 =	simm.s32 $0xC80  }
0x38: {  	[spmem:s1] =	stream.indirect.scatter.add.f32 [tilespmem:s20], [sflag:$0x4], $0x8, s19, s17, $0xb8;
	[tilespmem:$0x11400] =	vst v63  }
0x39: {  	s23 =	simm.s32 $0xD00  }
0x3a: {  	[spmem:s1] =	stream.indirect.scatter.add.f32 [tilespmem:s22], [sflag:$0x4], $0x8, s23, s17, $0xb8;
	[tilespmem:$0x11400] =	vst v63  }
0x3b: {  	s19 =	simm.s32 $0xD80  }
0x3c: {  	[spmem:s1] =	stream.indirect.scatter.add.f32 [tilespmem:s24], [sflag:$0x4], $0x8, s19, s17, $0xb8;
	[tilespmem:$0x11400] =	vst v63  }
0x3d: {  	s23 =	simm.s32 $0xE00  }
0x3e: {  	[spmem:s1] =	stream.indirect.scatter.add.f32 [tilespmem:s26], [sflag:$0x4], $0x8, s23, s17, $0xb8;
	[tilespmem:$0x11400] =	vst v63  }
0x3f: {  	s19 =	simm.s32 $0xE80  }
0x40: {  	[spmem:s1] =	stream.indirect.scatter.add.f32 [tilespmem:s29], [sflag:$0x4], $0x8, s19, s17, $0xb8;
	[tilespmem:$0x11400] =	vst v63  }
0x41: {  	s23 =	simm.s32 $0xF00  }
0x42: {  	[spmem:s1] =	stream.indirect.scatter.add.f32 [tilespmem:s31], [sflag:$0x4], $0x8, s23, s17, $0xb8;
	[tilespmem:$0x11400] =	vst v63  }
0x43: {  	s19 =	simm.s32 $0xF80  }
0x44: {  	[spmem:s1] =	stream.indirect.scatter.add.f32 [tilespmem:s2], [sflag:$0x4], $0x8, s19, s17, $0xb8;
	[tilespmem:$0x11400] =	vst v63  }
0x45: {  	s23 =	rddreg [dreg:$0x19]  }
0x46: {  	[tilespmem:s3], [sflag:$0x5] =	stream.linear.gather [hbm4b:s23+s3], $0x400, $0x38;
	[tilespmem:$0x11400] =	vst v63  }
0x47: {  	_ =	swait.ge [sflag:s14], $0x400  }
0x48: {  	[sflag:s14] =	ssyncset.done $0x0  }
0x49: {  	s19 =	rddreg [dreg:$0x1a];
	[sflag:s14] =	ssyncadd.s32 $0xFFFFFC00  }
0x4a: {  	[tilespmem:s5], [sflag:$0x5] =	stream.linear.gather [hbm4b:s19+s3], $0x400, $0x38;
	[tilespmem:$0x11400] =	vst v63  }
0x4b: {  	_ =	swait.ge [sflag:s14], $0x400  }
0x4c: {  	[sflag:s14] =	ssyncset.done $0x0  }
0x4d: {  	[sflag:s14] =	ssyncadd.s32 $0xFFFFFC00  }
0x4e: {  	[tilespmem:s7], [sflag:$0x1] =	stream.indirect.gather [hbm4b:s4+s17], $0x8, s3, s17, $0xb8;
	[tilespmem:$0x11400] =	vst v63  }
0x4f: {  	_ = 	snop  }
0x50: {  	[tilespmem:s8], [sflag:$0x1] =	stream.indirect.gather [hbm4b:s4+s17], $0x8, s17, s17, $0xb8;
	[tilespmem:$0x11400] =	vst v63  }
0x51: {  	s15 =	simm.s32 $0x100  }
0x52: {  	[tilespmem:s10], [sflag:$0x1] =	stream.indirect.gather [hbm4b:s4+s17], $0x8, s15, s17, $0xb8;
	[tilespmem:$0x11400] =	vst v63  }
0x53: {  	s23 =	simm.s32 $0x180  }
0x54: {  	[tilespmem:s12], [sflag:$0x1] =	stream.indirect.gather [hbm4b:s4+s17], $0x8, s23, s17, $0xb8;
	[tilespmem:$0x11400] =	vst v63  }
0x55: {  	s23 =	simm.s32 $0x200  }
0x56: {  	[tilespmem:s13], [sflag:$0x1] =	stream.indirect.gather [hbm4b:s4+s17], $0x8, s23, s17, $0xb8;
	[tilespmem:$0x11400] =	vst v63  }
0x57: {  	s23 =	simm.s32 $0x280  }
0x58: {  	[tilespmem:s21], [sflag:$0x1] =	stream.indirect.gather [hbm4b:s4+s17], $0x8, s23, s17, $0xb8;
	[tilespmem:$0x11400] =	vst v63  }
0x59: {  	s23 =	simm.s32 $0x300  }
0x5a: {  	[tilespmem:s25], [sflag:$0x1] =	stream.indirect.gather [hbm4b:s4+s17], $0x8, s23, s17, $0xb8;
	[tilespmem:$0x11400] =	vst v63  }
0x5b: {  	s23 =	simm.s32 $0x380  }
0x5c: {  	[tilespmem:s30], [sflag:$0x1] =	stream.indirect.gather [hbm4b:s4+s17], $0x8, s23, s17, $0xb8;
	[tilespmem:$0x11400] =	vst v63  }
0x5d: {  	_ =	swait.ge [sflag:s0], $0x2000  }
0x5e: {  	[sflag:s0] =	ssyncset.done $0x0  }
0x5f: {  	[sflag:s0] =	ssyncadd.s32 $0xFFFFE000  }
0x60: {  	[spmem:s1] =	stream.indirect.scatter.add.f32 [tilespmem:s7], [sflag:$0x3], $0x8, s5, s17, $0xb8;
	[tilespmem:$0x11400] =	vst v63  }
0x61: {  	s19 =	rddreg [dreg:$0x7]  }
0x62: {  	[spmem:s1] =	stream.indirect.scatter.add.f32 [tilespmem:s8], [sflag:$0x3], $0x8, s19, s17, $0xb8;
	[tilespmem:$0x11400] =	vst v63  }
0x63: {  	s23 =	rddreg [dreg:$0x8]  }
0x64: {  	[spmem:s1] =	stream.indirect.scatter.add.f32 [tilespmem:s10], [sflag:$0x3], $0x8, s23, s17, $0xb8;
	[tilespmem:$0x11400] =	vst v63  }
0x65: {  	s19 =	rddreg [dreg:$0x9]  }
0x66: {  	[spmem:s1] =	stream.indirect.scatter.add.f32 [tilespmem:s12], [sflag:$0x3], $0x8, s19, s17, $0xb8;
	[tilespmem:$0x11400] =	vst v63  }
0x67: {  	s23 =	rddreg [dreg:$0xa]  }
0x68: {  	[spmem:s1] =	stream.indirect.scatter.add.f32 [tilespmem:s13], [sflag:$0x3], $0x8, s23, s17, $0xb8;
	[tilespmem:$0x11400] =	vst v63  }
0x69: {  	s19 =	rddreg [dreg:$0xb]  }
0x6a: {  	[spmem:s1] =	stream.indirect.scatter.add.f32 [tilespmem:s21], [sflag:$0x3], $0x8, s19, s17, $0xb8;
	[tilespmem:$0x11400] =	vst v63  }
0x6b: {  	s23 =	rddreg [dreg:$0xc]  }
0x6c: {  	[spmem:s1] =	stream.indirect.scatter.add.f32 [tilespmem:s25], [sflag:$0x3], $0x8, s23, s17, $0xb8;
	[tilespmem:$0x11400] =	vst v63  }
0x6d: {  	s19 =	rddreg [dreg:$0xd]  }
0x6e: {  	[spmem:s1] =	stream.indirect.scatter.add.f32 [tilespmem:s30], [sflag:$0x3], $0x8, s19, s17, $0xb8;
	[tilespmem:$0x11400] =	vst v63  }
0x6f: {  	_ =	swait.ge [sflag:s9], $0x2000  }
0x70: {  	s23 =	rddreg [dreg:$0x3];
	[sflag:s9] =	ssyncset.done $0x0  }
0x71: {  	[sflag:s9] =	ssyncadd.s32 $0xFFFFE000;
	s19 =	sadd.s32 $0x0, s23  }
0x72: {  	[tilespmem:s16], [sflag:$0x5] =	stream.linear.gather [hbm4b:s19+s3], $0x400, $0x38;
	[tilespmem:$0x11400] =	vst v63  }
0x73: {  	_ =	swait.ge [sflag:s14], $0x400  }
0x74: {  	s23 =	rddreg [dreg:$0x4];
	[sflag:s14] =	ssyncset.done $0x0  }
0x75: {  	[sflag:s14] =	ssyncadd.s32 $0xFFFFFC00;
	s19 =	sadd.s32 $0x0, s23  }
0x76: {  	[tilespmem:s28], [sflag:$0x5] =	stream.linear.gather [hbm4b:s19+s3], $0x400, $0x38;
	[tilespmem:$0x11400] =	vst v63  }
0x77: {  	_ =	swait.ge [sflag:s14], $0x400  }
0x78: {  	[sflag:s14] =	ssyncset.done $0x0  }
0x79: {  	[sflag:s14] =	ssyncadd.s32 $0xFFFFFC00  }
0x7a: {  	[tilespmem:s18], [sflag:$0x2] =	stream.indirect.gather [hbm4b:s4+s17], $0x8, s16, s17, $0xb8;
	[tilespmem:$0x11400] =	vst v63  }
0x7b: {  	s19 =	rddreg [dreg:$0xe]  }
0x7c: {  	[tilespmem:s20], [sflag:$0x2] =	stream.indirect.gather [hbm4b:s4+s17], $0x8, s19, s17, $0xb8;
	[tilespmem:$0x11400] =	vst v63  }
0x7d: {  	s23 =	rddreg [dreg:$0xf]  }
0x7e: {  	[tilespmem:s22], [sflag:$0x2] =	stream.indirect.gather [hbm4b:s4+s17], $0x8, s23, s17, $0xb8;
	[tilespmem:$0x11400] =	vst v63  }
0x7f: {  	s16 =	rddreg [dreg:$0x10]  }
0x80: {  	[tilespmem:s24], [sflag:$0x2] =	stream.indirect.gather [hbm4b:s4+s17], $0x8, s16, s17, $0xb8;
	[tilespmem:$0x11400] =	vst v63  }
0x81: {  	s23 =	rddreg [dreg:$0x11]  }
0x82: {  	[tilespmem:s26], [sflag:$0x2] =	stream.indirect.gather [hbm4b:s4+s17], $0x8, s23, s17, $0xb8;
	[tilespmem:$0x11400] =	vst v63  }
0x83: {  	s16 =	rddreg [dreg:$0x12]  }
0x84: {  	[tilespmem:s29], [sflag:$0x2] =	stream.indirect.gather [hbm4b:s4+s17], $0x8, s16, s17, $0xb8;
	[tilespmem:$0x11400] =	vst v63  }
0x85: {  	s23 =	rddreg [dreg:$0x13]  }
0x86: {  	[tilespmem:s31], [sflag:$0x2] =	stream.indirect.gather [hbm4b:s4+s17], $0x8, s23, s17, $0xb8;
	[tilespmem:$0x11400] =	vst v63  }
0x87: {  	s16 =	rddreg [dreg:$0x14]  }
0x88: {  	[tilespmem:s2], [sflag:$0x2] =	stream.indirect.gather [hbm4b:s4+s17], $0x8, s16, s17, $0xb8;
	[tilespmem:$0x11400] =	vst v63  }
0x89: {  	_ =	swait.ge [sflag:s11], $0x400  }
0x8a: {  	[sflag:s11] =	ssyncset.done $0x0  }
0x8b: {  	[sflag:s11] =	ssyncadd.s32 $0xFFFFFC00  }
0x8c: {  	_ =	swait.ge [sflag:s11], $0x400  }
0x8d: {  	[sflag:s11] =	ssyncset.done $0x0  }
0x8e: {  	[sflag:s11] =	ssyncadd.s32 $0xFFFFFC00  }
0x8f: {  	_ =	swait.ge [sflag:s11], $0x400  }
0x90: {  	[sflag:s11] =	ssyncset.done $0x0  }
0x91: {  	[sflag:s11] =	ssyncadd.s32 $0xFFFFFC00  }
0x92: {  	_ =	swait.ge [sflag:s11], $0x400  }
0x93: {  	[sflag:s11] =	ssyncset.done $0x0  }
0x94: {  	[sflag:s11] =	ssyncadd.s32 $0xFFFFFC00  }
0x95: {  	_ =	swait.ge [sflag:s11], $0x400  }
0x96: {  	[sflag:s11] =	ssyncset.done $0x0  }
0x97: {  	[sflag:s11] =	ssyncadd.s32 $0xFFFFFC00  }
0x98: {  	_ =	swait.ge [sflag:s11], $0x400  }
0x99: {  	[sflag:s11] =	ssyncset.done $0x0  }
0x9a: {  	[sflag:s11] =	ssyncadd.s32 $0xFFFFFC00  }
0x9b: {  	_ =	swait.ge [sflag:s11], $0x400  }
0x9c: {  	[sflag:s11] =	ssyncset.done $0x0  }
0x9d: {  	[sflag:s11] =	ssyncadd.s32 $0xFFFFFC00  }
0x9e: {  	_ =	swait.ge [sflag:s11], $0x400  }
0x9f: {  	s23 =	rddreg [dreg:$0x5];
	[sflag:s11] =	ssyncset.done $0x0  }
0xa0: {  	[sflag:s11] =	ssyncadd.s32 $0xFFFFFC00;
	s19 =	sadd.s32 $0x0, s23  }
0xa1: {  	[tilespmem:s3], [sflag:$0x5] =	stream.linear.gather [hbm4b:s19+s3], $0x400, $0x38;
	[tilespmem:$0x11400] =	vst v63  }
0xa2: {  	_ =	swait.ge [sflag:s14], $0x400  }
0xa3: {  	s16 =	rddreg [dreg:$0x6];
	[sflag:s14] =	ssyncset.done $0x0  }
0xa4: {  	[sflag:s14] =	ssyncadd.s32 $0xFFFFFC00;
	s19 =	sadd.s32 $0x0, s16  }
0xa5: {  	[tilespmem:s5], [sflag:$0x5] =	stream.linear.gather [hbm4b:s19+s3], $0x400, $0x38;
	[tilespmem:$0x11400] =	vst v63  }
0xa6: {  	_ =	swait.ge [sflag:s14], $0x400  }
0xa7: {  	[sflag:s14] =	ssyncset.done $0x0  }
0xa8: {  	[sflag:s14] =	ssyncadd.s32 $0xFFFFFC00  }
0xa9: {  	[tilespmem:s7], [sflag:$0x1] =	stream.indirect.gather [hbm4b:s4+s17], $0x8, s3, s17, $0xb8;
	[tilespmem:$0x11400] =	vst v63  }
0xaa: {  	_ = 	snop  }
0xab: {  	[tilespmem:s8], [sflag:$0x1] =	stream.indirect.gather [hbm4b:s4+s17], $0x8, s17, s17, $0xb8;
	[tilespmem:$0x11400] =	vst v63  }
0xac: {  	_ = 	snop  }
0xad: {  	[tilespmem:s10], [sflag:$0x1] =	stream.indirect.gather [hbm4b:s4+s17], $0x8, s15, s17, $0xb8;
	[tilespmem:$0x11400] =	vst v63  }
0xae: {  	s19 =	simm.s32 $0x180  }
0xaf: {  	[tilespmem:s12], [sflag:$0x1] =	stream.indirect.gather [hbm4b:s4+s17], $0x8, s19, s17, $0xb8;
	[tilespmem:$0x11400] =	vst v63  }
0xb0: {  	s23 =	simm.s32 $0x200  }
0xb1: {  	[tilespmem:s13], [sflag:$0x1] =	stream.indirect.gather [hbm4b:s4+s17], $0x8, s23, s17, $0xb8;
	[tilespmem:$0x11400] =	vst v63  }
0xb2: {  	s16 =	simm.s32 $0x280  }
0xb3: {  	[tilespmem:s21], [sflag:$0x1] =	stream.indirect.gather [hbm4b:s4+s17], $0x8, s16, s17, $0xb8;
	[tilespmem:$0x11400] =	vst v63  }
0xb4: {  	s19 =	simm.s32 $0x300  }
0xb5: {  	[tilespmem:s25], [sflag:$0x1] =	stream.indirect.gather [hbm4b:s4+s17], $0x8, s19, s17, $0xb8;
	[tilespmem:$0x11400] =	vst v63  }
0xb6: {  	s23 =	simm.s32 $0x380  }
0xb7: {  	[tilespmem:s30], [sflag:$0x1] =	stream.indirect.gather [hbm4b:s4+s17], $0x8, s23, s17, $0xb8;
	[tilespmem:$0x11400] =	vst v63  }
0xb8: {  	_ =	swait.ge [sflag:s6], $0x2000  }
0xb9: {  	[sflag:s6] =	ssyncset.done $0x0  }
0xba: {  	[sflag:s6] =	ssyncadd.s32 $0xFFFFE000  }
0xbb: {  	[spmem:s1] =	stream.indirect.scatter.add.f32 [tilespmem:s18], [sflag:$0x4], $0x8, s28, s17, $0xb8;
	[tilespmem:$0x11400] =	vst v63  }
0xbc: {  	s28 =	simm.s32 $0xC80  }
0xbd: {  	[spmem:s1] =	stream.indirect.scatter.add.f32 [tilespmem:s20], [sflag:$0x4], $0x8, s28, s17, $0xb8;
	[tilespmem:$0x11400] =	vst v63  }
0xbe: {  	s16 =	simm.s32 $0xD00  }
0xbf: {  	[spmem:s1] =	stream.indirect.scatter.add.f32 [tilespmem:s22], [sflag:$0x4], $0x8, s16, s17, $0xb8;
	[tilespmem:$0x11400] =	vst v63  }
0xc0: {  	s18 =	simm.s32 $0xD80  }
0xc1: {  	[spmem:s1] =	stream.indirect.scatter.add.f32 [tilespmem:s24], [sflag:$0x4], $0x8, s18, s17, $0xb8;
	[tilespmem:$0x11400] =	vst v63  }
0xc2: {  	s19 =	simm.s32 $0xE00  }
0xc3: {  	[spmem:s1] =	stream.indirect.scatter.add.f32 [tilespmem:s26], [sflag:$0x4], $0x8, s19, s17, $0xb8;
	[tilespmem:$0x11400] =	vst v63  }
0xc4: {  	s23 =	simm.s32 $0xE80  }
0xc5: {  	[spmem:s1] =	stream.indirect.scatter.add.f32 [tilespmem:s29], [sflag:$0x4], $0x8, s23, s17, $0xb8;
	[tilespmem:$0x11400] =	vst v63  }
0xc6: {  	s28 =	simm.s32 $0xF00;
	s16 =	simm.s32 $0x800;
	s19 =	simm.s32 $0x100  }
0xc7: {  	[spmem:s1] =	stream.indirect.scatter.add.f32 [tilespmem:s31], [sflag:$0x4], $0x8, s28, s17, $0xb8;
	[tilespmem:$0x11400] =	vst v63  }
.LBB2_2:
0xc8: {  	s15 =	simm.s32 $0xF80  }
0xc9: {  	[spmem:s1] =	stream.indirect.scatter.add.f32 [tilespmem:s2], [sflag:$0x4], $0x8, s15, s17, $0xb8;
	[tilespmem:$0x11400] =	vst v63  }
0xca: {  	_ =	swait.ge [sflag:s0], $0x2000  }
0xcb: {  	[sflag:s0] =	ssyncset.done $0x0  }
0xcc: {  	[sflag:s0] =	ssyncadd.s32 $0xFFFFE000  }
0xcd: {  	[spmem:s1] =	stream.indirect.scatter.add.f32 [tilespmem:s7], [sflag:$0x3], $0x8, s5, s17, $0xb8;
	[tilespmem:$0x11400] =	vst v63  }
0xce: {  	s28 =	rddreg [dreg:$0x7]  }
0xcf: {  	[spmem:s1] =	stream.indirect.scatter.add.f32 [tilespmem:s8], [sflag:$0x3], $0x8, s28, s17, $0xb8;
	[tilespmem:$0x11400] =	vst v63  }
0xd0: {  	s15 =	rddreg [dreg:$0x8]  }
0xd1: {  	[spmem:s1] =	stream.indirect.scatter.add.f32 [tilespmem:s10], [sflag:$0x3], $0x8, s15, s17, $0xb8;
	[tilespmem:$0x11400] =	vst v63  }
0xd2: {  	s28 =	rddreg [dreg:$0x9]  }
0xd3: {  	[spmem:s1] =	stream.indirect.scatter.add.f32 [tilespmem:s12], [sflag:$0x3], $0x8, s28, s17, $0xb8;
	[tilespmem:$0x11400] =	vst v63  }
0xd4: {  	s15 =	rddreg [dreg:$0xa]  }
0xd5: {  	[spmem:s1] =	stream.indirect.scatter.add.f32 [tilespmem:s13], [sflag:$0x3], $0x8, s15, s17, $0xb8;
	[tilespmem:$0x11400] =	vst v63  }
0xd6: {  	s28 =	rddreg [dreg:$0xb]  }
0xd7: {  	[spmem:s1] =	stream.indirect.scatter.add.f32 [tilespmem:s21], [sflag:$0x3], $0x8, s28, s17, $0xb8;
	[tilespmem:$0x11400] =	vst v63  }
0xd8: {  	s15 =	rddreg [dreg:$0xc]  }
0xd9: {  	[spmem:s1] =	stream.indirect.scatter.add.f32 [tilespmem:s25], [sflag:$0x3], $0x8, s15, s17, $0xb8;
	[tilespmem:$0x11400] =	vst v63  }
0xda: {  	s28 =	rddreg [dreg:$0xd]  }
0xdb: {  	[spmem:s1] =	stream.indirect.scatter.add.f32 [tilespmem:s30], [sflag:$0x3], $0x8, s28, s17, $0xb8;
	[tilespmem:$0x11400] =	vst v63  }
0xdc: {  	_ =	swait.ge [sflag:s9], $0x2000  }
0xdd: {  	s23 =	smov.u32 s19;
	s15 =	rddreg [dreg:$0x3];
	[sflag:s9] =	ssyncset.done $0x0  }
0xde: {  	[sflag:s9] =	ssyncadd.s32 $0xFFFFE000;
	s15 =	sadd.s32 s23, s15  }
0xdf: {  	[tilespmem:s16], [sflag:$0x5] =	stream.linear.gather [hbm4b:s15+s3], $0x400, $0x38;
	[tilespmem:$0x11400] =	vst v63  }
0xe0: {  	_ =	swait.ge [sflag:s14], $0x400  }
0xe1: {  	s15 =	rddreg [dreg:$0x4];
	[sflag:s14] =	ssyncset.done $0x0  }
0xe2: {  	s18 =	simm.s32 $0xC00;
	[sflag:s14] =	ssyncadd.s32 $0xFFFFFC00;
	s15 =	sadd.s32 s23, s15  }
0xe3: {  	[tilespmem:s18], [sflag:$0x5] =	stream.linear.gather [hbm4b:s15+s3], $0x400, $0x38;
	[tilespmem:$0x11400] =	vst v63  }
0xe4: {  	_ =	swait.ge [sflag:s14], $0x400  }
0xe5: {  	[sflag:s14] =	ssyncset.done $0x0  }
0xe6: {  	s18 =	simm.s32 $0x3000;
	[sflag:s14] =	ssyncadd.s32 $0xFFFFFC00  }
0xe7: {  	[tilespmem:s18], [sflag:$0x2] =	stream.indirect.gather [hbm4b:s4+s17], $0x8, s16, s17, $0xb8;
	[tilespmem:$0x11400] =	vst v63  }
0xe8: {  	s15 =	rddreg [dreg:$0xe]  }
0xe9: {  	[tilespmem:s20], [sflag:$0x2] =	stream.indirect.gather [hbm4b:s4+s17], $0x8, s15, s17, $0xb8;
	[tilespmem:$0x11400] =	vst v63  }
0xea: {  	s28 =	rddreg [dreg:$0xf]  }
0xeb: {  	[tilespmem:s22], [sflag:$0x2] =	stream.indirect.gather [hbm4b:s4+s17], $0x8, s28, s17, $0xb8;
	[tilespmem:$0x11400] =	vst v63  }
0xec: {  	s15 =	rddreg [dreg:$0x10]  }
0xed: {  	[tilespmem:s24], [sflag:$0x2] =	stream.indirect.gather [hbm4b:s4+s17], $0x8, s15, s17, $0xb8;
	[tilespmem:$0x11400] =	vst v63  }
0xee: {  	s28 =	rddreg [dreg:$0x11]  }
0xef: {  	[tilespmem:s26], [sflag:$0x2] =	stream.indirect.gather [hbm4b:s4+s17], $0x8, s28, s17, $0xb8;
	[tilespmem:$0x11400] =	vst v63  }
0xf0: {  	s15 =	rddreg [dreg:$0x12]  }
0xf1: {  	[tilespmem:s29], [sflag:$0x2] =	stream.indirect.gather [hbm4b:s4+s17], $0x8, s15, s17, $0xb8;
	[tilespmem:$0x11400] =	vst v63  }
0xf2: {  	s28 =	rddreg [dreg:$0x13]  }
0xf3: {  	[tilespmem:s31], [sflag:$0x2] =	stream.indirect.gather [hbm4b:s4+s17], $0x8, s28, s17, $0xb8;
	[tilespmem:$0x11400] =	vst v63  }
0xf4: {  	s15 =	rddreg [dreg:$0x14]  }
0xf5: {  	[tilespmem:s2], [sflag:$0x2] =	stream.indirect.gather [hbm4b:s4+s17], $0x8, s15, s17, $0xb8;
	[tilespmem:$0x11400] =	vst v63  }
0xf6: {  	_ =	swait.ge [sflag:s11], $0x400  }
0xf7: {  	[sflag:s11] =	ssyncset.done $0x0  }
0xf8: {  	[sflag:s11] =	ssyncadd.s32 $0xFFFFFC00  }
0xf9: {  	_ =	swait.ge [sflag:s11], $0x400  }
0xfa: {  	[sflag:s11] =	ssyncset.done $0x0  }
0xfb: {  	[sflag:s11] =	ssyncadd.s32 $0xFFFFFC00  }
0xfc: {  	_ =	swait.ge [sflag:s11], $0x400  }
0xfd: {  	[sflag:s11] =	ssyncset.done $0x0  }
0xfe: {  	[sflag:s11] =	ssyncadd.s32 $0xFFFFFC00  }
0xff: {  	_ =	swait.ge [sflag:s11], $0x400  }
0x100: {  	[sflag:s11] =	ssyncset.done $0x0  }
0x101: {  	[sflag:s11] =	ssyncadd.s32 $0xFFFFFC00  }
0x102: {  	_ =	swait.ge [sflag:s11], $0x400  }
0x103: {  	[sflag:s11] =	ssyncset.done $0x0  }
0x104: {  	[sflag:s11] =	ssyncadd.s32 $0xFFFFFC00  }
0x105: {  	_ =	swait.ge [sflag:s11], $0x400  }
0x106: {  	[sflag:s11] =	ssyncset.done $0x0  }
0x107: {  	[sflag:s11] =	ssyncadd.s32 $0xFFFFFC00  }
0x108: {  	_ =	swait.ge [sflag:s11], $0x400  }
0x109: {  	[sflag:s11] =	ssyncset.done $0x0  }
0x10a: {  	[sflag:s11] =	ssyncadd.s32 $0xFFFFFC00  }
0x10b: {  	_ =	swait.ge [sflag:s11], $0x400  }
0x10c: {  	s15 =	rddreg [dreg:$0x5];
	[sflag:s11] =	ssyncset.done $0x0  }
0x10d: {  	[sflag:s11] =	ssyncadd.s32 $0xFFFFFC00;
	s15 =	sadd.s32 s23, s15  }
0x10e: {  	[tilespmem:s3], [sflag:$0x5] =	stream.linear.gather [hbm4b:s15+s3], $0x400, $0x38;
	[tilespmem:$0x11400] =	vst v63  }
0x10f: {  	_ =	swait.ge [sflag:s14], $0x400  }
0x110: {  	s15 =	rddreg [dreg:$0x6];
	[sflag:s14] =	ssyncset.done $0x0  }
0x111: {  	[sflag:s14] =	ssyncadd.s32 $0xFFFFFC00;
	s15 =	sadd.s32 s23, s15  }
0x112: {  	[tilespmem:s5], [sflag:$0x5] =	stream.linear.gather [hbm4b:s15+s3], $0x400, $0x38;
	[tilespmem:$0x11400] =	vst v63  }
0x113: {  	_ =	swait.ge [sflag:s14], $0x400  }
0x114: {  	[sflag:s14] =	ssyncset.done $0x0  }
0x115: {  	[sflag:s14] =	ssyncadd.s32 $0xFFFFFC00  }
0x116: {  	[tilespmem:s7], [sflag:$0x1] =	stream.indirect.gather [hbm4b:s4+s17], $0x8, s3, s17, $0xb8;
	[tilespmem:$0x11400] =	vst v63  }
0x117: {  	_ = 	snop  }
0x118: {  	[tilespmem:s8], [sflag:$0x1] =	stream.indirect.gather [hbm4b:s4+s17], $0x8, s17, s17, $0xb8;
	[tilespmem:$0x11400] =	vst v63  }
0x119: {  	s23 =	simm.s32 $0x100  }
0x11a: {  	[tilespmem:s10], [sflag:$0x1] =	stream.indirect.gather [hbm4b:s4+s17], $0x8, s23, s17, $0xb8;
	[tilespmem:$0x11400] =	vst v63  }
0x11b: {  	s23 =	simm.s32 $0x180  }
0x11c: {  	[tilespmem:s12], [sflag:$0x1] =	stream.indirect.gather [hbm4b:s4+s17], $0x8, s23, s17, $0xb8;
	[tilespmem:$0x11400] =	vst v63  }
0x11d: {  	s23 =	simm.s32 $0x200  }
0x11e: {  	[tilespmem:s13], [sflag:$0x1] =	stream.indirect.gather [hbm4b:s4+s17], $0x8, s23, s17, $0xb8;
	[tilespmem:$0x11400] =	vst v63  }
0x11f: {  	s23 =	simm.s32 $0x280  }
0x120: {  	[tilespmem:s21], [sflag:$0x1] =	stream.indirect.gather [hbm4b:s4+s17], $0x8, s23, s17, $0xb8;
	[tilespmem:$0x11400] =	vst v63  }
0x121: {  	s23 =	simm.s32 $0x300  }
0x122: {  	[tilespmem:s25], [sflag:$0x1] =	stream.indirect.gather [hbm4b:s4+s17], $0x8, s23, s17, $0xb8;
	[tilespmem:$0x11400] =	vst v63  }
0x123: {  	s23 =	simm.s32 $0x380  }
0x124: {  	[tilespmem:s30], [sflag:$0x1] =	stream.indirect.gather [hbm4b:s4+s17], $0x8, s23, s17, $0xb8;
	[tilespmem:$0x11400] =	vst v63  }
0x125: {  	_ =	swait.ge [sflag:s6], $0x2000  }
0x126: {  	[sflag:s6] =	ssyncset.done $0x0  }
0x127: {  	s28 =	simm.s32 $0xC00;
	[sflag:s6] =	ssyncadd.s32 $0xFFFFE000  }
0x128: {  	[spmem:s1] =	stream.indirect.scatter.add.f32 [tilespmem:s18], [sflag:$0x4], $0x8, s28, s17, $0xb8;
	[tilespmem:$0x11400] =	vst v63  }
0x129: {  	s23 =	simm.s32 $0xC80  }
0x12a: {  	[spmem:s1] =	stream.indirect.scatter.add.f32 [tilespmem:s20], [sflag:$0x4], $0x8, s23, s17, $0xb8;
	[tilespmem:$0x11400] =	vst v63  }
0x12b: {  	s23 =	simm.s32 $0xD00  }
0x12c: {  	[spmem:s1] =	stream.indirect.scatter.add.f32 [tilespmem:s22], [sflag:$0x4], $0x8, s23, s17, $0xb8;
	[tilespmem:$0x11400] =	vst v63  }
0x12d: {  	s23 =	simm.s32 $0xD80  }
0x12e: {  	[spmem:s1] =	stream.indirect.scatter.add.f32 [tilespmem:s24], [sflag:$0x4], $0x8, s23, s17, $0xb8;
	[tilespmem:$0x11400] =	vst v63  }
0x12f: {  	p0 =	sne.s32 s19, $0x6100;
	s23 =	simm.s32 $0xE00  }
0x130: {  	[spmem:s1] =	stream.indirect.scatter.add.f32 [tilespmem:s26], [sflag:$0x4], $0x8, s23, s17, $0xb8;
	[tilespmem:$0x11400] =	vst v63  }
.Ltmp0:
0x131: {  	_ = 	snop;
	(pc) =	sbr.rel @p0 .LBB2_2-.Ltmp0, $4  }
0x132: {  	s23 =	simm.s32 $0xE80  }
0x133: {  	[spmem:s1] =	stream.indirect.scatter.add.f32 [tilespmem:s29], [sflag:$0x4], $0x8, s23, s17, $0xb8;
	[tilespmem:$0x11400] =	vst v63  }
0x134: {  	s19 =	sadd.s32 $0x100, s19;
	s23 =	simm.s32 $0xF00  }
0x135: {  	[spmem:s1] =	stream.indirect.scatter.add.f32 [tilespmem:s31], [sflag:$0x4], $0x8, s23, s17, $0xb8;
	[tilespmem:$0x11400] =	vst v63  }
0x136: {  	s15 =	simm.s32 $0xF80  }
0x137: {  	[spmem:s1] =	stream.indirect.scatter.add.f32 [tilespmem:s2], [sflag:$0x4], $0x8, s15, s17, $0xb8;
	[tilespmem:$0x11400] =	vst v63  }
0x138: {  	_ =	swait.ge [sflag:s0], $0x2000  }
0x139: {  	[sflag:s0] =	ssyncset.done $0x0  }
0x13a: {  	[sflag:s0] =	ssyncadd.s32 $0xFFFFE000  }
0x13b: {  	_ =	swait.ge [sflag:s9], $0x2000  }
0x13c: {  	[sflag:s9] =	ssyncset.done $0x0  }
0x13d: {  	[sflag:s9] =	ssyncadd.s32 $0xFFFFE000  }
0x13e: {  	[bflag:$0x0] =	sbarrier.arrive $0xFFFF  }
0x13f: {  	s19 =	rddreg [dreg:$0x16]  }
0x140: {  	s16 =	rddreg [dreg:$0x1b]  }
0x141: {  	s23 =	rddreg [dreg:$0x1d]  }
0x142: {  	[hbm:s16], [sflag:s19] =	dma.local [spmem:s23], $0x1880  }
0x143: {  	_ =	swait.ge [sflag:s14], $0x1880  }
0x144: {  	s16 =	rddreg [dreg:$0x1e]  }
0x145: {  	s15 =	rddreg [dreg:$0x1c];
	s16 =	sadd.s32 $0x1, s16  }
0x146: {  	p0 =	sne.s32 s16, s15  }
.Ltmp1:
0x147: {  	_ = 	snop;
	(pc) =	sbr.rel @p0 .LBB2_1-.Ltmp1, $3  }
0x148: {  	_ =	sdelay $0x1  }
0x149: {  	[sflag:s14] =	ssyncset.done $0x0  }
0x14a: {  	[sflag:s14] =	ssyncadd.s32 $0xFFFFE780;
	[dreg:$0x1e] =	wrdreg s16;
	s16 =	simm.s32 $0x800  }
0x14b: {  	_ =	sfence.sel $0x180000  }
0x14c: {  	[bflag:$0x0] =	sbarrier.arrive $0xFFFF  }
0x14d: {  	_ =	strace $0x9000004A  }
0x14e: {  	s0 =	stileid.u32;
	[bflag:$0x2] =	sbarrier.arrive $0xFFFF  }
0x14f: {  	p0 =	sne.s32 s0, $0x0;
	s0 =	rddreg [dreg:$0x2]  }
0x150: {  	s0 =	sadd.s32 @!p0 $0x100000, s0  }
0x151: {  	[sflag:s0] =	ssyncadd.tile.s32 @!p0 $0x1;
	_ =	shalt  }
.Lfunc_end2:
_tile_overlayer_lowered:
.L_overlay_start_2:
0x152: {  	(tag) =	ssettag $0x2  }
0x153: {  	s0 =	rddreg [dreg:$0x0];
	s2 =	stileid.u32  }
0x154: {  	s1 =	rddreg [dreg:$0x1];
	p0 =	sne.s32 s2, $0x0  }
0x155: {  	s3 =	rddreg [dreg:$0x2];
	[bflag:$0x3] =	sbarrier.arrive $0xFFFF;
	s2 =	simm.s32 @!p0 $0x1C05  }
0x156: {  	[timem:s3], [sflag:s2] =	dma.local @!p0 [hbm:s0], s1  }
0x157: {  	s0 =	simm.s32 @!p0 $0x5  }
0x158: {  	_ =	swait.ge @!p0 [sflag:s0], s1  }
0x159: {  	s1 =	ssub.s32 @!p0 $0x0, s1;
	[sflag:s0] =	ssyncset.done @!p0 $0x0  }
0x15a: {  	[sflag:s0] =	ssyncadd.s32 @!p0 s1  }
0x15b: {  	[bflag:$0x3] =	sbarrier.arrive $0xFFFF  }
0x15c: {  	_ =	shalt  }

// kernel: kernel.16.cloned.1.call-start
scs
__scs_entry_jumppad:
0x0: {  	(pc) =	sbr.rel $0x88, $3  }
0x1: {  	(tag) =	ssettag $0x0;
	lr =	simm.s32 $0x1  }
0x2: {  	[smem:$0x3F99] =	sst lr;
	_ =	strace $0xD0000000  }
0x3: {  	_ = 	snop  }
0x4: {  	_ = 	snop  }
0x5: {  	_ = 	snop  }
0x6: {  	_ = 	snop  }
0x7: {  	_ = 	snop  }
__scs_overlays_trampoline_lowered:
0x8: {  	[smem:$0x3FA8] =	sst s0  }
0x9: {  	[smem:$0x3FA9] =	sst s1  }
0xa: {  	[smem:$0x3FAA] =	sst s2  }
0xb: {  	[smem:$0x3FAB] =	sst s3  }
0xc: {  	[smem:$0x3FAC] =	sst s4  }
0xd: {  	[smem:$0x3FAD] =	sst s5  }
0xe: {  	[smem:$0x3FAE] =	sst s6  }
0xf: {  	[smem:$0x3FAF] =	sst s7  }
0x10: {  	[smem:$0x3FB0] =	sst s8  }
0x11: {  	[smem:$0x3FB1] =	sst s9;
	s0 =	simm.s32 @!p0 $0x0  }
0x12: {  	s1 =	sld [smem:$0x3F97];
	s0 =	simm.s32 @p0 $0x1  }
0x13: {  	[smem:$0x3FB2] =	sst s0;
	s0 =	simm.s32 @!p1 $0x0  }
0x14: {  	s2 =	sld [smem:$0x3F96];
	s0 =	simm.s32 @p1 $0x1  }
0x15: {  	[smem:$0x3FB3] =	sst s0;
	s0 =	simm.s32 @!p2 $0x0  }
0x16: {  	s3 =	sld [smem:$0x3FDB];
	s0 =	simm.s32 @p2 $0x1  }
0x17: {  	s4 =	simm.s32 $0x1BF5;
	[smem:$0x3FB5] =	sst s0  }
0x18: {  	s0 =	sld [smem:$0x3F98];
	_ =	swait.ge [sflag:s4], $0x0  }
0x19: {  	s7 =	sld [smem:$0x3F99]  }
0x1a: {  	s8 =	sadd.s32 $0xFFFFE003, lr  }
0x1b: {  	s9 =	sadd.s32 $0xFFFFFEF7, lr;
	s5 =	simm.s32 $0xFFFFFFFF;
	p2 =	slt.u32 s8, $0xFFFFF086  }
0x1c: {  	p1 =	slt.u32 s9, $0xF7A;
	s5 =	simm.s32 @!p2 $0x0  }
0x1d: {  	s5 =	simm.s32 @p1 $0x1;
	p0 =	seq.s32 s7, s2  }
0x1e: {  	s7 =	smul.u32 @!p0 $0xF7A, s2;
	p2 =	seq.s32 @!p0 s5, $0x0  }
0x1f: {  	s9 =	smul.u32 $0xF7A, s1;
	s8 =	simm.s32 @!p0 $0x1BF5;
	p2 =	por !p2, p0  }
0x20: {  	[sflag:s8] =	ssyncset.s32 @!p0 $0xFFFFF086;
	s6 =	sadd.s32 @!p0 s3, s7;
	s7 =	simm.s32 @!p0 $0x108  }
0x21: {  	s3 =	sadd.s32 s3, s9;
	s6 =	sadd.s32 @!p0 $0x88, s6;
	s7 =	simm.s32 @p2 $0x1082  }
0x22: {  	[simem:s7], [sflag:s8] =	dma.local @!p0 [hbm:s6], $0xF7A  }
0x23: {  	s9 =	sor.u32 $0xD0000000, s2;
	s6 =	simm.s32 $0x108;
	_ =	swait.ge @!p0 [sflag:s8], $0x0  }
0x24: {  	s3 =	sadd.s32 $0x88, s3;
	s6 =	simm.s32 @!p1 $0x1082;
	[sflag:s4] =	ssyncset.s32 $0xFFFFF086  }
0x25: {  	[simem:s6], [sflag:s4] =	dma.local [hbm:s3], $0xF7A  }
0x26: {  	[smem:$0x3F99] =	sst s1;
	(tag) =	ssettag s2;
	_ =	strace s9  }
0x27: {  	s1 =	sld [smem:$0x3FA9]  }
0x28: {  	s2 =	sld [smem:$0x3FAA]  }
0x29: {  	s4 =	sld [smem:$0x3FAC]  }
0x2a: {  	p0 =	seq.s32 s5, $0x0;
	s5 =	sld [smem:$0x3FAD]  }
0x2b: {  	s6 =	sld [smem:$0x3FAE]  }
0x2c: {  	s7 =	sld [smem:$0x3FAF]  }
0x2d: {  	s3 =	simm.s32 $0x108;
	s8 =	sld [smem:$0x3FB0]  }
0x2e: {  	s3 =	simm.s32 @!p0 $0x1082;
	s9 =	sld [smem:$0x3FB1]  }
0x2f: {  	lr =	sadd.s32 s0, s3;
	s0 =	sld [smem:$0x3FA8]  }
0x30: {  	s3 =	sld [smem:$0x3FAB]  }
0x31: {  	[smem:$0x3FB4] =	sst s10  }
0x32: {  	s10 =	sld [smem:$0x3FB2];
	_ =	sdelay $0x3  }
0x33: {  	p0 =	seq.s32 s10, $0x1;
	s10 =	sld [smem:$0x3FB4];
	_ =	sdelay $0x3  }
0x34: {  	[smem:$0x3FB4] =	sst s10  }
0x35: {  	s10 =	sld [smem:$0x3FB3];
	_ =	sdelay $0x3  }
0x36: {  	p1 =	seq.s32 s10, $0x1;
	s10 =	sld [smem:$0x3FB4];
	_ =	sdelay $0x3  }
0x37: {  	[smem:$0x3FB4] =	sst s10  }
0x38: {  	s10 =	sld [smem:$0x3FB5]  }
0x39: {  	_ = 	snop;
	(pc) =	sbr.ind lr, $3  }
0x3a: {  	_ = 	snop  }
0x3b: {  	_ = 	snop  }
0x3c: {  	p2 =	seq.s32 s10, $0x1;
	s10 =	sld [smem:$0x3FB4]  }
0x3d: {  	_ =	shalt  }
0x3e: {  	_ =	shalt  }
0x3f: {  	_ =	shalt  }
0x40: {  	_ =	shalt  }
0x41: {  	_ =	shalt  }
0x42: {  	_ =	shalt  }
0x43: {  	_ =	shalt  }
0x44: {  	_ =	shalt  }
0x45: {  	_ =	shalt  }
0x46: {  	_ =	shalt  }
0x47: {  	_ =	shalt  }
0x48: {  	_ =	shalt  }
0x49: {  	_ =	shalt  }
0x4a: {  	_ =	shalt  }
0x4b: {  	_ =	shalt  }
0x4c: {  	_ =	shalt  }
0x4d: {  	_ =	shalt  }
0x4e: {  	_ =	shalt  }
0x4f: {  	_ =	shalt  }
0x50: {  	_ =	shalt  }
0x51: {  	_ =	shalt  }
0x52: {  	_ =	shalt  }
0x53: {  	_ =	shalt  }
0x54: {  	_ =	shalt  }
0x55: {  	_ =	shalt  }
0x56: {  	_ =	shalt  }
0x57: {  	_ =	shalt  }
0x58: {  	_ =	shalt  }
0x59: {  	_ =	shalt  }
0x5a: {  	_ =	shalt  }
0x5b: {  	_ =	shalt  }
0x5c: {  	_ =	shalt  }
0x5d: {  	_ =	shalt  }
0x5e: {  	_ =	shalt  }
0x5f: {  	_ =	shalt  }
0x60: {  	_ =	shalt  }
0x61: {  	_ =	shalt  }
0x62: {  	_ =	shalt  }
0x63: {  	_ =	shalt  }
0x64: {  	_ =	shalt  }
0x65: {  	_ =	shalt  }
0x66: {  	_ =	shalt  }
0x67: {  	_ =	shalt  }
0x68: {  	_ =	shalt  }
0x69: {  	_ =	shalt  }
0x6a: {  	_ =	shalt  }
0x6b: {  	_ =	shalt  }
0x6c: {  	_ =	shalt  }
0x6d: {  	_ =	shalt  }
0x6e: {  	_ =	shalt  }
0x6f: {  	_ =	shalt  }
0x70: {  	_ =	shalt  }
0x71: {  	_ =	shalt  }
0x72: {  	_ =	shalt  }
0x73: {  	_ =	shalt  }
0x74: {  	_ =	shalt  }
0x75: {  	_ =	shalt  }
0x76: {  	_ =	shalt  }
0x77: {  	_ =	shalt  }
0x78: {  	_ =	shalt  }
0x79: {  	_ =	shalt  }
0x7a: {  	_ =	shalt  }
0x7b: {  	_ =	shalt  }
0x7c: {  	_ =	shalt  }
0x7d: {  	_ =	shalt  }
0x7e: {  	_ =	shalt  }
0x7f: {  	_ =	shalt  }
0x80: {  	_ =	shalt  }
0x81: {  	_ =	shalt  }
0x82: {  	_ =	shalt  }
0x83: {  	_ =	shalt  }
0x84: {  	_ =	shalt  }
0x85: {  	_ =	shalt  }
0x86: {  	_ =	shalt  }
0x87: {  	_ =	shalt  }
.Lfunc_end0:
.L_simem_size_0:
called_computation.2_lowered:
.L_overlay_start_0:
0x88: {  	s2 =	sld [smem:$0x3FD9]  }
0x89: {  	s3 =	sld [smem:$0x3FFE];
	_ =	sdelay $0x1  }
0x8a: {  	s1 =	srdreg.scid  }
0x8b: {  	s0 =	sand.u32 $0x1, s1  }
0x8c: {  	s17 =	sshll.u32 s0, $0xA;
	s2 =	sadd.s32 s3, s2  }
0x8d: {  	s2 =	sadd.s32 s2, s17  }
0x8e: {  	[smem:$0x3FC0] =	sst s2  }
0x8f: {  	_ = 	snop  }
0x90: {  	s2 =	sld [smem:$0x3FD0];
	(tm) =	ssettm $0x1  }
0x91: {  	s18 =	sld [smem:$0x3FFB];
	_ =	sdelay $0x3  }
0x92: {  	_ =	strace s18  }
0x93: {  	s3 =	sld [smem:$0x3FFC];
	_ =	sdelay $0x3  }
0x94: {  	_ =	strace s3  }
0x95: {  	s3 =	sld [smem:$0x3FFD];
	_ =	sdelay $0x3  }
0x96: {  	_ =	strace s3  }
0x97: {  	_ =	strace $0x8FFFFFFF  }
0x98: {  	s19 =	sld [smem:$0x3FDB];
	_ =	sdelay $0x1  }
0x99: {  	s4 =	simm.s32 $_scs_section_size  }
0x9a: {  	s5 =	simm.s32 $_size__tile_overlayer_lowered;
	s6 =	simm.s32 $_tile_overlayer_lowered  }
0x9b: {  	s22 =	simm.s32 $0x1BFF;
	s21 =	sshll.u32 s6, $0x1;
	s3 =	sadd.s32 s4, s19  }
0x9c: {  	s7 =	simm.s32 $0x0;
	s20 =	sshll.u32 s5, $0x1;
	s5 =	sadd.s32 s21, s3  }
0x9d: {  	[timem:s7], [sflag:s22] =	dma.local [hbm:s5], s20  }
0x9e: {  	_ =	swait.ge [sflag:s22], s20  }
0x9f: {  	s4 =	ssub.s32 $0x0, s20;
	[sflag:s22] =	ssyncset.done $0x0  }
0xa0: {  	[sflag:s22] =	ssyncadd.s32 s4;
	_ =	sdelay $0x1  }
0xa1: {  	s23 =	simm.s32 $0x1B8B  }
0xa2: {  	_ =	swait.ge [sflag:s23], $0x1  }
0xa3: {  	[sflag:s23] =	ssyncset.done $0x0  }
0xa4: {  	s25 =	simm.s32 $0x1B8E;
	s24 =	sld [smem:$0x3FFE];
	[sflag:s23] =	ssyncadd.s32 $0xFFFFFFFF  }
0xa5: {  	s26 =	simm.s32 $execute0_lowered;
	[smem:$0x3FD2] =	sst s25  }
0xa6: {  	s5 =	sshll.u32 s26, $0x1;
	_ =	strace $0x8000004C;
	[dreg:$0x1] =	wrdreg $0xFFFFFFFF  }
0xa7: {  	s28 =	simm.s32 $_size_execute0_lowered;
	s3 =	sadd.s32 s3, s5;
	[dreg:$0x0] =	wrdreg $0x0  }
0xa8: {  	s5 =	sshll.u32 s28, $0x1;
	[dreg:$0x2] =	wrdreg s3  }
0xa9: {  	[dreg:$0x3] =	wrdreg s5  }
0xaa: {  	[dreg:$0x4] =	wrdreg $0xC0  }
0xab: {  	_ =	task [dreg:s7], $0x5FFFF  }
0xac: {  	[dreg:$0x1] =	wrdreg $0xFFFFFFFF  }
0xad: {  	[dreg:$0x0] =	wrdreg $0x60  }
0xae: {  	[dreg:$0x2] =	wrdreg s24  }
0xaf: {  	[dreg:$0x3] =	wrdreg s2  }
0xb0: {  	[dreg:$0x4] =	wrdreg $0x6C000  }
0xb1: {  	[dreg:$0x5] =	wrdreg $0x9  }
0xb2: {  	_ =	task.clear_ibuf [dreg:s7], $0x6FFFF;
	_ =	strace $0x9000004C  }
0xb3: {  	s29 =	simm.s32 $0x9;
	_ =	strace $0x8000004E  }
0xb4: {  	_ =	swait.ge [sflag:s29], $0x1  }
0xb5: {  	[sflag:s29] =	ssyncadd.s32 $0xFFFFFFFF  }
0xb6: {  	_ =	strace $0x9000004E  }
0xb7: {  	_ =	sfence  }
0xb8: {  	s30 =	sld [smem:$0x0];
	_ =	sdelay $0x2  }
0xb9: {  	s31 =	sshll.u32 s1, $0xD;
	s1 =	sshrl.u32 s1, $0x2  }
0xba: {  	s3 =	sand.u32 $0x4000, s31;
	s1 =	sadd.s32 s1, s30  }
0xbb: {  	s0 =	sor.u32 s3, s0;
	s1 =	sshll.u32 s1, $0x11  }
0xbc: {  	s0 =	sor.u32 s1, s0  }
0xbd: {  	s0 =	sadd.s32 $0x8F2B, s0  }
0xbe: {  	[sflag:s0] =	ssyncadd.remote.s32 $0x1  }
0xbf: {  	_ =	sfence.sel $0xFFFF  }
0xc0: {  	[dreg:$0x0] =	wrdreg $0xFFFFFFFF;
	(pc) =	sbr.abs _section_cstart, $3  }
0xc1: {  	[dreg:$0x1] =	wrdreg $0xFFFFFFFF  }
0xc2: {  	_ =	task.clear_ibuf [dreg:s7], $0x2FFFF;
	_ =	strace $0x9FFFFFFF  }
0xc3: {  	(tm) =	ssettm $0x7FFFFFFF  }
tec
execute0_lowered:
.L_overlay_start_1:
0x0: {  	(tag) =	ssettag $0x1  }
0x1: {  	s0 =	rddreg [dreg:$0x0]  }
0x2: {  	s3 =	rddreg [dreg:$0x2]  }
0x3: {  	s4 =	simm.s32 $0x0;
	s1 =	srdreg.scid;
	s13 =	stileid.u32  }
0x4: {  	s14 =	simm.s32 $0x5;
	s15 =	simm.s32 $0x600;
	s16 =	simm.s32 $0x900  }
0x5: {  	s28 =	simm.s32 $0x980;
	s29 =	simm.s32 $0x6400;
	s30 =	simm.s32 $0x300  }
0x6: {  	s31 =	simm.s32 $0xC00;
	[smem:$0x7FF] =	sst s4;
	s2 =	smul.u32 $0x3100, s13  }
0x7: {  	s1 =	sand.u32 $0x1, s1;
	s5 =	sadd.s32 $0x1C800, s0;
	s9 =	smul.u32 $0x62000, s13  }
0x8: {  	s7 =	sadd.s32 $0x18A600, s0;
	s8 =	sadd.s32 $0xC5C00, s0;
	s12 =	smul.u32 $0x624, s13  }
0x9: {  	s18 =	sshll.u32 s13, $0x6;
	s19 =	sadd.s32 $0x24EE00, s0;
	s6 =	smul.u32 $0x31000, s1  }
0xa: {  	_ =	strace $0x8000004D;
	s17 =	ssub.s32 $0x2, s1;
	s10 =	smul.u32 $0x6240, s1  }
0xb: {  	s1 =	sshll.u32 s1, $0x4;
	s23 =	sor.u32 $0x1C05, s18;
	[dreg:$0x13] =	wrdreg s19  }
0xc: {  	s18 =	simm.s32 $0x3C00;
	s19 =	simm.s32 $0x780;
	s11 =	sshrl.u32 s17, $0x1  }
0xd: {  	s9 =	sshrl.u32 s9, $0x2;
	s1 =	sor.u32 s13, s1;
	[dreg:$0xf] =	wrdreg s19  }
0xe: {  	s13 =	simm.s32 $0x700;
	s19 =	simm.s32 $0x3;
	[dreg:$0x12] =	wrdreg s23  }
0xf: {  	s2 =	sadd.s32 s2, s6;
	s6 =	ssub.s32 s17, s11;
	s9 =	sadd.s32 s9, s3  }
0x10: {  	s10 =	sadd.s32 s12, s10;
	s11 =	simm.s32 $0x580;
	[dreg:$0xe] =	wrdreg s13  }
0x11: {  	s1 =	smul.u32 $0x6240, s1;
	s12 =	simm.s32 $0x680;
	[dreg:$0xc] =	wrdreg s11  }
0x12: {  	s2 =	sadd.s32 s2, s0;
	s0 =	sadd.s32 $0x18A400, s0;
	[dreg:$0xd] =	wrdreg s12  }
0x13: {  	s17 =	simm.s32 $0x80;
	s6 =	smax.u32 s6, $0x1;
	[dreg:$0x14] =	wrdreg s0  }
0x14: {  	s13 =	simm.s32 $0x4;
	s21 =	sadd.s32 s7, s1;
	[dreg:$0x18] =	wrdreg s6  }
0x15: {  	s10 =	sshll.u32 s10, $0x4;
	s1 =	sadd.s32 s8, s1;
	[dreg:$0x15] =	wrdreg s21  }
0x16: {  	s20 =	sadd.s32 $0x60, s10;
	s26 =	sadd.s32 $0x4D800, s2;
	[dreg:$0x16] =	wrdreg s1  }
0x17: {  	s12 =	simm.s32 $0x3400;
	s22 =	sadd.s32 s20, s7;
	[dreg:$0x17] =	wrdreg s26  }
0x18: {  	s10 =	sadd.s32 $0xC0, s10;
	s24 =	sadd.s32 s20, s8;
	[dreg:$0x4] =	wrdreg s22  }
0x19: {  	s0 =	simm.s32 $0x1400;
	s25 =	sadd.s32 s10, s7;
	[dreg:$0x5] =	wrdreg s24  }
0x1a: {  	s6 =	simm.s32 $0x1;
	s2 =	sadd.s32 s10, s8;
	[dreg:$0x6] =	wrdreg s25  }
0x1b: {  	s7 =	simm.s32 $0x380;
	s8 =	simm.s32 $0x400;
	[dreg:$0x7] =	wrdreg s2  }
0x1c: {  	s10 =	simm.s32 $0x500;
	s20 =	simm.s32 $0x4400;
	[dreg:$0x8] =	wrdreg s7  }
0x1d: {  	s21 =	simm.s32 $0x800;
	s26 =	simm.s32 $0x880;
	[dreg:$0x9] =	wrdreg s8  }
0x1e: {  	s1 =	simm.s32 $0x1C00;
	s25 =	sshrl.u32 s9, $0x3;
	[dreg:$0xb] =	wrdreg s10  }
0x1f: {  	s9 =	simm.s32 $0x480;
	s22 =	simm.s32 $0x4C00;
	[dreg:$0x10] =	wrdreg s21  }
0x20: {  	s24 =	simm.s32 $0x5400;
	[dreg:$0x11] =	wrdreg s26;
	s26 =	simm.s32 $0x5C00  }
0x21: {  	s8 =	simm.s32 $0x2400;
	s10 =	simm.s32 $0x2C00;
	[dreg:$0xa] =	wrdreg s9  }
0x22: {  	s21 =	simm.s32 $0x2;
	s7 =	simm.s32 $0x0;
	[dreg:$0x19] =	wrdreg s25  }
.LBB2_1:
0x23: {  	[dreg:$0x1a] =	wrdreg s7  }
0x24: {  	s2 =	rddreg [dreg:$0x1]  }
0x25: {  	[spmem:s25], [sflag:s23] =	dma.local [hbm:s2], $0x3100  }
0x26: {  	_ =	swait.ge [sflag:s14], $0x3100  }
0x27: {  	[sflag:s14] =	ssyncset.done $0x0  }
0x28: {  	[sflag:s14] =	ssyncadd.s32 $0xFFFFCF00  }
0x29: {  	[bflag:$0x0] =	sbarrier.arrive $0xFFFF  }
0x2a: {  	s9 =	rddreg [dreg:$0x13]  }
0x2b: {  	[tilespmem:s15], [sflag:$0x5] =	stream.linear.gather [hbm4b:s9+s4], $0x300, $0x38;
	[tilespmem:$0x1F400] =	vst v63  }
0x2c: {  	_ =	swait.ge [sflag:s14], $0x300  }
0x2d: {  	[sflag:s14] =	ssyncset.done $0x0  }
0x2e: {  	s11 =	rddreg [dreg:$0x14];
	[sflag:s14] =	ssyncadd.s32 $0xFFFFFD00  }
0x2f: {  	[tilespmem:s16], [sflag:$0x5] =	stream.linear.gather [hbm4b:s11+s4], $0x300, $0x38;
	[tilespmem:$0x1F400] =	vst v63  }
0x30: {  	_ =	swait.ge [sflag:s14], $0x300  }
0x31: {  	[sflag:s14] =	ssyncset.done $0x0  }
0x32: {  	[sflag:s14] =	ssyncadd.s32 $0xFFFFFD00  }
0x33: {  	[spmem:s3] =	stream.indirect.scatter.add.f32 [tilespmem:s18], [sflag:$0x4], $0x10, s16, s17, $0xb8;
	[tilespmem:$0x1F400] =	vst v63  }
0x34: {  	_ = 	snop  }
0x35: {  	[spmem:s3] =	stream.indirect.scatter.add.f32 [tilespmem:s20], [sflag:$0x4], $0x10, s28, s17, $0xb8;
	[tilespmem:$0x1F400] =	vst v63  }
0x36: {  	s23 =	simm.s32 $0xA00  }
0x37: {  	[spmem:s3] =	stream.indirect.scatter.add.f32 [tilespmem:s22], [sflag:$0x4], $0x10, s23, s17, $0xb8;
	[tilespmem:$0x1F400] =	vst v63  }
0x38: {  	s25 =	simm.s32 $0xA80  }
0x39: {  	[spmem:s3] =	stream.indirect.scatter.add.f32 [tilespmem:s24], [sflag:$0x4], $0x10, s25, s17, $0xb8;
	[tilespmem:$0x1F400] =	vst v63  }
0x3a: {  	s7 =	simm.s32 $0xB00  }
0x3b: {  	[spmem:s3] =	stream.indirect.scatter.add.f32 [tilespmem:s26], [sflag:$0x4], $0x10, s7, s17, $0xb8;
	[tilespmem:$0x1F400] =	vst v63  }
0x3c: {  	s9 =	simm.s32 $0xB80  }
0x3d: {  	[spmem:s3] =	stream.indirect.scatter.add.f32 [tilespmem:s29], [sflag:$0x4], $0x10, s9, s17, $0xb8;
	[tilespmem:$0x1F400] =	vst v63  }
0x3e: {  	s11 =	rddreg [dreg:$0x15]  }
0x3f: {  	[tilespmem:s4], [sflag:$0x5] =	stream.linear.gather [hbm4b:s11+s4], $0x300, $0x38;
	[tilespmem:$0x1F400] =	vst v63  }
0x40: {  	_ =	swait.ge [sflag:s14], $0x300  }
0x41: {  	[sflag:s14] =	ssyncset.done $0x0  }
0x42: {  	s23 =	rddreg [dreg:$0x16];
	[sflag:s14] =	ssyncadd.s32 $0xFFFFFD00  }
0x43: {  	[tilespmem:s30], [sflag:$0x5] =	stream.linear.gather [hbm4b:s23+s4], $0x300, $0x38;
	[tilespmem:$0x1F400] =	vst v63  }
0x44: {  	_ =	swait.ge [sflag:s14], $0x300  }
0x45: {  	[sflag:s14] =	ssyncset.done $0x0  }
0x46: {  	[sflag:s14] =	ssyncadd.s32 $0xFFFFFD00  }
0x47: {  	[tilespmem:s31], [sflag:$0x1] =	stream.indirect.gather [hbm4b:s5+s17], $0x10, s4, s17, $0xb8;
	[tilespmem:$0x1F400] =	vst v63  }
0x48: {  	_ = 	snop  }
0x49: {  	[tilespmem:s0], [sflag:$0x1] =	stream.indirect.gather [hbm4b:s5+s17], $0x10, s17, s17, $0xb8;
	[tilespmem:$0x1F400] =	vst v63  }
0x4a: {  	s2 =	simm.s32 $0x100  }
0x4b: {  	[tilespmem:s1], [sflag:$0x1] =	stream.indirect.gather [hbm4b:s5+s17], $0x10, s2, s17, $0xb8;
	[tilespmem:$0x1F400] =	vst v63  }
0x4c: {  	s7 =	simm.s32 $0x180  }
0x4d: {  	[tilespmem:s8], [sflag:$0x1] =	stream.indirect.gather [hbm4b:s5+s17], $0x10, s7, s17, $0xb8;
	[tilespmem:$0x1F400] =	vst v63  }
0x4e: {  	s9 =	simm.s32 $0x200  }
0x4f: {  	[tilespmem:s10], [sflag:$0x1] =	stream.indirect.gather [hbm4b:s5+s17], $0x10, s9, s17, $0xb8;
	[tilespmem:$0x1F400] =	vst v63  }
0x50: {  	s11 =	simm.s32 $0x280  }
0x51: {  	[tilespmem:s12], [sflag:$0x1] =	stream.indirect.gather [hbm4b:s5+s17], $0x10, s11, s17, $0xb8;
	[tilespmem:$0x1F400] =	vst v63  }
0x52: {  	_ =	swait.ge [sflag:s6], $0x3000  }
0x53: {  	[sflag:s6] =	ssyncset.done $0x0  }
0x54: {  	[sflag:s6] =	ssyncadd.s32 $0xFFFFD000  }
0x55: {  	[spmem:s3] =	stream.indirect.scatter.add.f32 [tilespmem:s31], [sflag:$0x3], $0x10, s30, s17, $0xb8;
	[tilespmem:$0x1F400] =	vst v63  }
0x56: {  	s23 =	rddreg [dreg:$0x8]  }
0x57: {  	[spmem:s3] =	stream.indirect.scatter.add.f32 [tilespmem:s0], [sflag:$0x3], $0x10, s23, s17, $0xb8;
	[tilespmem:$0x1F400] =	vst v63  }
0x58: {  	s25 =	rddreg [dreg:$0x9]  }
0x59: {  	[spmem:s3] =	stream.indirect.scatter.add.f32 [tilespmem:s1], [sflag:$0x3], $0x10, s25, s17, $0xb8;
	[tilespmem:$0x1F400] =	vst v63  }
0x5a: {  	s23 =	rddreg [dreg:$0xa]  }
0x5b: {  	[spmem:s3] =	stream.indirect.scatter.add.f32 [tilespmem:s8], [sflag:$0x3], $0x10, s23, s17, $0xb8;
	[tilespmem:$0x1F400] =	vst v63  }
0x5c: {  	s25 =	rddreg [dreg:$0xb]  }
0x5d: {  	[spmem:s3] =	stream.indirect.scatter.add.f32 [tilespmem:s10], [sflag:$0x3], $0x10, s25, s17, $0xb8;
	[tilespmem:$0x1F400] =	vst v63  }
0x5e: {  	s23 =	rddreg [dreg:$0xc]  }
0x5f: {  	[spmem:s3] =	stream.indirect.scatter.add.f32 [tilespmem:s12], [sflag:$0x3], $0x10, s23, s17, $0xb8;
	[tilespmem:$0x1F400] =	vst v63  }
0x60: {  	_ =	swait.ge [sflag:s13], $0x3000  }
0x61: {  	s25 =	rddreg [dreg:$0x4];
	[sflag:s13] =	ssyncset.done $0x0  }
0x62: {  	[sflag:s13] =	ssyncadd.s32 $0xFFFFD000;
	s23 =	sadd.s32 $0x0, s25  }
0x63: {  	[tilespmem:s15], [sflag:$0x5] =	stream.linear.gather [hbm4b:s23+s4], $0x300, $0x38;
	[tilespmem:$0x1F400] =	vst v63  }
0x64: {  	_ =	swait.ge [sflag:s14], $0x300  }
0x65: {  	s25 =	rddreg [dreg:$0x5];
	[sflag:s14] =	ssyncset.done $0x0  }
0x66: {  	[sflag:s14] =	ssyncadd.s32 $0xFFFFFD00;
	s23 =	sadd.s32 $0x0, s25  }
0x67: {  	[tilespmem:s16], [sflag:$0x5] =	stream.linear.gather [hbm4b:s23+s4], $0x300, $0x38;
	[tilespmem:$0x1F400] =	vst v63  }
0x68: {  	_ =	swait.ge [sflag:s14], $0x300  }
0x69: {  	[sflag:s14] =	ssyncset.done $0x0  }
0x6a: {  	[sflag:s14] =	ssyncadd.s32 $0xFFFFFD00  }
0x6b: {  	[tilespmem:s18], [sflag:$0x2] =	stream.indirect.gather [hbm4b:s5+s17], $0x10, s15, s17, $0xb8;
	[tilespmem:$0x1F400] =	vst v63  }
0x6c: {  	s23 =	rddreg [dreg:$0xd]  }
0x6d: {  	[tilespmem:s20], [sflag:$0x2] =	stream.indirect.gather [hbm4b:s5+s17], $0x10, s23, s17, $0xb8;
	[tilespmem:$0x1F400] =	vst v63  }
0x6e: {  	s25 =	rddreg [dreg:$0xe]  }
0x6f: {  	[tilespmem:s22], [sflag:$0x2] =	stream.indirect.gather [hbm4b:s5+s17], $0x10, s25, s17, $0xb8;
	[tilespmem:$0x1F400] =	vst v63  }
0x70: {  	s23 =	rddreg [dreg:$0xf]  }
0x71: {  	[tilespmem:s24], [sflag:$0x2] =	stream.indirect.gather [hbm4b:s5+s17], $0x10, s23, s17, $0xb8;
	[tilespmem:$0x1F400] =	vst v63  }
0x72: {  	s25 =	rddreg [dreg:$0x10]  }
0x73: {  	[tilespmem:s26], [sflag:$0x2] =	stream.indirect.gather [hbm4b:s5+s17], $0x10, s25, s17, $0xb8;
	[tilespmem:$0x1F400] =	vst v63  }
0x74: {  	s23 =	rddreg [dreg:$0x11]  }
0x75: {  	[tilespmem:s29], [sflag:$0x2] =	stream.indirect.gather [hbm4b:s5+s17], $0x10, s23, s17, $0xb8;
	[tilespmem:$0x1F400] =	vst v63  }
0x76: {  	_ =	swait.ge [sflag:s19], $0x800  }
0x77: {  	[sflag:s19] =	ssyncset.done $0x0  }
0x78: {  	[sflag:s19] =	ssyncadd.s32 $0xFFFFF800  }
0x79: {  	_ =	swait.ge [sflag:s19], $0x800  }
0x7a: {  	[sflag:s19] =	ssyncset.done $0x0  }
0x7b: {  	[sflag:s19] =	ssyncadd.s32 $0xFFFFF800  }
0x7c: {  	_ =	swait.ge [sflag:s19], $0x800  }
0x7d: {  	[sflag:s19] =	ssyncset.done $0x0  }
0x7e: {  	[sflag:s19] =	ssyncadd.s32 $0xFFFFF800  }
0x7f: {  	_ =	swait.ge [sflag:s19], $0x800  }
0x80: {  	[sflag:s19] =	ssyncset.done $0x0  }
0x81: {  	[sflag:s19] =	ssyncadd.s32 $0xFFFFF800  }
0x82: {  	_ =	swait.ge [sflag:s19], $0x800  }
0x83: {  	[sflag:s19] =	ssyncset.done $0x0  }
0x84: {  	[sflag:s19] =	ssyncadd.s32 $0xFFFFF800  }
0x85: {  	_ =	swait.ge [sflag:s19], $0x800  }
0x86: {  	s25 =	rddreg [dreg:$0x6];
	[sflag:s19] =	ssyncset.done $0x0  }
0x87: {  	[sflag:s19] =	ssyncadd.s32 $0xFFFFF800;
	s23 =	sadd.s32 $0x0, s25  }
0x88: {  	[tilespmem:s4], [sflag:$0x5] =	stream.linear.gather [hbm4b:s23+s4], $0x300, $0x38;
	[tilespmem:$0x1F400] =	vst v63  }
0x89: {  	_ =	swait.ge [sflag:s14], $0x300  }
0x8a: {  	s25 =	rddreg [dreg:$0x7];
	[sflag:s14] =	ssyncset.done $0x0  }
0x8b: {  	[sflag:s14] =	ssyncadd.s32 $0xFFFFFD00;
	s23 =	sadd.s32 $0x0, s25  }
0x8c: {  	[tilespmem:s30], [sflag:$0x5] =	stream.linear.gather [hbm4b:s23+s4], $0x300, $0x38;
	[tilespmem:$0x1F400] =	vst v63  }
0x8d: {  	_ =	swait.ge [sflag:s14], $0x300  }
0x8e: {  	[sflag:s14] =	ssyncset.done $0x0  }
0x8f: {  	[sflag:s14] =	ssyncadd.s32 $0xFFFFFD00  }
0x90: {  	[tilespmem:s31], [sflag:$0x1] =	stream.indirect.gather [hbm4b:s5+s17], $0x10, s4, s17, $0xb8;
	[tilespmem:$0x1F400] =	vst v63  }
0x91: {  	_ = 	snop  }
0x92: {  	[tilespmem:s0], [sflag:$0x1] =	stream.indirect.gather [hbm4b:s5+s17], $0x10, s17, s17, $0xb8;
	[tilespmem:$0x1F400] =	vst v63  }
0x93: {  	_ = 	snop  }
0x94: {  	[tilespmem:s1], [sflag:$0x1] =	stream.indirect.gather [hbm4b:s5+s17], $0x10, s2, s17, $0xb8;
	[tilespmem:$0x1F400] =	vst v63  }
0x95: {  	_ = 	snop  }
0x96: {  	[tilespmem:s8], [sflag:$0x1] =	stream.indirect.gather [hbm4b:s5+s17], $0x10, s7, s17, $0xb8;
	[tilespmem:$0x1F400] =	vst v63  }
0x97: {  	_ = 	snop  }
0x98: {  	[tilespmem:s10], [sflag:$0x1] =	stream.indirect.gather [hbm4b:s5+s17], $0x10, s9, s17, $0xb8;
	[tilespmem:$0x1F400] =	vst v63  }
0x99: {  	_ = 	snop  }
0x9a: {  	[tilespmem:s12], [sflag:$0x1] =	stream.indirect.gather [hbm4b:s5+s17], $0x10, s11, s17, $0xb8;
	[tilespmem:$0x1F400] =	vst v63  }
0x9b: {  	_ =	swait.ge [sflag:s21], $0x3000  }
0x9c: {  	[sflag:s21] =	ssyncset.done $0x0  }
0x9d: {  	[sflag:s21] =	ssyncadd.s32 $0xFFFFD000  }
0x9e: {  	[spmem:s3] =	stream.indirect.scatter.add.f32 [tilespmem:s18], [sflag:$0x4], $0x10, s16, s17, $0xb8;
	[tilespmem:$0x1F400] =	vst v63  }
0x9f: {  	_ = 	snop  }
0xa0: {  	[spmem:s3] =	stream.indirect.scatter.add.f32 [tilespmem:s20], [sflag:$0x4], $0x10, s28, s17, $0xb8;
	[tilespmem:$0x1F400] =	vst v63  }
0xa1: {  	s23 =	simm.s32 $0xA00  }
0xa2: {  	[spmem:s3] =	stream.indirect.scatter.add.f32 [tilespmem:s22], [sflag:$0x4], $0x10, s23, s17, $0xb8;
	[tilespmem:$0x1F400] =	vst v63  }
0xa3: {  	s25 =	simm.s32 $0xA80;
	s7 =	simm.s32 $0xB00;
	s9 =	simm.s32 $0xA00  }
0xa4: {  	[spmem:s3] =	stream.indirect.scatter.add.f32 [tilespmem:s24], [sflag:$0x4], $0x10, s25, s17, $0xb8;
	[tilespmem:$0x1F400] =	vst v63  }
0xa5: {  	s11 =	simm.s32 $0xA80;
	s28 =	simm.s32 $0xB00;
	s23 =	simm.s32 $0xC0  }
0xa6: {  	[spmem:s3] =	stream.indirect.scatter.add.f32 [tilespmem:s26], [sflag:$0x4], $0x10, s28, s17, $0xb8;
	[tilespmem:$0x1F400] =	vst v63  }
.LBB2_2:
0xa7: {  	s2 =	simm.s32 $0xB80  }
0xa8: {  	[spmem:s3] =	stream.indirect.scatter.add.f32 [tilespmem:s29], [sflag:$0x4], $0x10, s2, s17, $0xb8;
	[tilespmem:$0x1F400] =	vst v63  }
0xa9: {  	_ =	swait.ge [sflag:s6], $0x3000  }
0xaa: {  	[sflag:s6] =	ssyncset.done $0x0  }
0xab: {  	[sflag:s6] =	ssyncadd.s32 $0xFFFFD000  }
0xac: {  	[spmem:s3] =	stream.indirect.scatter.add.f32 [tilespmem:s31], [sflag:$0x3], $0x10, s30, s17, $0xb8;
	[tilespmem:$0x1F400] =	vst v63  }
0xad: {  	s28 =	rddreg [dreg:$0x8]  }
0xae: {  	[spmem:s3] =	stream.indirect.scatter.add.f32 [tilespmem:s0], [sflag:$0x3], $0x10, s28, s17, $0xb8;
	[tilespmem:$0x1F400] =	vst v63  }
0xaf: {  	s2 =	rddreg [dreg:$0x9]  }
0xb0: {  	[spmem:s3] =	stream.indirect.scatter.add.f32 [tilespmem:s1], [sflag:$0x3], $0x10, s2, s17, $0xb8;
	[tilespmem:$0x1F400] =	vst v63  }
0xb1: {  	s28 =	rddreg [dreg:$0xa]  }
0xb2: {  	[spmem:s3] =	stream.indirect.scatter.add.f32 [tilespmem:s8], [sflag:$0x3], $0x10, s28, s17, $0xb8;
	[tilespmem:$0x1F400] =	vst v63  }
0xb3: {  	s2 =	rddreg [dreg:$0xb]  }
0xb4: {  	[spmem:s3] =	stream.indirect.scatter.add.f32 [tilespmem:s10], [sflag:$0x3], $0x10, s2, s17, $0xb8;
	[tilespmem:$0x1F400] =	vst v63  }
0xb5: {  	s28 =	rddreg [dreg:$0xc]  }
0xb6: {  	[spmem:s3] =	stream.indirect.scatter.add.f32 [tilespmem:s12], [sflag:$0x3], $0x10, s28, s17, $0xb8;
	[tilespmem:$0x1F400] =	vst v63  }
0xb7: {  	_ =	swait.ge [sflag:s13], $0x3000  }
0xb8: {  	s25 =	smov.u32 s23;
	s2 =	rddreg [dreg:$0x4];
	[sflag:s13] =	ssyncset.done $0x0  }
0xb9: {  	[sflag:s13] =	ssyncadd.s32 $0xFFFFD000;
	s2 =	sadd.s32 s25, s2  }
0xba: {  	[tilespmem:s15], [sflag:$0x5] =	stream.linear.gather [hbm4b:s2+s4], $0x300, $0x38;
	[tilespmem:$0x1F400] =	vst v63  }
0xbb: {  	_ =	swait.ge [sflag:s14], $0x300  }
0xbc: {  	s2 =	rddreg [dreg:$0x5];
	[sflag:s14] =	ssyncset.done $0x0  }
0xbd: {  	[sflag:s14] =	ssyncadd.s32 $0xFFFFFD00;
	s2 =	sadd.s32 s25, s2  }
0xbe: {  	[tilespmem:s16], [sflag:$0x5] =	stream.linear.gather [hbm4b:s2+s4], $0x300, $0x38;
	[tilespmem:$0x1F400] =	vst v63  }
0xbf: {  	_ =	swait.ge [sflag:s14], $0x300  }
0xc0: {  	[sflag:s14] =	ssyncset.done $0x0  }
0xc1: {  	[sflag:s14] =	ssyncadd.s32 $0xFFFFFD00  }
0xc2: {  	[tilespmem:s18], [sflag:$0x2] =	stream.indirect.gather [hbm4b:s5+s17], $0x10, s15, s17, $0xb8;
	[tilespmem:$0x1F400] =	vst v63  }
0xc3: {  	s2 =	rddreg [dreg:$0xd]  }
0xc4: {  	[tilespmem:s20], [sflag:$0x2] =	stream.indirect.gather [hbm4b:s5+s17], $0x10, s2, s17, $0xb8;
	[tilespmem:$0x1F400] =	vst v63  }
0xc5: {  	s28 =	rddreg [dreg:$0xe]  }
0xc6: {  	[tilespmem:s22], [sflag:$0x2] =	stream.indirect.gather [hbm4b:s5+s17], $0x10, s28, s17, $0xb8;
	[tilespmem:$0x1F400] =	vst v63  }
0xc7: {  	s2 =	rddreg [dreg:$0xf]  }
0xc8: {  	[tilespmem:s24], [sflag:$0x2] =	stream.indirect.gather [hbm4b:s5+s17], $0x10, s2, s17, $0xb8;
	[tilespmem:$0x1F400] =	vst v63  }
0xc9: {  	s28 =	rddreg [dreg:$0x10]  }
0xca: {  	[tilespmem:s26], [sflag:$0x2] =	stream.indirect.gather [hbm4b:s5+s17], $0x10, s28, s17, $0xb8;
	[tilespmem:$0x1F400] =	vst v63  }
0xcb: {  	s2 =	rddreg [dreg:$0x11]  }
0xcc: {  	[tilespmem:s29], [sflag:$0x2] =	stream.indirect.gather [hbm4b:s5+s17], $0x10, s2, s17, $0xb8;
	[tilespmem:$0x1F400] =	vst v63  }
0xcd: {  	_ =	swait.ge [sflag:s19], $0x800  }
0xce: {  	[sflag:s19] =	ssyncset.done $0x0  }
0xcf: {  	[sflag:s19] =	ssyncadd.s32 $0xFFFFF800  }
0xd0: {  	_ =	swait.ge [sflag:s19], $0x800  }
0xd1: {  	[sflag:s19] =	ssyncset.done $0x0  }
0xd2: {  	[sflag:s19] =	ssyncadd.s32 $0xFFFFF800  }
0xd3: {  	_ =	swait.ge [sflag:s19], $0x800  }
0xd4: {  	[sflag:s19] =	ssyncset.done $0x0  }
0xd5: {  	[sflag:s19] =	ssyncadd.s32 $0xFFFFF800  }
0xd6: {  	_ =	swait.ge [sflag:s19], $0x800  }
0xd7: {  	[sflag:s19] =	ssyncset.done $0x0  }
0xd8: {  	[sflag:s19] =	ssyncadd.s32 $0xFFFFF800  }
0xd9: {  	_ =	swait.ge [sflag:s19], $0x800  }
0xda: {  	[sflag:s19] =	ssyncset.done $0x0  }
0xdb: {  	[sflag:s19] =	ssyncadd.s32 $0xFFFFF800  }
0xdc: {  	_ =	swait.ge [sflag:s19], $0x800  }
0xdd: {  	s2 =	rddreg [dreg:$0x6];
	[sflag:s19] =	ssyncset.done $0x0  }
0xde: {  	[sflag:s19] =	ssyncadd.s32 $0xFFFFF800;
	s2 =	sadd.s32 s25, s2  }
0xdf: {  	[tilespmem:s4], [sflag:$0x5] =	stream.linear.gather [hbm4b:s2+s4], $0x300, $0x38;
	[tilespmem:$0x1F400] =	vst v63  }
0xe0: {  	_ =	swait.ge [sflag:s14], $0x300  }
0xe1: {  	s2 =	rddreg [dreg:$0x7];
	[sflag:s14] =	ssyncset.done $0x0  }
0xe2: {  	[sflag:s14] =	ssyncadd.s32 $0xFFFFFD00;
	s2 =	sadd.s32 s25, s2  }
0xe3: {  	[tilespmem:s30], [sflag:$0x5] =	stream.linear.gather [hbm4b:s2+s4], $0x300, $0x38;
	[tilespmem:$0x1F400] =	vst v63  }
0xe4: {  	_ =	swait.ge [sflag:s14], $0x300  }
0xe5: {  	[sflag:s14] =	ssyncset.done $0x0  }
0xe6: {  	[sflag:s14] =	ssyncadd.s32 $0xFFFFFD00  }
0xe7: {  	[tilespmem:s31], [sflag:$0x1] =	stream.indirect.gather [hbm4b:s5+s17], $0x10, s4, s17, $0xb8;
	[tilespmem:$0x1F400] =	vst v63  }
0xe8: {  	_ = 	snop  }
0xe9: {  	[tilespmem:s0], [sflag:$0x1] =	stream.indirect.gather [hbm4b:s5+s17], $0x10, s17, s17, $0xb8;
	[tilespmem:$0x1F400] =	vst v63  }
0xea: {  	s25 =	simm.s32 $0x100  }
0xeb: {  	[tilespmem:s1], [sflag:$0x1] =	stream.indirect.gather [hbm4b:s5+s17], $0x10, s25, s17, $0xb8;
	[tilespmem:$0x1F400] =	vst v63  }
0xec: {  	s25 =	simm.s32 $0x180  }
0xed: {  	[tilespmem:s8], [sflag:$0x1] =	stream.indirect.gather [hbm4b:s5+s17], $0x10, s25, s17, $0xb8;
	[tilespmem:$0x1F400] =	vst v63  }
0xee: {  	s25 =	simm.s32 $0x200  }
0xef: {  	[tilespmem:s10], [sflag:$0x1] =	stream.indirect.gather [hbm4b:s5+s17], $0x10, s25, s17, $0xb8;
	[tilespmem:$0x1F400] =	vst v63  }
0xf0: {  	s25 =	simm.s32 $0x280  }
0xf1: {  	[tilespmem:s12], [sflag:$0x1] =	stream.indirect.gather [hbm4b:s5+s17], $0x10, s25, s17, $0xb8;
	[tilespmem:$0x1F400] =	vst v63  }
0xf2: {  	_ =	swait.ge [sflag:s21], $0x3000  }
0xf3: {  	[sflag:s21] =	ssyncset.done $0x0  }
0xf4: {  	[sflag:s21] =	ssyncadd.s32 $0xFFFFD000  }
0xf5: {  	[spmem:s3] =	stream.indirect.scatter.add.f32 [tilespmem:s18], [sflag:$0x4], $0x10, s16, s17, $0xb8;
	[tilespmem:$0x1F400] =	vst v63  }
0xf6: {  	s28 =	simm.s32 $0x980  }
0xf7: {  	[spmem:s3] =	stream.indirect.scatter.add.f32 [tilespmem:s20], [sflag:$0x4], $0x10, s28, s17, $0xb8;
	[tilespmem:$0x1F400] =	vst v63  }
0xf8: {  	p0 =	sne.s32 s23, $0x6180  }
0xf9: {  	[spmem:s3] =	stream.indirect.scatter.add.f32 [tilespmem:s22], [sflag:$0x4], $0x10, s9, s17, $0xb8;
	[tilespmem:$0x1F400] =	vst v63  }
.Ltmp0:
0xfa: {  	_ = 	snop;
	(pc) =	sbr.rel @p0 .LBB2_2-.Ltmp0, $4  }
0xfb: {  	_ = 	snop  }
0xfc: {  	[spmem:s3] =	stream.indirect.scatter.add.f32 [tilespmem:s24], [sflag:$0x4], $0x10, s11, s17, $0xb8;
	[tilespmem:$0x1F400] =	vst v63  }
0xfd: {  	s23 =	sadd.s32 $0xC0, s23  }
0xfe: {  	[spmem:s3] =	stream.indirect.scatter.add.f32 [tilespmem:s26], [sflag:$0x4], $0x10, s7, s17, $0xb8;
	[tilespmem:$0x1F400] =	vst v63  }
0xff: {  	s2 =	simm.s32 $0xB80  }
0x100: {  	[spmem:s3] =	stream.indirect.scatter.add.f32 [tilespmem:s29], [sflag:$0x4], $0x10, s2, s17, $0xb8;
	[tilespmem:$0x1F400] =	vst v63  }
0x101: {  	_ =	swait.ge [sflag:s6], $0x3000  }
0x102: {  	[sflag:s6] =	ssyncset.done $0x0  }
0x103: {  	[sflag:s6] =	ssyncadd.s32 $0xFFFFD000  }
0x104: {  	_ =	swait.ge [sflag:s13], $0x3000  }
0x105: {  	[sflag:s13] =	ssyncset.done $0x0  }
0x106: {  	[sflag:s13] =	ssyncadd.s32 $0xFFFFD000  }
0x107: {  	[bflag:$0x0] =	sbarrier.arrive $0xFFFF  }
0x108: {  	s23 =	rddreg [dreg:$0x12]  }
0x109: {  	s9 =	rddreg [dreg:$0x17]  }
0x10a: {  	s25 =	rddreg [dreg:$0x19]  }
0x10b: {  	[hbm:s9], [sflag:s23] =	dma.local [spmem:s25], $0x3100  }
0x10c: {  	_ =	swait.ge [sflag:s14], $0x3100  }
0x10d: {  	s7 =	rddreg [dreg:$0x1a]  }
0x10e: {  	s11 =	rddreg [dreg:$0x18];
	s7 =	sadd.s32 $0x1, s7  }
0x10f: {  	p0 =	sne.s32 s7, s11  }
.Ltmp1:
0x110: {  	_ = 	snop;
	(pc) =	sbr.rel @p0 .LBB2_1-.Ltmp1, $3  }
0x111: {  	_ =	sdelay $0x1  }
0x112: {  	[sflag:s14] =	ssyncset.done $0x0  }
0x113: {  	[sflag:s14] =	ssyncadd.s32 $0xFFFFCF00  }
0x114: {  	_ =	sfence.sel $0x180000  }
0x115: {  	[bflag:$0x0] =	sbarrier.arrive $0xFFFF  }
0x116: {  	_ =	strace $0x9000004D  }
0x117: {  	s0 =	stileid.u32;
	[bflag:$0x2] =	sbarrier.arrive $0xFFFF  }
0x118: {  	p0 =	sne.s32 s0, $0x0;
	s0 =	rddreg [dreg:$0x3]  }
0x119: {  	s0 =	sadd.s32 @!p0 $0x100000, s0  }
0x11a: {  	[sflag:s0] =	ssyncadd.tile.s32 @!p0 $0x1;
	_ =	shalt  }
.Lfunc_end2:
_tile_overlayer_lowered:
.L_overlay_start_2:
0x11b: {  	(tag) =	ssettag $0x2  }
0x11c: {  	s0 =	rddreg [dreg:$0x0];
	s2 =	stileid.u32  }
0x11d: {  	s1 =	rddreg [dreg:$0x1];
	p0 =	sne.s32 s2, $0x0  }
0x11e: {  	s3 =	rddreg [dreg:$0x2];
	[bflag:$0x3] =	sbarrier.arrive $0xFFFF;
	s2 =	simm.s32 @!p0 $0x1C05  }
0x11f: {  	[timem:s3], [sflag:s2] =	dma.local @!p0 [hbm:s0], s1  }
0x120: {  	s0 =	simm.s32 @!p0 $0x5  }
0x121: {  	_ =	swait.ge @!p0 [sflag:s0], s1  }
0x122: {  	s1 =	ssub.s32 @!p0 $0x0, s1;
	[sflag:s0] =	ssyncset.done @!p0 $0x0  }
0x123: {  	[sflag:s0] =	ssyncadd.s32 @!p0 s1  }
0x124: {  	[bflag:$0x3] =	sbarrier.arrive $0xFFFF  }
0x125: {  	_ =	shalt  }

// kernel: kernel.19.cloned.1.call-start
scs
__scs_entry_jumppad:
0x0: {  	(pc) =	sbr.rel $0x88, $3  }
0x1: {  	(tag) =	ssettag $0x0;
	lr =	simm.s32 $0x1  }
0x2: {  	[smem:$0x3F99] =	sst lr;
	_ =	strace $0xD0000000  }
0x3: {  	_ = 	snop  }
0x4: {  	_ = 	snop  }
0x5: {  	_ = 	snop  }
0x6: {  	_ = 	snop  }
0x7: {  	_ = 	snop  }
__scs_overlays_trampoline_lowered:
0x8: {  	[smem:$0x3FA8] =	sst s0  }
0x9: {  	[smem:$0x3FA9] =	sst s1  }
0xa: {  	[smem:$0x3FAA] =	sst s2  }
0xb: {  	[smem:$0x3FAB] =	sst s3  }
0xc: {  	[smem:$0x3FAC] =	sst s4  }
0xd: {  	[smem:$0x3FAD] =	sst s5  }
0xe: {  	[smem:$0x3FAE] =	sst s6  }
0xf: {  	[smem:$0x3FAF] =	sst s7  }
0x10: {  	[smem:$0x3FB0] =	sst s8  }
0x11: {  	[smem:$0x3FB1] =	sst s9;
	s0 =	simm.s32 @!p0 $0x0  }
0x12: {  	s1 =	sld [smem:$0x3F97];
	s0 =	simm.s32 @p0 $0x1  }
0x13: {  	[smem:$0x3FB2] =	sst s0;
	s0 =	simm.s32 @!p1 $0x0  }
0x14: {  	s2 =	sld [smem:$0x3F96];
	s0 =	simm.s32 @p1 $0x1  }
0x15: {  	[smem:$0x3FB3] =	sst s0;
	s0 =	simm.s32 @!p2 $0x0  }
0x16: {  	s3 =	sld [smem:$0x3FDB];
	s0 =	simm.s32 @p2 $0x1  }
0x17: {  	s4 =	simm.s32 $0x1BF5;
	[smem:$0x3FB5] =	sst s0  }
0x18: {  	s0 =	sld [smem:$0x3F98];
	_ =	swait.ge [sflag:s4], $0x0  }
0x19: {  	s7 =	sld [smem:$0x3F99]  }
0x1a: {  	s8 =	sadd.s32 $0xFFFFE003, lr  }
0x1b: {  	s9 =	sadd.s32 $0xFFFFFEF7, lr;
	s5 =	simm.s32 $0xFFFFFFFF;
	p2 =	slt.u32 s8, $0xFFFFF086  }
0x1c: {  	p1 =	slt.u32 s9, $0xF7A;
	s5 =	simm.s32 @!p2 $0x0  }
0x1d: {  	s5 =	simm.s32 @p1 $0x1;
	p0 =	seq.s32 s7, s2  }
0x1e: {  	s7 =	smul.u32 @!p0 $0xF7A, s2;
	p2 =	seq.s32 @!p0 s5, $0x0  }
0x1f: {  	s9 =	smul.u32 $0xF7A, s1;
	s8 =	simm.s32 @!p0 $0x1BF5;
	p2 =	por !p2, p0  }
0x20: {  	[sflag:s8] =	ssyncset.s32 @!p0 $0xFFFFF086;
	s6 =	sadd.s32 @!p0 s3, s7;
	s7 =	simm.s32 @!p0 $0x108  }
0x21: {  	s3 =	sadd.s32 s3, s9;
	s6 =	sadd.s32 @!p0 $0x88, s6;
	s7 =	simm.s32 @p2 $0x1082  }
0x22: {  	[simem:s7], [sflag:s8] =	dma.local @!p0 [hbm:s6], $0xF7A  }
0x23: {  	s9 =	sor.u32 $0xD0000000, s2;
	s6 =	simm.s32 $0x108;
	_ =	swait.ge @!p0 [sflag:s8], $0x0  }
0x24: {  	s3 =	sadd.s32 $0x88, s3;
	s6 =	simm.s32 @!p1 $0x1082;
	[sflag:s4] =	ssyncset.s32 $0xFFFFF086  }
0x25: {  	[simem:s6], [sflag:s4] =	dma.local [hbm:s3], $0xF7A  }
0x26: {  	[smem:$0x3F99] =	sst s1;
	(tag) =	ssettag s2;
	_ =	strace s9  }
0x27: {  	s1 =	sld [smem:$0x3FA9]  }
0x28: {  	s2 =	sld [smem:$0x3FAA]  }
0x29: {  	s4 =	sld [smem:$0x3FAC]  }
0x2a: {  	p0 =	seq.s32 s5, $0x0;
	s5 =	sld [smem:$0x3FAD]  }
0x2b: {  	s6 =	sld [smem:$0x3FAE]  }
0x2c: {  	s7 =	sld [smem:$0x3FAF]  }
0x2d: {  	s3 =	simm.s32 $0x108;
	s8 =	sld [smem:$0x3FB0]  }
0x2e: {  	s3 =	simm.s32 @!p0 $0x1082;
	s9 =	sld [smem:$0x3FB1]  }
0x2f: {  	lr =	sadd.s32 s0, s3;
	s0 =	sld [smem:$0x3FA8]  }
0x30: {  	s3 =	sld [smem:$0x3FAB]  }
0x31: {  	[smem:$0x3FB4] =	sst s10  }
0x32: {  	s10 =	sld [smem:$0x3FB2];
	_ =	sdelay $0x3  }
0x33: {  	p0 =	seq.s32 s10, $0x1;
	s10 =	sld [smem:$0x3FB4];
	_ =	sdelay $0x3  }
0x34: {  	[smem:$0x3FB4] =	sst s10  }
0x35: {  	s10 =	sld [smem:$0x3FB3];
	_ =	sdelay $0x3  }
0x36: {  	p1 =	seq.s32 s10, $0x1;
	s10 =	sld [smem:$0x3FB4];
	_ =	sdelay $0x3  }
0x37: {  	[smem:$0x3FB4] =	sst s10  }
0x38: {  	s10 =	sld [smem:$0x3FB5]  }
0x39: {  	_ = 	snop;
	(pc) =	sbr.ind lr, $3  }
0x3a: {  	_ = 	snop  }
0x3b: {  	_ = 	snop  }
0x3c: {  	p2 =	seq.s32 s10, $0x1;
	s10 =	sld [smem:$0x3FB4]  }
0x3d: {  	_ =	shalt  }
0x3e: {  	_ =	shalt  }
0x3f: {  	_ =	shalt  }
0x40: {  	_ =	shalt  }
0x41: {  	_ =	shalt  }
0x42: {  	_ =	shalt  }
0x43: {  	_ =	shalt  }
0x44: {  	_ =	shalt  }
0x45: {  	_ =	shalt  }
0x46: {  	_ =	shalt  }
0x47: {  	_ =	shalt  }
0x48: {  	_ =	shalt  }
0x49: {  	_ =	shalt  }
0x4a: {  	_ =	shalt  }
0x4b: {  	_ =	shalt  }
0x4c: {  	_ =	shalt  }
0x4d: {  	_ =	shalt  }
0x4e: {  	_ =	shalt  }
0x4f: {  	_ =	shalt  }
0x50: {  	_ =	shalt  }
0x51: {  	_ =	shalt  }
0x52: {  	_ =	shalt  }
0x53: {  	_ =	shalt  }
0x54: {  	_ =	shalt  }
0x55: {  	_ =	shalt  }
0x56: {  	_ =	shalt  }
0x57: {  	_ =	shalt  }
0x58: {  	_ =	shalt  }
0x59: {  	_ =	shalt  }
0x5a: {  	_ =	shalt  }
0x5b: {  	_ =	shalt  }
0x5c: {  	_ =	shalt  }
0x5d: {  	_ =	shalt  }
0x5e: {  	_ =	shalt  }
0x5f: {  	_ =	shalt  }
0x60: {  	_ =	shalt  }
0x61: {  	_ =	shalt  }
0x62: {  	_ =	shalt  }
0x63: {  	_ =	shalt  }
0x64: {  	_ =	shalt  }
0x65: {  	_ =	shalt  }
0x66: {  	_ =	shalt  }
0x67: {  	_ =	shalt  }
0x68: {  	_ =	shalt  }
0x69: {  	_ =	shalt  }
0x6a: {  	_ =	shalt  }
0x6b: {  	_ =	shalt  }
0x6c: {  	_ =	shalt  }
0x6d: {  	_ =	shalt  }
0x6e: {  	_ =	shalt  }
0x6f: {  	_ =	shalt  }
0x70: {  	_ =	shalt  }
0x71: {  	_ =	shalt  }
0x72: {  	_ =	shalt  }
0x73: {  	_ =	shalt  }
0x74: {  	_ =	shalt  }
0x75: {  	_ =	shalt  }
0x76: {  	_ =	shalt  }
0x77: {  	_ =	shalt  }
0x78: {  	_ =	shalt  }
0x79: {  	_ =	shalt  }
0x7a: {  	_ =	shalt  }
0x7b: {  	_ =	shalt  }
0x7c: {  	_ =	shalt  }
0x7d: {  	_ =	shalt  }
0x7e: {  	_ =	shalt  }
0x7f: {  	_ =	shalt  }
0x80: {  	_ =	shalt  }
0x81: {  	_ =	shalt  }
0x82: {  	_ =	shalt  }
0x83: {  	_ =	shalt  }
0x84: {  	_ =	shalt  }
0x85: {  	_ =	shalt  }
0x86: {  	_ =	shalt  }
0x87: {  	_ =	shalt  }
.Lfunc_end0:
.L_simem_size_0:
called_computation.3_lowered:
.L_overlay_start_0:
0x88: {  	s2 =	sld [smem:$0x3FD9]  }
0x89: {  	s3 =	sld [smem:$0x3FFE];
	_ =	sdelay $0x1  }
0x8a: {  	s1 =	srdreg.scid  }
0x8b: {  	s0 =	sand.u32 $0x1, s1  }
0x8c: {  	s16 =	sshll.u32 s0, $0xA;
	s2 =	sadd.s32 s3, s2  }
0x8d: {  	s2 =	sadd.s32 s2, s16  }
0x8e: {  	[smem:$0x3FC0] =	sst s2  }
0x8f: {  	_ = 	snop  }
0x90: {  	(tm) =	ssettm $0x1  }
0x91: {  	s17 =	sld [smem:$0x3FFB];
	_ =	sdelay $0x3  }
0x92: {  	_ =	strace s17  }
0x93: {  	s2 =	sld [smem:$0x3FFC];
	_ =	sdelay $0x3  }
0x94: {  	_ =	strace s2  }
0x95: {  	s2 =	sld [smem:$0x3FFD];
	_ =	sdelay $0x3  }
0x96: {  	_ =	strace s2  }
0x97: {  	_ =	strace $0x8FFFFFFF  }
0x98: {  	s18 =	sld [smem:$0x3FDB];
	_ =	sdelay $0x1  }
0x99: {  	s19 =	simm.s32 $_scs_section_size  }
0x9a: {  	s4 =	simm.s32 $_size__tile_overlayer_lowered;
	s5 =	simm.s32 $_tile_overlayer_lowered  }
0x9b: {  	s22 =	simm.s32 $0x1BFF;
	s21 =	sshll.u32 s5, $0x1;
	s2 =	sadd.s32 s19, s18  }
0x9c: {  	s6 =	simm.s32 $0x0;
	s20 =	sshll.u32 s4, $0x1;
	s4 =	sadd.s32 s21, s2  }
0x9d: {  	[timem:s6], [sflag:s22] =	dma.local [hbm:s4], s20  }
0x9e: {  	_ =	swait.ge [sflag:s22], s20  }
0x9f: {  	s3 =	ssub.s32 $0x0, s20;
	[sflag:s22] =	ssyncset.done $0x0  }
0xa0: {  	[sflag:s22] =	ssyncadd.s32 s3;
	_ =	sdelay $0x1  }
0xa1: {  	s23 =	simm.s32 $0x1B8B  }
0xa2: {  	_ =	swait.ge [sflag:s23], $0x1  }
0xa3: {  	[sflag:s23] =	ssyncset.done $0x0  }
0xa4: {  	s25 =	simm.s32 $0x1B8E;
	s24 =	sld [smem:$0x3FFE];
	[sflag:s23] =	ssyncadd.s32 $0xFFFFFFFF  }
0xa5: {  	s26 =	simm.s32 $execute0_lowered;
	[smem:$0x3FD2] =	sst s25  }
0xa6: {  	s4 =	sshll.u32 s26, $0x1;
	_ =	strace $0x8000004F;
	[dreg:$0x1] =	wrdreg $0xFFFFFFFF  }
0xa7: {  	s28 =	simm.s32 $_size_execute0_lowered;
	s2 =	sadd.s32 s2, s4;
	[dreg:$0x0] =	wrdreg $0x0  }
0xa8: {  	s4 =	sshll.u32 s28, $0x1;
	[dreg:$0x2] =	wrdreg s2  }
0xa9: {  	[dreg:$0x3] =	wrdreg s4  }
0xaa: {  	[dreg:$0x4] =	wrdreg $0xC0  }
0xab: {  	_ =	task [dreg:s6], $0x5FFFF  }
0xac: {  	[dreg:$0x1] =	wrdreg $0xFFFFFFFF  }
0xad: {  	[dreg:$0x0] =	wrdreg $0x60  }
0xae: {  	[dreg:$0x2] =	wrdreg s24  }
0xaf: {  	[dreg:$0x3] =	wrdreg $0x50000  }
0xb0: {  	[dreg:$0x4] =	wrdreg $0x9  }
0xb1: {  	_ =	task.clear_ibuf [dreg:s6], $0x5FFFF;
	_ =	strace $0x9000004F  }
0xb2: {  	s29 =	simm.s32 $0x9;
	_ =	strace $0x80000051  }
0xb3: {  	_ =	swait.ge [sflag:s29], $0x1  }
0xb4: {  	[sflag:s29] =	ssyncadd.s32 $0xFFFFFFFF  }
0xb5: {  	_ =	strace $0x90000051  }
0xb6: {  	_ =	sfence  }
0xb7: {  	s30 =	sld [smem:$0x0];
	_ =	sdelay $0x2  }
0xb8: {  	s31 =	sshll.u32 s1, $0xD;
	s1 =	sshrl.u32 s1, $0x2  }
0xb9: {  	s3 =	sand.u32 $0x4000, s31;
	s1 =	sadd.s32 s1, s30  }
0xba: {  	s0 =	sor.u32 s3, s0;
	s1 =	sshll.u32 s1, $0x11  }
0xbb: {  	s0 =	sor.u32 s1, s0  }
0xbc: {  	s0 =	sadd.s32 $0x8F2B, s0  }
0xbd: {  	[sflag:s0] =	ssyncadd.remote.s32 $0x1  }
0xbe: {  	_ =	sfence.sel $0xFFFF  }
0xbf: {  	[dreg:$0x0] =	wrdreg $0xFFFFFFFF;
	(pc) =	sbr.abs _section_cstart, $3  }
0xc0: {  	[dreg:$0x1] =	wrdreg $0xFFFFFFFF  }
0xc1: {  	_ =	task.clear_ibuf [dreg:s6], $0x2FFFF;
	_ =	strace $0x9FFFFFFF  }
0xc2: {  	(tm) =	ssettm $0x7FFFFFFF  }
0xc3: {  	_ =	shalt  }
tec
execute0_lowered:
.L_overlay_start_1:
0x0: {  	(tag) =	ssettag $0x1  }
0x1: {  	s0 =	rddreg [dreg:$0x0]  }
0x2: {  	s1 =	rddreg [dreg:$0x1];
	s3 =	simm.s32 $0x0;
	s13 =	stileid.u32  }
0x3: {  	s6 =	srdreg.scid;
	s28 =	simm.s32 $0xC00;
	s29 =	simm.s32 $0x4400  }
0x4: {  	s31 =	simm.s32 $0x4800;
	s30 =	simm.s32 $0x2C00;
	[smem:$0x7FF] =	sst s3  }
0x5: {  	s4 =	sadd.s32 $0x2600, s0;
	s2 =	sadd.s32 $0x18A600, s0;
	s5 =	smul.u32 $0x1880, s13  }
0x6: {  	s7 =	sadd.s32 $0xC5C00, s0;
	s6 =	sand.u32 $0x1, s6;
	s8 =	smul.u32 $0x31000, s13  }
0x7: {  	s9 =	sadd.s32 $0x1AE00, s0;
	s12 =	smul.u32 $0x620, s13;
	s16 =	sshll.u32 s13, $0x6  }
0x8: {  	s17 =	sadd.s32 $0x24E600, s0;
	_ =	strace $0x80000050;
	[dreg:$0x15] =	wrdreg s9  }
0x9: {  	s14 =	ssub.s32 $0x2, s6;
	s10 =	smul.u32 $0x6200, s6;
	s15 =	sshll.u32 s6, $0x4  }
0xa: {  	s19 =	sor.u32 $0x1C05, s16;
	[dreg:$0x17] =	wrdreg s17;
	s6 =	smul.u32 $0x18800, s6  }
0xb: {  	s16 =	simm.s32 $0x800;
	s17 =	simm.s32 $0x80;
	s5 =	sadd.s32 s5, s0  }
0xc: {  	s11 =	sshrl.u32 s14, $0x1;
	s0 =	sadd.s32 $0x189C00, s0;
	[dreg:$0x16] =	wrdreg s19  }
0xd: {  	[dreg:$0x18] =	wrdreg s0;
	s26 =	sadd.s32 s6, s5;
	s5 =	simm.s32 $0x480  }
0xe: {  	s9 =	ssub.s32 s14, s11;
	s6 =	simm.s32 $0x500;
	[dreg:$0x7] =	wrdreg s5  }
0xf: {  	s10 =	sadd.s32 s12, s10;
	s12 =	simm.s32 $0x700;
	[dreg:$0x8] =	wrdreg s6  }
0x10: {  	s11 =	sor.u32 s13, s15;
	s13 =	simm.s32 $0x780;
	[dreg:$0xc] =	wrdreg s12  }
0x11: {  	s15 =	simm.s32 $0x880;
	s11 =	smul.u32 $0x6200, s11;
	[dreg:$0xd] =	wrdreg s13  }
0x12: {  	s10 =	sshll.u32 s10, $0x4;
	[dreg:$0xe] =	wrdreg s15;
	s15 =	simm.s32 $0x0  }
0x13: {  	s18 =	sor.u32 $0x80, s10;
	[dreg:$0x1e] =	wrdreg s15;
	s20 =	sadd.s32 s2, s11  }
0x14: {  	s8 =	sshrl.u32 s8, $0x2;
	s21 =	sadd.s32 s18, s2;
	[dreg:$0x19] =	wrdreg s20  }
0x15: {  	s8 =	sadd.s32 s8, s1;
	s22 =	sadd.s32 s18, s7;
	[dreg:$0x3] =	wrdreg s21  }
0x16: {  	s10 =	sor.u32 $0x100, s10;
	s24 =	sadd.s32 s7, s11;
	[dreg:$0x4] =	wrdreg s22  }
0x17: {  	s14 =	simm.s32 $0x5;
	s23 =	sadd.s32 s10, s2;
	[dreg:$0x1a] =	wrdreg s24  }
0x18: {  	s0 =	simm.s32 $0x1;
	s25 =	sadd.s32 s10, s7;
	[dreg:$0x5] =	wrdreg s23  }
0x19: {  	s5 =	simm.s32 $0x400;
	s2 =	sadd.s32 $0x1C800, s26;
	[dreg:$0x6] =	wrdreg s25  }
0x1a: {  	s12 =	simm.s32 $0x1C00;
	s7 =	smax.u32 s9, $0x1;
	[dreg:$0x1b] =	wrdreg s2  }
0x1b: {  	s13 =	simm.s32 $0x2000;
	s9 =	simm.s32 $0x580;
	[dreg:$0x1c] =	wrdreg s7  }
0x1c: {  	s6 =	simm.s32 $0x2;
	s10 =	simm.s32 $0x600;
	[dreg:$0x9] =	wrdreg s9  }
0x1d: {  	s11 =	simm.s32 $0x680;
	s18 =	simm.s32 $0x3000;
	[dreg:$0xa] =	wrdreg s10  }
0x1e: {  	s26 =	simm.s32 $0xB80;
	s23 =	sshrl.u32 s8, $0x3;
	[dreg:$0xb] =	wrdreg s11  }
0x1f: {  	s20 =	simm.s32 $0x900;
	s21 =	simm.s32 $0x980;
	s22 =	simm.s32 $0xA00  }
0x20: {  	s24 =	simm.s32 $0xA80;
	s25 =	simm.s32 $0xB00;
	[dreg:$0x14] =	wrdreg s26  }
0x21: {  	s26 =	simm.s32 $0x4000;
	s2 =	simm.s32 $0x4C00;
	[dreg:$0xf] =	wrdreg s20  }
0x22: {  	s7 =	simm.s32 $0x1000;
	s8 =	simm.s32 $0x1400;
	[dreg:$0x10] =	wrdreg s21  }
0x23: {  	s10 =	simm.s32 $0x1800;
	s9 =	simm.s32 $0x4;
	[dreg:$0x11] =	wrdreg s22  }
0x24: {  	s11 =	simm.s32 $0x3;
	s20 =	simm.s32 $0x3400;
	[dreg:$0x12] =	wrdreg s24  }
0x25: {  	s22 =	simm.s32 $0x3800;
	[dreg:$0x13] =	wrdreg s25;
	s24 =	simm.s32 $0x3C00  }
0x26: {  	s21 =	simm.s32 $0x2400;
	s25 =	simm.s32 $0x2800;
	[dreg:$0x1d] =	wrdreg s23  }
.LBB2_1:
0x27: {  	s15 =	rddreg [dreg:$0x15]  }
0x28: {  	[spmem:s23], [sflag:s19] =	dma.local [hbm:s15], $0x1880  }
0x29: {  	_ =	swait.ge [sflag:s14], $0x1880  }
0x2a: {  	[sflag:s14] =	ssyncset.done $0x0  }
0x2b: {  	[sflag:s14] =	ssyncadd.s32 $0xFFFFE780  }
0x2c: {  	[bflag:$0x0] =	sbarrier.arrive $0xFFFF  }
0x2d: {  	s19 =	rddreg [dreg:$0x17]  }
0x2e: {  	[tilespmem:s16], [sflag:$0x5] =	stream.linear.gather [hbm4b:s19+s3], $0x400, $0x38;
	[tilespmem:$0x11400] =	vst v63  }
0x2f: {  	_ =	swait.ge [sflag:s14], $0x400  }
0x30: {  	[sflag:s14] =	ssyncset.done $0x0  }
0x31: {  	s23 =	rddreg [dreg:$0x18];
	[sflag:s14] =	ssyncadd.s32 $0xFFFFFC00  }
0x32: {  	[tilespmem:s28], [sflag:$0x5] =	stream.linear.gather [hbm4b:s23+s3], $0x400, $0x38;
	[tilespmem:$0x11400] =	vst v63  }
0x33: {  	_ =	swait.ge [sflag:s14], $0x400  }
0x34: {  	[sflag:s14] =	ssyncset.done $0x0  }
0x35: {  	[sflag:s14] =	ssyncadd.s32 $0xFFFFFC00  }
0x36: {  	[spmem:s1] =	stream.indirect.scatter.add.f32 [tilespmem:s18], [sflag:$0x4], $0x8, s28, s17, $0xb8;
	[tilespmem:$0x11400] =	vst v63  }
0x37: {  	s19 =	simm.s32 $0xC80  }
0x38: {  	[spmem:s1] =	stream.indirect.scatter.add.f32 [tilespmem:s20], [sflag:$0x4], $0x8, s19, s17, $0xb8;
	[tilespmem:$0x11400] =	vst v63  }
0x39: {  	s23 =	simm.s32 $0xD00  }
0x3a: {  	[spmem:s1] =	stream.indirect.scatter.add.f32 [tilespmem:s22], [sflag:$0x4], $0x8, s23, s17, $0xb8;
	[tilespmem:$0x11400] =	vst v63  }
0x3b: {  	s19 =	simm.s32 $0xD80  }
0x3c: {  	[spmem:s1] =	stream.indirect.scatter.add.f32 [tilespmem:s24], [sflag:$0x4], $0x8, s19, s17, $0xb8;
	[tilespmem:$0x11400] =	vst v63  }
0x3d: {  	s23 =	simm.s32 $0xE00  }
0x3e: {  	[spmem:s1] =	stream.indirect.scatter.add.f32 [tilespmem:s26], [sflag:$0x4], $0x8, s23, s17, $0xb8;
	[tilespmem:$0x11400] =	vst v63  }
0x3f: {  	s19 =	simm.s32 $0xE80  }
0x40: {  	[spmem:s1] =	stream.indirect.scatter.add.f32 [tilespmem:s29], [sflag:$0x4], $0x8, s19, s17, $0xb8;
	[tilespmem:$0x11400] =	vst v63  }
0x41: {  	s23 =	simm.s32 $0xF00  }
0x42: {  	[spmem:s1] =	stream.indirect.scatter.add.f32 [tilespmem:s31], [sflag:$0x4], $0x8, s23, s17, $0xb8;
	[tilespmem:$0x11400] =	vst v63  }
0x43: {  	s19 =	simm.s32 $0xF80  }
0x44: {  	[spmem:s1] =	stream.indirect.scatter.add.f32 [tilespmem:s2], [sflag:$0x4], $0x8, s19, s17, $0xb8;
	[tilespmem:$0x11400] =	vst v63  }
0x45: {  	s23 =	rddreg [dreg:$0x19]  }
0x46: {  	[tilespmem:s3], [sflag:$0x5] =	stream.linear.gather [hbm4b:s23+s3], $0x400, $0x38;
	[tilespmem:$0x11400] =	vst v63  }
0x47: {  	_ =	swait.ge [sflag:s14], $0x400  }
0x48: {  	[sflag:s14] =	ssyncset.done $0x0  }
0x49: {  	s19 =	rddreg [dreg:$0x1a];
	[sflag:s14] =	ssyncadd.s32 $0xFFFFFC00  }
0x4a: {  	[tilespmem:s5], [sflag:$0x5] =	stream.linear.gather [hbm4b:s19+s3], $0x400, $0x38;
	[tilespmem:$0x11400] =	vst v63  }
0x4b: {  	_ =	swait.ge [sflag:s14], $0x400  }
0x4c: {  	[sflag:s14] =	ssyncset.done $0x0  }
0x4d: {  	[sflag:s14] =	ssyncadd.s32 $0xFFFFFC00  }
0x4e: {  	[tilespmem:s7], [sflag:$0x1] =	stream.indirect.gather [hbm4b:s4+s17], $0x8, s3, s17, $0xb8;
	[tilespmem:$0x11400] =	vst v63  }
0x4f: {  	_ = 	snop  }
0x50: {  	[tilespmem:s8], [sflag:$0x1] =	stream.indirect.gather [hbm4b:s4+s17], $0x8, s17, s17, $0xb8;
	[tilespmem:$0x11400] =	vst v63  }
0x51: {  	s15 =	simm.s32 $0x100  }
0x52: {  	[tilespmem:s10], [sflag:$0x1] =	stream.indirect.gather [hbm4b:s4+s17], $0x8, s15, s17, $0xb8;
	[tilespmem:$0x11400] =	vst v63  }
0x53: {  	s23 =	simm.s32 $0x180  }
0x54: {  	[tilespmem:s12], [sflag:$0x1] =	stream.indirect.gather [hbm4b:s4+s17], $0x8, s23, s17, $0xb8;
	[tilespmem:$0x11400] =	vst v63  }
0x55: {  	s23 =	simm.s32 $0x200  }
0x56: {  	[tilespmem:s13], [sflag:$0x1] =	stream.indirect.gather [hbm4b:s4+s17], $0x8, s23, s17, $0xb8;
	[tilespmem:$0x11400] =	vst v63  }
0x57: {  	s23 =	simm.s32 $0x280  }
0x58: {  	[tilespmem:s21], [sflag:$0x1] =	stream.indirect.gather [hbm4b:s4+s17], $0x8, s23, s17, $0xb8;
	[tilespmem:$0x11400] =	vst v63  }
0x59: {  	s23 =	simm.s32 $0x300  }
0x5a: {  	[tilespmem:s25], [sflag:$0x1] =	stream.indirect.gather [hbm4b:s4+s17], $0x8, s23, s17, $0xb8;
	[tilespmem:$0x11400] =	vst v63  }
0x5b: {  	s23 =	simm.s32 $0x380  }
0x5c: {  	[tilespmem:s30], [sflag:$0x1] =	stream.indirect.gather [hbm4b:s4+s17], $0x8, s23, s17, $0xb8;
	[tilespmem:$0x11400] =	vst v63  }
0x5d: {  	_ =	swait.ge [sflag:s0], $0x2000  }
0x5e: {  	[sflag:s0] =	ssyncset.done $0x0  }
0x5f: {  	[sflag:s0] =	ssyncadd.s32 $0xFFFFE000  }
0x60: {  	[spmem:s1] =	stream.indirect.scatter.add.f32 [tilespmem:s7], [sflag:$0x3], $0x8, s5, s17, $0xb8;
	[tilespmem:$0x11400] =	vst v63  }
0x61: {  	s19 =	rddreg [dreg:$0x7]  }
0x62: {  	[spmem:s1] =	stream.indirect.scatter.add.f32 [tilespmem:s8], [sflag:$0x3], $0x8, s19, s17, $0xb8;
	[tilespmem:$0x11400] =	vst v63  }
0x63: {  	s23 =	rddreg [dreg:$0x8]  }
0x64: {  	[spmem:s1] =	stream.indirect.scatter.add.f32 [tilespmem:s10], [sflag:$0x3], $0x8, s23, s17, $0xb8;
	[tilespmem:$0x11400] =	vst v63  }
0x65: {  	s19 =	rddreg [dreg:$0x9]  }
0x66: {  	[spmem:s1] =	stream.indirect.scatter.add.f32 [tilespmem:s12], [sflag:$0x3], $0x8, s19, s17, $0xb8;
	[tilespmem:$0x11400] =	vst v63  }
0x67: {  	s23 =	rddreg [dreg:$0xa]  }
0x68: {  	[spmem:s1] =	stream.indirect.scatter.add.f32 [tilespmem:s13], [sflag:$0x3], $0x8, s23, s17, $0xb8;
	[tilespmem:$0x11400] =	vst v63  }
0x69: {  	s19 =	rddreg [dreg:$0xb]  }
0x6a: {  	[spmem:s1] =	stream.indirect.scatter.add.f32 [tilespmem:s21], [sflag:$0x3], $0x8, s19, s17, $0xb8;
	[tilespmem:$0x11400] =	vst v63  }
0x6b: {  	s23 =	rddreg [dreg:$0xc]  }
0x6c: {  	[spmem:s1] =	stream.indirect.scatter.add.f32 [tilespmem:s25], [sflag:$0x3], $0x8, s23, s17, $0xb8;
	[tilespmem:$0x11400] =	vst v63  }
0x6d: {  	s19 =	rddreg [dreg:$0xd]  }
0x6e: {  	[spmem:s1] =	stream.indirect.scatter.add.f32 [tilespmem:s30], [sflag:$0x3], $0x8, s19, s17, $0xb8;
	[tilespmem:$0x11400] =	vst v63  }
0x6f: {  	_ =	swait.ge [sflag:s9], $0x2000  }
0x70: {  	s23 =	rddreg [dreg:$0x3];
	[sflag:s9] =	ssyncset.done $0x0  }
0x71: {  	[sflag:s9] =	ssyncadd.s32 $0xFFFFE000;
	s19 =	sadd.s32 $0x0, s23  }
0x72: {  	[tilespmem:s16], [sflag:$0x5] =	stream.linear.gather [hbm4b:s19+s3], $0x400, $0x38;
	[tilespmem:$0x11400] =	vst v63  }
0x73: {  	_ =	swait.ge [sflag:s14], $0x400  }
0x74: {  	s23 =	rddreg [dreg:$0x4];
	[sflag:s14] =	ssyncset.done $0x0  }
0x75: {  	[sflag:s14] =	ssyncadd.s32 $0xFFFFFC00;
	s19 =	sadd.s32 $0x0, s23  }
0x76: {  	[tilespmem:s28], [sflag:$0x5] =	stream.linear.gather [hbm4b:s19+s3], $0x400, $0x38;
	[tilespmem:$0x11400] =	vst v63  }
0x77: {  	_ =	swait.ge [sflag:s14], $0x400  }
0x78: {  	[sflag:s14] =	ssyncset.done $0x0  }
0x79: {  	[sflag:s14] =	ssyncadd.s32 $0xFFFFFC00  }
0x7a: {  	[tilespmem:s18], [sflag:$0x2] =	stream.indirect.gather [hbm4b:s4+s17], $0x8, s16, s17, $0xb8;
	[tilespmem:$0x11400] =	vst v63  }
0x7b: {  	s19 =	rddreg [dreg:$0xe]  }
0x7c: {  	[tilespmem:s20], [sflag:$0x2] =	stream.indirect.gather [hbm4b:s4+s17], $0x8, s19, s17, $0xb8;
	[tilespmem:$0x11400] =	vst v63  }
0x7d: {  	s23 =	rddreg [dreg:$0xf]  }
0x7e: {  	[tilespmem:s22], [sflag:$0x2] =	stream.indirect.gather [hbm4b:s4+s17], $0x8, s23, s17, $0xb8;
	[tilespmem:$0x11400] =	vst v63  }
0x7f: {  	s16 =	rddreg [dreg:$0x10]  }
0x80: {  	[tilespmem:s24], [sflag:$0x2] =	stream.indirect.gather [hbm4b:s4+s17], $0x8, s16, s17, $0xb8;
	[tilespmem:$0x11400] =	vst v63  }
0x81: {  	s23 =	rddreg [dreg:$0x11]  }
0x82: {  	[tilespmem:s26], [sflag:$0x2] =	stream.indirect.gather [hbm4b:s4+s17], $0x8, s23, s17, $0xb8;
	[tilespmem:$0x11400] =	vst v63  }
0x83: {  	s16 =	rddreg [dreg:$0x12]  }
0x84: {  	[tilespmem:s29], [sflag:$0x2] =	stream.indirect.gather [hbm4b:s4+s17], $0x8, s16, s17, $0xb8;
	[tilespmem:$0x11400] =	vst v63  }
0x85: {  	s23 =	rddreg [dreg:$0x13]  }
0x86: {  	[tilespmem:s31], [sflag:$0x2] =	stream.indirect.gather [hbm4b:s4+s17], $0x8, s23, s17, $0xb8;
	[tilespmem:$0x11400] =	vst v63  }
0x87: {  	s16 =	rddreg [dreg:$0x14]  }
0x88: {  	[tilespmem:s2], [sflag:$0x2] =	stream.indirect.gather [hbm4b:s4+s17], $0x8, s16, s17, $0xb8;
	[tilespmem:$0x11400] =	vst v63  }
0x89: {  	_ =	swait.ge [sflag:s11], $0x400  }
0x8a: {  	[sflag:s11] =	ssyncset.done $0x0  }
0x8b: {  	[sflag:s11] =	ssyncadd.s32 $0xFFFFFC00  }
0x8c: {  	_ =	swait.ge [sflag:s11], $0x400  }
0x8d: {  	[sflag:s11] =	ssyncset.done $0x0  }
0x8e: {  	[sflag:s11] =	ssyncadd.s32 $0xFFFFFC00  }
0x8f: {  	_ =	swait.ge [sflag:s11], $0x400  }
0x90: {  	[sflag:s11] =	ssyncset.done $0x0  }
0x91: {  	[sflag:s11] =	ssyncadd.s32 $0xFFFFFC00  }
0x92: {  	_ =	swait.ge [sflag:s11], $0x400  }
0x93: {  	[sflag:s11] =	ssyncset.done $0x0  }
0x94: {  	[sflag:s11] =	ssyncadd.s32 $0xFFFFFC00  }
0x95: {  	_ =	swait.ge [sflag:s11], $0x400  }
0x96: {  	[sflag:s11] =	ssyncset.done $0x0  }
0x97: {  	[sflag:s11] =	ssyncadd.s32 $0xFFFFFC00  }
0x98: {  	_ =	swait.ge [sflag:s11], $0x400  }
0x99: {  	[sflag:s11] =	ssyncset.done $0x0  }
0x9a: {  	[sflag:s11] =	ssyncadd.s32 $0xFFFFFC00  }
0x9b: {  	_ =	swait.ge [sflag:s11], $0x400  }
0x9c: {  	[sflag:s11] =	ssyncset.done $0x0  }
0x9d: {  	[sflag:s11] =	ssyncadd.s32 $0xFFFFFC00  }
0x9e: {  	_ =	swait.ge [sflag:s11], $0x400  }
0x9f: {  	s23 =	rddreg [dreg:$0x5];
	[sflag:s11] =	ssyncset.done $0x0  }
0xa0: {  	[sflag:s11] =	ssyncadd.s32 $0xFFFFFC00;
	s19 =	sadd.s32 $0x0, s23  }
0xa1: {  	[tilespmem:s3], [sflag:$0x5] =	stream.linear.gather [hbm4b:s19+s3], $0x400, $0x38;
	[tilespmem:$0x11400] =	vst v63  }
0xa2: {  	_ =	swait.ge [sflag:s14], $0x400  }
0xa3: {  	s16 =	rddreg [dreg:$0x6];
	[sflag:s14] =	ssyncset.done $0x0  }
0xa4: {  	[sflag:s14] =	ssyncadd.s32 $0xFFFFFC00;
	s19 =	sadd.s32 $0x0, s16  }
0xa5: {  	[tilespmem:s5], [sflag:$0x5] =	stream.linear.gather [hbm4b:s19+s3], $0x400, $0x38;
	[tilespmem:$0x11400] =	vst v63  }
0xa6: {  	_ =	swait.ge [sflag:s14], $0x400  }
0xa7: {  	[sflag:s14] =	ssyncset.done $0x0  }
0xa8: {  	[sflag:s14] =	ssyncadd.s32 $0xFFFFFC00  }
0xa9: {  	[tilespmem:s7], [sflag:$0x1] =	stream.indirect.gather [hbm4b:s4+s17], $0x8, s3, s17, $0xb8;
	[tilespmem:$0x11400] =	vst v63  }
0xaa: {  	_ = 	snop  }
0xab: {  	[tilespmem:s8], [sflag:$0x1] =	stream.indirect.gather [hbm4b:s4+s17], $0x8, s17, s17, $0xb8;
	[tilespmem:$0x11400] =	vst v63  }
0xac: {  	_ = 	snop  }
0xad: {  	[tilespmem:s10], [sflag:$0x1] =	stream.indirect.gather [hbm4b:s4+s17], $0x8, s15, s17, $0xb8;
	[tilespmem:$0x11400] =	vst v63  }
0xae: {  	s19 =	simm.s32 $0x180  }
0xaf: {  	[tilespmem:s12], [sflag:$0x1] =	stream.indirect.gather [hbm4b:s4+s17], $0x8, s19, s17, $0xb8;
	[tilespmem:$0x11400] =	vst v63  }
0xb0: {  	s23 =	simm.s32 $0x200  }
0xb1: {  	[tilespmem:s13], [sflag:$0x1] =	stream.indirect.gather [hbm4b:s4+s17], $0x8, s23, s17, $0xb8;
	[tilespmem:$0x11400] =	vst v63  }
0xb2: {  	s16 =	simm.s32 $0x280  }
0xb3: {  	[tilespmem:s21], [sflag:$0x1] =	stream.indirect.gather [hbm4b:s4+s17], $0x8, s16, s17, $0xb8;
	[tilespmem:$0x11400] =	vst v63  }
0xb4: {  	s19 =	simm.s32 $0x300  }
0xb5: {  	[tilespmem:s25], [sflag:$0x1] =	stream.indirect.gather [hbm4b:s4+s17], $0x8, s19, s17, $0xb8;
	[tilespmem:$0x11400] =	vst v63  }
0xb6: {  	s23 =	simm.s32 $0x380  }
0xb7: {  	[tilespmem:s30], [sflag:$0x1] =	stream.indirect.gather [hbm4b:s4+s17], $0x8, s23, s17, $0xb8;
	[tilespmem:$0x11400] =	vst v63  }
0xb8: {  	_ =	swait.ge [sflag:s6], $0x2000  }
0xb9: {  	[sflag:s6] =	ssyncset.done $0x0  }
0xba: {  	[sflag:s6] =	ssyncadd.s32 $0xFFFFE000  }
0xbb: {  	[spmem:s1] =	stream.indirect.scatter.add.f32 [tilespmem:s18], [sflag:$0x4], $0x8, s28, s17, $0xb8;
	[tilespmem:$0x11400] =	vst v63  }
0xbc: {  	s28 =	simm.s32 $0xC80  }
0xbd: {  	[spmem:s1] =	stream.indirect.scatter.add.f32 [tilespmem:s20], [sflag:$0x4], $0x8, s28, s17, $0xb8;
	[tilespmem:$0x11400] =	vst v63  }
0xbe: {  	s16 =	simm.s32 $0xD00  }
0xbf: {  	[spmem:s1] =	stream.indirect.scatter.add.f32 [tilespmem:s22], [sflag:$0x4], $0x8, s16, s17, $0xb8;
	[tilespmem:$0x11400] =	vst v63  }
0xc0: {  	s18 =	simm.s32 $0xD80  }
0xc1: {  	[spmem:s1] =	stream.indirect.scatter.add.f32 [tilespmem:s24], [sflag:$0x4], $0x8, s18, s17, $0xb8;
	[tilespmem:$0x11400] =	vst v63  }
0xc2: {  	s19 =	simm.s32 $0xE00  }
0xc3: {  	[spmem:s1] =	stream.indirect.scatter.add.f32 [tilespmem:s26], [sflag:$0x4], $0x8, s19, s17, $0xb8;
	[tilespmem:$0x11400] =	vst v63  }
0xc4: {  	s23 =	simm.s32 $0xE80  }
0xc5: {  	[spmem:s1] =	stream.indirect.scatter.add.f32 [tilespmem:s29], [sflag:$0x4], $0x8, s23, s17, $0xb8;
	[tilespmem:$0x11400] =	vst v63  }
0xc6: {  	s28 =	simm.s32 $0xF00;
	s16 =	simm.s32 $0x800;
	s19 =	simm.s32 $0x100  }
0xc7: {  	[spmem:s1] =	stream.indirect.scatter.add.f32 [tilespmem:s31], [sflag:$0x4], $0x8, s28, s17, $0xb8;
	[tilespmem:$0x11400] =	vst v63  }
.LBB2_2:
0xc8: {  	s15 =	simm.s32 $0xF80  }
0xc9: {  	[spmem:s1] =	stream.indirect.scatter.add.f32 [tilespmem:s2], [sflag:$0x4], $0x8, s15, s17, $0xb8;
	[tilespmem:$0x11400] =	vst v63  }
0xca: {  	_ =	swait.ge [sflag:s0], $0x2000  }
0xcb: {  	[sflag:s0] =	ssyncset.done $0x0  }
0xcc: {  	[sflag:s0] =	ssyncadd.s32 $0xFFFFE000  }
0xcd: {  	[spmem:s1] =	stream.indirect.scatter.add.f32 [tilespmem:s7], [sflag:$0x3], $0x8, s5, s17, $0xb8;
	[tilespmem:$0x11400] =	vst v63  }
0xce: {  	s28 =	rddreg [dreg:$0x7]  }
0xcf: {  	[spmem:s1] =	stream.indirect.scatter.add.f32 [tilespmem:s8], [sflag:$0x3], $0x8, s28, s17, $0xb8;
	[tilespmem:$0x11400] =	vst v63  }
0xd0: {  	s15 =	rddreg [dreg:$0x8]  }
0xd1: {  	[spmem:s1] =	stream.indirect.scatter.add.f32 [tilespmem:s10], [sflag:$0x3], $0x8, s15, s17, $0xb8;
	[tilespmem:$0x11400] =	vst v63  }
0xd2: {  	s28 =	rddreg [dreg:$0x9]  }
0xd3: {  	[spmem:s1] =	stream.indirect.scatter.add.f32 [tilespmem:s12], [sflag:$0x3], $0x8, s28, s17, $0xb8;
	[tilespmem:$0x11400] =	vst v63  }
0xd4: {  	s15 =	rddreg [dreg:$0xa]  }
0xd5: {  	[spmem:s1] =	stream.indirect.scatter.add.f32 [tilespmem:s13], [sflag:$0x3], $0x8, s15, s17, $0xb8;
	[tilespmem:$0x11400] =	vst v63  }
0xd6: {  	s28 =	rddreg [dreg:$0xb]  }
0xd7: {  	[spmem:s1] =	stream.indirect.scatter.add.f32 [tilespmem:s21], [sflag:$0x3], $0x8, s28, s17, $0xb8;
	[tilespmem:$0x11400] =	vst v63  }
0xd8: {  	s15 =	rddreg [dreg:$0xc]  }
0xd9: {  	[spmem:s1] =	stream.indirect.scatter.add.f32 [tilespmem:s25], [sflag:$0x3], $0x8, s15, s17, $0xb8;
	[tilespmem:$0x11400] =	vst v63  }
0xda: {  	s28 =	rddreg [dreg:$0xd]  }
0xdb: {  	[spmem:s1] =	stream.indirect.scatter.add.f32 [tilespmem:s30], [sflag:$0x3], $0x8, s28, s17, $0xb8;
	[tilespmem:$0x11400] =	vst v63  }
0xdc: {  	_ =	swait.ge [sflag:s9], $0x2000  }
0xdd: {  	s23 =	smov.u32 s19;
	s15 =	rddreg [dreg:$0x3];
	[sflag:s9] =	ssyncset.done $0x0  }
0xde: {  	[sflag:s9] =	ssyncadd.s32 $0xFFFFE000;
	s15 =	sadd.s32 s23, s15  }
0xdf: {  	[tilespmem:s16], [sflag:$0x5] =	stream.linear.gather [hbm4b:s15+s3], $0x400, $0x38;
	[tilespmem:$0x11400] =	vst v63  }
0xe0: {  	_ =	swait.ge [sflag:s14], $0x400  }
0xe1: {  	s15 =	rddreg [dreg:$0x4];
	[sflag:s14] =	ssyncset.done $0x0  }
0xe2: {  	s18 =	simm.s32 $0xC00;
	[sflag:s14] =	ssyncadd.s32 $0xFFFFFC00;
	s15 =	sadd.s32 s23, s15  }
0xe3: {  	[tilespmem:s18], [sflag:$0x5] =	stream.linear.gather [hbm4b:s15+s3], $0x400, $0x38;
	[tilespmem:$0x11400] =	vst v63  }
0xe4: {  	_ =	swait.ge [sflag:s14], $0x400  }
0xe5: {  	[sflag:s14] =	ssyncset.done $0x0  }
0xe6: {  	s18 =	simm.s32 $0x3000;
	[sflag:s14] =	ssyncadd.s32 $0xFFFFFC00  }
0xe7: {  	[tilespmem:s18], [sflag:$0x2] =	stream.indirect.gather [hbm4b:s4+s17], $0x8, s16, s17, $0xb8;
	[tilespmem:$0x11400] =	vst v63  }
0xe8: {  	s15 =	rddreg [dreg:$0xe]  }
0xe9: {  	[tilespmem:s20], [sflag:$0x2] =	stream.indirect.gather [hbm4b:s4+s17], $0x8, s15, s17, $0xb8;
	[tilespmem:$0x11400] =	vst v63  }
0xea: {  	s28 =	rddreg [dreg:$0xf]  }
0xeb: {  	[tilespmem:s22], [sflag:$0x2] =	stream.indirect.gather [hbm4b:s4+s17], $0x8, s28, s17, $0xb8;
	[tilespmem:$0x11400] =	vst v63  }
0xec: {  	s15 =	rddreg [dreg:$0x10]  }
0xed: {  	[tilespmem:s24], [sflag:$0x2] =	stream.indirect.gather [hbm4b:s4+s17], $0x8, s15, s17, $0xb8;
	[tilespmem:$0x11400] =	vst v63  }
0xee: {  	s28 =	rddreg [dreg:$0x11]  }
0xef: {  	[tilespmem:s26], [sflag:$0x2] =	stream.indirect.gather [hbm4b:s4+s17], $0x8, s28, s17, $0xb8;
	[tilespmem:$0x11400] =	vst v63  }
0xf0: {  	s15 =	rddreg [dreg:$0x12]  }
0xf1: {  	[tilespmem:s29], [sflag:$0x2] =	stream.indirect.gather [hbm4b:s4+s17], $0x8, s15, s17, $0xb8;
	[tilespmem:$0x11400] =	vst v63  }
0xf2: {  	s28 =	rddreg [dreg:$0x13]  }
0xf3: {  	[tilespmem:s31], [sflag:$0x2] =	stream.indirect.gather [hbm4b:s4+s17], $0x8, s28, s17, $0xb8;
	[tilespmem:$0x11400] =	vst v63  }
0xf4: {  	s15 =	rddreg [dreg:$0x14]  }
0xf5: {  	[tilespmem:s2], [sflag:$0x2] =	stream.indirect.gather [hbm4b:s4+s17], $0x8, s15, s17, $0xb8;
	[tilespmem:$0x11400] =	vst v63  }
0xf6: {  	_ =	swait.ge [sflag:s11], $0x400  }
0xf7: {  	[sflag:s11] =	ssyncset.done $0x0  }
0xf8: {  	[sflag:s11] =	ssyncadd.s32 $0xFFFFFC00  }
0xf9: {  	_ =	swait.ge [sflag:s11], $0x400  }
0xfa: {  	[sflag:s11] =	ssyncset.done $0x0  }
0xfb: {  	[sflag:s11] =	ssyncadd.s32 $0xFFFFFC00  }
0xfc: {  	_ =	swait.ge [sflag:s11], $0x400  }
0xfd: {  	[sflag:s11] =	ssyncset.done $0x0  }
0xfe: {  	[sflag:s11] =	ssyncadd.s32 $0xFFFFFC00  }
0xff: {  	_ =	swait.ge [sflag:s11], $0x400  }
0x100: {  	[sflag:s11] =	ssyncset.done $0x0  }
0x101: {  	[sflag:s11] =	ssyncadd.s32 $0xFFFFFC00  }
0x102: {  	_ =	swait.ge [sflag:s11], $0x400  }
0x103: {  	[sflag:s11] =	ssyncset.done $0x0  }
0x104: {  	[sflag:s11] =	ssyncadd.s32 $0xFFFFFC00  }
0x105: {  	_ =	swait.ge [sflag:s11], $0x400  }
0x106: {  	[sflag:s11] =	ssyncset.done $0x0  }
0x107: {  	[sflag:s11] =	ssyncadd.s32 $0xFFFFFC00  }
0x108: {  	_ =	swait.ge [sflag:s11], $0x400  }
0x109: {  	[sflag:s11] =	ssyncset.done $0x0  }
0x10a: {  	[sflag:s11] =	ssyncadd.s32 $0xFFFFFC00  }
0x10b: {  	_ =	swait.ge [sflag:s11], $0x400  }
0x10c: {  	s15 =	rddreg [dreg:$0x5];
	[sflag:s11] =	ssyncset.done $0x0  }
0x10d: {  	[sflag:s11] =	ssyncadd.s32 $0xFFFFFC00;
	s15 =	sadd.s32 s23, s15  }
0x10e: {  	[tilespmem:s3], [sflag:$0x5] =	stream.linear.gather [hbm4b:s15+s3], $0x400, $0x38;
	[tilespmem:$0x11400] =	vst v63  }
0x10f: {  	_ =	swait.ge [sflag:s14], $0x400  }
0x110: {  	s15 =	rddreg [dreg:$0x6];
	[sflag:s14] =	ssyncset.done $0x0  }
0x111: {  	[sflag:s14] =	ssyncadd.s32 $0xFFFFFC00;
	s15 =	sadd.s32 s23, s15  }
0x112: {  	[tilespmem:s5], [sflag:$0x5] =	stream.linear.gather [hbm4b:s15+s3], $0x400, $0x38;
	[tilespmem:$0x11400] =	vst v63  }
0x113: {  	_ =	swait.ge [sflag:s14], $0x400  }
0x114: {  	[sflag:s14] =	ssyncset.done $0x0  }
0x115: {  	[sflag:s14] =	ssyncadd.s32 $0xFFFFFC00  }
0x116: {  	[tilespmem:s7], [sflag:$0x1] =	stream.indirect.gather [hbm4b:s4+s17], $0x8, s3, s17, $0xb8;
	[tilespmem:$0x11400] =	vst v63  }
0x117: {  	_ = 	snop  }
0x118: {  	[tilespmem:s8], [sflag:$0x1] =	stream.indirect.gather [hbm4b:s4+s17], $0x8, s17, s17, $0xb8;
	[tilespmem:$0x11400] =	vst v63  }
0x119: {  	s23 =	simm.s32 $0x100  }
0x11a: {  	[tilespmem:s10], [sflag:$0x1] =	stream.indirect.gather [hbm4b:s4+s17], $0x8, s23, s17, $0xb8;
	[tilespmem:$0x11400] =	vst v63  }
0x11b: {  	s23 =	simm.s32 $0x180  }
0x11c: {  	[tilespmem:s12], [sflag:$0x1] =	stream.indirect.gather [hbm4b:s4+s17], $0x8, s23, s17, $0xb8;
	[tilespmem:$0x11400] =	vst v63  }
0x11d: {  	s23 =	simm.s32 $0x200  }
0x11e: {  	[tilespmem:s13], [sflag:$0x1] =	stream.indirect.gather [hbm4b:s4+s17], $0x8, s23, s17, $0xb8;
	[tilespmem:$0x11400] =	vst v63  }
0x11f: {  	s23 =	simm.s32 $0x280  }
0x120: {  	[tilespmem:s21], [sflag:$0x1] =	stream.indirect.gather [hbm4b:s4+s17], $0x8, s23, s17, $0xb8;
	[tilespmem:$0x11400] =	vst v63  }
0x121: {  	s23 =	simm.s32 $0x300  }
0x122: {  	[tilespmem:s25], [sflag:$0x1] =	stream.indirect.gather [hbm4b:s4+s17], $0x8, s23, s17, $0xb8;
	[tilespmem:$0x11400] =	vst v63  }
0x123: {  	s23 =	simm.s32 $0x380  }
0x124: {  	[tilespmem:s30], [sflag:$0x1] =	stream.indirect.gather [hbm4b:s4+s17], $0x8, s23, s17, $0xb8;
	[tilespmem:$0x11400] =	vst v63  }
0x125: {  	_ =	swait.ge [sflag:s6], $0x2000  }
0x126: {  	[sflag:s6] =	ssyncset.done $0x0  }
0x127: {  	s28 =	simm.s32 $0xC00;
	[sflag:s6] =	ssyncadd.s32 $0xFFFFE000  }
0x128: {  	[spmem:s1] =	stream.indirect.scatter.add.f32 [tilespmem:s18], [sflag:$0x4], $0x8, s28, s17, $0xb8;
	[tilespmem:$0x11400] =	vst v63  }
0x129: {  	s23 =	simm.s32 $0xC80  }
0x12a: {  	[spmem:s1] =	stream.indirect.scatter.add.f32 [tilespmem:s20], [sflag:$0x4], $0x8, s23, s17, $0xb8;
	[tilespmem:$0x11400] =	vst v63  }
0x12b: {  	s23 =	simm.s32 $0xD00  }
0x12c: {  	[spmem:s1] =	stream.indirect.scatter.add.f32 [tilespmem:s22], [sflag:$0x4], $0x8, s23, s17, $0xb8;
	[tilespmem:$0x11400] =	vst v63  }
0x12d: {  	s23 =	simm.s32 $0xD80  }
0x12e: {  	[spmem:s1] =	stream.indirect.scatter.add.f32 [tilespmem:s24], [sflag:$0x4], $0x8, s23, s17, $0xb8;
	[tilespmem:$0x11400] =	vst v63  }
0x12f: {  	p0 =	sne.s32 s19, $0x6100;
	s23 =	simm.s32 $0xE00  }
0x130: {  	[spmem:s1] =	stream.indirect.scatter.add.f32 [tilespmem:s26], [sflag:$0x4], $0x8, s23, s17, $0xb8;
	[tilespmem:$0x11400] =	vst v63  }
.Ltmp0:
0x131: {  	_ = 	snop;
	(pc) =	sbr.rel @p0 .LBB2_2-.Ltmp0, $4  }
0x132: {  	s23 =	simm.s32 $0xE80  }
0x133: {  	[spmem:s1] =	stream.indirect.scatter.add.f32 [tilespmem:s29], [sflag:$0x4], $0x8, s23, s17, $0xb8;
	[tilespmem:$0x11400] =	vst v63  }
0x134: {  	s19 =	sadd.s32 $0x100, s19;
	s23 =	simm.s32 $0xF00  }
0x135: {  	[spmem:s1] =	stream.indirect.scatter.add.f32 [tilespmem:s31], [sflag:$0x4], $0x8, s23, s17, $0xb8;
	[tilespmem:$0x11400] =	vst v63  }
0x136: {  	s15 =	simm.s32 $0xF80  }
0x137: {  	[spmem:s1] =	stream.indirect.scatter.add.f32 [tilespmem:s2], [sflag:$0x4], $0x8, s15, s17, $0xb8;
	[tilespmem:$0x11400] =	vst v63  }
0x138: {  	_ =	swait.ge [sflag:s0], $0x2000  }
0x139: {  	[sflag:s0] =	ssyncset.done $0x0  }
0x13a: {  	[sflag:s0] =	ssyncadd.s32 $0xFFFFE000  }
0x13b: {  	_ =	swait.ge [sflag:s9], $0x2000  }
0x13c: {  	[sflag:s9] =	ssyncset.done $0x0  }
0x13d: {  	[sflag:s9] =	ssyncadd.s32 $0xFFFFE000  }
0x13e: {  	[bflag:$0x0] =	sbarrier.arrive $0xFFFF  }
0x13f: {  	s19 =	rddreg [dreg:$0x16]  }
0x140: {  	s16 =	rddreg [dreg:$0x1b]  }
0x141: {  	s23 =	rddreg [dreg:$0x1d]  }
0x142: {  	[hbm:s16], [sflag:s19] =	dma.local [spmem:s23], $0x1880  }
0x143: {  	_ =	swait.ge [sflag:s14], $0x1880  }
0x144: {  	s16 =	rddreg [dreg:$0x1e]  }
0x145: {  	s15 =	rddreg [dreg:$0x1c];
	s16 =	sadd.s32 $0x1, s16  }
0x146: {  	p0 =	sne.s32 s16, s15  }
.Ltmp1:
0x147: {  	_ = 	snop;
	(pc) =	sbr.rel @p0 .LBB2_1-.Ltmp1, $3  }
0x148: {  	_ =	sdelay $0x1  }
0x149: {  	[sflag:s14] =	ssyncset.done $0x0  }
0x14a: {  	[sflag:s14] =	ssyncadd.s32 $0xFFFFE780;
	[dreg:$0x1e] =	wrdreg s16;
	s16 =	simm.s32 $0x800  }
0x14b: {  	_ =	sfence.sel $0x180000  }
0x14c: {  	[bflag:$0x0] =	sbarrier.arrive $0xFFFF  }
0x14d: {  	_ =	strace $0x90000050  }
0x14e: {  	s0 =	stileid.u32;
	[bflag:$0x2] =	sbarrier.arrive $0xFFFF  }
0x14f: {  	p0 =	sne.s32 s0, $0x0;
	s0 =	rddreg [dreg:$0x2]  }
0x150: {  	s0 =	sadd.s32 @!p0 $0x100000, s0  }
0x151: {  	[sflag:s0] =	ssyncadd.tile.s32 @!p0 $0x1;
	_ =	shalt  }
.Lfunc_end2:
_tile_overlayer_lowered:
.L_overlay_start_2:
0x152: {  	(tag) =	ssettag $0x2  }
0x153: {  	s0 =	rddreg [dreg:$0x0];
	s2 =	stileid.u32  }
0x154: {  	s1 =	rddreg [dreg:$0x1];
	p0 =	sne.s32 s2, $0x0  }
0x155: {  	s3 =	rddreg [dreg:$0x2];
	[bflag:$0x3] =	sbarrier.arrive $0xFFFF;
	s2 =	simm.s32 @!p0 $0x1C05  }
0x156: {  	[timem:s3], [sflag:s2] =	dma.local @!p0 [hbm:s0], s1  }
0x157: {  	s0 =	simm.s32 @!p0 $0x5  }
0x158: {  	_ =	swait.ge @!p0 [sflag:s0], s1  }
0x159: {  	s1 =	ssub.s32 @!p0 $0x0, s1;
	[sflag:s0] =	ssyncset.done @!p0 $0x0  }
0x15a: {  	[sflag:s0] =	ssyncadd.s32 @!p0 s1  }
0x15b: {  	[bflag:$0x3] =	sbarrier.arrive $0xFFFF  }
0x15c: {  	_ =	shalt  }

</sc_bundles>
